<compile_context>
chip_gen: v7x
topology: tpu7x:2x2x1
jax: 0.10.2.dev20260603
libtpu: 0.0.44.dev20260713+nightly
codegen_flags: <defaults>
</compile_context>

<pallas_src>
import functools

import jax
import jax.numpy as jnp
from jax import lax
from jax.experimental import pallas as pl
from jax.experimental.pallas import tpu as pltpu
from jax.experimental.pallas import tpu_sc as plsc

_B, _S, _D, _R = 4096, 50, 64, 16
_V = 1000000
_N = _B * _S
_NW = 32
_BPW = _B // _NW
_NCH = _BPW // 2
_CH = 2 * _S
_L = 16


def _sc_embed_lora(x_flat, packed, lora_B):
    mesh = plsc.VectorSubcoreMesh(core_axis_name="c", subcore_axis_name="s")

    @functools.partial(
        pl.kernel,
        out_type=jax.ShapeDtypeStruct((_B, _S, _D), jnp.float32),
        mesh=mesh,
        compiler_params=pltpu.CompilerParams(needs_layout_passes=False),
        scratch_types=[
            pltpu.VMEM((_BPW * _S + 64,), jnp.int32),
            pltpu.VMEM((_NCH, 128), jnp.int32),
            pltpu.VMEM((128, 128), jnp.float32),
            pltpu.VMEM((128, 128), jnp.float32),
            pltpu.VMEM((128, 128), jnp.float32),
            pltpu.VMEM((128, 128), jnp.float32),
            pltpu.VMEM((104, _D), jnp.float32),
            pltpu.VMEM((104, _D), jnp.float32),
            pltpu.VMEM((_R, _D), jnp.float32),
            pltpu.SemaphoreType.DMA,
            pltpu.SemaphoreType.DMA,
            pltpu.SemaphoreType.DMA,
            pltpu.SemaphoreType.DMA,
            pltpu.SemaphoreType.DMA,
            pltpu.SemaphoreType.DMA,
        ],
    )
    def k(x_hbm, pk_hbm, b_hbm, out_hbm,
          idx_v, ixr2, p0, p1, p2, p3, o0, o1, b_v,
          sg0, sg1, sg2, sg3, so0, so1):
        wid = lax.axis_index("s") * 2 + lax.axis_index("c")
        batch0 = wid * _BPW
        pltpu.sync_copy(b_hbm, b_v)
        pltpu.sync_copy(x_hbm.at[pl.ds(batch0 * _S, _BPW * _S)],
                        idx_v.at[pl.ds(0, _BPW * _S)])
        for kk in range(4):
            idx_v[pl.ds(_BPW * _S + kk * _L, _L)] = jnp.zeros((_L,), jnp.int32)

        def fill_body(g2, cc):
            for kk in range(8):
                ids = lax.iota(jnp.int32, _L) + (g2 * _CH + kk * _L)
                v = plsc.load_gather(idx_v, [ids])
                ixr2[g2, pl.ds(kk * _L, _L)] = v
            return cc

        lax.fori_loop(0, _NCH, fill_body, 0)

        pbuf = (p0, p1, p2, p3)
        obuf = (o0, o1)
        sgs = (sg0, sg1, sg2, sg3)
        sos = (so0, so1)

        def issue_gather(g, c):
            pltpu.async_copy(pk_hbm.at[ixr2.at[g]], pbuf[c], sgs[c])

        def wait_gather(g, c):
            pltpu.make_async_copy(pk_hbm.at[ixr2.at[g]], pbuf[c],
                                  sgs[c]).wait()

        def issue_store(g, c):
            for h in range(2):
                pltpu.async_copy(obuf[c].at[pl.ds(h * _S, _S)],
                                 out_hbm.at[batch0 + 2 * g + h], sos[c])

        def wait_store(c):
            for h in range(2):
                pltpu.make_async_copy(obuf[c].at[pl.ds(h * _S, _S)],
                                      out_hbm.at[batch0 + h], sos[c]).wait()

        def compute_chunk(c, co):
            for p in range(2):
                bv = [(b_v[r, pl.ds(32 * p, 16)],
                       b_v[r, pl.ds(32 * p + 16, 16)]) for r in range(_R)]

                def row_body(i, cc, bv=bv, p=p, co=co):
                    a_vec = pbuf[c][i, pl.ds(_D, 16)]
                    acc0 = pbuf[c][i, pl.ds(32 * p, 16)]
                    acc1 = pbuf[c][i, pl.ds(32 * p + 16, 16)]
                    for r in range(_R):
                        s = a_vec[r]
                        acc0 = acc0 + s * bv[r][0]
                        acc1 = acc1 + s * bv[r][1]
                    obuf[co][i, pl.ds(32 * p, 16)] = acc0
                    obuf[co][i, pl.ds(32 * p + 16, 16)] = acc1
                    return cc

                lax.fori_loop(0, _CH, row_body, 0)

        for u in range(4):
            issue_gather(u, u)

        def body(t, carry):
            for u in range(4):
                g = 4 * t + u
                wait_gather(g, u)

                @pl.when(g >= 2)
                def _():
                    wait_store(u % 2)

                compute_chunk(u, u % 2)
                issue_store(g, u % 2)

                @pl.when(g + 4 < _NCH)
                def _():
                    issue_gather(g + 4, u)
            return carry

        lax.fori_loop(0, _NCH // 4, body, 0)
        wait_store(0)
        wait_store(1)

    return k(x_flat, packed, lora_B)


def kernel(x, table, lora_A, lora_B):
    x_flat = x.reshape(-1).astype(jnp.int32)
    zeros = jnp.zeros((_V, 128 - _D - _R), jnp.float32)
    packed = jnp.concatenate([table, lora_A, zeros], axis=1)
    return _sc_embed_lora(x_flat, packed, lora_B)

# --- scband reference (transcript-rebuilt; emitter-appended) ---
"""Pipeline reference for scband-vocab-embedding-with-lo-ramulti-stream-72980084293846 (READ-ONLY COPY).

The authoritative reference and input builder live on the scoring server;
editing this copy changes nothing except your own understanding.
"""

import jax, jax.numpy as jnp
import numpy as np

B, S = 4096, 50
VOCAB = 1000000
D = 64
R = 16

def setup_inputs(seed: int = 0) -> dict:
    key = jax.random.key(seed)
    k1, k2, k3, k4 = jax.random.split(key, 4)
    x = jax.random.randint(k1, (B, S), 0, VOCAB, dtype=jnp.int64)
    table = jax.random.normal(k2, (VOCAB, D), dtype=jnp.float32) * 0.02
    lora_A = jax.random.normal(k3, (VOCAB, R), dtype=jnp.float32) * 0.02
    lora_B = jax.random.normal(k4, (R, D), dtype=jnp.float32) * 0.02
    return {"x": x, "table": table, "lora_A": lora_A, "lora_B": lora_B}

def reference(x, table, lora_A, lora_B):
    # Base embedding lookup (gather)
    base_out = jnp.take(table, x, axis=0)            # [B, S, D]
    # LoRA path: gather low-rank rows, project up
    a_out = jnp.take(lora_A, x, axis=0)              # [B, S, R]
    lora_out = jnp.einsum('bsr,rd->bsd', a_out, lora_B)  # [B, S, D]
    out = base_out + lora_out
    return out.reshape(B, S, -1)

if __name__ == "__main__":
    import jax
    _d = setup_inputs()
    print(jax.jit(kernel)(*tuple(_d.values())))

</pallas_src>

<mosaic_0001>
#map = affine_map<(d0, d1) -> (0)>
#map1 = affine_map<(d0, d1) -> (0, 0)>
#map2 = affine_map<(d0, d1) -> (0, 0, 0)>
module attributes {stable_mosaic.version = 14 : i64} {
  func.func @k(%arg0: i32, %arg1: i32, %arg2: memref<204800xi32, #tpu.memory_space<hbm>>, %arg3: memref<1000000x128xf32, #tpu.memory_space<hbm>>, %arg4: memref<16x64xf32, #tpu.memory_space<hbm>>, %arg5: memref<4096x50x64xf32, #tpu.memory_space<hbm>>, %arg6: memref<6464xi32, #tpu.memory_space<vmem>>, %arg7: memref<64x128xi32, #tpu.memory_space<vmem>>, %arg8: memref<128x128xf32, #tpu.memory_space<vmem>>, %arg9: memref<128x128xf32, #tpu.memory_space<vmem>>, %arg10: memref<128x128xf32, #tpu.memory_space<vmem>>, %arg11: memref<128x128xf32, #tpu.memory_space<vmem>>, %arg12: memref<104x64xf32, #tpu.memory_space<vmem>>, %arg13: memref<104x64xf32, #tpu.memory_space<vmem>>, %arg14: memref<16x64xf32, #tpu.memory_space<vmem>>, %arg15: memref<!tpu.dma_semaphore, #tpu.memory_space<semaphore_mem>>, %arg16: memref<!tpu.dma_semaphore, #tpu.memory_space<semaphore_mem>>, %arg17: memref<!tpu.dma_semaphore, #tpu.memory_space<semaphore_mem>>, %arg18: memref<!tpu.dma_semaphore, #tpu.memory_space<semaphore_mem>>, %arg19: memref<!tpu.dma_semaphore, #tpu.memory_space<semaphore_mem>>, %arg20: memref<!tpu.dma_semaphore, #tpu.memory_space<semaphore_mem>>) attributes {dimension_semantics = [#tpu.dimension_semantics<core_parallel>, #tpu.dimension_semantics<subcore_parallel>], iteration_bounds = array<i64: 2, 16>, scalar_prefetch = 0 : i64, scratch_operands = 15 : i64, tpu.core_type = #tpu.core_type<sc_vector_subcore>, window_params = [{transform_indices = #map}, {transform_indices = #map1}, {transform_indices = #map1}, {transform_indices = #map2}]} {
    %mul3A = arith.constant 2 : i32
    %mul3A_0 = arith.muli %arg1, %mul3A : i32
    %add3A = arith.addi %mul3A_0, %arg0 : i32
    %mul3A_1 = arith.constant 128 : i32
    %mul3A_2 = arith.muli %add3A, %mul3A_1 : i32
    "tpu.region"() ({
      %run_scoped3A = tpu.sem_alloc : memref<!tpu.dma_semaphore, #tpu.memory_space<semaphore_mem>>
      tpu.enqueue_dma source(%arg4 : memref<16x64xf32, #tpu.memory_space<hbm>>) target(%arg14 : memref<16x64xf32, #tpu.memory_space<vmem>>) target_semaphore(%run_scoped3A : memref<!tpu.dma_semaphore, #tpu.memory_space<semaphore_mem>>)
      tpu.wait_dma2 semaphore(%run_scoped3A : memref<!tpu.dma_semaphore, #tpu.memory_space<semaphore_mem>>) src(%arg4 : memref<16x64xf32, #tpu.memory_space<hbm>>) dst(%arg14 : memref<16x64xf32, #tpu.memory_space<vmem>>)
      tpu.yield
    }) : () -> ()
    %mul3A_3 = arith.constant 50 : i32
    %mul3A_4 = arith.muli %mul3A_2, %mul3A_3 : i32
    "tpu.region"() ({
      %run_scoped3A = tpu.sem_alloc : memref<!tpu.dma_semaphore, #tpu.memory_space<semaphore_mem>>
      %dma_start3A_120 = arith.constant 0 : i32
      %dma_start3A_121 = tpu.memref_slice %arg6[%dma_start3A_120] : memref<6464xi32, #tpu.memory_space<vmem>> -> memref<6400xi32, #tpu.memory_space<vmem>>
      %dma_start3A_122 = tpu.memref_slice %arg2[%mul3A_4] : memref<204800xi32, #tpu.memory_space<hbm>> -> memref<6400xi32, #tpu.memory_space<hbm>>
      %dma_start3A_123 = arith.constant 0 : i32
      %dma_start3A_124 = tpu.memref_slice %arg6[%dma_start3A_123] : memref<6464xi32, #tpu.memory_space<vmem>> -> memref<6400xi32, #tpu.memory_space<vmem>>
      %dma_start3A_125 = tpu.memref_slice %arg2[%mul3A_4] : memref<204800xi32, #tpu.memory_space<hbm>> -> memref<6400xi32, #tpu.memory_space<hbm>>
      tpu.enqueue_dma source(%dma_start3A_125 : memref<6400xi32, #tpu.memory_space<hbm>>) target(%dma_start3A_124 : memref<6400xi32, #tpu.memory_space<vmem>>) target_semaphore(%run_scoped3A : memref<!tpu.dma_semaphore, #tpu.memory_space<semaphore_mem>>)
      %dma_wait3A_126 = arith.constant 0 : i32
      %dma_wait3A_127 = tpu.memref_slice %arg6[%dma_wait3A_126] : memref<6464xi32, #tpu.memory_space<vmem>> -> memref<6400xi32, #tpu.memory_space<vmem>>
      %dma_wait3A_128 = tpu.memref_slice %arg2[%mul3A_4] : memref<204800xi32, #tpu.memory_space<hbm>> -> memref<6400xi32, #tpu.memory_space<hbm>>
      %dma_wait3A_129 = arith.constant 0 : i32
      %dma_wait3A_130 = tpu.memref_slice %arg6[%dma_wait3A_129] : memref<6464xi32, #tpu.memory_space<vmem>> -> memref<6400xi32, #tpu.memory_space<vmem>>
      %dma_wait3A_131 = tpu.memref_slice %arg2[%mul3A_4] : memref<204800xi32, #tpu.memory_space<hbm>> -> memref<6400xi32, #tpu.memory_space<hbm>>
      tpu.wait_dma2 semaphore(%run_scoped3A : memref<!tpu.dma_semaphore, #tpu.memory_space<semaphore_mem>>) src(%dma_wait3A_131 : memref<6400xi32, #tpu.memory_space<hbm>>) dst(%dma_wait3A_130 : memref<6400xi32, #tpu.memory_space<vmem>>)
      tpu.yield
    }) : () -> ()
    %broadcast_in_dim3A = arith.constant 0 : i32
    %broadcast_in_dim3A_5 = vector.broadcast %broadcast_in_dim3A : i32 to vector<16xi32>
    %swap3A = arith.constant 6400 : index
    %swap3A_6 = tpu.vector_load %arg6[%swap3A] {strides = array<i32>} : memref<6464xi32, #tpu.memory_space<vmem>>, vector<16xi32>,
    tpu.vector_store %arg6[%swap3A], %broadcast_in_dim3A_5 {strides = array<i32>} : memref<6464xi32, #tpu.memory_space<vmem>>, vector<16xi32>,
    %broadcast_in_dim3A_7 = arith.constant 0 : i32
    %broadcast_in_dim3A_8 = vector.broadcast %broadcast_in_dim3A_7 : i32 to vector<16xi32>
    %swap3A_9 = arith.constant 6416 : index
    %swap3A_10 = tpu.vector_load %arg6[%swap3A_9] {strides = array<i32>} : memref<6464xi32, #tpu.memory_space<vmem>>, vector<16xi32>,
    tpu.vector_store %arg6[%swap3A_9], %broadcast_in_dim3A_8 {strides = array<i32>} : memref<6464xi32, #tpu.memory_space<vmem>>, vector<16xi32>,
    %broadcast_in_dim3A_11 = arith.constant 0 : i32
    %broadcast_in_dim3A_12 = vector.broadcast %broadcast_in_dim3A_11 : i32 to vector<16xi32>
    %swap3A_13 = arith.constant 6432 : index
    %swap3A_14 = tpu.vector_load %arg6[%swap3A_13] {strides = array<i32>} : memref<6464xi32, #tpu.memory_space<vmem>>, vector<16xi32>,
    tpu.vector_store %arg6[%swap3A_13], %broadcast_in_dim3A_12 {strides = array<i32>} : memref<6464xi32, #tpu.memory_space<vmem>>, vector<16xi32>,
    %broadcast_in_dim3A_15 = arith.constant 0 : i32
    %broadcast_in_dim3A_16 = vector.broadcast %broadcast_in_dim3A_15 : i32 to vector<16xi32>
    %swap3A_17 = arith.constant 6448 : index
    %swap3A_18 = tpu.vector_load %arg6[%swap3A_17] {strides = array<i32>} : memref<6464xi32, #tpu.memory_space<vmem>>, vector<16xi32>,
    tpu.vector_store %arg6[%swap3A_17], %broadcast_in_dim3A_16 {strides = array<i32>} : memref<6464xi32, #tpu.memory_space<vmem>>, vector<16xi32>,
    %scan3A = arith.constant 0 : i32
    %scan3A_19 = arith.constant 0 : i32
    %scan3A_20 = arith.constant 64 : i32
    %scan3A_21 = arith.addi %scan3A_19, %scan3A_20 : i32
    %scan3A_22 = arith.constant 1 : i32
    scf.for %scan3A_120 = %scan3A_19 to %scan3A_21 step %scan3A_22  : i32 {
      %iota3A = tpu.iota {dimensions = array<i32: 0>} : vector<16xi32>
      %mul3A_121 = arith.constant 100 : i32
      %mul3A_122 = arith.muli %scan3A_120, %mul3A_121 : i32
      %add3A_123 = arith.constant 0 : i32
      %add3A_124 = arith.addi %mul3A_122, %add3A_123 : i32
      %add3A_125 = vector.broadcast %add3A_124 : i32 to vector<16xi32>
      %add3A_126 = arith.addi %iota3A, %add3A_125 : vector<16xi32>
      %gather3A = tpu.vector_load_idx %arg6[%add3A_126] : memref<6464xi32, #tpu.memory_space<vmem>>[vector<16xi32>], vector<16xi32>,
      %swap3A_127 = arith.index_cast %scan3A_120 : i32 to index
      %swap3A_128 = arith.constant 0 : index
      %swap3A_129 = tpu.vector_load %arg7[%swap3A_127, %swap3A_128] {strides = array<i32>} : memref<64x128xi32, #tpu.memory_space<vmem>>, vector<16xi32>,
      tpu.vector_store %arg7[%swap3A_127, %swap3A_128], %gather3A {strides = array<i32>} : memref<64x128xi32, #tpu.memory_space<vmem>>, vector<16xi32>,
      %iota3A_130 = tpu.iota {dimensions = array<i32: 0>} : vector<16xi32>
      %mul3A_131 = arith.constant 100 : i32
      %mul3A_132 = arith.muli %scan3A_120, %mul3A_131 : i32
      %add3A_133 = arith.constant 16 : i32
      %add3A_134 = arith.addi %mul3A_132, %add3A_133 : i32
      %add3A_135 = vector.broadcast %add3A_134 : i32 to vector<16xi32>
      %add3A_136 = arith.addi %iota3A_130, %add3A_135 : vector<16xi32>
      %gather3A_137 = tpu.vector_load_idx %arg6[%add3A_136] : memref<6464xi32, #tpu.memory_space<vmem>>[vector<16xi32>], vector<16xi32>,
      %swap3A_138 = arith.index_cast %scan3A_120 : i32 to index
      %swap3A_139 = arith.constant 16 : index
      %swap3A_140 = tpu.vector_load %arg7[%swap3A_138, %swap3A_139] {strides = array<i32>} : memref<64x128xi32, #tpu.memory_space<vmem>>, vector<16xi32>,
      tpu.vector_store %arg7[%swap3A_138, %swap3A_139], %gather3A_137 {strides = array<i32>} : memref<64x128xi32, #tpu.memory_space<vmem>>, vector<16xi32>,
      %iota3A_141 = tpu.iota {dimensions = array<i32: 0>} : vector<16xi32>
      %mul3A_142 = arith.constant 100 : i32
      %mul3A_143 = arith.muli %scan3A_120, %mul3A_142 : i32
      %add3A_144 = arith.constant 32 : i32
      %add3A_145 = arith.addi %mul3A_143, %add3A_144 : i32
      %add3A_146 = vector.broadcast %add3A_145 : i32 to vector<16xi32>
      %add3A_147 = arith.addi %iota3A_141, %add3A_146 : vector<16xi32>
      %gather3A_148 = tpu.vector_load_idx %arg6[%add3A_147] : memref<6464xi32, #tpu.memory_space<vmem>>[vector<16xi32>], vector<16xi32>,
      %swap3A_149 = arith.index_cast %scan3A_120 : i32 to index
      %swap3A_150 = arith.constant 32 : index
      %swap3A_151 = tpu.vector_load %arg7[%swap3A_149, %swap3A_150] {strides = array<i32>} : memref<64x128xi32, #tpu.memory_space<vmem>>, vector<16xi32>,
      tpu.vector_store %arg7[%swap3A_149, %swap3A_150], %gather3A_148 {strides = array<i32>} : memref<64x128xi32, #tpu.memory_space<vmem>>, vector<16xi32>,
      %iota3A_152 = tpu.iota {dimensions = array<i32: 0>} : vector<16xi32>
      %mul3A_153 = arith.constant 100 : i32
      %mul3A_154 = arith.muli %scan3A_120, %mul3A_153 : i32
      %add3A_155 = arith.constant 48 : i32
      %add3A_156 = arith.addi %mul3A_154, %add3A_155 : i32
      %add3A_157 = vector.broadcast %add3A_156 : i32 to vector<16xi32>
      %add3A_158 = arith.addi %iota3A_152, %add3A_157 : vector<16xi32>
      %gather3A_159 = tpu.vector_load_idx %arg6[%add3A_158] : memref<6464xi32, #tpu.memory_space<vmem>>[vector<16xi32>], vector<16xi32>,
      %swap3A_160 = arith.index_cast %scan3A_120 : i32 to index
      %swap3A_161 = arith.constant 48 : index
      %swap3A_162 = tpu.vector_load %arg7[%swap3A_160, %swap3A_161] {strides = array<i32>} : memref<64x128xi32, #tpu.memory_space<vmem>>, vector<16xi32>,
      tpu.vector_store %arg7[%swap3A_160, %swap3A_161], %gather3A_159 {strides = array<i32>} : memref<64x128xi32, #tpu.memory_space<vmem>>, vector<16xi32>,
      %iota3A_163 = tpu.iota {dimensions = array<i32: 0>} : vector<16xi32>
      %mul3A_164 = arith.constant 100 : i32
      %mul3A_165 = arith.muli %scan3A_120, %mul3A_164 : i32
      %add3A_166 = arith.constant 64 : i32
      %add3A_167 = arith.addi %mul3A_165, %add3A_166 : i32
      %add3A_168 = vector.broadcast %add3A_167 : i32 to vector<16xi32>
      %add3A_169 = arith.addi %iota3A_163, %add3A_168 : vector<16xi32>
      %gather3A_170 = tpu.vector_load_idx %arg6[%add3A_169] : memref<6464xi32, #tpu.memory_space<vmem>>[vector<16xi32>], vector<16xi32>,
      %swap3A_171 = arith.index_cast %scan3A_120 : i32 to index
      %swap3A_172 = arith.constant 64 : index
      %swap3A_173 = tpu.vector_load %arg7[%swap3A_171, %swap3A_172] {strides = array<i32>} : memref<64x128xi32, #tpu.memory_space<vmem>>, vector<16xi32>,
      tpu.vector_store %arg7[%swap3A_171, %swap3A_172], %gather3A_170 {strides = array<i32>} : memref<64x128xi32, #tpu.memory_space<vmem>>, vector<16xi32>,
      %iota3A_174 = tpu.iota {dimensions = array<i32: 0>} : vector<16xi32>
      %mul3A_175 = arith.constant 100 : i32
      %mul3A_176 = arith.muli %scan3A_120, %mul3A_175 : i32
      %add3A_177 = arith.constant 80 : i32
      %add3A_178 = arith.addi %mul3A_176, %add3A_177 : i32
      %add3A_179 = vector.broadcast %add3A_178 : i32 to vector<16xi32>
      %add3A_180 = arith.addi %iota3A_174, %add3A_179 : vector<16xi32>
      %gather3A_181 = tpu.vector_load_idx %arg6[%add3A_180] : memref<6464xi32, #tpu.memory_space<vmem>>[vector<16xi32>], vector<16xi32>,
      %swap3A_182 = arith.index_cast %scan3A_120 : i32 to index
      %swap3A_183 = arith.constant 80 : index
      %swap3A_184 = tpu.vector_load %arg7[%swap3A_182, %swap3A_183] {strides = array<i32>} : memref<64x128xi32, #tpu.memory_space<vmem>>, vector<16xi32>,
      tpu.vector_store %arg7[%swap3A_182, %swap3A_183], %gather3A_181 {strides = array<i32>} : memref<64x128xi32, #tpu.memory_space<vmem>>, vector<16xi32>,
      %iota3A_185 = tpu.iota {dimensions = array<i32: 0>} : vector<16xi32>
      %mul3A_186 = arith.constant 100 : i32
      %mul3A_187 = arith.muli %scan3A_120, %mul3A_186 : i32
      %add3A_188 = arith.constant 96 : i32
      %add3A_189 = arith.addi %mul3A_187, %add3A_188 : i32
      %add3A_190 = vector.broadcast %add3A_189 : i32 to vector<16xi32>
      %add3A_191 = arith.addi %iota3A_185, %add3A_190 : vector<16xi32>
      %gather3A_192 = tpu.vector_load_idx %arg6[%add3A_191] : memref<6464xi32, #tpu.memory_space<vmem>>[vector<16xi32>], vector<16xi32>,
      %swap3A_193 = arith.index_cast %scan3A_120 : i32 to index
      %swap3A_194 = arith.constant 96 : index
      %swap3A_195 = tpu.vector_load %arg7[%swap3A_193, %swap3A_194] {strides = array<i32>} : memref<64x128xi32, #tpu.memory_space<vmem>>, vector<16xi32>,
      tpu.vector_store %arg7[%swap3A_193, %swap3A_194], %gather3A_192 {strides = array<i32>} : memref<64x128xi32, #tpu.memory_space<vmem>>, vector<16xi32>,
      %iota3A_196 = tpu.iota {dimensions = array<i32: 0>} : vector<16xi32>
      %mul3A_197 = arith.constant 100 : i32
      %mul3A_198 = arith.muli %scan3A_120, %mul3A_197 : i32
      %add3A_199 = arith.constant 112 : i32
      %add3A_200 = arith.addi %mul3A_198, %add3A_199 : i32
      %add3A_201 = vector.broadcast %add3A_200 : i32 to vector<16xi32>
      %add3A_202 = arith.addi %iota3A_196, %add3A_201 : vector<16xi32>
      %gather3A_203 = tpu.vector_load_idx %arg6[%add3A_202] : memref<6464xi32, #tpu.memory_space<vmem>>[vector<16xi32>], vector<16xi32>,
      %swap3A_204 = arith.index_cast %scan3A_120 : i32 to index
      %swap3A_205 = arith.constant 112 : index
      %swap3A_206 = tpu.vector_load %arg7[%swap3A_204, %swap3A_205] {strides = array<i32>} : memref<64x128xi32, #tpu.memory_space<vmem>>, vector<16xi32>,
      tpu.vector_store %arg7[%swap3A_204, %swap3A_205], %gather3A_203 {strides = array<i32>} : memref<64x128xi32, #tpu.memory_space<vmem>>, vector<16xi32>,
    }
    %scan3A_23 = arith.constant 64 : i32
    %dma_start3A = arith.constant 0 : i32
    %dma_start3A_24 = arith.constant 0 : i32
    %dma_start3A_25 = tpu.memref_slice %arg7[%dma_start3A, %dma_start3A_24] : memref<64x128xi32, #tpu.memory_space<vmem>> -> memref<1x128xi32, #tpu.memory_space<vmem>>
    %dma_start3A_26 = tpu.memref_squeeze %dma_start3A_25 : memref<1x128xi32, #tpu.memory_space<vmem>> -> memref<128xi32, #tpu.memory_space<vmem>>
    %dma_start3A_27 = arith.constant 0 : i32
    %dma_start3A_28 = arith.constant 0 : i32
    %dma_start3A_29 = tpu.memref_slice %arg3[%dma_start3A_27, %dma_start3A_28] : memref<1000000x128xf32, #tpu.memory_space<hbm>> -> memref<1000000x128xf32, #tpu.memory_space<hbm>>
    tpu.enqueue_indirect_dma source(%dma_start3A_29 : memref<1000000x128xf32, #tpu.memory_space<hbm>>) target(%arg8 : memref<128x128xf32, #tpu.memory_space<vmem>>) offsets(%dma_start3A_26 : memref<128xi32, #tpu.memory_space<vmem>>) semaphore(%arg15 : memref<!tpu.dma_semaphore, #tpu.memory_space<semaphore_mem>>)
    %dma_start3A_30 = arith.constant 1 : i32
    %dma_start3A_31 = arith.constant 0 : i32
    %dma_start3A_32 = tpu.memref_slice %arg7[%dma_start3A_30, %dma_start3A_31] : memref<64x128xi32, #tpu.memory_space<vmem>> -> memref<1x128xi32, #tpu.memory_space<vmem>>
    %dma_start3A_33 = tpu.memref_squeeze %dma_start3A_32 : memref<1x128xi32, #tpu.memory_space<vmem>> -> memref<128xi32, #tpu.memory_space<vmem>>
    %dma_start3A_34 = arith.constant 0 : i32
    %dma_start3A_35 = arith.constant 0 : i32
    %dma_start3A_36 = tpu.memref_slice %arg3[%dma_start3A_34, %dma_start3A_35] : memref<1000000x128xf32, #tpu.memory_space<hbm>> -> memref<1000000x128xf32, #tpu.memory_space<hbm>>
    tpu.enqueue_indirect_dma source(%dma_start3A_36 : memref<1000000x128xf32, #tpu.memory_space<hbm>>) target(%arg9 : memref<128x128xf32, #tpu.memory_space<vmem>>) offsets(%dma_start3A_33 : memref<128xi32, #tpu.memory_space<vmem>>) semaphore(%arg16 : memref<!tpu.dma_semaphore, #tpu.memory_space<semaphore_mem>>)
    %dma_start3A_37 = arith.constant 2 : i32
    %dma_start3A_38 = arith.constant 0 : i32
    %dma_start3A_39 = tpu.memref_slice %arg7[%dma_start3A_37, %dma_start3A_38] : memref<64x128xi32, #tpu.memory_space<vmem>> -> memref<1x128xi32, #tpu.memory_space<vmem>>
    %dma_start3A_40 = tpu.memref_squeeze %dma_start3A_39 : memref<1x128xi32, #tpu.memory_space<vmem>> -> memref<128xi32, #tpu.memory_space<vmem>>
    %dma_start3A_41 = arith.constant 0 : i32
    %dma_start3A_42 = arith.constant 0 : i32
    %dma_start3A_43 = tpu.memref_slice %arg3[%dma_start3A_41, %dma_start3A_42] : memref<1000000x128xf32, #tpu.memory_space<hbm>> -> memref<1000000x128xf32, #tpu.memory_space<hbm>>
    tpu.enqueue_indirect_dma source(%dma_start3A_43 : memref<1000000x128xf32, #tpu.memory_space<hbm>>) target(%arg10 : memref<128x128xf32, #tpu.memory_space<vmem>>) offsets(%dma_start3A_40 : memref<128xi32, #tpu.memory_space<vmem>>) semaphore(%arg17 : memref<!tpu.dma_semaphore, #tpu.memory_space<semaphore_mem>>)
    %dma_start3A_44 = arith.constant 3 : i32
    %dma_start3A_45 = arith.constant 0 : i32
    %dma_start3A_46 = tpu.memref_slice %arg7[%dma_start3A_44, %dma_start3A_45] : memref<64x128xi32, #tpu.memory_space<vmem>> -> memref<1x128xi32, #tpu.memory_space<vmem>>
    %dma_start3A_47 = tpu.memref_squeeze %dma_start3A_46 : memref<1x128xi32, #tpu.memory_space<vmem>> -> memref<128xi32, #tpu.memory_space<vmem>>
    %dma_start3A_48 = arith.constant 0 : i32
    %dma_start3A_49 = arith.constant 0 : i32
    %dma_start3A_50 = tpu.memref_slice %arg3[%dma_start3A_48, %dma_start3A_49] : memref<1000000x128xf32, #tpu.memory_space<hbm>> -> memref<1000000x128xf32, #tpu.memory_space<hbm>>
    tpu.enqueue_indirect_dma source(%dma_start3A_50 : memref<1000000x128xf32, #tpu.memory_space<hbm>>) target(%arg11 : memref<128x128xf32, #tpu.memory_space<vmem>>) offsets(%dma_start3A_47 : memref<128xi32, #tpu.memory_space<vmem>>) semaphore(%arg18 : memref<!tpu.dma_semaphore, #tpu.memory_space<semaphore_mem>>)
    %scan3A_51 = arith.constant 0 : i32
    %scan3A_52 = arith.constant 0 : i32
    %scan3A_53 = arith.constant 16 : i32
    %scan3A_54 = arith.addi %scan3A_52, %scan3A_53 : i32
    %scan3A_55 = arith.constant 1 : i32
    scf.for %scan3A_120 = %scan3A_52 to %scan3A_54 step %scan3A_55  : i32 {
      %mul3A_121 = arith.constant 4 : i32
      %mul3A_122 = arith.muli %mul3A_121, %scan3A_120 : i32
      %add3A_123 = arith.constant 0 : i32
      %add3A_124 = arith.addi %mul3A_122, %add3A_123 : i32
      %dma_wait3A_125 = arith.constant 0 : i32
      %dma_wait3A_126 = tpu.memref_slice %arg7[%add3A_124, %dma_wait3A_125] : memref<64x128xi32, #tpu.memory_space<vmem>> -> memref<1x128xi32, #tpu.memory_space<vmem>>
      %dma_wait3A_127 = tpu.memref_squeeze %dma_wait3A_126 : memref<1x128xi32, #tpu.memory_space<vmem>> -> memref<128xi32, #tpu.memory_space<vmem>>
      %dma_wait3A_128 = arith.constant 0 : i32
      %dma_wait3A_129 = arith.constant 0 : i32
      %dma_wait3A_130 = tpu.memref_slice %arg3[%dma_wait3A_128, %dma_wait3A_129] : memref<1000000x128xf32, #tpu.memory_space<hbm>> -> memref<1000000x128xf32, #tpu.memory_space<hbm>>
      tpu.wait_indirect_dma semaphore(%arg15 : memref<!tpu.dma_semaphore, #tpu.memory_space<semaphore_mem>>) src(%dma_wait3A_130 : memref<1000000x128xf32, #tpu.memory_space<hbm>>) dst(%arg8 : memref<128x128xf32, #tpu.memory_space<vmem>>)
      %ge3A = arith.constant 2 : i32
      %ge3A_131 = arith.cmpi sge, %add3A_124, %ge3A : i32
      %convert_element_type3A = arith.extui %ge3A_131 : i1 to i32
      %cond3A = arith.constant 0 : i32
      %cond3A_132 = arith.cmpi ne, %convert_element_type3A, %cond3A : i32
      scf.if %cond3A_132 {
        %add3A_1428 = arith.constant 0 : i32
        %add3A_1429 = arith.addi %mul3A_2, %add3A_1428 : i32
        %dma_wait3A_1430 = arith.constant 0 : i32
        %dma_wait3A_1431 = arith.constant 0 : i32
        %dma_wait3A_1432 = tpu.memref_slice %arg12[%dma_wait3A_1430, %dma_wait3A_1431] : memref<104x64xf32, #tpu.memory_space<vmem>> -> memref<50x64xf32, #tpu.memory_space<vmem>>
        %dma_wait3A_1433 = arith.constant 0 : i32
        %dma_wait3A_1434 = arith.constant 0 : i32
        %dma_wait3A_1435 = tpu.memref_slice %arg5[%add3A_1429, %dma_wait3A_1433, %dma_wait3A_1434] : memref<4096x50x64xf32, #tpu.memory_space<hbm>> -> memref<1x50x64xf32, #tpu.memory_space<hbm>>
        %dma_wait3A_1436 = tpu.memref_squeeze %dma_wait3A_1435 : memref<1x50x64xf32, #tpu.memory_space<hbm>> -> memref<50x64xf32, #tpu.memory_space<hbm>>
        %dma_wait3A_1437 = arith.constant 0 : i32
        %dma_wait3A_1438 = arith.constant 0 : i32
        %dma_wait3A_1439 = tpu.memref_slice %arg5[%add3A_1429, %dma_wait3A_1437, %dma_wait3A_1438] : memref<4096x50x64xf32, #tpu.memory_space<hbm>> -> memref<1x50x64xf32, #tpu.memory_space<hbm>>
        %dma_wait3A_1440 = tpu.memref_squeeze %dma_wait3A_1439 : memref<1x50x64xf32, #tpu.memory_space<hbm>> -> memref<50x64xf32, #tpu.memory_space<hbm>>
        %dma_wait3A_1441 = arith.constant 0 : i32
        %dma_wait3A_1442 = arith.constant 0 : i32
        %dma_wait3A_1443 = tpu.memref_slice %arg12[%dma_wait3A_1441, %dma_wait3A_1442] : memref<104x64xf32, #tpu.memory_space<vmem>> -> memref<50x64xf32, #tpu.memory_space<vmem>>
        tpu.wait_dma2 semaphore(%arg19 : memref<!tpu.dma_semaphore, #tpu.memory_space<semaphore_mem>>) src(%dma_wait3A_1443 : memref<50x64xf32, #tpu.memory_space<vmem>>) dst(%dma_wait3A_1440 : memref<50x64xf32, #tpu.memory_space<hbm>>)
        %add3A_1444 = arith.constant 1 : i32
        %add3A_1445 = arith.addi %mul3A_2, %add3A_1444 : i32
        %dma_wait3A_1446 = arith.constant 50 : i32
        %dma_wait3A_1447 = arith.constant 0 : i32
        %dma_wait3A_1448 = tpu.memref_slice %arg12[%dma_wait3A_1446, %dma_wait3A_1447] : memref<104x64xf32, #tpu.memory_space<vmem>> -> memref<50x64xf32, #tpu.memory_space<vmem>>
        %dma_wait3A_1449 = arith.constant 0 : i32
        %dma_wait3A_1450 = arith.constant 0 : i32
        %dma_wait3A_1451 = tpu.memref_slice %arg5[%add3A_1445, %dma_wait3A_1449, %dma_wait3A_1450] : memref<4096x50x64xf32, #tpu.memory_space<hbm>> -> memref<1x50x64xf32, #tpu.memory_space<hbm>>
        %dma_wait3A_1452 = tpu.memref_squeeze %dma_wait3A_1451 : memref<1x50x64xf32, #tpu.memory_space<hbm>> -> memref<50x64xf32, #tpu.memory_space<hbm>>
        %dma_wait3A_1453 = arith.constant 0 : i32
        %dma_wait3A_1454 = arith.constant 0 : i32
        %dma_wait3A_1455 = tpu.memref_slice %arg5[%add3A_1445, %dma_wait3A_1453, %dma_wait3A_1454] : memref<4096x50x64xf32, #tpu.memory_space<hbm>> -> memref<1x50x64xf32, #tpu.memory_space<hbm>>
        %dma_wait3A_1456 = tpu.memref_squeeze %dma_wait3A_1455 : memref<1x50x64xf32, #tpu.memory_space<hbm>> -> memref<50x64xf32, #tpu.memory_space<hbm>>
        %dma_wait3A_1457 = arith.constant 50 : i32
        %dma_wait3A_1458 = arith.constant 0 : i32
        %dma_wait3A_1459 = tpu.memref_slice %arg12[%dma_wait3A_1457, %dma_wait3A_1458] : memref<104x64xf32, #tpu.memory_space<vmem>> -> memref<50x64xf32, #tpu.memory_space<vmem>>
        tpu.wait_dma2 semaphore(%arg19 : memref<!tpu.dma_semaphore, #tpu.memory_space<semaphore_mem>>) src(%dma_wait3A_1459 : memref<50x64xf32, #tpu.memory_space<vmem>>) dst(%dma_wait3A_1456 : memref<50x64xf32, #tpu.memory_space<hbm>>)
      } else {
      }
      %get3A = arith.constant 0 : i32
      %get3A_133 = arith.index_cast %get3A : i32 to index
      %get3A_134 = arith.constant 0 : index
      %get3A_135 = tpu.vector_load %arg14[%get3A_133, %get3A_134] {strides = array<i32>} : memref<16x64xf32, #tpu.memory_space<vmem>>, vector<16xf32>,
      %get3A_136 = arith.constant 0 : i32
      %get3A_137 = arith.index_cast %get3A_136 : i32 to index
      %get3A_138 = arith.constant 16 : index
      %get3A_139 = tpu.vector_load %arg14[%get3A_137, %get3A_138] {strides = array<i32>} : memref<16x64xf32, #tpu.memory_space<vmem>>, vector<16xf32>,
      %get3A_140 = arith.constant 1 : i32
      %get3A_141 = arith.index_cast %get3A_140 : i32 to index
      %get3A_142 = arith.constant 0 : index
      %get3A_143 = tpu.vector_load %arg14[%get3A_141, %get3A_142] {strides = array<i32>} : memref<16x64xf32, #tpu.memory_space<vmem>>, vector<16xf32>,
      %get3A_144 = arith.constant 1 : i32
      %get3A_145 = arith.index_cast %get3A_144 : i32 to index
      %get3A_146 = arith.constant 16 : index
      %get3A_147 = tpu.vector_load %arg14[%get3A_145, %get3A_146] {strides = array<i32>} : memref<16x64xf32, #tpu.memory_space<vmem>>, vector<16xf32>,
      %get3A_148 = arith.constant 2 : i32
      %get3A_149 = arith.index_cast %get3A_148 : i32 to index
      %get3A_150 = arith.constant 0 : index
      %get3A_151 = tpu.vector_load %arg14[%get3A_149, %get3A_150] {strides = array<i32>} : memref<16x64xf32, #tpu.memory_space<vmem>>, vector<16xf32>,
      %get3A_152 = arith.constant 2 : i32
      %get3A_153 = arith.index_cast %get3A_152 : i32 to index
      %get3A_154 = arith.constant 16 : index
      %get3A_155 = tpu.vector_load %arg14[%get3A_153, %get3A_154] {strides = array<i32>} : memref<16x64xf32, #tpu.memory_space<vmem>>, vector<16xf32>,
      %get3A_156 = arith.constant 3 : i32
      %get3A_157 = arith.index_cast %get3A_156 : i32 to index
      %get3A_158 = arith.constant 0 : index
      %get3A_159 = tpu.vector_load %arg14[%get3A_157, %get3A_158] {strides = array<i32>} : memref<16x64xf32, #tpu.memory_space<vmem>>, vector<16xf32>,
      %get3A_160 = arith.constant 3 : i32
      %get3A_161 = arith.index_cast %get3A_160 : i32 to index
      %get3A_162 = arith.constant 16 : index
      %get3A_163 = tpu.vector_load %arg14[%get3A_161, %get3A_162] {strides = array<i32>} : memref<16x64xf32, #tpu.memory_space<vmem>>, vector<16xf32>,
      %get3A_164 = arith.constant 4 : i32
      %get3A_165 = arith.index_cast %get3A_164 : i32 to index
      %get3A_166 = arith.constant 0 : index
      %get3A_167 = tpu.vector_load %arg14[%get3A_165, %get3A_166] {strides = array<i32>} : memref<16x64xf32, #tpu.memory_space<vmem>>, vector<16xf32>,
      %get3A_168 = arith.constant 4 : i32
      %get3A_169 = arith.index_cast %get3A_168 : i32 to index
      %get3A_170 = arith.constant 16 : index
      %get3A_171 = tpu.vector_load %arg14[%get3A_169, %get3A_170] {strides = array<i32>} : memref<16x64xf32, #tpu.memory_space<vmem>>, vector<16xf32>,
      %get3A_172 = arith.constant 5 : i32
      %get3A_173 = arith.index_cast %get3A_172 : i32 to index
      %get3A_174 = arith.constant 0 : index
      %get3A_175 = tpu.vector_load %arg14[%get3A_173, %get3A_174] {strides = array<i32>} : memref<16x64xf32, #tpu.memory_space<vmem>>, vector<16xf32>,
      %get3A_176 = arith.constant 5 : i32
      %get3A_177 = arith.index_cast %get3A_176 : i32 to index
      %get3A_178 = arith.constant 16 : index
      %get3A_179 = tpu.vector_load %arg14[%get3A_177, %get3A_178] {strides = array<i32>} : memref<16x64xf32, #tpu.memory_space<vmem>>, vector<16xf32>,
      %get3A_180 = arith.constant 6 : i32
      %get3A_181 = arith.index_cast %get3A_180 : i32 to index
      %get3A_182 = arith.constant 0 : index
      %get3A_183 = tpu.vector_load %arg14[%get3A_181, %get3A_182] {strides = array<i32>} : memref<16x64xf32, #tpu.memory_space<vmem>>, vector<16xf32>,
      %get3A_184 = arith.constant 6 : i32
      %get3A_185 = arith.index_cast %get3A_184 : i32 to index
      %get3A_186 = arith.constant 16 : index
      %get3A_187 = tpu.vector_load %arg14[%get3A_185, %get3A_186] {strides = array<i32>} : memref<16x64xf32, #tpu.memory_space<vmem>>, vector<16xf32>,
      %get3A_188 = arith.constant 7 : i32
      %get3A_189 = arith.index_cast %get3A_188 : i32 to index
      %get3A_190 = arith.constant 0 : index
      %get3A_191 = tpu.vector_load %arg14[%get3A_189, %get3A_190] {strides = array<i32>} : memref<16x64xf32, #tpu.memory_space<vmem>>, vector<16xf32>,
      %get3A_192 = arith.constant 7 : i32
      %get3A_193 = arith.index_cast %get3A_192 : i32 to index
      %get3A_194 = arith.constant 16 : index
      %get3A_195 = tpu.vector_load %arg14[%get3A_193, %get3A_194] {strides = array<i32>} : memref<16x64xf32, #tpu.memory_space<vmem>>, vector<16xf32>,
      %get3A_196 = arith.constant 8 : i32
      %get3A_197 = arith.index_cast %get3A_196 : i32 to index
      %get3A_198 = arith.constant 0 : index
      %get3A_199 = tpu.vector_load %arg14[%get3A_197, %get3A_198] {strides = array<i32>} : memref<16x64xf32, #tpu.memory_space<vmem>>, vector<16xf32>,
      %get3A_200 = arith.constant 8 : i32
      %get3A_201 = arith.index_cast %get3A_200 : i32 to index
      %get3A_202 = arith.constant 16 : index
      %get3A_203 = tpu.vector_load %arg14[%get3A_201, %get3A_202] {strides = array<i32>} : memref<16x64xf32, #tpu.memory_space<vmem>>, vector<16xf32>,
      %get3A_204 = arith.constant 9 : i32
      %get3A_205 = arith.index_cast %get3A_204 : i32 to index
      %get3A_206 = arith.constant 0 : index
      %get3A_207 = tpu.vector_load %arg14[%get3A_205, %get3A_206] {strides = array<i32>} : memref<16x64xf32, #tpu.memory_space<vmem>>, vector<16xf32>,
      %get3A_208 = arith.constant 9 : i32
      %get3A_209 = arith.index_cast %get3A_208 : i32 to index
      %get3A_210 = arith.constant 16 : index
      %get3A_211 = tpu.vector_load %arg14[%get3A_209, %get3A_210] {strides = array<i32>} : memref<16x64xf32, #tpu.memory_space<vmem>>, vector<16xf32>,
      %get3A_212 = arith.constant 10 : i32
      %get3A_213 = arith.index_cast %get3A_212 : i32 to index
      %get3A_214 = arith.constant 0 : index
      %get3A_215 = tpu.vector_load %arg14[%get3A_213, %get3A_214] {strides = array<i32>} : memref<16x64xf32, #tpu.memory_space<vmem>>, vector<16xf32>,
      %get3A_216 = arith.constant 10 : i32
      %get3A_217 = arith.index_cast %get3A_216 : i32 to index
      %get3A_218 = arith.constant 16 : index
      %get3A_219 = tpu.vector_load %arg14[%get3A_217, %get3A_218] {strides = array<i32>} : memref<16x64xf32, #tpu.memory_space<vmem>>, vector<16xf32>,
      %get3A_220 = arith.constant 11 : i32
      %get3A_221 = arith.index_cast %get3A_220 : i32 to index
      %get3A_222 = arith.constant 0 : index
      %get3A_223 = tpu.vector_load %arg14[%get3A_221, %get3A_222] {strides = array<i32>} : memref<16x64xf32, #tpu.memory_space<vmem>>, vector<16xf32>,
      %get3A_224 = arith.constant 11 : i32
      %get3A_225 = arith.index_cast %get3A_224 : i32 to index
      %get3A_226 = arith.constant 16 : index
      %get3A_227 = tpu.vector_load %arg14[%get3A_225, %get3A_226] {strides = array<i32>} : memref<16x64xf32, #tpu.memory_space<vmem>>, vector<16xf32>,
      %get3A_228 = arith.constant 12 : i32
      %get3A_229 = arith.index_cast %get3A_228 : i32 to index
      %get3A_230 = arith.constant 0 : index
      %get3A_231 = tpu.vector_load %arg14[%get3A_229, %get3A_230] {strides = array<i32>} : memref<16x64xf32, #tpu.memory_space<vmem>>, vector<16xf32>,
      %get3A_232 = arith.constant 12 : i32
      %get3A_233 = arith.index_cast %get3A_232 : i32 to index
      %get3A_234 = arith.constant 16 : index
      %get3A_235 = tpu.vector_load %arg14[%get3A_233, %get3A_234] {strides = array<i32>} : memref<16x64xf32, #tpu.memory_space<vmem>>, vector<16xf32>,
      %get3A_236 = arith.constant 13 : i32
      %get3A_237 = arith.index_cast %get3A_236 : i32 to index
      %get3A_238 = arith.constant 0 : index
      %get3A_239 = tpu.vector_load %arg14[%get3A_237, %get3A_238] {strides = array<i32>} : memref<16x64xf32, #tpu.memory_space<vmem>>, vector<16xf32>,
      %get3A_240 = arith.constant 13 : i32
      %get3A_241 = arith.index_cast %get3A_240 : i32 to index
      %get3A_242 = arith.constant 16 : index
      %get3A_243 = tpu.vector_load %arg14[%get3A_241, %get3A_242] {strides = array<i32>} : memref<16x64xf32, #tpu.memory_space<vmem>>, vector<16xf32>,
      %get3A_244 = arith.constant 14 : i32
      %get3A_245 = arith.index_cast %get3A_244 : i32 to index
      %get3A_246 = arith.constant 0 : index
      %get3A_247 = tpu.vector_load %arg14[%get3A_245, %get3A_246] {strides = array<i32>} : memref<16x64xf32, #tpu.memory_space<vmem>>, vector<16xf32>,
      %get3A_248 = arith.constant 14 : i32
      %get3A_249 = arith.index_cast %get3A_248 : i32 to index
      %get3A_250 = arith.constant 16 : index
      %get3A_251 = tpu.vector_load %arg14[%get3A_249, %get3A_250] {strides = array<i32>} : memref<16x64xf32, #tpu.memory_space<vmem>>, vector<16xf32>,
      %get3A_252 = arith.constant 15 : i32
      %get3A_253 = arith.index_cast %get3A_252 : i32 to index
      %get3A_254 = arith.constant 0 : index
      %get3A_255 = tpu.vector_load %arg14[%get3A_253, %get3A_254] {strides = array<i32>} : memref<16x64xf32, #tpu.memory_space<vmem>>, vector<16xf32>,
      %get3A_256 = arith.constant 15 : i32
      %get3A_257 = arith.index_cast %get3A_256 : i32 to index
      %get3A_258 = arith.constant 16 : index
      %get3A_259 = tpu.vector_load %arg14[%get3A_257, %get3A_258] {strides = array<i32>} : memref<16x64xf32, #tpu.memory_space<vmem>>, vector<16xf32>,
      %scan3A_260 = arith.constant 0 : i32
      %scan3A_261 = arith.constant 0 : i32
      %scan3A_262 = arith.constant 100 : i32
      %scan3A_263 = arith.addi %scan3A_261, %scan3A_262 : i32
      %scan3A_264 = arith.constant 1 : i32
      scf.for %scan3A_1428 = %scan3A_261 to %scan3A_263 step %scan3A_264  : i32 {
        %get3A_1429 = arith.index_cast %scan3A_1428 : i32 to index
        %get3A_1430 = arith.constant 64 : index
        %get3A_1431 = tpu.vector_load %arg8[%get3A_1429, %get3A_1430] {strides = array<i32>} : memref<128x128xf32, #tpu.memory_space<vmem>>, vector<16xf32>,
        %get3A_1432 = arith.index_cast %scan3A_1428 : i32 to index
        %get3A_1433 = arith.constant 0 : index
        %get3A_1434 = tpu.vector_load %arg8[%get3A_1432, %get3A_1433] {strides = array<i32>} : memref<128x128xf32, #tpu.memory_space<vmem>>, vector<16xf32>,
        %get3A_1435 = arith.index_cast %scan3A_1428 : i32 to index
        %get3A_1436 = arith.constant 16 : index
        %get3A_1437 = tpu.vector_load %arg8[%get3A_1435, %get3A_1436] {strides = array<i32>} : memref<128x128xf32, #tpu.memory_space<vmem>>, vector<16xf32>,
        %slice3A = vector.extract_strided_slice %get3A_1431 {offsets = [0], sizes = [1], strides = [1]} : vector<16xf32> to vector<1xf32>
        %squeeze3A = vector.extract %slice3A[0] : f32 from vector<1xf32>
        %mul3A_1438 = vector.broadcast %squeeze3A : f32 to vector<16xf32>
        %mul3A_1439 = arith.mulf %mul3A_1438, %get3A_135 : vector<16xf32>
        %add3A_1440 = arith.addf %get3A_1434, %mul3A_1439 : vector<16xf32>
        %mul3A_1441 = vector.broadcast %squeeze3A : f32 to vector<16xf32>
        %mul3A_1442 = arith.mulf %mul3A_1441, %get3A_139 : vector<16xf32>
        %add3A_1443 = arith.addf %get3A_1437, %mul3A_1442 : vector<16xf32>
        %slice3A_1444 = vector.extract_strided_slice %get3A_1431 {offsets = [1], sizes = [1], strides = [1]} : vector<16xf32> to vector<1xf32>
        %squeeze3A_1445 = vector.extract %slice3A_1444[0] : f32 from vector<1xf32>
        %mul3A_1446 = vector.broadcast %squeeze3A_1445 : f32 to vector<16xf32>
        %mul3A_1447 = arith.mulf %mul3A_1446, %get3A_143 : vector<16xf32>
        %add3A_1448 = arith.addf %add3A_1440, %mul3A_1447 : vector<16xf32>
        %mul3A_1449 = vector.broadcast %squeeze3A_1445 : f32 to vector<16xf32>
        %mul3A_1450 = arith.mulf %mul3A_1449, %get3A_147 : vector<16xf32>
        %add3A_1451 = arith.addf %add3A_1443, %mul3A_1450 : vector<16xf32>
        %slice3A_1452 = vector.extract_strided_slice %get3A_1431 {offsets = [2], sizes = [1], strides = [1]} : vector<16xf32> to vector<1xf32>
        %squeeze3A_1453 = vector.extract %slice3A_1452[0] : f32 from vector<1xf32>
        %mul3A_1454 = vector.broadcast %squeeze3A_1453 : f32 to vector<16xf32>
        %mul3A_1455 = arith.mulf %mul3A_1454, %get3A_151 : vector<16xf32>
        %add3A_1456 = arith.addf %add3A_1448, %mul3A_1455 : vector<16xf32>
        %mul3A_1457 = vector.broadcast %squeeze3A_1453 : f32 to vector<16xf32>
        %mul3A_1458 = arith.mulf %mul3A_1457, %get3A_155 : vector<16xf32>
        %add3A_1459 = arith.addf %add3A_1451, %mul3A_1458 : vector<16xf32>
        %slice3A_1460 = vector.extract_strided_slice %get3A_1431 {offsets = [3], sizes = [1], strides = [1]} : vector<16xf32> to vector<1xf32>
        %squeeze3A_1461 = vector.extract %slice3A_1460[0] : f32 from vector<1xf32>
        %mul3A_1462 = vector.broadcast %squeeze3A_1461 : f32 to vector<16xf32>
        %mul3A_1463 = arith.mulf %mul3A_1462, %get3A_159 : vector<16xf32>
        %add3A_1464 = arith.addf %add3A_1456, %mul3A_1463 : vector<16xf32>
        %mul3A_1465 = vector.broadcast %squeeze3A_1461 : f32 to vector<16xf32>
        %mul3A_1466 = arith.mulf %mul3A_1465, %get3A_163 : vector<16xf32>
        %add3A_1467 = arith.addf %add3A_1459, %mul3A_1466 : vector<16xf32>
        %slice3A_1468 = vector.extract_strided_slice %get3A_1431 {offsets = [4], sizes = [1], strides = [1]} : vector<16xf32> to vector<1xf32>
        %squeeze3A_1469 = vector.extract %slice3A_1468[0] : f32 from vector<1xf32>
        %mul3A_1470 = vector.broadcast %squeeze3A_1469 : f32 to vector<16xf32>
        %mul3A_1471 = arith.mulf %mul3A_1470, %get3A_167 : vector<16xf32>
        %add3A_1472 = arith.addf %add3A_1464, %mul3A_1471 : vector<16xf32>
        %mul3A_1473 = vector.broadcast %squeeze3A_1469 : f32 to vector<16xf32>
        %mul3A_1474 = arith.mulf %mul3A_1473, %get3A_171 : vector<16xf32>
        %add3A_1475 = arith.addf %add3A_1467, %mul3A_1474 : vector<16xf32>
        %slice3A_1476 = vector.extract_strided_slice %get3A_1431 {offsets = [5], sizes = [1], strides = [1]} : vector<16xf32> to vector<1xf32>
        %squeeze3A_1477 = vector.extract %slice3A_1476[0] : f32 from vector<1xf32>
        %mul3A_1478 = vector.broadcast %squeeze3A_1477 : f32 to vector<16xf32>
        %mul3A_1479 = arith.mulf %mul3A_1478, %get3A_175 : vector<16xf32>
        %add3A_1480 = arith.addf %add3A_1472, %mul3A_1479 : vector<16xf32>
        %mul3A_1481 = vector.broadcast %squeeze3A_1477 : f32 to vector<16xf32>
        %mul3A_1482 = arith.mulf %mul3A_1481, %get3A_179 : vector<16xf32>
        %add3A_1483 = arith.addf %add3A_1475, %mul3A_1482 : vector<16xf32>
        %slice3A_1484 = vector.extract_strided_slice %get3A_1431 {offsets = [6], sizes = [1], strides = [1]} : vector<16xf32> to vector<1xf32>
        %squeeze3A_1485 = vector.extract %slice3A_1484[0] : f32 from vector<1xf32>
        %mul3A_1486 = vector.broadcast %squeeze3A_1485 : f32 to vector<16xf32>
        %mul3A_1487 = arith.mulf %mul3A_1486, %get3A_183 : vector<16xf32>
        %add3A_1488 = arith.addf %add3A_1480, %mul3A_1487 : vector<16xf32>
        %mul3A_1489 = vector.broadcast %squeeze3A_1485 : f32 to vector<16xf32>
        %mul3A_1490 = arith.mulf %mul3A_1489, %get3A_187 : vector<16xf32>
        %add3A_1491 = arith.addf %add3A_1483, %mul3A_1490 : vector<16xf32>
        %slice3A_1492 = vector.extract_strided_slice %get3A_1431 {offsets = [7], sizes = [1], strides = [1]} : vector<16xf32> to vector<1xf32>
        %squeeze3A_1493 = vector.extract %slice3A_1492[0] : f32 from vector<1xf32>
        %mul3A_1494 = vector.broadcast %squeeze3A_1493 : f32 to vector<16xf32>
        %mul3A_1495 = arith.mulf %mul3A_1494, %get3A_191 : vector<16xf32>
        %add3A_1496 = arith.addf %add3A_1488, %mul3A_1495 : vector<16xf32>
        %mul3A_1497 = vector.broadcast %squeeze3A_1493 : f32 to vector<16xf32>
        %mul3A_1498 = arith.mulf %mul3A_1497, %get3A_195 : vector<16xf32>
        %add3A_1499 = arith.addf %add3A_1491, %mul3A_1498 : vector<16xf32>
        %slice3A_1500 = vector.extract_strided_slice %get3A_1431 {offsets = [8], sizes = [1], strides = [1]} : vector<16xf32> to vector<1xf32>
        %squeeze3A_1501 = vector.extract %slice3A_1500[0] : f32 from vector<1xf32>
        %mul3A_1502 = vector.broadcast %squeeze3A_1501 : f32 to vector<16xf32>
        %mul3A_1503 = arith.mulf %mul3A_1502, %get3A_199 : vector<16xf32>
        %add3A_1504 = arith.addf %add3A_1496, %mul3A_1503 : vector<16xf32>
        %mul3A_1505 = vector.broadcast %squeeze3A_1501 : f32 to vector<16xf32>
        %mul3A_1506 = arith.mulf %mul3A_1505, %get3A_203 : vector<16xf32>
        %add3A_1507 = arith.addf %add3A_1499, %mul3A_1506 : vector<16xf32>
        %slice3A_1508 = vector.extract_strided_slice %get3A_1431 {offsets = [9], sizes = [1], strides = [1]} : vector<16xf32> to vector<1xf32>
        %squeeze3A_1509 = vector.extract %slice3A_1508[0] : f32 from vector<1xf32>
        %mul3A_1510 = vector.broadcast %squeeze3A_1509 : f32 to vector<16xf32>
        %mul3A_1511 = arith.mulf %mul3A_1510, %get3A_207 : vector<16xf32>
        %add3A_1512 = arith.addf %add3A_1504, %mul3A_1511 : vector<16xf32>
        %mul3A_1513 = vector.broadcast %squeeze3A_1509 : f32 to vector<16xf32>
        %mul3A_1514 = arith.mulf %mul3A_1513, %get3A_211 : vector<16xf32>
        %add3A_1515 = arith.addf %add3A_1507, %mul3A_1514 : vector<16xf32>
        %slice3A_1516 = vector.extract_strided_slice %get3A_1431 {offsets = [10], sizes = [1], strides = [1]} : vector<16xf32> to vector<1xf32>
        %squeeze3A_1517 = vector.extract %slice3A_1516[0] : f32 from vector<1xf32>
        %mul3A_1518 = vector.broadcast %squeeze3A_1517 : f32 to vector<16xf32>
        %mul3A_1519 = arith.mulf %mul3A_1518, %get3A_215 : vector<16xf32>
        %add3A_1520 = arith.addf %add3A_1512, %mul3A_1519 : vector<16xf32>
        %mul3A_1521 = vector.broadcast %squeeze3A_1517 : f32 to vector<16xf32>
        %mul3A_1522 = arith.mulf %mul3A_1521, %get3A_219 : vector<16xf32>
        %add3A_1523 = arith.addf %add3A_1515, %mul3A_1522 : vector<16xf32>
        %slice3A_1524 = vector.extract_strided_slice %get3A_1431 {offsets = [11], sizes = [1], strides = [1]} : vector<16xf32> to vector<1xf32>
        %squeeze3A_1525 = vector.extract %slice3A_1524[0] : f32 from vector<1xf32>
        %mul3A_1526 = vector.broadcast %squeeze3A_1525 : f32 to vector<16xf32>
        %mul3A_1527 = arith.mulf %mul3A_1526, %get3A_223 : vector<16xf32>
        %add3A_1528 = arith.addf %add3A_1520, %mul3A_1527 : vector<16xf32>
        %mul3A_1529 = vector.broadcast %squeeze3A_1525 : f32 to vector<16xf32>
        %mul3A_1530 = arith.mulf %mul3A_1529, %get3A_227 : vector<16xf32>
        %add3A_1531 = arith.addf %add3A_1523, %mul3A_1530 : vector<16xf32>
        %slice3A_1532 = vector.extract_strided_slice %get3A_1431 {offsets = [12], sizes = [1], strides = [1]} : vector<16xf32> to vector<1xf32>
        %squeeze3A_1533 = vector.extract %slice3A_1532[0] : f32 from vector<1xf32>
        %mul3A_1534 = vector.broadcast %squeeze3A_1533 : f32 to vector<16xf32>
        %mul3A_1535 = arith.mulf %mul3A_1534, %get3A_231 : vector<16xf32>
        %add3A_1536 = arith.addf %add3A_1528, %mul3A_1535 : vector<16xf32>
        %mul3A_1537 = vector.broadcast %squeeze3A_1533 : f32 to vector<16xf32>
        %mul3A_1538 = arith.mulf %mul3A_1537, %get3A_235 : vector<16xf32>
        %add3A_1539 = arith.addf %add3A_1531, %mul3A_1538 : vector<16xf32>
        %slice3A_1540 = vector.extract_strided_slice %get3A_1431 {offsets = [13], sizes = [1], strides = [1]} : vector<16xf32> to vector<1xf32>
        %squeeze3A_1541 = vector.extract %slice3A_1540[0] : f32 from vector<1xf32>
        %mul3A_1542 = vector.broadcast %squeeze3A_1541 : f32 to vector<16xf32>
        %mul3A_1543 = arith.mulf %mul3A_1542, %get3A_239 : vector<16xf32>
        %add3A_1544 = arith.addf %add3A_1536, %mul3A_1543 : vector<16xf32>
        %mul3A_1545 = vector.broadcast %squeeze3A_1541 : f32 to vector<16xf32>
        %mul3A_1546 = arith.mulf %mul3A_1545, %get3A_243 : vector<16xf32>
        %add3A_1547 = arith.addf %add3A_1539, %mul3A_1546 : vector<16xf32>
        %slice3A_1548 = vector.extract_strided_slice %get3A_1431 {offsets = [14], sizes = [1], strides = [1]} : vector<16xf32> to vector<1xf32>
        %squeeze3A_1549 = vector.extract %slice3A_1548[0] : f32 from vector<1xf32>
        %mul3A_1550 = vector.broadcast %squeeze3A_1549 : f32 to vector<16xf32>
        %mul3A_1551 = arith.mulf %mul3A_1550, %get3A_247 : vector<16xf32>
        %add3A_1552 = arith.addf %add3A_1544, %mul3A_1551 : vector<16xf32>
        %mul3A_1553 = vector.broadcast %squeeze3A_1549 : f32 to vector<16xf32>
        %mul3A_1554 = arith.mulf %mul3A_1553, %get3A_251 : vector<16xf32>
        %add3A_1555 = arith.addf %add3A_1547, %mul3A_1554 : vector<16xf32>
        %slice3A_1556 = vector.extract_strided_slice %get3A_1431 {offsets = [15], sizes = [1], strides = [1]} : vector<16xf32> to vector<1xf32>
        %squeeze3A_1557 = vector.extract %slice3A_1556[0] : f32 from vector<1xf32>
        %mul3A_1558 = vector.broadcast %squeeze3A_1557 : f32 to vector<16xf32>
        %mul3A_1559 = arith.mulf %mul3A_1558, %get3A_255 : vector<16xf32>
        %add3A_1560 = arith.addf %add3A_1552, %mul3A_1559 : vector<16xf32>
        %mul3A_1561 = vector.broadcast %squeeze3A_1557 : f32 to vector<16xf32>
        %mul3A_1562 = arith.mulf %mul3A_1561, %get3A_259 : vector<16xf32>
        %add3A_1563 = arith.addf %add3A_1555, %mul3A_1562 : vector<16xf32>
        %swap3A_1564 = arith.index_cast %scan3A_1428 : i32 to index
        %swap3A_1565 = arith.constant 0 : index
        %swap3A_1566 = tpu.vector_load %arg12[%swap3A_1564, %swap3A_1565] {strides = array<i32>} : memref<104x64xf32, #tpu.memory_space<vmem>>, vector<16xf32>,
        tpu.vector_store %arg12[%swap3A_1564, %swap3A_1565], %add3A_1560 {strides = array<i32>} : memref<104x64xf32, #tpu.memory_space<vmem>>, vector<16xf32>,
        %swap3A_1567 = arith.index_cast %scan3A_1428 : i32 to index
        %swap3A_1568 = arith.constant 16 : index
        %swap3A_1569 = tpu.vector_load %arg12[%swap3A_1567, %swap3A_1568] {strides = array<i32>} : memref<104x64xf32, #tpu.memory_space<vmem>>, vector<16xf32>,
        tpu.vector_store %arg12[%swap3A_1567, %swap3A_1568], %add3A_1563 {strides = array<i32>} : memref<104x64xf32, #tpu.memory_space<vmem>>, vector<16xf32>,
      }
      %scan3A_265 = arith.constant 100 : i32
      %get3A_266 = arith.constant 0 : i32
      %get3A_267 = arith.index_cast %get3A_266 : i32 to index
      %get3A_268 = arith.constant 32 : index
      %get3A_269 = tpu.vector_load %arg14[%get3A_267, %get3A_268] {strides = array<i32>} : memref<16x64xf32, #tpu.memory_space<vmem>>, vector<16xf32>,
      %get3A_270 = arith.constant 0 : i32
      %get3A_271 = arith.index_cast %get3A_270 : i32 to index
      %get3A_272 = arith.constant 48 : index
      %get3A_273 = tpu.vector_load %arg14[%get3A_271, %get3A_272] {strides = array<i32>} : memref<16x64xf32, #tpu.memory_space<vmem>>, vector<16xf32>,
      %get3A_274 = arith.constant 1 : i32
      %get3A_275 = arith.index_cast %get3A_274 : i32 to index
      %get3A_276 = arith.constant 32 : index
      %get3A_277 = tpu.vector_load %arg14[%get3A_275, %get3A_276] {strides = array<i32>} : memref<16x64xf32, #tpu.memory_space<vmem>>, vector<16xf32>,
      %get3A_278 = arith.constant 1 : i32
      %get3A_279 = arith.index_cast %get3A_278 : i32 to index
      %get3A_280 = arith.constant 48 : index
      %get3A_281 = tpu.vector_load %arg14[%get3A_279, %get3A_280] {strides = array<i32>} : memref<16x64xf32, #tpu.memory_space<vmem>>, vector<16xf32>,
      %get3A_282 = arith.constant 2 : i32
      %get3A_283 = arith.index_cast %get3A_282 : i32 to index
      %get3A_284 = arith.constant 32 : index
      %get3A_285 = tpu.vector_load %arg14[%get3A_283, %get3A_284] {strides = array<i32>} : memref<16x64xf32, #tpu.memory_space<vmem>>, vector<16xf32>,
      %get3A_286 = arith.constant 2 : i32
      %get3A_287 = arith.index_cast %get3A_286 : i32 to index
      %get3A_288 = arith.constant 48 : index
      %get3A_289 = tpu.vector_load %arg14[%get3A_287, %get3A_288] {strides = array<i32>} : memref<16x64xf32, #tpu.memory_space<vmem>>, vector<16xf32>,
      %get3A_290 = arith.constant 3 : i32
      %get3A_291 = arith.index_cast %get3A_290 : i32 to index
      %get3A_292 = arith.constant 32 : index
      %get3A_293 = tpu.vector_load %arg14[%get3A_291, %get3A_292] {strides = array<i32>} : memref<16x64xf32, #tpu.memory_space<vmem>>, vector<16xf32>,
      %get3A_294 = arith.constant 3 : i32
      %get3A_295 = arith.index_cast %get3A_294 : i32 to index
      %get3A_296 = arith.constant 48 : index
      %get3A_297 = tpu.vector_load %arg14[%get3A_295, %get3A_296] {strides = array<i32>} : memref<16x64xf32, #tpu.memory_space<vmem>>, vector<16xf32>,
      %get3A_298 = arith.constant 4 : i32
      %get3A_299 = arith.index_cast %get3A_298 : i32 to index
      %get3A_300 = arith.constant 32 : index
      %get3A_301 = tpu.vector_load %arg14[%get3A_299, %get3A_300] {strides = array<i32>} : memref<16x64xf32, #tpu.memory_space<vmem>>, vector<16xf32>,
      %get3A_302 = arith.constant 4 : i32
      %get3A_303 = arith.index_cast %get3A_302 : i32 to index
      %get3A_304 = arith.constant 48 : index
      %get3A_305 = tpu.vector_load %arg14[%get3A_303, %get3A_304] {strides = array<i32>} : memref<16x64xf32, #tpu.memory_space<vmem>>, vector<16xf32>,
      %get3A_306 = arith.constant 5 : i32
      %get3A_307 = arith.index_cast %get3A_306 : i32 to index
      %get3A_308 = arith.constant 32 : index
      %get3A_309 = tpu.vector_load %arg14[%get3A_307, %get3A_308] {strides = array<i32>} : memref<16x64xf32, #tpu.memory_space<vmem>>, vector<16xf32>,
      %get3A_310 = arith.constant 5 : i32
      %get3A_311 = arith.index_cast %get3A_310 : i32 to index
      %get3A_312 = arith.constant 48 : index
      %get3A_313 = tpu.vector_load %arg14[%get3A_311, %get3A_312] {strides = array<i32>} : memref<16x64xf32, #tpu.memory_space<vmem>>, vector<16xf32>,
      %get3A_314 = arith.constant 6 : i32
      %get3A_315 = arith.index_cast %get3A_314 : i32 to index
      %get3A_316 = arith.constant 32 : index
      %get3A_317 = tpu.vector_load %arg14[%get3A_315, %get3A_316] {strides = array<i32>} : memref<16x64xf32, #tpu.memory_space<vmem>>, vector<16xf32>,
      %get3A_318 = arith.constant 6 : i32
      %get3A_319 = arith.index_cast %get3A_318 : i32 to index
      %get3A_320 = arith.constant 48 : index
      %get3A_321 = tpu.vector_load %arg14[%get3A_319, %get3A_320] {strides = array<i32>} : memref<16x64xf32, #tpu.memory_space<vmem>>, vector<16xf32>,
      %get3A_322 = arith.constant 7 : i32
      %get3A_323 = arith.index_cast %get3A_322 : i32 to index
      %get3A_324 = arith.constant 32 : index
      %get3A_325 = tpu.vector_load %arg14[%get3A_323, %get3A_324] {strides = array<i32>} : memref<16x64xf32, #tpu.memory_space<vmem>>, vector<16xf32>,
      %get3A_326 = arith.constant 7 : i32
      %get3A_327 = arith.index_cast %get3A_326 : i32 to index
      %get3A_328 = arith.constant 48 : index
      %get3A_329 = tpu.vector_load %arg14[%get3A_327, %get3A_328] {strides = array<i32>} : memref<16x64xf32, #tpu.memory_space<vmem>>, vector<16xf32>,
      %get3A_330 = arith.constant 8 : i32
      %get3A_331 = arith.index_cast %get3A_330 : i32 to index
      %get3A_332 = arith.constant 32 : index
      %get3A_333 = tpu.vector_load %arg14[%get3A_331, %get3A_332] {strides = array<i32>} : memref<16x64xf32, #tpu.memory_space<vmem>>, vector<16xf32>,
      %get3A_334 = arith.constant 8 : i32
      %get3A_335 = arith.index_cast %get3A_334 : i32 to index
      %get3A_336 = arith.constant 48 : index
      %get3A_337 = tpu.vector_load %arg14[%get3A_335, %get3A_336] {strides = array<i32>} : memref<16x64xf32, #tpu.memory_space<vmem>>, vector<16xf32>,
      %get3A_338 = arith.constant 9 : i32
      %get3A_339 = arith.index_cast %get3A_338 : i32 to index
      %get3A_340 = arith.constant 32 : index
      %get3A_341 = tpu.vector_load %arg14[%get3A_339, %get3A_340] {strides = array<i32>} : memref<16x64xf32, #tpu.memory_space<vmem>>, vector<16xf32>,
      %get3A_342 = arith.constant 9 : i32
      %get3A_343 = arith.index_cast %get3A_342 : i32 to index
      %get3A_344 = arith.constant 48 : index
      %get3A_345 = tpu.vector_load %arg14[%get3A_343, %get3A_344] {strides = array<i32>} : memref<16x64xf32, #tpu.memory_space<vmem>>, vector<16xf32>,
      %get3A_346 = arith.constant 10 : i32
      %get3A_347 = arith.index_cast %get3A_346 : i32 to index
      %get3A_348 = arith.constant 32 : index
      %get3A_349 = tpu.vector_load %arg14[%get3A_347, %get3A_348] {strides = array<i32>} : memref<16x64xf32, #tpu.memory_space<vmem>>, vector<16xf32>,
      %get3A_350 = arith.constant 10 : i32
      %get3A_351 = arith.index_cast %get3A_350 : i32 to index
      %get3A_352 = arith.constant 48 : index
      %get3A_353 = tpu.vector_load %arg14[%get3A_351, %get3A_352] {strides = array<i32>} : memref<16x64xf32, #tpu.memory_space<vmem>>, vector<16xf32>,
      %get3A_354 = arith.constant 11 : i32
      %get3A_355 = arith.index_cast %get3A_354 : i32 to index
      %get3A_356 = arith.constant 32 : index
      %get3A_357 = tpu.vector_load %arg14[%get3A_355, %get3A_356] {strides = array<i32>} : memref<16x64xf32, #tpu.memory_space<vmem>>, vector<16xf32>,
      %get3A_358 = arith.constant 11 : i32
      %get3A_359 = arith.index_cast %get3A_358 : i32 to index
      %get3A_360 = arith.constant 48 : index
      %get3A_361 = tpu.vector_load %arg14[%get3A_359, %get3A_360] {strides = array<i32>} : memref<16x64xf32, #tpu.memory_space<vmem>>, vector<16xf32>,
      %get3A_362 = arith.constant 12 : i32
      %get3A_363 = arith.index_cast %get3A_362 : i32 to index
      %get3A_364 = arith.constant 32 : index
      %get3A_365 = tpu.vector_load %arg14[%get3A_363, %get3A_364] {strides = array<i32>} : memref<16x64xf32, #tpu.memory_space<vmem>>, vector<16xf32>,
      %get3A_366 = arith.constant 12 : i32
      %get3A_367 = arith.index_cast %get3A_366 : i32 to index
      %get3A_368 = arith.constant 48 : index
      %get3A_369 = tpu.vector_load %arg14[%get3A_367, %get3A_368] {strides = array<i32>} : memref<16x64xf32, #tpu.memory_space<vmem>>, vector<16xf32>,
      %get3A_370 = arith.constant 13 : i32
      %get3A_371 = arith.index_cast %get3A_370 : i32 to index
      %get3A_372 = arith.constant 32 : index
      %get3A_373 = tpu.vector_load %arg14[%get3A_371, %get3A_372] {strides = array<i32>} : memref<16x64xf32, #tpu.memory_space<vmem>>, vector<16xf32>,
      %get3A_374 = arith.constant 13 : i32
      %get3A_375 = arith.index_cast %get3A_374 : i32 to index
      %get3A_376 = arith.constant 48 : index
      %get3A_377 = tpu.vector_load %arg14[%get3A_375, %get3A_376] {strides = array<i32>} : memref<16x64xf32, #tpu.memory_space<vmem>>, vector<16xf32>,
      %get3A_378 = arith.constant 14 : i32
      %get3A_379 = arith.index_cast %get3A_378 : i32 to index
      %get3A_380 = arith.constant 32 : index
      %get3A_381 = tpu.vector_load %arg14[%get3A_379, %get3A_380] {strides = array<i32>} : memref<16x64xf32, #tpu.memory_space<vmem>>, vector<16xf32>,
      %get3A_382 = arith.constant 14 : i32
      %get3A_383 = arith.index_cast %get3A_382 : i32 to index
      %get3A_384 = arith.constant 48 : index
      %get3A_385 = tpu.vector_load %arg14[%get3A_383, %get3A_384] {strides = array<i32>} : memref<16x64xf32, #tpu.memory_space<vmem>>, vector<16xf32>,
      %get3A_386 = arith.constant 15 : i32
      %get3A_387 = arith.index_cast %get3A_386 : i32 to index
      %get3A_388 = arith.constant 32 : index
      %get3A_389 = tpu.vector_load %arg14[%get3A_387, %get3A_388] {strides = array<i32>} : memref<16x64xf32, #tpu.memory_space<vmem>>, vector<16xf32>,
      %get3A_390 = arith.constant 15 : i32
      %get3A_391 = arith.index_cast %get3A_390 : i32 to index
      %get3A_392 = arith.constant 48 : index
      %get3A_393 = tpu.vector_load %arg14[%get3A_391, %get3A_392] {strides = array<i32>} : memref<16x64xf32, #tpu.memory_space<vmem>>, vector<16xf32>,
      %scan3A_394 = arith.constant 0 : i32
      %scan3A_395 = arith.constant 0 : i32
      %scan3A_396 = arith.constant 100 : i32
      %scan3A_397 = arith.addi %scan3A_395, %scan3A_396 : i32
      %scan3A_398 = arith.constant 1 : i32
      scf.for %scan3A_1428 = %scan3A_395 to %scan3A_397 step %scan3A_398  : i32 {
        %get3A_1429 = arith.index_cast %scan3A_1428 : i32 to index
        %get3A_1430 = arith.constant 64 : index
        %get3A_1431 = tpu.vector_load %arg8[%get3A_1429, %get3A_1430] {strides = array<i32>} : memref<128x128xf32, #tpu.memory_space<vmem>>, vector<16xf32>,
        %get3A_1432 = arith.index_cast %scan3A_1428 : i32 to index
        %get3A_1433 = arith.constant 32 : index
        %get3A_1434 = tpu.vector_load %arg8[%get3A_1432, %get3A_1433] {strides = array<i32>} : memref<128x128xf32, #tpu.memory_space<vmem>>, vector<16xf32>,
        %get3A_1435 = arith.index_cast %scan3A_1428 : i32 to index
        %get3A_1436 = arith.constant 48 : index
        %get3A_1437 = tpu.vector_load %arg8[%get3A_1435, %get3A_1436] {strides = array<i32>} : memref<128x128xf32, #tpu.memory_space<vmem>>, vector<16xf32>,
        %slice3A = vector.extract_strided_slice %get3A_1431 {offsets = [0], sizes = [1], strides = [1]} : vector<16xf32> to vector<1xf32>
        %squeeze3A = vector.extract %slice3A[0] : f32 from vector<1xf32>
        %mul3A_1438 = vector.broadcast %squeeze3A : f32 to vector<16xf32>
        %mul3A_1439 = arith.mulf %mul3A_1438, %get3A_269 : vector<16xf32>
        %add3A_1440 = arith.addf %get3A_1434, %mul3A_1439 : vector<16xf32>
        %mul3A_1441 = vector.broadcast %squeeze3A : f32 to vector<16xf32>
        %mul3A_1442 = arith.mulf %mul3A_1441, %get3A_273 : vector<16xf32>
        %add3A_1443 = arith.addf %get3A_1437, %mul3A_1442 : vector<16xf32>
        %slice3A_1444 = vector.extract_strided_slice %get3A_1431 {offsets = [1], sizes = [1], strides = [1]} : vector<16xf32> to vector<1xf32>
        %squeeze3A_1445 = vector.extract %slice3A_1444[0] : f32 from vector<1xf32>
        %mul3A_1446 = vector.broadcast %squeeze3A_1445 : f32 to vector<16xf32>
        %mul3A_1447 = arith.mulf %mul3A_1446, %get3A_277 : vector<16xf32>
        %add3A_1448 = arith.addf %add3A_1440, %mul3A_1447 : vector<16xf32>
        %mul3A_1449 = vector.broadcast %squeeze3A_1445 : f32 to vector<16xf32>
        %mul3A_1450 = arith.mulf %mul3A_1449, %get3A_281 : vector<16xf32>
        %add3A_1451 = arith.addf %add3A_1443, %mul3A_1450 : vector<16xf32>
        %slice3A_1452 = vector.extract_strided_slice %get3A_1431 {offsets = [2], sizes = [1], strides = [1]} : vector<16xf32> to vector<1xf32>
        %squeeze3A_1453 = vector.extract %slice3A_1452[0] : f32 from vector<1xf32>
        %mul3A_1454 = vector.broadcast %squeeze3A_1453 : f32 to vector<16xf32>
        %mul3A_1455 = arith.mulf %mul3A_1454, %get3A_285 : vector<16xf32>
        %add3A_1456 = arith.addf %add3A_1448, %mul3A_1455 : vector<16xf32>
        %mul3A_1457 = vector.broadcast %squeeze3A_1453 : f32 to vector<16xf32>
        %mul3A_1458 = arith.mulf %mul3A_1457, %get3A_289 : vector<16xf32>
        %add3A_1459 = arith.addf %add3A_1451, %mul3A_1458 : vector<16xf32>
        %slice3A_1460 = vector.extract_strided_slice %get3A_1431 {offsets = [3], sizes = [1], strides = [1]} : vector<16xf32> to vector<1xf32>
        %squeeze3A_1461 = vector.extract %slice3A_1460[0] : f32 from vector<1xf32>
        %mul3A_1462 = vector.broadcast %squeeze3A_1461 : f32 to vector<16xf32>
        %mul3A_1463 = arith.mulf %mul3A_1462, %get3A_293 : vector<16xf32>
        %add3A_1464 = arith.addf %add3A_1456, %mul3A_1463 : vector<16xf32>
        %mul3A_1465 = vector.broadcast %squeeze3A_1461 : f32 to vector<16xf32>
        %mul3A_1466 = arith.mulf %mul3A_1465, %get3A_297 : vector<16xf32>
        %add3A_1467 = arith.addf %add3A_1459, %mul3A_1466 : vector<16xf32>
        %slice3A_1468 = vector.extract_strided_slice %get3A_1431 {offsets = [4], sizes = [1], strides = [1]} : vector<16xf32> to vector<1xf32>
        %squeeze3A_1469 = vector.extract %slice3A_1468[0] : f32 from vector<1xf32>
        %mul3A_1470 = vector.broadcast %squeeze3A_1469 : f32 to vector<16xf32>
        %mul3A_1471 = arith.mulf %mul3A_1470, %get3A_301 : vector<16xf32>
        %add3A_1472 = arith.addf %add3A_1464, %mul3A_1471 : vector<16xf32>
        %mul3A_1473 = vector.broadcast %squeeze3A_1469 : f32 to vector<16xf32>
        %mul3A_1474 = arith.mulf %mul3A_1473, %get3A_305 : vector<16xf32>
        %add3A_1475 = arith.addf %add3A_1467, %mul3A_1474 : vector<16xf32>
        %slice3A_1476 = vector.extract_strided_slice %get3A_1431 {offsets = [5], sizes = [1], strides = [1]} : vector<16xf32> to vector<1xf32>
        %squeeze3A_1477 = vector.extract %slice3A_1476[0] : f32 from vector<1xf32>
        %mul3A_1478 = vector.broadcast %squeeze3A_1477 : f32 to vector<16xf32>
        %mul3A_1479 = arith.mulf %mul3A_1478, %get3A_309 : vector<16xf32>
        %add3A_1480 = arith.addf %add3A_1472, %mul3A_1479 : vector<16xf32>
        %mul3A_1481 = vector.broadcast %squeeze3A_1477 : f32 to vector<16xf32>
        %mul3A_1482 = arith.mulf %mul3A_1481, %get3A_313 : vector<16xf32>
        %add3A_1483 = arith.addf %add3A_1475, %mul3A_1482 : vector<16xf32>
        %slice3A_1484 = vector.extract_strided_slice %get3A_1431 {offsets = [6], sizes = [1], strides = [1]} : vector<16xf32> to vector<1xf32>
        %squeeze3A_1485 = vector.extract %slice3A_1484[0] : f32 from vector<1xf32>
        %mul3A_1486 = vector.broadcast %squeeze3A_1485 : f32 to vector<16xf32>
        %mul3A_1487 = arith.mulf %mul3A_1486, %get3A_317 : vector<16xf32>
        %add3A_1488 = arith.addf %add3A_1480, %mul3A_1487 : vector<16xf32>
        %mul3A_1489 = vector.broadcast %squeeze3A_1485 : f32 to vector<16xf32>
        %mul3A_1490 = arith.mulf %mul3A_1489, %get3A_321 : vector<16xf32>
        %add3A_1491 = arith.addf %add3A_1483, %mul3A_1490 : vector<16xf32>
        %slice3A_1492 = vector.extract_strided_slice %get3A_1431 {offsets = [7], sizes = [1], strides = [1]} : vector<16xf32> to vector<1xf32>
        %squeeze3A_1493 = vector.extract %slice3A_1492[0] : f32 from vector<1xf32>
        %mul3A_1494 = vector.broadcast %squeeze3A_1493 : f32 to vector<16xf32>
        %mul3A_1495 = arith.mulf %mul3A_1494, %get3A_325 : vector<16xf32>
        %add3A_1496 = arith.addf %add3A_1488, %mul3A_1495 : vector<16xf32>
        %mul3A_1497 = vector.broadcast %squeeze3A_1493 : f32 to vector<16xf32>
        %mul3A_1498 = arith.mulf %mul3A_1497, %get3A_329 : vector<16xf32>
        %add3A_1499 = arith.addf %add3A_1491, %mul3A_1498 : vector<16xf32>
        %slice3A_1500 = vector.extract_strided_slice %get3A_1431 {offsets = [8], sizes = [1], strides = [1]} : vector<16xf32> to vector<1xf32>
        %squeeze3A_1501 = vector.extract %slice3A_1500[0] : f32 from vector<1xf32>
        %mul3A_1502 = vector.broadcast %squeeze3A_1501 : f32 to vector<16xf32>
        %mul3A_1503 = arith.mulf %mul3A_1502, %get3A_333 : vector<16xf32>
        %add3A_1504 = arith.addf %add3A_1496, %mul3A_1503 : vector<16xf32>
        %mul3A_1505 = vector.broadcast %squeeze3A_1501 : f32 to vector<16xf32>
        %mul3A_1506 = arith.mulf %mul3A_1505, %get3A_337 : vector<16xf32>
        %add3A_1507 = arith.addf %add3A_1499, %mul3A_1506 : vector<16xf32>
        %slice3A_1508 = vector.extract_strided_slice %get3A_1431 {offsets = [9], sizes = [1], strides = [1]} : vector<16xf32> to vector<1xf32>
        %squeeze3A_1509 = vector.extract %slice3A_1508[0] : f32 from vector<1xf32>
        %mul3A_1510 = vector.broadcast %squeeze3A_1509 : f32 to vector<16xf32>
        %mul3A_1511 = arith.mulf %mul3A_1510, %get3A_341 : vector<16xf32>
        %add3A_1512 = arith.addf %add3A_1504, %mul3A_1511 : vector<16xf32>
        %mul3A_1513 = vector.broadcast %squeeze3A_1509 : f32 to vector<16xf32>
        %mul3A_1514 = arith.mulf %mul3A_1513, %get3A_345 : vector<16xf32>
        %add3A_1515 = arith.addf %add3A_1507, %mul3A_1514 : vector<16xf32>
        %slice3A_1516 = vector.extract_strided_slice %get3A_1431 {offsets = [10], sizes = [1], strides = [1]} : vector<16xf32> to vector<1xf32>
        %squeeze3A_1517 = vector.extract %slice3A_1516[0] : f32 from vector<1xf32>
        %mul3A_1518 = vector.broadcast %squeeze3A_1517 : f32 to vector<16xf32>
        %mul3A_1519 = arith.mulf %mul3A_1518, %get3A_349 : vector<16xf32>
        %add3A_1520 = arith.addf %add3A_1512, %mul3A_1519 : vector<16xf32>
        %mul3A_1521 = vector.broadcast %squeeze3A_1517 : f32 to vector<16xf32>
        %mul3A_1522 = arith.mulf %mul3A_1521, %get3A_353 : vector<16xf32>
        %add3A_1523 = arith.addf %add3A_1515, %mul3A_1522 : vector<16xf32>
        %slice3A_1524 = vector.extract_strided_slice %get3A_1431 {offsets = [11], sizes = [1], strides = [1]} : vector<16xf32> to vector<1xf32>
        %squeeze3A_1525 = vector.extract %slice3A_1524[0] : f32 from vector<1xf32>
        %mul3A_1526 = vector.broadcast %squeeze3A_1525 : f32 to vector<16xf32>
        %mul3A_1527 = arith.mulf %mul3A_1526, %get3A_357 : vector<16xf32>
        %add3A_1528 = arith.addf %add3A_1520, %mul3A_1527 : vector<16xf32>
        %mul3A_1529 = vector.broadcast %squeeze3A_1525 : f32 to vector<16xf32>
        %mul3A_1530 = arith.mulf %mul3A_1529, %get3A_361 : vector<16xf32>
        %add3A_1531 = arith.addf %add3A_1523, %mul3A_1530 : vector<16xf32>
        %slice3A_1532 = vector.extract_strided_slice %get3A_1431 {offsets = [12], sizes = [1], strides = [1]} : vector<16xf32> to vector<1xf32>
        %squeeze3A_1533 = vector.extract %slice3A_1532[0] : f32 from vector<1xf32>
        %mul3A_1534 = vector.broadcast %squeeze3A_1533 : f32 to vector<16xf32>
        %mul3A_1535 = arith.mulf %mul3A_1534, %get3A_365 : vector<16xf32>
        %add3A_1536 = arith.addf %add3A_1528, %mul3A_1535 : vector<16xf32>
        %mul3A_1537 = vector.broadcast %squeeze3A_1533 : f32 to vector<16xf32>
        %mul3A_1538 = arith.mulf %mul3A_1537, %get3A_369 : vector<16xf32>
        %add3A_1539 = arith.addf %add3A_1531, %mul3A_1538 : vector<16xf32>
        %slice3A_1540 = vector.extract_strided_slice %get3A_1431 {offsets = [13], sizes = [1], strides = [1]} : vector<16xf32> to vector<1xf32>
        %squeeze3A_1541 = vector.extract %slice3A_1540[0] : f32 from vector<1xf32>
        %mul3A_1542 = vector.broadcast %squeeze3A_1541 : f32 to vector<16xf32>
        %mul3A_1543 = arith.mulf %mul3A_1542, %get3A_373 : vector<16xf32>
        %add3A_1544 = arith.addf %add3A_1536, %mul3A_1543 : vector<16xf32>
        %mul3A_1545 = vector.broadcast %squeeze3A_1541 : f32 to vector<16xf32>
        %mul3A_1546 = arith.mulf %mul3A_1545, %get3A_377 : vector<16xf32>
        %add3A_1547 = arith.addf %add3A_1539, %mul3A_1546 : vector<16xf32>
        %slice3A_1548 = vector.extract_strided_slice %get3A_1431 {offsets = [14], sizes = [1], strides = [1]} : vector<16xf32> to vector<1xf32>
        %squeeze3A_1549 = vector.extract %slice3A_1548[0] : f32 from vector<1xf32>
        %mul3A_1550 = vector.broadcast %squeeze3A_1549 : f32 to vector<16xf32>
        %mul3A_1551 = arith.mulf %mul3A_1550, %get3A_381 : vector<16xf32>
        %add3A_1552 = arith.addf %add3A_1544, %mul3A_1551 : vector<16xf32>
        %mul3A_1553 = vector.broadcast %squeeze3A_1549 : f32 to vector<16xf32>
        %mul3A_1554 = arith.mulf %mul3A_1553, %get3A_385 : vector<16xf32>
        %add3A_1555 = arith.addf %add3A_1547, %mul3A_1554 : vector<16xf32>
        %slice3A_1556 = vector.extract_strided_slice %get3A_1431 {offsets = [15], sizes = [1], strides = [1]} : vector<16xf32> to vector<1xf32>
        %squeeze3A_1557 = vector.extract %slice3A_1556[0] : f32 from vector<1xf32>
        %mul3A_1558 = vector.broadcast %squeeze3A_1557 : f32 to vector<16xf32>
        %mul3A_1559 = arith.mulf %mul3A_1558, %get3A_389 : vector<16xf32>
        %add3A_1560 = arith.addf %add3A_1552, %mul3A_1559 : vector<16xf32>
        %mul3A_1561 = vector.broadcast %squeeze3A_1557 : f32 to vector<16xf32>
        %mul3A_1562 = arith.mulf %mul3A_1561, %get3A_393 : vector<16xf32>
        %add3A_1563 = arith.addf %add3A_1555, %mul3A_1562 : vector<16xf32>
        %swap3A_1564 = arith.index_cast %scan3A_1428 : i32 to index
        %swap3A_1565 = arith.constant 32 : index
        %swap3A_1566 = tpu.vector_load %arg12[%swap3A_1564, %swap3A_1565] {strides = array<i32>} : memref<104x64xf32, #tpu.memory_space<vmem>>, vector<16xf32>,
        tpu.vector_store %arg12[%swap3A_1564, %swap3A_1565], %add3A_1560 {strides = array<i32>} : memref<104x64xf32, #tpu.memory_space<vmem>>, vector<16xf32>,
        %swap3A_1567 = arith.index_cast %scan3A_1428 : i32 to index
        %swap3A_1568 = arith.constant 48 : index
        %swap3A_1569 = tpu.vector_load %arg12[%swap3A_1567, %swap3A_1568] {strides = array<i32>} : memref<104x64xf32, #tpu.memory_space<vmem>>, vector<16xf32>,
        tpu.vector_store %arg12[%swap3A_1567, %swap3A_1568], %add3A_1563 {strides = array<i32>} : memref<104x64xf32, #tpu.memory_space<vmem>>, vector<16xf32>,
      }
      %scan3A_399 = arith.constant 100 : i32
      %mul3A_400 = arith.constant 2 : i32
      %mul3A_401 = arith.muli %mul3A_400, %add3A_124 : i32
      %add3A_402 = arith.addi %mul3A_2, %mul3A_401 : i32
      %add3A_403 = arith.constant 0 : i32
      %add3A_404 = arith.addi %add3A_402, %add3A_403 : i32
      %dma_start3A_405 = arith.constant 0 : i32
      %dma_start3A_406 = arith.constant 0 : i32
      %dma_start3A_407 = tpu.memref_slice %arg12[%dma_start3A_405, %dma_start3A_406] : memref<104x64xf32, #tpu.memory_space<vmem>> -> memref<50x64xf32, #tpu.memory_space<vmem>>
      %dma_start3A_408 = arith.constant 0 : i32
      %dma_start3A_409 = arith.constant 0 : i32
      %dma_start3A_410 = tpu.memref_slice %arg5[%add3A_404, %dma_start3A_408, %dma_start3A_409] : memref<4096x50x64xf32, #tpu.memory_space<hbm>> -> memref<1x50x64xf32, #tpu.memory_space<hbm>>
      %dma_start3A_411 = tpu.memref_squeeze %dma_start3A_410 : memref<1x50x64xf32, #tpu.memory_space<hbm>> -> memref<50x64xf32, #tpu.memory_space<hbm>>
      %dma_start3A_412 = arith.constant 0 : i32
      %dma_start3A_413 = arith.constant 0 : i32
      %dma_start3A_414 = tpu.memref_slice %arg5[%add3A_404, %dma_start3A_412, %dma_start3A_413] : memref<4096x50x64xf32, #tpu.memory_space<hbm>> -> memref<1x50x64xf32, #tpu.memory_space<hbm>>
      %dma_start3A_415 = tpu.memref_squeeze %dma_start3A_414 : memref<1x50x64xf32, #tpu.memory_space<hbm>> -> memref<50x64xf32, #tpu.memory_space<hbm>>
      %dma_start3A_416 = arith.constant 0 : i32
      %dma_start3A_417 = arith.constant 0 : i32
      %dma_start3A_418 = tpu.memref_slice %arg12[%dma_start3A_416, %dma_start3A_417] : memref<104x64xf32, #tpu.memory_space<vmem>> -> memref<50x64xf32, #tpu.memory_space<vmem>>
      tpu.enqueue_dma source(%dma_start3A_418 : memref<50x64xf32, #tpu.memory_space<vmem>>) target(%dma_start3A_415 : memref<50x64xf32, #tpu.memory_space<hbm>>) target_semaphore(%arg19 : memref<!tpu.dma_semaphore, #tpu.memory_space<semaphore_mem>>)
      %mul3A_419 = arith.constant 2 : i32
      %mul3A_420 = arith.muli %mul3A_419, %add3A_124 : i32
      %add3A_421 = arith.addi %mul3A_2, %mul3A_420 : i32
      %add3A_422 = arith.constant 1 : i32
      %add3A_423 = arith.addi %add3A_421, %add3A_422 : i32
      %dma_start3A_424 = arith.constant 50 : i32
      %dma_start3A_425 = arith.constant 0 : i32
      %dma_start3A_426 = tpu.memref_slice %arg12[%dma_start3A_424, %dma_start3A_425] : memref<104x64xf32, #tpu.memory_space<vmem>> -> memref<50x64xf32, #tpu.memory_space<vmem>>
      %dma_start3A_427 = arith.constant 0 : i32
      %dma_start3A_428 = arith.constant 0 : i32
      %dma_start3A_429 = tpu.memref_slice %arg5[%add3A_423, %dma_start3A_427, %dma_start3A_428] : memref<4096x50x64xf32, #tpu.memory_space<hbm>> -> memref<1x50x64xf32, #tpu.memory_space<hbm>>
      %dma_start3A_430 = tpu.memref_squeeze %dma_start3A_429 : memref<1x50x64xf32, #tpu.memory_space<hbm>> -> memref<50x64xf32, #tpu.memory_space<hbm>>
      %dma_start3A_431 = arith.constant 0 : i32
      %dma_start3A_432 = arith.constant 0 : i32
      %dma_start3A_433 = tpu.memref_slice %arg5[%add3A_423, %dma_start3A_431, %dma_start3A_432] : memref<4096x50x64xf32, #tpu.memory_space<hbm>> -> memref<1x50x64xf32, #tpu.memory_space<hbm>>
      %dma_start3A_434 = tpu.memref_squeeze %dma_start3A_433 : memref<1x50x64xf32, #tpu.memory_space<hbm>> -> memref<50x64xf32, #tpu.memory_space<hbm>>
      %dma_start3A_435 = arith.constant 50 : i32
      %dma_start3A_436 = arith.constant 0 : i32
      %dma_start3A_437 = tpu.memref_slice %arg12[%dma_start3A_435, %dma_start3A_436] : memref<104x64xf32, #tpu.memory_space<vmem>> -> memref<50x64xf32, #tpu.memory_space<vmem>>
      tpu.enqueue_dma source(%dma_start3A_437 : memref<50x64xf32, #tpu.memory_space<vmem>>) target(%dma_start3A_434 : memref<50x64xf32, #tpu.memory_space<hbm>>) target_semaphore(%arg19 : memref<!tpu.dma_semaphore, #tpu.memory_space<semaphore_mem>>)
      %add3A_438 = arith.constant 4 : i32
      %add3A_439 = arith.addi %add3A_124, %add3A_438 : i32
      %lt3A = arith.constant 64 : i32
      %lt3A_440 = arith.cmpi slt, %add3A_439, %lt3A : i32
      %convert_element_type3A_441 = arith.extui %lt3A_440 : i1 to i32
      %cond3A_442 = arith.constant 0 : i32
      %cond3A_443 = arith.cmpi ne, %convert_element_type3A_441, %cond3A_442 : i32
      scf.if %cond3A_443 {
        %add3A_1428 = arith.constant 4 : i32
        %add3A_1429 = arith.addi %add3A_124, %add3A_1428 : i32
        %dma_start3A_1430 = arith.constant 0 : i32
        %dma_start3A_1431 = tpu.memref_slice %arg7[%add3A_1429, %dma_start3A_1430] : memref<64x128xi32, #tpu.memory_space<vmem>> -> memref<1x128xi32, #tpu.memory_space<vmem>>
        %dma_start3A_1432 = tpu.memref_squeeze %dma_start3A_1431 : memref<1x128xi32, #tpu.memory_space<vmem>> -> memref<128xi32, #tpu.memory_space<vmem>>
        %dma_start3A_1433 = arith.constant 0 : i32
        %dma_start3A_1434 = arith.constant 0 : i32
        %dma_start3A_1435 = tpu.memref_slice %arg3[%dma_start3A_1433, %dma_start3A_1434] : memref<1000000x128xf32, #tpu.memory_space<hbm>> -> memref<1000000x128xf32, #tpu.memory_space<hbm>>
        tpu.enqueue_indirect_dma source(%dma_start3A_1435 : memref<1000000x128xf32, #tpu.memory_space<hbm>>) target(%arg8 : memref<128x128xf32, #tpu.memory_space<vmem>>) offsets(%dma_start3A_1432 : memref<128xi32, #tpu.memory_space<vmem>>) semaphore(%arg15 : memref<!tpu.dma_semaphore, #tpu.memory_space<semaphore_mem>>)
      } else {
      }
      %mul3A_444 = arith.constant 4 : i32
      %mul3A_445 = arith.muli %mul3A_444, %scan3A_120 : i32
      %add3A_446 = arith.constant 1 : i32
      %add3A_447 = arith.addi %mul3A_445, %add3A_446 : i32
      %dma_wait3A_448 = arith.constant 0 : i32
      %dma_wait3A_449 = tpu.memref_slice %arg7[%add3A_447, %dma_wait3A_448] : memref<64x128xi32, #tpu.memory_space<vmem>> -> memref<1x128xi32, #tpu.memory_space<vmem>>
      %dma_wait3A_450 = tpu.memref_squeeze %dma_wait3A_449 : memref<1x128xi32, #tpu.memory_space<vmem>> -> memref<128xi32, #tpu.memory_space<vmem>>
      %dma_wait3A_451 = arith.constant 0 : i32
      %dma_wait3A_452 = arith.constant 0 : i32
      %dma_wait3A_453 = tpu.memref_slice %arg3[%dma_wait3A_451, %dma_wait3A_452] : memref<1000000x128xf32, #tpu.memory_space<hbm>> -> memref<1000000x128xf32, #tpu.memory_space<hbm>>
      tpu.wait_indirect_dma semaphore(%arg16 : memref<!tpu.dma_semaphore, #tpu.memory_space<semaphore_mem>>) src(%dma_wait3A_453 : memref<1000000x128xf32, #tpu.memory_space<hbm>>) dst(%arg9 : memref<128x128xf32, #tpu.memory_space<vmem>>)
      %ge3A_454 = arith.constant 2 : i32
      %ge3A_455 = arith.cmpi sge, %add3A_447, %ge3A_454 : i32
      %convert_element_type3A_456 = arith.extui %ge3A_455 : i1 to i32
      %cond3A_457 = arith.constant 0 : i32
      %cond3A_458 = arith.cmpi ne, %convert_element_type3A_456, %cond3A_457 : i32
      scf.if %cond3A_458 {
        %add3A_1428 = arith.constant 0 : i32
        %add3A_1429 = arith.addi %mul3A_2, %add3A_1428 : i32
        %dma_wait3A_1430 = arith.constant 0 : i32
        %dma_wait3A_1431 = arith.constant 0 : i32
        %dma_wait3A_1432 = tpu.memref_slice %arg13[%dma_wait3A_1430, %dma_wait3A_1431] : memref<104x64xf32, #tpu.memory_space<vmem>> -> memref<50x64xf32, #tpu.memory_space<vmem>>
        %dma_wait3A_1433 = arith.constant 0 : i32
        %dma_wait3A_1434 = arith.constant 0 : i32
        %dma_wait3A_1435 = tpu.memref_slice %arg5[%add3A_1429, %dma_wait3A_1433, %dma_wait3A_1434] : memref<4096x50x64xf32, #tpu.memory_space<hbm>> -> memref<1x50x64xf32, #tpu.memory_space<hbm>>
        %dma_wait3A_1436 = tpu.memref_squeeze %dma_wait3A_1435 : memref<1x50x64xf32, #tpu.memory_space<hbm>> -> memref<50x64xf32, #tpu.memory_space<hbm>>
        %dma_wait3A_1437 = arith.constant 0 : i32
        %dma_wait3A_1438 = arith.constant 0 : i32
        %dma_wait3A_1439 = tpu.memref_slice %arg5[%add3A_1429, %dma_wait3A_1437, %dma_wait3A_1438] : memref<4096x50x64xf32, #tpu.memory_space<hbm>> -> memref<1x50x64xf32, #tpu.memory_space<hbm>>
        %dma_wait3A_1440 = tpu.memref_squeeze %dma_wait3A_1439 : memref<1x50x64xf32, #tpu.memory_space<hbm>> -> memref<50x64xf32, #tpu.memory_space<hbm>>
        %dma_wait3A_1441 = arith.constant 0 : i32
        %dma_wait3A_1442 = arith.constant 0 : i32
        %dma_wait3A_1443 = tpu.memref_slice %arg13[%dma_wait3A_1441, %dma_wait3A_1442] : memref<104x64xf32, #tpu.memory_space<vmem>> -> memref<50x64xf32, #tpu.memory_space<vmem>>
        tpu.wait_dma2 semaphore(%arg20 : memref<!tpu.dma_semaphore, #tpu.memory_space<semaphore_mem>>) src(%dma_wait3A_1443 : memref<50x64xf32, #tpu.memory_space<vmem>>) dst(%dma_wait3A_1440 : memref<50x64xf32, #tpu.memory_space<hbm>>)
        %add3A_1444 = arith.constant 1 : i32
        %add3A_1445 = arith.addi %mul3A_2, %add3A_1444 : i32
        %dma_wait3A_1446 = arith.constant 50 : i32
        %dma_wait3A_1447 = arith.constant 0 : i32
        %dma_wait3A_1448 = tpu.memref_slice %arg13[%dma_wait3A_1446, %dma_wait3A_1447] : memref<104x64xf32, #tpu.memory_space<vmem>> -> memref<50x64xf32, #tpu.memory_space<vmem>>
        %dma_wait3A_1449 = arith.constant 0 : i32
        %dma_wait3A_1450 = arith.constant 0 : i32
        %dma_wait3A_1451 = tpu.memref_slice %arg5[%add3A_1445, %dma_wait3A_1449, %dma_wait3A_1450] : memref<4096x50x64xf32, #tpu.memory_space<hbm>> -> memref<1x50x64xf32, #tpu.memory_space<hbm>>
        %dma_wait3A_1452 = tpu.memref_squeeze %dma_wait3A_1451 : memref<1x50x64xf32, #tpu.memory_space<hbm>> -> memref<50x64xf32, #tpu.memory_space<hbm>>
        %dma_wait3A_1453 = arith.constant 0 : i32
        %dma_wait3A_1454 = arith.constant 0 : i32
        %dma_wait3A_1455 = tpu.memref_slice %arg5[%add3A_1445, %dma_wait3A_1453, %dma_wait3A_1454] : memref<4096x50x64xf32, #tpu.memory_space<hbm>> -> memref<1x50x64xf32, #tpu.memory_space<hbm>>
        %dma_wait3A_1456 = tpu.memref_squeeze %dma_wait3A_1455 : memref<1x50x64xf32, #tpu.memory_space<hbm>> -> memref<50x64xf32, #tpu.memory_space<hbm>>
        %dma_wait3A_1457 = arith.constant 50 : i32
        %dma_wait3A_1458 = arith.constant 0 : i32
        %dma_wait3A_1459 = tpu.memref_slice %arg13[%dma_wait3A_1457, %dma_wait3A_1458] : memref<104x64xf32, #tpu.memory_space<vmem>> -> memref<50x64xf32, #tpu.memory_space<vmem>>
        tpu.wait_dma2 semaphore(%arg20 : memref<!tpu.dma_semaphore, #tpu.memory_space<semaphore_mem>>) src(%dma_wait3A_1459 : memref<50x64xf32, #tpu.memory_space<vmem>>) dst(%dma_wait3A_1456 : memref<50x64xf32, #tpu.memory_space<hbm>>)
      } else {
      }
      %get3A_459 = arith.constant 0 : i32
      %get3A_460 = arith.index_cast %get3A_459 : i32 to index
      %get3A_461 = arith.constant 0 : index
      %get3A_462 = tpu.vector_load %arg14[%get3A_460, %get3A_461] {strides = array<i32>} : memref<16x64xf32, #tpu.memory_space<vmem>>, vector<16xf32>,
      %get3A_463 = arith.constant 0 : i32
      %get3A_464 = arith.index_cast %get3A_463 : i32 to index
      %get3A_465 = arith.constant 16 : index
      %get3A_466 = tpu.vector_load %arg14[%get3A_464, %get3A_465] {strides = array<i32>} : memref<16x64xf32, #tpu.memory_space<vmem>>, vector<16xf32>,
      %get3A_467 = arith.constant 1 : i32
      %get3A_468 = arith.index_cast %get3A_467 : i32 to index
      %get3A_469 = arith.constant 0 : index
      %get3A_470 = tpu.vector_load %arg14[%get3A_468, %get3A_469] {strides = array<i32>} : memref<16x64xf32, #tpu.memory_space<vmem>>, vector<16xf32>,
      %get3A_471 = arith.constant 1 : i32
      %get3A_472 = arith.index_cast %get3A_471 : i32 to index
      %get3A_473 = arith.constant 16 : index
      %get3A_474 = tpu.vector_load %arg14[%get3A_472, %get3A_473] {strides = array<i32>} : memref<16x64xf32, #tpu.memory_space<vmem>>, vector<16xf32>,
      %get3A_475 = arith.constant 2 : i32
      %get3A_476 = arith.index_cast %get3A_475 : i32 to index
      %get3A_477 = arith.constant 0 : index
      %get3A_478 = tpu.vector_load %arg14[%get3A_476, %get3A_477] {strides = array<i32>} : memref<16x64xf32, #tpu.memory_space<vmem>>, vector<16xf32>,
      %get3A_479 = arith.constant 2 : i32
      %get3A_480 = arith.index_cast %get3A_479 : i32 to index
      %get3A_481 = arith.constant 16 : index
      %get3A_482 = tpu.vector_load %arg14[%get3A_480, %get3A_481] {strides = array<i32>} : memref<16x64xf32, #tpu.memory_space<vmem>>, vector<16xf32>,
      %get3A_483 = arith.constant 3 : i32
      %get3A_484 = arith.index_cast %get3A_483 : i32 to index
      %get3A_485 = arith.constant 0 : index
      %get3A_486 = tpu.vector_load %arg14[%get3A_484, %get3A_485] {strides = array<i32>} : memref<16x64xf32, #tpu.memory_space<vmem>>, vector<16xf32>,
      %get3A_487 = arith.constant 3 : i32
      %get3A_488 = arith.index_cast %get3A_487 : i32 to index
      %get3A_489 = arith.constant 16 : index
      %get3A_490 = tpu.vector_load %arg14[%get3A_488, %get3A_489] {strides = array<i32>} : memref<16x64xf32, #tpu.memory_space<vmem>>, vector<16xf32>,
      %get3A_491 = arith.constant 4 : i32
      %get3A_492 = arith.index_cast %get3A_491 : i32 to index
      %get3A_493 = arith.constant 0 : index
      %get3A_494 = tpu.vector_load %arg14[%get3A_492, %get3A_493] {strides = array<i32>} : memref<16x64xf32, #tpu.memory_space<vmem>>, vector<16xf32>,
      %get3A_495 = arith.constant 4 : i32
      %get3A_496 = arith.index_cast %get3A_495 : i32 to index
      %get3A_497 = arith.constant 16 : index
      %get3A_498 = tpu.vector_load %arg14[%get3A_496, %get3A_497] {strides = array<i32>} : memref<16x64xf32, #tpu.memory_space<vmem>>, vector<16xf32>,
      %get3A_499 = arith.constant 5 : i32
      %get3A_500 = arith.index_cast %get3A_499 : i32 to index
      %get3A_501 = arith.constant 0 : index
      %get3A_502 = tpu.vector_load %arg14[%get3A_500, %get3A_501] {strides = array<i32>} : memref<16x64xf32, #tpu.memory_space<vmem>>, vector<16xf32>,
      %get3A_503 = arith.constant 5 : i32
      %get3A_504 = arith.index_cast %get3A_503 : i32 to index
      %get3A_505 = arith.constant 16 : index
      %get3A_506 = tpu.vector_load %arg14[%get3A_504, %get3A_505] {strides = array<i32>} : memref<16x64xf32, #tpu.memory_space<vmem>>, vector<16xf32>,
      %get3A_507 = arith.constant 6 : i32
      %get3A_508 = arith.index_cast %get3A_507 : i32 to index
      %get3A_509 = arith.constant 0 : index
      %get3A_510 = tpu.vector_load %arg14[%get3A_508, %get3A_509] {strides = array<i32>} : memref<16x64xf32, #tpu.memory_space<vmem>>, vector<16xf32>,
      %get3A_511 = arith.constant 6 : i32
      %get3A_512 = arith.index_cast %get3A_511 : i32 to index
      %get3A_513 = arith.constant 16 : index
      %get3A_514 = tpu.vector_load %arg14[%get3A_512, %get3A_513] {strides = array<i32>} : memref<16x64xf32, #tpu.memory_space<vmem>>, vector<16xf32>,
      %get3A_515 = arith.constant 7 : i32
      %get3A_516 = arith.index_cast %get3A_515 : i32 to index
      %get3A_517 = arith.constant 0 : index
      %get3A_518 = tpu.vector_load %arg14[%get3A_516, %get3A_517] {strides = array<i32>} : memref<16x64xf32, #tpu.memory_space<vmem>>, vector<16xf32>,
      %get3A_519 = arith.constant 7 : i32
      %get3A_520 = arith.index_cast %get3A_519 : i32 to index
      %get3A_521 = arith.constant 16 : index
      %get3A_522 = tpu.vector_load %arg14[%get3A_520, %get3A_521] {strides = array<i32>} : memref<16x64xf32, #tpu.memory_space<vmem>>, vector<16xf32>,
      %get3A_523 = arith.constant 8 : i32
      %get3A_524 = arith.index_cast %get3A_523 : i32 to index
      %get3A_525 = arith.constant 0 : index
      %get3A_526 = tpu.vector_load %arg14[%get3A_524, %get3A_525] {strides = array<i32>} : memref<16x64xf32, #tpu.memory_space<vmem>>, vector<16xf32>,
      %get3A_527 = arith.constant 8 : i32
      %get3A_528 = arith.index_cast %get3A_527 : i32 to index
      %get3A_529 = arith.constant 16 : index
      %get3A_530 = tpu.vector_load %arg14[%get3A_528, %get3A_529] {strides = array<i32>} : memref<16x64xf32, #tpu.memory_space<vmem>>, vector<16xf32>,
      %get3A_531 = arith.constant 9 : i32
      %get3A_532 = arith.index_cast %get3A_531 : i32 to index
      %get3A_533 = arith.constant 0 : index
      %get3A_534 = tpu.vector_load %arg14[%get3A_532, %get3A_533] {strides = array<i32>} : memref<16x64xf32, #tpu.memory_space<vmem>>, vector<16xf32>,
      %get3A_535 = arith.constant 9 : i32
      %get3A_536 = arith.index_cast %get3A_535 : i32 to index
      %get3A_537 = arith.constant 16 : index
      %get3A_538 = tpu.vector_load %arg14[%get3A_536, %get3A_537] {strides = array<i32>} : memref<16x64xf32, #tpu.memory_space<vmem>>, vector<16xf32>,
      %get3A_539 = arith.constant 10 : i32
      %get3A_540 = arith.index_cast %get3A_539 : i32 to index
      %get3A_541 = arith.constant 0 : index
      %get3A_542 = tpu.vector_load %arg14[%get3A_540, %get3A_541] {strides = array<i32>} : memref<16x64xf32, #tpu.memory_space<vmem>>, vector<16xf32>,
      %get3A_543 = arith.constant 10 : i32
      %get3A_544 = arith.index_cast %get3A_543 : i32 to index
      %get3A_545 = arith.constant 16 : index
      %get3A_546 = tpu.vector_load %arg14[%get3A_544, %get3A_545] {strides = array<i32>} : memref<16x64xf32, #tpu.memory_space<vmem>>, vector<16xf32>,
      %get3A_547 = arith.constant 11 : i32
      %get3A_548 = arith.index_cast %get3A_547 : i32 to index
      %get3A_549 = arith.constant 0 : index
      %get3A_550 = tpu.vector_load %arg14[%get3A_548, %get3A_549] {strides = array<i32>} : memref<16x64xf32, #tpu.memory_space<vmem>>, vector<16xf32>,
      %get3A_551 = arith.constant 11 : i32
      %get3A_552 = arith.index_cast %get3A_551 : i32 to index
      %get3A_553 = arith.constant 16 : index
      %get3A_554 = tpu.vector_load %arg14[%get3A_552, %get3A_553] {strides = array<i32>} : memref<16x64xf32, #tpu.memory_space<vmem>>, vector<16xf32>,
      %get3A_555 = arith.constant 12 : i32
      %get3A_556 = arith.index_cast %get3A_555 : i32 to index
      %get3A_557 = arith.constant 0 : index
      %get3A_558 = tpu.vector_load %arg14[%get3A_556, %get3A_557] {strides = array<i32>} : memref<16x64xf32, #tpu.memory_space<vmem>>, vector<16xf32>,
      %get3A_559 = arith.constant 12 : i32
      %get3A_560 = arith.index_cast %get3A_559 : i32 to index
      %get3A_561 = arith.constant 16 : index
      %get3A_562 = tpu.vector_load %arg14[%get3A_560, %get3A_561] {strides = array<i32>} : memref<16x64xf32, #tpu.memory_space<vmem>>, vector<16xf32>,
      %get3A_563 = arith.constant 13 : i32
      %get3A_564 = arith.index_cast %get3A_563 : i32 to index
      %get3A_565 = arith.constant 0 : index
      %get3A_566 = tpu.vector_load %arg14[%get3A_564, %get3A_565] {strides = array<i32>} : memref<16x64xf32, #tpu.memory_space<vmem>>, vector<16xf32>,
      %get3A_567 = arith.constant 13 : i32
      %get3A_568 = arith.index_cast %get3A_567 : i32 to index
      %get3A_569 = arith.constant 16 : index
      %get3A_570 = tpu.vector_load %arg14[%get3A_568, %get3A_569] {strides = array<i32>} : memref<16x64xf32, #tpu.memory_space<vmem>>, vector<16xf32>,
      %get3A_571 = arith.constant 14 : i32
      %get3A_572 = arith.index_cast %get3A_571 : i32 to index
      %get3A_573 = arith.constant 0 : index
      %get3A_574 = tpu.vector_load %arg14[%get3A_572, %get3A_573] {strides = array<i32>} : memref<16x64xf32, #tpu.memory_space<vmem>>, vector<16xf32>,
      %get3A_575 = arith.constant 14 : i32
      %get3A_576 = arith.index_cast %get3A_575 : i32 to index
      %get3A_577 = arith.constant 16 : index
      %get3A_578 = tpu.vector_load %arg14[%get3A_576, %get3A_577] {strides = array<i32>} : memref<16x64xf32, #tpu.memory_space<vmem>>, vector<16xf32>,
      %get3A_579 = arith.constant 15 : i32
      %get3A_580 = arith.index_cast %get3A_579 : i32 to index
      %get3A_581 = arith.constant 0 : index
      %get3A_582 = tpu.vector_load %arg14[%get3A_580, %get3A_581] {strides = array<i32>} : memref<16x64xf32, #tpu.memory_space<vmem>>, vector<16xf32>,
      %get3A_583 = arith.constant 15 : i32
      %get3A_584 = arith.index_cast %get3A_583 : i32 to index
      %get3A_585 = arith.constant 16 : index
      %get3A_586 = tpu.vector_load %arg14[%get3A_584, %get3A_585] {strides = array<i32>} : memref<16x64xf32, #tpu.memory_space<vmem>>, vector<16xf32>,
      %scan3A_587 = arith.constant 0 : i32
      %scan3A_588 = arith.constant 0 : i32
      %scan3A_589 = arith.constant 100 : i32
      %scan3A_590 = arith.addi %scan3A_588, %scan3A_589 : i32
      %scan3A_591 = arith.constant 1 : i32
      scf.for %scan3A_1428 = %scan3A_588 to %scan3A_590 step %scan3A_591  : i32 {
        %get3A_1429 = arith.index_cast %scan3A_1428 : i32 to index
        %get3A_1430 = arith.constant 64 : index
        %get3A_1431 = tpu.vector_load %arg9[%get3A_1429, %get3A_1430] {strides = array<i32>} : memref<128x128xf32, #tpu.memory_space<vmem>>, vector<16xf32>,
        %get3A_1432 = arith.index_cast %scan3A_1428 : i32 to index
        %get3A_1433 = arith.constant 0 : index
        %get3A_1434 = tpu.vector_load %arg9[%get3A_1432, %get3A_1433] {strides = array<i32>} : memref<128x128xf32, #tpu.memory_space<vmem>>, vector<16xf32>,
        %get3A_1435 = arith.index_cast %scan3A_1428 : i32 to index
        %get3A_1436 = arith.constant 16 : index
        %get3A_1437 = tpu.vector_load %arg9[%get3A_1435, %get3A_1436] {strides = array<i32>} : memref<128x128xf32, #tpu.memory_space<vmem>>, vector<16xf32>,
        %slice3A = vector.extract_strided_slice %get3A_1431 {offsets = [0], sizes = [1], strides = [1]} : vector<16xf32> to vector<1xf32>
        %squeeze3A = vector.extract %slice3A[0] : f32 from vector<1xf32>
        %mul3A_1438 = vector.broadcast %squeeze3A : f32 to vector<16xf32>
        %mul3A_1439 = arith.mulf %mul3A_1438, %get3A_462 : vector<16xf32>
        %add3A_1440 = arith.addf %get3A_1434, %mul3A_1439 : vector<16xf32>
        %mul3A_1441 = vector.broadcast %squeeze3A : f32 to vector<16xf32>
        %mul3A_1442 = arith.mulf %mul3A_1441, %get3A_466 : vector<16xf32>
        %add3A_1443 = arith.addf %get3A_1437, %mul3A_1442 : vector<16xf32>
        %slice3A_1444 = vector.extract_strided_slice %get3A_1431 {offsets = [1], sizes = [1], strides = [1]} : vector<16xf32> to vector<1xf32>
        %squeeze3A_1445 = vector.extract %slice3A_1444[0] : f32 from vector<1xf32>
        %mul3A_1446 = vector.broadcast %squeeze3A_1445 : f32 to vector<16xf32>
        %mul3A_1447 = arith.mulf %mul3A_1446, %get3A_470 : vector<16xf32>
        %add3A_1448 = arith.addf %add3A_1440, %mul3A_1447 : vector<16xf32>
        %mul3A_1449 = vector.broadcast %squeeze3A_1445 : f32 to vector<16xf32>
        %mul3A_1450 = arith.mulf %mul3A_1449, %get3A_474 : vector<16xf32>
        %add3A_1451 = arith.addf %add3A_1443, %mul3A_1450 : vector<16xf32>
        %slice3A_1452 = vector.extract_strided_slice %get3A_1431 {offsets = [2], sizes = [1], strides = [1]} : vector<16xf32> to vector<1xf32>
        %squeeze3A_1453 = vector.extract %slice3A_1452[0] : f32 from vector<1xf32>
        %mul3A_1454 = vector.broadcast %squeeze3A_1453 : f32 to vector<16xf32>
        %mul3A_1455 = arith.mulf %mul3A_1454, %get3A_478 : vector<16xf32>
        %add3A_1456 = arith.addf %add3A_1448, %mul3A_1455 : vector<16xf32>
        %mul3A_1457 = vector.broadcast %squeeze3A_1453 : f32 to vector<16xf32>
        %mul3A_1458 = arith.mulf %mul3A_1457, %get3A_482 : vector<16xf32>
        %add3A_1459 = arith.addf %add3A_1451, %mul3A_1458 : vector<16xf32>
        %slice3A_1460 = vector.extract_strided_slice %get3A_1431 {offsets = [3], sizes = [1], strides = [1]} : vector<16xf32> to vector<1xf32>
        %squeeze3A_1461 = vector.extract %slice3A_1460[0] : f32 from vector<1xf32>
        %mul3A_1462 = vector.broadcast %squeeze3A_1461 : f32 to vector<16xf32>
        %mul3A_1463 = arith.mulf %mul3A_1462, %get3A_486 : vector<16xf32>
        %add3A_1464 = arith.addf %add3A_1456, %mul3A_1463 : vector<16xf32>
        %mul3A_1465 = vector.broadcast %squeeze3A_1461 : f32 to vector<16xf32>
        %mul3A_1466 = arith.mulf %mul3A_1465, %get3A_490 : vector<16xf32>
        %add3A_1467 = arith.addf %add3A_1459, %mul3A_1466 : vector<16xf32>
        %slice3A_1468 = vector.extract_strided_slice %get3A_1431 {offsets = [4], sizes = [1], strides = [1]} : vector<16xf32> to vector<1xf32>
        %squeeze3A_1469 = vector.extract %slice3A_1468[0] : f32 from vector<1xf32>
        %mul3A_1470 = vector.broadcast %squeeze3A_1469 : f32 to vector<16xf32>
        %mul3A_1471 = arith.mulf %mul3A_1470, %get3A_494 : vector<16xf32>
        %add3A_1472 = arith.addf %add3A_1464, %mul3A_1471 : vector<16xf32>
        %mul3A_1473 = vector.broadcast %squeeze3A_1469 : f32 to vector<16xf32>
        %mul3A_1474 = arith.mulf %mul3A_1473, %get3A_498 : vector<16xf32>
        %add3A_1475 = arith.addf %add3A_1467, %mul3A_1474 : vector<16xf32>
        %slice3A_1476 = vector.extract_strided_slice %get3A_1431 {offsets = [5], sizes = [1], strides = [1]} : vector<16xf32> to vector<1xf32>
        %squeeze3A_1477 = vector.extract %slice3A_1476[0] : f32 from vector<1xf32>
        %mul3A_1478 = vector.broadcast %squeeze3A_1477 : f32 to vector<16xf32>
        %mul3A_1479 = arith.mulf %mul3A_1478, %get3A_502 : vector<16xf32>
        %add3A_1480 = arith.addf %add3A_1472, %mul3A_1479 : vector<16xf32>
        %mul3A_1481 = vector.broadcast %squeeze3A_1477 : f32 to vector<16xf32>
        %mul3A_1482 = arith.mulf %mul3A_1481, %get3A_506 : vector<16xf32>
        %add3A_1483 = arith.addf %add3A_1475, %mul3A_1482 : vector<16xf32>
        %slice3A_1484 = vector.extract_strided_slice %get3A_1431 {offsets = [6], sizes = [1], strides = [1]} : vector<16xf32> to vector<1xf32>
        %squeeze3A_1485 = vector.extract %slice3A_1484[0] : f32 from vector<1xf32>
        %mul3A_1486 = vector.broadcast %squeeze3A_1485 : f32 to vector<16xf32>
        %mul3A_1487 = arith.mulf %mul3A_1486, %get3A_510 : vector<16xf32>
        %add3A_1488 = arith.addf %add3A_1480, %mul3A_1487 : vector<16xf32>
        %mul3A_1489 = vector.broadcast %squeeze3A_1485 : f32 to vector<16xf32>
        %mul3A_1490 = arith.mulf %mul3A_1489, %get3A_514 : vector<16xf32>
        %add3A_1491 = arith.addf %add3A_1483, %mul3A_1490 : vector<16xf32>
        %slice3A_1492 = vector.extract_strided_slice %get3A_1431 {offsets = [7], sizes = [1], strides = [1]} : vector<16xf32> to vector<1xf32>
        %squeeze3A_1493 = vector.extract %slice3A_1492[0] : f32 from vector<1xf32>
        %mul3A_1494 = vector.broadcast %squeeze3A_1493 : f32 to vector<16xf32>
        %mul3A_1495 = arith.mulf %mul3A_1494, %get3A_518 : vector<16xf32>
        %add3A_1496 = arith.addf %add3A_1488, %mul3A_1495 : vector<16xf32>
        %mul3A_1497 = vector.broadcast %squeeze3A_1493 : f32 to vector<16xf32>
        %mul3A_1498 = arith.mulf %mul3A_1497, %get3A_522 : vector<16xf32>
        %add3A_1499 = arith.addf %add3A_1491, %mul3A_1498 : vector<16xf32>
        %slice3A_1500 = vector.extract_strided_slice %get3A_1431 {offsets = [8], sizes = [1], strides = [1]} : vector<16xf32> to vector<1xf32>
        %squeeze3A_1501 = vector.extract %slice3A_1500[0] : f32 from vector<1xf32>
        %mul3A_1502 = vector.broadcast %squeeze3A_1501 : f32 to vector<16xf32>
        %mul3A_1503 = arith.mulf %mul3A_1502, %get3A_526 : vector<16xf32>
        %add3A_1504 = arith.addf %add3A_1496, %mul3A_1503 : vector<16xf32>
        %mul3A_1505 = vector.broadcast %squeeze3A_1501 : f32 to vector<16xf32>
        %mul3A_1506 = arith.mulf %mul3A_1505, %get3A_530 : vector<16xf32>
        %add3A_1507 = arith.addf %add3A_1499, %mul3A_1506 : vector<16xf32>
        %slice3A_1508 = vector.extract_strided_slice %get3A_1431 {offsets = [9], sizes = [1], strides = [1]} : vector<16xf32> to vector<1xf32>
        %squeeze3A_1509 = vector.extract %slice3A_1508[0] : f32 from vector<1xf32>
        %mul3A_1510 = vector.broadcast %squeeze3A_1509 : f32 to vector<16xf32>
        %mul3A_1511 = arith.mulf %mul3A_1510, %get3A_534 : vector<16xf32>
        %add3A_1512 = arith.addf %add3A_1504, %mul3A_1511 : vector<16xf32>
        %mul3A_1513 = vector.broadcast %squeeze3A_1509 : f32 to vector<16xf32>
        %mul3A_1514 = arith.mulf %mul3A_1513, %get3A_538 : vector<16xf32>
        %add3A_1515 = arith.addf %add3A_1507, %mul3A_1514 : vector<16xf32>
        %slice3A_1516 = vector.extract_strided_slice %get3A_1431 {offsets = [10], sizes = [1], strides = [1]} : vector<16xf32> to vector<1xf32>
        %squeeze3A_1517 = vector.extract %slice3A_1516[0] : f32 from vector<1xf32>
        %mul3A_1518 = vector.broadcast %squeeze3A_1517 : f32 to vector<16xf32>
        %mul3A_1519 = arith.mulf %mul3A_1518, %get3A_542 : vector<16xf32>
        %add3A_1520 = arith.addf %add3A_1512, %mul3A_1519 : vector<16xf32>
        %mul3A_1521 = vector.broadcast %squeeze3A_1517 : f32 to vector<16xf32>
        %mul3A_1522 = arith.mulf %mul3A_1521, %get3A_546 : vector<16xf32>
        %add3A_1523 = arith.addf %add3A_1515, %mul3A_1522 : vector<16xf32>
        %slice3A_1524 = vector.extract_strided_slice %get3A_1431 {offsets = [11], sizes = [1], strides = [1]} : vector<16xf32> to vector<1xf32>
        %squeeze3A_1525 = vector.extract %slice3A_1524[0] : f32 from vector<1xf32>
        %mul3A_1526 = vector.broadcast %squeeze3A_1525 : f32 to vector<16xf32>
        %mul3A_1527 = arith.mulf %mul3A_1526, %get3A_550 : vector<16xf32>
        %add3A_1528 = arith.addf %add3A_1520, %mul3A_1527 : vector<16xf32>
        %mul3A_1529 = vector.broadcast %squeeze3A_1525 : f32 to vector<16xf32>
        %mul3A_1530 = arith.mulf %mul3A_1529, %get3A_554 : vector<16xf32>
        %add3A_1531 = arith.addf %add3A_1523, %mul3A_1530 : vector<16xf32>
        %slice3A_1532 = vector.extract_strided_slice %get3A_1431 {offsets = [12], sizes = [1], strides = [1]} : vector<16xf32> to vector<1xf32>
        %squeeze3A_1533 = vector.extract %slice3A_1532[0] : f32 from vector<1xf32>
        %mul3A_1534 = vector.broadcast %squeeze3A_1533 : f32 to vector<16xf32>
        %mul3A_1535 = arith.mulf %mul3A_1534, %get3A_558 : vector<16xf32>
        %add3A_1536 = arith.addf %add3A_1528, %mul3A_1535 : vector<16xf32>
        %mul3A_1537 = vector.broadcast %squeeze3A_1533 : f32 to vector<16xf32>
        %mul3A_1538 = arith.mulf %mul3A_1537, %get3A_562 : vector<16xf32>
        %add3A_1539 = arith.addf %add3A_1531, %mul3A_1538 : vector<16xf32>
        %slice3A_1540 = vector.extract_strided_slice %get3A_1431 {offsets = [13], sizes = [1], strides = [1]} : vector<16xf32> to vector<1xf32>
        %squeeze3A_1541 = vector.extract %slice3A_1540[0] : f32 from vector<1xf32>
        %mul3A_1542 = vector.broadcast %squeeze3A_1541 : f32 to vector<16xf32>
        %mul3A_1543 = arith.mulf %mul3A_1542, %get3A_566 : vector<16xf32>
        %add3A_1544 = arith.addf %add3A_1536, %mul3A_1543 : vector<16xf32>
        %mul3A_1545 = vector.broadcast %squeeze3A_1541 : f32 to vector<16xf32>
        %mul3A_1546 = arith.mulf %mul3A_1545, %get3A_570 : vector<16xf32>
        %add3A_1547 = arith.addf %add3A_1539, %mul3A_1546 : vector<16xf32>
        %slice3A_1548 = vector.extract_strided_slice %get3A_1431 {offsets = [14], sizes = [1], strides = [1]} : vector<16xf32> to vector<1xf32>
        %squeeze3A_1549 = vector.extract %slice3A_1548[0] : f32 from vector<1xf32>
        %mul3A_1550 = vector.broadcast %squeeze3A_1549 : f32 to vector<16xf32>
        %mul3A_1551 = arith.mulf %mul3A_1550, %get3A_574 : vector<16xf32>
        %add3A_1552 = arith.addf %add3A_1544, %mul3A_1551 : vector<16xf32>
        %mul3A_1553 = vector.broadcast %squeeze3A_1549 : f32 to vector<16xf32>
        %mul3A_1554 = arith.mulf %mul3A_1553, %get3A_578 : vector<16xf32>
        %add3A_1555 = arith.addf %add3A_1547, %mul3A_1554 : vector<16xf32>
        %slice3A_1556 = vector.extract_strided_slice %get3A_1431 {offsets = [15], sizes = [1], strides = [1]} : vector<16xf32> to vector<1xf32>
        %squeeze3A_1557 = vector.extract %slice3A_1556[0] : f32 from vector<1xf32>
        %mul3A_1558 = vector.broadcast %squeeze3A_1557 : f32 to vector<16xf32>
        %mul3A_1559 = arith.mulf %mul3A_1558, %get3A_582 : vector<16xf32>
        %add3A_1560 = arith.addf %add3A_1552, %mul3A_1559 : vector<16xf32>
        %mul3A_1561 = vector.broadcast %squeeze3A_1557 : f32 to vector<16xf32>
        %mul3A_1562 = arith.mulf %mul3A_1561, %get3A_586 : vector<16xf32>
        %add3A_1563 = arith.addf %add3A_1555, %mul3A_1562 : vector<16xf32>
        %swap3A_1564 = arith.index_cast %scan3A_1428 : i32 to index
        %swap3A_1565 = arith.constant 0 : index
        %swap3A_1566 = tpu.vector_load %arg13[%swap3A_1564, %swap3A_1565] {strides = array<i32>} : memref<104x64xf32, #tpu.memory_space<vmem>>, vector<16xf32>,
        tpu.vector_store %arg13[%swap3A_1564, %swap3A_1565], %add3A_1560 {strides = array<i32>} : memref<104x64xf32, #tpu.memory_space<vmem>>, vector<16xf32>,
        %swap3A_1567 = arith.index_cast %scan3A_1428 : i32 to index
        %swap3A_1568 = arith.constant 16 : index
        %swap3A_1569 = tpu.vector_load %arg13[%swap3A_1567, %swap3A_1568] {strides = array<i32>} : memref<104x64xf32, #tpu.memory_space<vmem>>, vector<16xf32>,
        tpu.vector_store %arg13[%swap3A_1567, %swap3A_1568], %add3A_1563 {strides = array<i32>} : memref<104x64xf32, #tpu.memory_space<vmem>>, vector<16xf32>,
      }
      %scan3A_592 = arith.constant 100 : i32
      %get3A_593 = arith.constant 0 : i32
      %get3A_594 = arith.index_cast %get3A_593 : i32 to index
      %get3A_595 = arith.constant 32 : index
      %get3A_596 = tpu.vector_load %arg14[%get3A_594, %get3A_595] {strides = array<i32>} : memref<16x64xf32, #tpu.memory_space<vmem>>, vector<16xf32>,
      %get3A_597 = arith.constant 0 : i32
      %get3A_598 = arith.index_cast %get3A_597 : i32 to index
      %get3A_599 = arith.constant 48 : index
      %get3A_600 = tpu.vector_load %arg14[%get3A_598, %get3A_599] {strides = array<i32>} : memref<16x64xf32, #tpu.memory_space<vmem>>, vector<16xf32>,
      %get3A_601 = arith.constant 1 : i32
      %get3A_602 = arith.index_cast %get3A_601 : i32 to index
      %get3A_603 = arith.constant 32 : index
      %get3A_604 = tpu.vector_load %arg14[%get3A_602, %get3A_603] {strides = array<i32>} : memref<16x64xf32, #tpu.memory_space<vmem>>, vector<16xf32>,
      %get3A_605 = arith.constant 1 : i32
      %get3A_606 = arith.index_cast %get3A_605 : i32 to index
      %get3A_607 = arith.constant 48 : index
      %get3A_608 = tpu.vector_load %arg14[%get3A_606, %get3A_607] {strides = array<i32>} : memref<16x64xf32, #tpu.memory_space<vmem>>, vector<16xf32>,
      %get3A_609 = arith.constant 2 : i32
      %get3A_610 = arith.index_cast %get3A_609 : i32 to index
      %get3A_611 = arith.constant 32 : index
      %get3A_612 = tpu.vector_load %arg14[%get3A_610, %get3A_611] {strides = array<i32>} : memref<16x64xf32, #tpu.memory_space<vmem>>, vector<16xf32>,
      %get3A_613 = arith.constant 2 : i32
      %get3A_614 = arith.index_cast %get3A_613 : i32 to index
      %get3A_615 = arith.constant 48 : index
      %get3A_616 = tpu.vector_load %arg14[%get3A_614, %get3A_615] {strides = array<i32>} : memref<16x64xf32, #tpu.memory_space<vmem>>, vector<16xf32>,
      %get3A_617 = arith.constant 3 : i32
      %get3A_618 = arith.index_cast %get3A_617 : i32 to index
      %get3A_619 = arith.constant 32 : index
      %get3A_620 = tpu.vector_load %arg14[%get3A_618, %get3A_619] {strides = array<i32>} : memref<16x64xf32, #tpu.memory_space<vmem>>, vector<16xf32>,
      %get3A_621 = arith.constant 3 : i32
      %get3A_622 = arith.index_cast %get3A_621 : i32 to index
      %get3A_623 = arith.constant 48 : index
      %get3A_624 = tpu.vector_load %arg14[%get3A_622, %get3A_623] {strides = array<i32>} : memref<16x64xf32, #tpu.memory_space<vmem>>, vector<16xf32>,
      %get3A_625 = arith.constant 4 : i32
      %get3A_626 = arith.index_cast %get3A_625 : i32 to index
      %get3A_627 = arith.constant 32 : index
      %get3A_628 = tpu.vector_load %arg14[%get3A_626, %get3A_627] {strides = array<i32>} : memref<16x64xf32, #tpu.memory_space<vmem>>, vector<16xf32>,
      %get3A_629 = arith.constant 4 : i32
      %get3A_630 = arith.index_cast %get3A_629 : i32 to index
      %get3A_631 = arith.constant 48 : index
      %get3A_632 = tpu.vector_load %arg14[%get3A_630, %get3A_631] {strides = array<i32>} : memref<16x64xf32, #tpu.memory_space<vmem>>, vector<16xf32>,
      %get3A_633 = arith.constant 5 : i32
      %get3A_634 = arith.index_cast %get3A_633 : i32 to index
      %get3A_635 = arith.constant 32 : index
      %get3A_636 = tpu.vector_load %arg14[%get3A_634, %get3A_635] {strides = array<i32>} : memref<16x64xf32, #tpu.memory_space<vmem>>, vector<16xf32>,
      %get3A_637 = arith.constant 5 : i32
      %get3A_638 = arith.index_cast %get3A_637 : i32 to index
      %get3A_639 = arith.constant 48 : index
      %get3A_640 = tpu.vector_load %arg14[%get3A_638, %get3A_639] {strides = array<i32>} : memref<16x64xf32, #tpu.memory_space<vmem>>, vector<16xf32>,
      %get3A_641 = arith.constant 6 : i32
      %get3A_642 = arith.index_cast %get3A_641 : i32 to index
      %get3A_643 = arith.constant 32 : index
      %get3A_644 = tpu.vector_load %arg14[%get3A_642, %get3A_643] {strides = array<i32>} : memref<16x64xf32, #tpu.memory_space<vmem>>, vector<16xf32>,
      %get3A_645 = arith.constant 6 : i32
      %get3A_646 = arith.index_cast %get3A_645 : i32 to index
      %get3A_647 = arith.constant 48 : index
      %get3A_648 = tpu.vector_load %arg14[%get3A_646, %get3A_647] {strides = array<i32>} : memref<16x64xf32, #tpu.memory_space<vmem>>, vector<16xf32>,
      %get3A_649 = arith.constant 7 : i32
      %get3A_650 = arith.index_cast %get3A_649 : i32 to index
      %get3A_651 = arith.constant 32 : index
      %get3A_652 = tpu.vector_load %arg14[%get3A_650, %get3A_651] {strides = array<i32>} : memref<16x64xf32, #tpu.memory_space<vmem>>, vector<16xf32>,
      %get3A_653 = arith.constant 7 : i32
      %get3A_654 = arith.index_cast %get3A_653 : i32 to index
      %get3A_655 = arith.constant 48 : index
      %get3A_656 = tpu.vector_load %arg14[%get3A_654, %get3A_655] {strides = array<i32>} : memref<16x64xf32, #tpu.memory_space<vmem>>, vector<16xf32>,
      %get3A_657 = arith.constant 8 : i32
      %get3A_658 = arith.index_cast %get3A_657 : i32 to index
      %get3A_659 = arith.constant 32 : index
      %get3A_660 = tpu.vector_load %arg14[%get3A_658, %get3A_659] {strides = array<i32>} : memref<16x64xf32, #tpu.memory_space<vmem>>, vector<16xf32>,
      %get3A_661 = arith.constant 8 : i32
      %get3A_662 = arith.index_cast %get3A_661 : i32 to index
      %get3A_663 = arith.constant 48 : index
      %get3A_664 = tpu.vector_load %arg14[%get3A_662, %get3A_663] {strides = array<i32>} : memref<16x64xf32, #tpu.memory_space<vmem>>, vector<16xf32>,
      %get3A_665 = arith.constant 9 : i32
      %get3A_666 = arith.index_cast %get3A_665 : i32 to index
      %get3A_667 = arith.constant 32 : index
      %get3A_668 = tpu.vector_load %arg14[%get3A_666, %get3A_667] {strides = array<i32>} : memref<16x64xf32, #tpu.memory_space<vmem>>, vector<16xf32>,
      %get3A_669 = arith.constant 9 : i32
      %get3A_670 = arith.index_cast %get3A_669 : i32 to index
      %get3A_671 = arith.constant 48 : index
      %get3A_672 = tpu.vector_load %arg14[%get3A_670, %get3A_671] {strides = array<i32>} : memref<16x64xf32, #tpu.memory_space<vmem>>, vector<16xf32>,
      %get3A_673 = arith.constant 10 : i32
      %get3A_674 = arith.index_cast %get3A_673 : i32 to index
      %get3A_675 = arith.constant 32 : index
      %get3A_676 = tpu.vector_load %arg14[%get3A_674, %get3A_675] {strides = array<i32>} : memref<16x64xf32, #tpu.memory_space<vmem>>, vector<16xf32>,
      %get3A_677 = arith.constant 10 : i32
      %get3A_678 = arith.index_cast %get3A_677 : i32 to index
      %get3A_679 = arith.constant 48 : index
      %get3A_680 = tpu.vector_load %arg14[%get3A_678, %get3A_679] {strides = array<i32>} : memref<16x64xf32, #tpu.memory_space<vmem>>, vector<16xf32>,
      %get3A_681 = arith.constant 11 : i32
      %get3A_682 = arith.index_cast %get3A_681 : i32 to index
      %get3A_683 = arith.constant 32 : index
      %get3A_684 = tpu.vector_load %arg14[%get3A_682, %get3A_683] {strides = array<i32>} : memref<16x64xf32, #tpu.memory_space<vmem>>, vector<16xf32>,
      %get3A_685 = arith.constant 11 : i32
      %get3A_686 = arith.index_cast %get3A_685 : i32 to index
      %get3A_687 = arith.constant 48 : index
      %get3A_688 = tpu.vector_load %arg14[%get3A_686, %get3A_687] {strides = array<i32>} : memref<16x64xf32, #tpu.memory_space<vmem>>, vector<16xf32>,
      %get3A_689 = arith.constant 12 : i32
      %get3A_690 = arith.index_cast %get3A_689 : i32 to index
      %get3A_691 = arith.constant 32 : index
      %get3A_692 = tpu.vector_load %arg14[%get3A_690, %get3A_691] {strides = array<i32>} : memref<16x64xf32, #tpu.memory_space<vmem>>, vector<16xf32>,
      %get3A_693 = arith.constant 12 : i32
      %get3A_694 = arith.index_cast %get3A_693 : i32 to index
      %get3A_695 = arith.constant 48 : index
      %get3A_696 = tpu.vector_load %arg14[%get3A_694, %get3A_695] {strides = array<i32>} : memref<16x64xf32, #tpu.memory_space<vmem>>, vector<16xf32>,
      %get3A_697 = arith.constant 13 : i32
      %get3A_698 = arith.index_cast %get3A_697 : i32 to index
      %get3A_699 = arith.constant 32 : index
      %get3A_700 = tpu.vector_load %arg14[%get3A_698, %get3A_699] {strides = array<i32>} : memref<16x64xf32, #tpu.memory_space<vmem>>, vector<16xf32>,
      %get3A_701 = arith.constant 13 : i32
      %get3A_702 = arith.index_cast %get3A_701 : i32 to index
      %get3A_703 = arith.constant 48 : index
      %get3A_704 = tpu.vector_load %arg14[%get3A_702, %get3A_703] {strides = array<i32>} : memref<16x64xf32, #tpu.memory_space<vmem>>, vector<16xf32>,
      %get3A_705 = arith.constant 14 : i32
      %get3A_706 = arith.index_cast %get3A_705 : i32 to index
      %get3A_707 = arith.constant 32 : index
      %get3A_708 = tpu.vector_load %arg14[%get3A_706, %get3A_707] {strides = array<i32>} : memref<16x64xf32, #tpu.memory_space<vmem>>, vector<16xf32>,
      %get3A_709 = arith.constant 14 : i32
      %get3A_710 = arith.index_cast %get3A_709 : i32 to index
      %get3A_711 = arith.constant 48 : index
      %get3A_712 = tpu.vector_load %arg14[%get3A_710, %get3A_711] {strides = array<i32>} : memref<16x64xf32, #tpu.memory_space<vmem>>, vector<16xf32>,
      %get3A_713 = arith.constant 15 : i32
      %get3A_714 = arith.index_cast %get3A_713 : i32 to index
      %get3A_715 = arith.constant 32 : index
      %get3A_716 = tpu.vector_load %arg14[%get3A_714, %get3A_715] {strides = array<i32>} : memref<16x64xf32, #tpu.memory_space<vmem>>, vector<16xf32>,
      %get3A_717 = arith.constant 15 : i32
      %get3A_718 = arith.index_cast %get3A_717 : i32 to index
      %get3A_719 = arith.constant 48 : index
      %get3A_720 = tpu.vector_load %arg14[%get3A_718, %get3A_719] {strides = array<i32>} : memref<16x64xf32, #tpu.memory_space<vmem>>, vector<16xf32>,
      %scan3A_721 = arith.constant 0 : i32
      %scan3A_722 = arith.constant 0 : i32
      %scan3A_723 = arith.constant 100 : i32
      %scan3A_724 = arith.addi %scan3A_722, %scan3A_723 : i32
      %scan3A_725 = arith.constant 1 : i32
      scf.for %scan3A_1428 = %scan3A_722 to %scan3A_724 step %scan3A_725  : i32 {
        %get3A_1429 = arith.index_cast %scan3A_1428 : i32 to index
        %get3A_1430 = arith.constant 64 : index
        %get3A_1431 = tpu.vector_load %arg9[%get3A_1429, %get3A_1430] {strides = array<i32>} : memref<128x128xf32, #tpu.memory_space<vmem>>, vector<16xf32>,
        %get3A_1432 = arith.index_cast %scan3A_1428 : i32 to index
        %get3A_1433 = arith.constant 32 : index
        %get3A_1434 = tpu.vector_load %arg9[%get3A_1432, %get3A_1433] {strides = array<i32>} : memref<128x128xf32, #tpu.memory_space<vmem>>, vector<16xf32>,
        %get3A_1435 = arith.index_cast %scan3A_1428 : i32 to index
        %get3A_1436 = arith.constant 48 : index
        %get3A_1437 = tpu.vector_load %arg9[%get3A_1435, %get3A_1436] {strides = array<i32>} : memref<128x128xf32, #tpu.memory_space<vmem>>, vector<16xf32>,
        %slice3A = vector.extract_strided_slice %get3A_1431 {offsets = [0], sizes = [1], strides = [1]} : vector<16xf32> to vector<1xf32>
        %squeeze3A = vector.extract %slice3A[0] : f32 from vector<1xf32>
        %mul3A_1438 = vector.broadcast %squeeze3A : f32 to vector<16xf32>
        %mul3A_1439 = arith.mulf %mul3A_1438, %get3A_596 : vector<16xf32>
        %add3A_1440 = arith.addf %get3A_1434, %mul3A_1439 : vector<16xf32>
        %mul3A_1441 = vector.broadcast %squeeze3A : f32 to vector<16xf32>
        %mul3A_1442 = arith.mulf %mul3A_1441, %get3A_600 : vector<16xf32>
        %add3A_1443 = arith.addf %get3A_1437, %mul3A_1442 : vector<16xf32>
        %slice3A_1444 = vector.extract_strided_slice %get3A_1431 {offsets = [1], sizes = [1], strides = [1]} : vector<16xf32> to vector<1xf32>
        %squeeze3A_1445 = vector.extract %slice3A_1444[0] : f32 from vector<1xf32>
        %mul3A_1446 = vector.broadcast %squeeze3A_1445 : f32 to vector<16xf32>
        %mul3A_1447 = arith.mulf %mul3A_1446, %get3A_604 : vector<16xf32>
        %add3A_1448 = arith.addf %add3A_1440, %mul3A_1447 : vector<16xf32>
        %mul3A_1449 = vector.broadcast %squeeze3A_1445 : f32 to vector<16xf32>
        %mul3A_1450 = arith.mulf %mul3A_1449, %get3A_608 : vector<16xf32>
        %add3A_1451 = arith.addf %add3A_1443, %mul3A_1450 : vector<16xf32>
        %slice3A_1452 = vector.extract_strided_slice %get3A_1431 {offsets = [2], sizes = [1], strides = [1]} : vector<16xf32> to vector<1xf32>
        %squeeze3A_1453 = vector.extract %slice3A_1452[0] : f32 from vector<1xf32>
        %mul3A_1454 = vector.broadcast %squeeze3A_1453 : f32 to vector<16xf32>
        %mul3A_1455 = arith.mulf %mul3A_1454, %get3A_612 : vector<16xf32>
        %add3A_1456 = arith.addf %add3A_1448, %mul3A_1455 : vector<16xf32>
        %mul3A_1457 = vector.broadcast %squeeze3A_1453 : f32 to vector<16xf32>
        %mul3A_1458 = arith.mulf %mul3A_1457, %get3A_616 : vector<16xf32>
        %add3A_1459 = arith.addf %add3A_1451, %mul3A_1458 : vector<16xf32>
        %slice3A_1460 = vector.extract_strided_slice %get3A_1431 {offsets = [3], sizes = [1], strides = [1]} : vector<16xf32> to vector<1xf32>
        %squeeze3A_1461 = vector.extract %slice3A_1460[0] : f32 from vector<1xf32>
        %mul3A_1462 = vector.broadcast %squeeze3A_1461 : f32 to vector<16xf32>
        %mul3A_1463 = arith.mulf %mul3A_1462, %get3A_620 : vector<16xf32>
        %add3A_1464 = arith.addf %add3A_1456, %mul3A_1463 : vector<16xf32>
        %mul3A_1465 = vector.broadcast %squeeze3A_1461 : f32 to vector<16xf32>
        %mul3A_1466 = arith.mulf %mul3A_1465, %get3A_624 : vector<16xf32>
        %add3A_1467 = arith.addf %add3A_1459, %mul3A_1466 : vector<16xf32>
        %slice3A_1468 = vector.extract_strided_slice %get3A_1431 {offsets = [4], sizes = [1], strides = [1]} : vector<16xf32> to vector<1xf32>
        %squeeze3A_1469 = vector.extract %slice3A_1468[0] : f32 from vector<1xf32>
        %mul3A_1470 = vector.broadcast %squeeze3A_1469 : f32 to vector<16xf32>
        %mul3A_1471 = arith.mulf %mul3A_1470, %get3A_628 : vector<16xf32>
        %add3A_1472 = arith.addf %add3A_1464, %mul3A_1471 : vector<16xf32>
        %mul3A_1473 = vector.broadcast %squeeze3A_1469 : f32 to vector<16xf32>
        %mul3A_1474 = arith.mulf %mul3A_1473, %get3A_632 : vector<16xf32>
        %add3A_1475 = arith.addf %add3A_1467, %mul3A_1474 : vector<16xf32>
        %slice3A_1476 = vector.extract_strided_slice %get3A_1431 {offsets = [5], sizes = [1], strides = [1]} : vector<16xf32> to vector<1xf32>
        %squeeze3A_1477 = vector.extract %slice3A_1476[0] : f32 from vector<1xf32>
        %mul3A_1478 = vector.broadcast %squeeze3A_1477 : f32 to vector<16xf32>
        %mul3A_1479 = arith.mulf %mul3A_1478, %get3A_636 : vector<16xf32>
        %add3A_1480 = arith.addf %add3A_1472, %mul3A_1479 : vector<16xf32>
        %mul3A_1481 = vector.broadcast %squeeze3A_1477 : f32 to vector<16xf32>
        %mul3A_1482 = arith.mulf %mul3A_1481, %get3A_640 : vector<16xf32>
        %add3A_1483 = arith.addf %add3A_1475, %mul3A_1482 : vector<16xf32>
        %slice3A_1484 = vector.extract_strided_slice %get3A_1431 {offsets = [6], sizes = [1], strides = [1]} : vector<16xf32> to vector<1xf32>
        %squeeze3A_1485 = vector.extract %slice3A_1484[0] : f32 from vector<1xf32>
        %mul3A_1486 = vector.broadcast %squeeze3A_1485 : f32 to vector<16xf32>
        %mul3A_1487 = arith.mulf %mul3A_1486, %get3A_644 : vector<16xf32>
        %add3A_1488 = arith.addf %add3A_1480, %mul3A_1487 : vector<16xf32>
        %mul3A_1489 = vector.broadcast %squeeze3A_1485 : f32 to vector<16xf32>
        %mul3A_1490 = arith.mulf %mul3A_1489, %get3A_648 : vector<16xf32>
        %add3A_1491 = arith.addf %add3A_1483, %mul3A_1490 : vector<16xf32>
        %slice3A_1492 = vector.extract_strided_slice %get3A_1431 {offsets = [7], sizes = [1], strides = [1]} : vector<16xf32> to vector<1xf32>
        %squeeze3A_1493 = vector.extract %slice3A_1492[0] : f32 from vector<1xf32>
        %mul3A_1494 = vector.broadcast %squeeze3A_1493 : f32 to vector<16xf32>
        %mul3A_1495 = arith.mulf %mul3A_1494, %get3A_652 : vector<16xf32>
        %add3A_1496 = arith.addf %add3A_1488, %mul3A_1495 : vector<16xf32>
        %mul3A_1497 = vector.broadcast %squeeze3A_1493 : f32 to vector<16xf32>
        %mul3A_1498 = arith.mulf %mul3A_1497, %get3A_656 : vector<16xf32>
        %add3A_1499 = arith.addf %add3A_1491, %mul3A_1498 : vector<16xf32>
        %slice3A_1500 = vector.extract_strided_slice %get3A_1431 {offsets = [8], sizes = [1], strides = [1]} : vector<16xf32> to vector<1xf32>
        %squeeze3A_1501 = vector.extract %slice3A_1500[0] : f32 from vector<1xf32>
        %mul3A_1502 = vector.broadcast %squeeze3A_1501 : f32 to vector<16xf32>
        %mul3A_1503 = arith.mulf %mul3A_1502, %get3A_660 : vector<16xf32>
        %add3A_1504 = arith.addf %add3A_1496, %mul3A_1503 : vector<16xf32>
        %mul3A_1505 = vector.broadcast %squeeze3A_1501 : f32 to vector<16xf32>
        %mul3A_1506 = arith.mulf %mul3A_1505, %get3A_664 : vector<16xf32>
        %add3A_1507 = arith.addf %add3A_1499, %mul3A_1506 : vector<16xf32>
        %slice3A_1508 = vector.extract_strided_slice %get3A_1431 {offsets = [9], sizes = [1], strides = [1]} : vector<16xf32> to vector<1xf32>
        %squeeze3A_1509 = vector.extract %slice3A_1508[0] : f32 from vector<1xf32>
        %mul3A_1510 = vector.broadcast %squeeze3A_1509 : f32 to vector<16xf32>
        %mul3A_1511 = arith.mulf %mul3A_1510, %get3A_668 : vector<16xf32>
        %add3A_1512 = arith.addf %add3A_1504, %mul3A_1511 : vector<16xf32>
        %mul3A_1513 = vector.broadcast %squeeze3A_1509 : f32 to vector<16xf32>
        %mul3A_1514 = arith.mulf %mul3A_1513, %get3A_672 : vector<16xf32>
        %add3A_1515 = arith.addf %add3A_1507, %mul3A_1514 : vector<16xf32>
        %slice3A_1516 = vector.extract_strided_slice %get3A_1431 {offsets = [10], sizes = [1], strides = [1]} : vector<16xf32> to vector<1xf32>
        %squeeze3A_1517 = vector.extract %slice3A_1516[0] : f32 from vector<1xf32>
        %mul3A_1518 = vector.broadcast %squeeze3A_1517 : f32 to vector<16xf32>
        %mul3A_1519 = arith.mulf %mul3A_1518, %get3A_676 : vector<16xf32>
        %add3A_1520 = arith.addf %add3A_1512, %mul3A_1519 : vector<16xf32>
        %mul3A_1521 = vector.broadcast %squeeze3A_1517 : f32 to vector<16xf32>
        %mul3A_1522 = arith.mulf %mul3A_1521, %get3A_680 : vector<16xf32>
        %add3A_1523 = arith.addf %add3A_1515, %mul3A_1522 : vector<16xf32>
        %slice3A_1524 = vector.extract_strided_slice %get3A_1431 {offsets = [11], sizes = [1], strides = [1]} : vector<16xf32> to vector<1xf32>
        %squeeze3A_1525 = vector.extract %slice3A_1524[0] : f32 from vector<1xf32>
        %mul3A_1526 = vector.broadcast %squeeze3A_1525 : f32 to vector<16xf32>
        %mul3A_1527 = arith.mulf %mul3A_1526, %get3A_684 : vector<16xf32>
        %add3A_1528 = arith.addf %add3A_1520, %mul3A_1527 : vector<16xf32>
        %mul3A_1529 = vector.broadcast %squeeze3A_1525 : f32 to vector<16xf32>
        %mul3A_1530 = arith.mulf %mul3A_1529, %get3A_688 : vector<16xf32>
        %add3A_1531 = arith.addf %add3A_1523, %mul3A_1530 : vector<16xf32>
        %slice3A_1532 = vector.extract_strided_slice %get3A_1431 {offsets = [12], sizes = [1], strides = [1]} : vector<16xf32> to vector<1xf32>
        %squeeze3A_1533 = vector.extract %slice3A_1532[0] : f32 from vector<1xf32>
        %mul3A_1534 = vector.broadcast %squeeze3A_1533 : f32 to vector<16xf32>
        %mul3A_1535 = arith.mulf %mul3A_1534, %get3A_692 : vector<16xf32>
        %add3A_1536 = arith.addf %add3A_1528, %mul3A_1535 : vector<16xf32>
        %mul3A_1537 = vector.broadcast %squeeze3A_1533 : f32 to vector<16xf32>
        %mul3A_1538 = arith.mulf %mul3A_1537, %get3A_696 : vector<16xf32>
        %add3A_1539 = arith.addf %add3A_1531, %mul3A_1538 : vector<16xf32>
        %slice3A_1540 = vector.extract_strided_slice %get3A_1431 {offsets = [13], sizes = [1], strides = [1]} : vector<16xf32> to vector<1xf32>
        %squeeze3A_1541 = vector.extract %slice3A_1540[0] : f32 from vector<1xf32>
        %mul3A_1542 = vector.broadcast %squeeze3A_1541 : f32 to vector<16xf32>
        %mul3A_1543 = arith.mulf %mul3A_1542, %get3A_700 : vector<16xf32>
        %add3A_1544 = arith.addf %add3A_1536, %mul3A_1543 : vector<16xf32>
        %mul3A_1545 = vector.broadcast %squeeze3A_1541 : f32 to vector<16xf32>
        %mul3A_1546 = arith.mulf %mul3A_1545, %get3A_704 : vector<16xf32>
        %add3A_1547 = arith.addf %add3A_1539, %mul3A_1546 : vector<16xf32>
        %slice3A_1548 = vector.extract_strided_slice %get3A_1431 {offsets = [14], sizes = [1], strides = [1]} : vector<16xf32> to vector<1xf32>
        %squeeze3A_1549 = vector.extract %slice3A_1548[0] : f32 from vector<1xf32>
        %mul3A_1550 = vector.broadcast %squeeze3A_1549 : f32 to vector<16xf32>
        %mul3A_1551 = arith.mulf %mul3A_1550, %get3A_708 : vector<16xf32>
        %add3A_1552 = arith.addf %add3A_1544, %mul3A_1551 : vector<16xf32>
        %mul3A_1553 = vector.broadcast %squeeze3A_1549 : f32 to vector<16xf32>
        %mul3A_1554 = arith.mulf %mul3A_1553, %get3A_712 : vector<16xf32>
        %add3A_1555 = arith.addf %add3A_1547, %mul3A_1554 : vector<16xf32>
        %slice3A_1556 = vector.extract_strided_slice %get3A_1431 {offsets = [15], sizes = [1], strides = [1]} : vector<16xf32> to vector<1xf32>
        %squeeze3A_1557 = vector.extract %slice3A_1556[0] : f32 from vector<1xf32>
        %mul3A_1558 = vector.broadcast %squeeze3A_1557 : f32 to vector<16xf32>
        %mul3A_1559 = arith.mulf %mul3A_1558, %get3A_716 : vector<16xf32>
        %add3A_1560 = arith.addf %add3A_1552, %mul3A_1559 : vector<16xf32>
        %mul3A_1561 = vector.broadcast %squeeze3A_1557 : f32 to vector<16xf32>
        %mul3A_1562 = arith.mulf %mul3A_1561, %get3A_720 : vector<16xf32>
        %add3A_1563 = arith.addf %add3A_1555, %mul3A_1562 : vector<16xf32>
        %swap3A_1564 = arith.index_cast %scan3A_1428 : i32 to index
        %swap3A_1565 = arith.constant 32 : index
        %swap3A_1566 = tpu.vector_load %arg13[%swap3A_1564, %swap3A_1565] {strides = array<i32>} : memref<104x64xf32, #tpu.memory_space<vmem>>, vector<16xf32>,
        tpu.vector_store %arg13[%swap3A_1564, %swap3A_1565], %add3A_1560 {strides = array<i32>} : memref<104x64xf32, #tpu.memory_space<vmem>>, vector<16xf32>,
        %swap3A_1567 = arith.index_cast %scan3A_1428 : i32 to index
        %swap3A_1568 = arith.constant 48 : index
        %swap3A_1569 = tpu.vector_load %arg13[%swap3A_1567, %swap3A_1568] {strides = array<i32>} : memref<104x64xf32, #tpu.memory_space<vmem>>, vector<16xf32>,
        tpu.vector_store %arg13[%swap3A_1567, %swap3A_1568], %add3A_1563 {strides = array<i32>} : memref<104x64xf32, #tpu.memory_space<vmem>>, vector<16xf32>,
      }
      %scan3A_726 = arith.constant 100 : i32
      %mul3A_727 = arith.constant 2 : i32
      %mul3A_728 = arith.muli %mul3A_727, %add3A_447 : i32
      %add3A_729 = arith.addi %mul3A_2, %mul3A_728 : i32
      %add3A_730 = arith.constant 0 : i32
      %add3A_731 = arith.addi %add3A_729, %add3A_730 : i32
      %dma_start3A_732 = arith.constant 0 : i32
      %dma_start3A_733 = arith.constant 0 : i32
      %dma_start3A_734 = tpu.memref_slice %arg13[%dma_start3A_732, %dma_start3A_733] : memref<104x64xf32, #tpu.memory_space<vmem>> -> memref<50x64xf32, #tpu.memory_space<vmem>>
      %dma_start3A_735 = arith.constant 0 : i32
      %dma_start3A_736 = arith.constant 0 : i32
      %dma_start3A_737 = tpu.memref_slice %arg5[%add3A_731, %dma_start3A_735, %dma_start3A_736] : memref<4096x50x64xf32, #tpu.memory_space<hbm>> -> memref<1x50x64xf32, #tpu.memory_space<hbm>>
      %dma_start3A_738 = tpu.memref_squeeze %dma_start3A_737 : memref<1x50x64xf32, #tpu.memory_space<hbm>> -> memref<50x64xf32, #tpu.memory_space<hbm>>
      %dma_start3A_739 = arith.constant 0 : i32
      %dma_start3A_740 = arith.constant 0 : i32
      %dma_start3A_741 = tpu.memref_slice %arg5[%add3A_731, %dma_start3A_739, %dma_start3A_740] : memref<4096x50x64xf32, #tpu.memory_space<hbm>> -> memref<1x50x64xf32, #tpu.memory_space<hbm>>
      %dma_start3A_742 = tpu.memref_squeeze %dma_start3A_741 : memref<1x50x64xf32, #tpu.memory_space<hbm>> -> memref<50x64xf32, #tpu.memory_space<hbm>>
      %dma_start3A_743 = arith.constant 0 : i32
      %dma_start3A_744 = arith.constant 0 : i32
      %dma_start3A_745 = tpu.memref_slice %arg13[%dma_start3A_743, %dma_start3A_744] : memref<104x64xf32, #tpu.memory_space<vmem>> -> memref<50x64xf32, #tpu.memory_space<vmem>>
      tpu.enqueue_dma source(%dma_start3A_745 : memref<50x64xf32, #tpu.memory_space<vmem>>) target(%dma_start3A_742 : memref<50x64xf32, #tpu.memory_space<hbm>>) target_semaphore(%arg20 : memref<!tpu.dma_semaphore, #tpu.memory_space<semaphore_mem>>)
      %mul3A_746 = arith.constant 2 : i32
      %mul3A_747 = arith.muli %mul3A_746, %add3A_447 : i32
      %add3A_748 = arith.addi %mul3A_2, %mul3A_747 : i32
      %add3A_749 = arith.constant 1 : i32
      %add3A_750 = arith.addi %add3A_748, %add3A_749 : i32
      %dma_start3A_751 = arith.constant 50 : i32
      %dma_start3A_752 = arith.constant 0 : i32
      %dma_start3A_753 = tpu.memref_slice %arg13[%dma_start3A_751, %dma_start3A_752] : memref<104x64xf32, #tpu.memory_space<vmem>> -> memref<50x64xf32, #tpu.memory_space<vmem>>
      %dma_start3A_754 = arith.constant 0 : i32
      %dma_start3A_755 = arith.constant 0 : i32
      %dma_start3A_756 = tpu.memref_slice %arg5[%add3A_750, %dma_start3A_754, %dma_start3A_755] : memref<4096x50x64xf32, #tpu.memory_space<hbm>> -> memref<1x50x64xf32, #tpu.memory_space<hbm>>
      %dma_start3A_757 = tpu.memref_squeeze %dma_start3A_756 : memref<1x50x64xf32, #tpu.memory_space<hbm>> -> memref<50x64xf32, #tpu.memory_space<hbm>>
      %dma_start3A_758 = arith.constant 0 : i32
      %dma_start3A_759 = arith.constant 0 : i32
      %dma_start3A_760 = tpu.memref_slice %arg5[%add3A_750, %dma_start3A_758, %dma_start3A_759] : memref<4096x50x64xf32, #tpu.memory_space<hbm>> -> memref<1x50x64xf32, #tpu.memory_space<hbm>>
      %dma_start3A_761 = tpu.memref_squeeze %dma_start3A_760 : memref<1x50x64xf32, #tpu.memory_space<hbm>> -> memref<50x64xf32, #tpu.memory_space<hbm>>
      %dma_start3A_762 = arith.constant 50 : i32
      %dma_start3A_763 = arith.constant 0 : i32
      %dma_start3A_764 = tpu.memref_slice %arg13[%dma_start3A_762, %dma_start3A_763] : memref<104x64xf32, #tpu.memory_space<vmem>> -> memref<50x64xf32, #tpu.memory_space<vmem>>
      tpu.enqueue_dma source(%dma_start3A_764 : memref<50x64xf32, #tpu.memory_space<vmem>>) target(%dma_start3A_761 : memref<50x64xf32, #tpu.memory_space<hbm>>) target_semaphore(%arg20 : memref<!tpu.dma_semaphore, #tpu.memory_space<semaphore_mem>>)
      %add3A_765 = arith.constant 4 : i32
      %add3A_766 = arith.addi %add3A_447, %add3A_765 : i32
      %lt3A_767 = arith.constant 64 : i32
      %lt3A_768 = arith.cmpi slt, %add3A_766, %lt3A_767 : i32
      %convert_element_type3A_769 = arith.extui %lt3A_768 : i1 to i32
      %cond3A_770 = arith.constant 0 : i32
      %cond3A_771 = arith.cmpi ne, %convert_element_type3A_769, %cond3A_770 : i32
      scf.if %cond3A_771 {
        %add3A_1428 = arith.constant 4 : i32
        %add3A_1429 = arith.addi %add3A_447, %add3A_1428 : i32
        %dma_start3A_1430 = arith.constant 0 : i32
        %dma_start3A_1431 = tpu.memref_slice %arg7[%add3A_1429, %dma_start3A_1430] : memref<64x128xi32, #tpu.memory_space<vmem>> -> memref<1x128xi32, #tpu.memory_space<vmem>>
        %dma_start3A_1432 = tpu.memref_squeeze %dma_start3A_1431 : memref<1x128xi32, #tpu.memory_space<vmem>> -> memref<128xi32, #tpu.memory_space<vmem>>
        %dma_start3A_1433 = arith.constant 0 : i32
        %dma_start3A_1434 = arith.constant 0 : i32
        %dma_start3A_1435 = tpu.memref_slice %arg3[%dma_start3A_1433, %dma_start3A_1434] : memref<1000000x128xf32, #tpu.memory_space<hbm>> -> memref<1000000x128xf32, #tpu.memory_space<hbm>>
        tpu.enqueue_indirect_dma source(%dma_start3A_1435 : memref<1000000x128xf32, #tpu.memory_space<hbm>>) target(%arg9 : memref<128x128xf32, #tpu.memory_space<vmem>>) offsets(%dma_start3A_1432 : memref<128xi32, #tpu.memory_space<vmem>>) semaphore(%arg16 : memref<!tpu.dma_semaphore, #tpu.memory_space<semaphore_mem>>)
      } else {
      }
      %mul3A_772 = arith.constant 4 : i32
      %mul3A_773 = arith.muli %mul3A_772, %scan3A_120 : i32
      %add3A_774 = arith.constant 2 : i32
      %add3A_775 = arith.addi %mul3A_773, %add3A_774 : i32
      %dma_wait3A_776 = arith.constant 0 : i32
      %dma_wait3A_777 = tpu.memref_slice %arg7[%add3A_775, %dma_wait3A_776] : memref<64x128xi32, #tpu.memory_space<vmem>> -> memref<1x128xi32, #tpu.memory_space<vmem>>
      %dma_wait3A_778 = tpu.memref_squeeze %dma_wait3A_777 : memref<1x128xi32, #tpu.memory_space<vmem>> -> memref<128xi32, #tpu.memory_space<vmem>>
      %dma_wait3A_779 = arith.constant 0 : i32
      %dma_wait3A_780 = arith.constant 0 : i32
      %dma_wait3A_781 = tpu.memref_slice %arg3[%dma_wait3A_779, %dma_wait3A_780] : memref<1000000x128xf32, #tpu.memory_space<hbm>> -> memref<1000000x128xf32, #tpu.memory_space<hbm>>
      tpu.wait_indirect_dma semaphore(%arg17 : memref<!tpu.dma_semaphore, #tpu.memory_space<semaphore_mem>>) src(%dma_wait3A_781 : memref<1000000x128xf32, #tpu.memory_space<hbm>>) dst(%arg10 : memref<128x128xf32, #tpu.memory_space<vmem>>)
      %ge3A_782 = arith.constant 2 : i32
      %ge3A_783 = arith.cmpi sge, %add3A_775, %ge3A_782 : i32
      %convert_element_type3A_784 = arith.extui %ge3A_783 : i1 to i32
      %cond3A_785 = arith.constant 0 : i32
      %cond3A_786 = arith.cmpi ne, %convert_element_type3A_784, %cond3A_785 : i32
      scf.if %cond3A_786 {
        %add3A_1428 = arith.constant 0 : i32
        %add3A_1429 = arith.addi %mul3A_2, %add3A_1428 : i32
        %dma_wait3A_1430 = arith.constant 0 : i32
        %dma_wait3A_1431 = arith.constant 0 : i32
        %dma_wait3A_1432 = tpu.memref_slice %arg12[%dma_wait3A_1430, %dma_wait3A_1431] : memref<104x64xf32, #tpu.memory_space<vmem>> -> memref<50x64xf32, #tpu.memory_space<vmem>>
        %dma_wait3A_1433 = arith.constant 0 : i32
        %dma_wait3A_1434 = arith.constant 0 : i32
        %dma_wait3A_1435 = tpu.memref_slice %arg5[%add3A_1429, %dma_wait3A_1433, %dma_wait3A_1434] : memref<4096x50x64xf32, #tpu.memory_space<hbm>> -> memref<1x50x64xf32, #tpu.memory_space<hbm>>
        %dma_wait3A_1436 = tpu.memref_squeeze %dma_wait3A_1435 : memref<1x50x64xf32, #tpu.memory_space<hbm>> -> memref<50x64xf32, #tpu.memory_space<hbm>>
        %dma_wait3A_1437 = arith.constant 0 : i32
        %dma_wait3A_1438 = arith.constant 0 : i32
        %dma_wait3A_1439 = tpu.memref_slice %arg5[%add3A_1429, %dma_wait3A_1437, %dma_wait3A_1438] : memref<4096x50x64xf32, #tpu.memory_space<hbm>> -> memref<1x50x64xf32, #tpu.memory_space<hbm>>
        %dma_wait3A_1440 = tpu.memref_squeeze %dma_wait3A_1439 : memref<1x50x64xf32, #tpu.memory_space<hbm>> -> memref<50x64xf32, #tpu.memory_space<hbm>>
        %dma_wait3A_1441 = arith.constant 0 : i32
        %dma_wait3A_1442 = arith.constant 0 : i32
        %dma_wait3A_1443 = tpu.memref_slice %arg12[%dma_wait3A_1441, %dma_wait3A_1442] : memref<104x64xf32, #tpu.memory_space<vmem>> -> memref<50x64xf32, #tpu.memory_space<vmem>>
        tpu.wait_dma2 semaphore(%arg19 : memref<!tpu.dma_semaphore, #tpu.memory_space<semaphore_mem>>) src(%dma_wait3A_1443 : memref<50x64xf32, #tpu.memory_space<vmem>>) dst(%dma_wait3A_1440 : memref<50x64xf32, #tpu.memory_space<hbm>>)
        %add3A_1444 = arith.constant 1 : i32
        %add3A_1445 = arith.addi %mul3A_2, %add3A_1444 : i32
        %dma_wait3A_1446 = arith.constant 50 : i32
        %dma_wait3A_1447 = arith.constant 0 : i32
        %dma_wait3A_1448 = tpu.memref_slice %arg12[%dma_wait3A_1446, %dma_wait3A_1447] : memref<104x64xf32, #tpu.memory_space<vmem>> -> memref<50x64xf32, #tpu.memory_space<vmem>>
        %dma_wait3A_1449 = arith.constant 0 : i32
        %dma_wait3A_1450 = arith.constant 0 : i32
        %dma_wait3A_1451 = tpu.memref_slice %arg5[%add3A_1445, %dma_wait3A_1449, %dma_wait3A_1450] : memref<4096x50x64xf32, #tpu.memory_space<hbm>> -> memref<1x50x64xf32, #tpu.memory_space<hbm>>
        %dma_wait3A_1452 = tpu.memref_squeeze %dma_wait3A_1451 : memref<1x50x64xf32, #tpu.memory_space<hbm>> -> memref<50x64xf32, #tpu.memory_space<hbm>>
        %dma_wait3A_1453 = arith.constant 0 : i32
        %dma_wait3A_1454 = arith.constant 0 : i32
        %dma_wait3A_1455 = tpu.memref_slice %arg5[%add3A_1445, %dma_wait3A_1453, %dma_wait3A_1454] : memref<4096x50x64xf32, #tpu.memory_space<hbm>> -> memref<1x50x64xf32, #tpu.memory_space<hbm>>
        %dma_wait3A_1456 = tpu.memref_squeeze %dma_wait3A_1455 : memref<1x50x64xf32, #tpu.memory_space<hbm>> -> memref<50x64xf32, #tpu.memory_space<hbm>>
        %dma_wait3A_1457 = arith.constant 50 : i32
        %dma_wait3A_1458 = arith.constant 0 : i32
        %dma_wait3A_1459 = tpu.memref_slice %arg12[%dma_wait3A_1457, %dma_wait3A_1458] : memref<104x64xf32, #tpu.memory_space<vmem>> -> memref<50x64xf32, #tpu.memory_space<vmem>>
        tpu.wait_dma2 semaphore(%arg19 : memref<!tpu.dma_semaphore, #tpu.memory_space<semaphore_mem>>) src(%dma_wait3A_1459 : memref<50x64xf32, #tpu.memory_space<vmem>>) dst(%dma_wait3A_1456 : memref<50x64xf32, #tpu.memory_space<hbm>>)
      } else {
      }
      %get3A_787 = arith.constant 0 : i32
      %get3A_788 = arith.index_cast %get3A_787 : i32 to index
      %get3A_789 = arith.constant 0 : index
      %get3A_790 = tpu.vector_load %arg14[%get3A_788, %get3A_789] {strides = array<i32>} : memref<16x64xf32, #tpu.memory_space<vmem>>, vector<16xf32>,
      %get3A_791 = arith.constant 0 : i32
      %get3A_792 = arith.index_cast %get3A_791 : i32 to index
      %get3A_793 = arith.constant 16 : index
      %get3A_794 = tpu.vector_load %arg14[%get3A_792, %get3A_793] {strides = array<i32>} : memref<16x64xf32, #tpu.memory_space<vmem>>, vector<16xf32>,
      %get3A_795 = arith.constant 1 : i32
      %get3A_796 = arith.index_cast %get3A_795 : i32 to index
      %get3A_797 = arith.constant 0 : index
      %get3A_798 = tpu.vector_load %arg14[%get3A_796, %get3A_797] {strides = array<i32>} : memref<16x64xf32, #tpu.memory_space<vmem>>, vector<16xf32>,
      %get3A_799 = arith.constant 1 : i32
      %get3A_800 = arith.index_cast %get3A_799 : i32 to index
      %get3A_801 = arith.constant 16 : index
      %get3A_802 = tpu.vector_load %arg14[%get3A_800, %get3A_801] {strides = array<i32>} : memref<16x64xf32, #tpu.memory_space<vmem>>, vector<16xf32>,
      %get3A_803 = arith.constant 2 : i32
      %get3A_804 = arith.index_cast %get3A_803 : i32 to index
      %get3A_805 = arith.constant 0 : index
      %get3A_806 = tpu.vector_load %arg14[%get3A_804, %get3A_805] {strides = array<i32>} : memref<16x64xf32, #tpu.memory_space<vmem>>, vector<16xf32>,
      %get3A_807 = arith.constant 2 : i32
      %get3A_808 = arith.index_cast %get3A_807 : i32 to index
      %get3A_809 = arith.constant 16 : index
      %get3A_810 = tpu.vector_load %arg14[%get3A_808, %get3A_809] {strides = array<i32>} : memref<16x64xf32, #tpu.memory_space<vmem>>, vector<16xf32>,
      %get3A_811 = arith.constant 3 : i32
      %get3A_812 = arith.index_cast %get3A_811 : i32 to index
      %get3A_813 = arith.constant 0 : index
      %get3A_814 = tpu.vector_load %arg14[%get3A_812, %get3A_813] {strides = array<i32>} : memref<16x64xf32, #tpu.memory_space<vmem>>, vector<16xf32>,
      %get3A_815 = arith.constant 3 : i32
      %get3A_816 = arith.index_cast %get3A_815 : i32 to index
      %get3A_817 = arith.constant 16 : index
      %get3A_818 = tpu.vector_load %arg14[%get3A_816, %get3A_817] {strides = array<i32>} : memref<16x64xf32, #tpu.memory_space<vmem>>, vector<16xf32>,
      %get3A_819 = arith.constant 4 : i32
      %get3A_820 = arith.index_cast %get3A_819 : i32 to index
      %get3A_821 = arith.constant 0 : index
      %get3A_822 = tpu.vector_load %arg14[%get3A_820, %get3A_821] {strides = array<i32>} : memref<16x64xf32, #tpu.memory_space<vmem>>, vector<16xf32>,
      %get3A_823 = arith.constant 4 : i32
      %get3A_824 = arith.index_cast %get3A_823 : i32 to index
      %get3A_825 = arith.constant 16 : index
      %get3A_826 = tpu.vector_load %arg14[%get3A_824, %get3A_825] {strides = array<i32>} : memref<16x64xf32, #tpu.memory_space<vmem>>, vector<16xf32>,
      %get3A_827 = arith.constant 5 : i32
      %get3A_828 = arith.index_cast %get3A_827 : i32 to index
      %get3A_829 = arith.constant 0 : index
      %get3A_830 = tpu.vector_load %arg14[%get3A_828, %get3A_829] {strides = array<i32>} : memref<16x64xf32, #tpu.memory_space<vmem>>, vector<16xf32>,
      %get3A_831 = arith.constant 5 : i32
      %get3A_832 = arith.index_cast %get3A_831 : i32 to index
      %get3A_833 = arith.constant 16 : index
      %get3A_834 = tpu.vector_load %arg14[%get3A_832, %get3A_833] {strides = array<i32>} : memref<16x64xf32, #tpu.memory_space<vmem>>, vector<16xf32>,
      %get3A_835 = arith.constant 6 : i32
      %get3A_836 = arith.index_cast %get3A_835 : i32 to index
      %get3A_837 = arith.constant 0 : index
      %get3A_838 = tpu.vector_load %arg14[%get3A_836, %get3A_837] {strides = array<i32>} : memref<16x64xf32, #tpu.memory_space<vmem>>, vector<16xf32>,
      %get3A_839 = arith.constant 6 : i32
      %get3A_840 = arith.index_cast %get3A_839 : i32 to index
      %get3A_841 = arith.constant 16 : index
      %get3A_842 = tpu.vector_load %arg14[%get3A_840, %get3A_841] {strides = array<i32>} : memref<16x64xf32, #tpu.memory_space<vmem>>, vector<16xf32>,
      %get3A_843 = arith.constant 7 : i32
      %get3A_844 = arith.index_cast %get3A_843 : i32 to index
      %get3A_845 = arith.constant 0 : index
      %get3A_846 = tpu.vector_load %arg14[%get3A_844, %get3A_845] {strides = array<i32>} : memref<16x64xf32, #tpu.memory_space<vmem>>, vector<16xf32>,
      %get3A_847 = arith.constant 7 : i32
      %get3A_848 = arith.index_cast %get3A_847 : i32 to index
      %get3A_849 = arith.constant 16 : index
      %get3A_850 = tpu.vector_load %arg14[%get3A_848, %get3A_849] {strides = array<i32>} : memref<16x64xf32, #tpu.memory_space<vmem>>, vector<16xf32>,
      %get3A_851 = arith.constant 8 : i32
      %get3A_852 = arith.index_cast %get3A_851 : i32 to index
      %get3A_853 = arith.constant 0 : index
      %get3A_854 = tpu.vector_load %arg14[%get3A_852, %get3A_853] {strides = array<i32>} : memref<16x64xf32, #tpu.memory_space<vmem>>, vector<16xf32>,
      %get3A_855 = arith.constant 8 : i32
      %get3A_856 = arith.index_cast %get3A_855 : i32 to index
      %get3A_857 = arith.constant 16 : index
      %get3A_858 = tpu.vector_load %arg14[%get3A_856, %get3A_857] {strides = array<i32>} : memref<16x64xf32, #tpu.memory_space<vmem>>, vector<16xf32>,
      %get3A_859 = arith.constant 9 : i32
      %get3A_860 = arith.index_cast %get3A_859 : i32 to index
      %get3A_861 = arith.constant 0 : index
      %get3A_862 = tpu.vector_load %arg14[%get3A_860, %get3A_861] {strides = array<i32>} : memref<16x64xf32, #tpu.memory_space<vmem>>, vector<16xf32>,
      %get3A_863 = arith.constant 9 : i32
      %get3A_864 = arith.index_cast %get3A_863 : i32 to index
      %get3A_865 = arith.constant 16 : index
      %get3A_866 = tpu.vector_load %arg14[%get3A_864, %get3A_865] {strides = array<i32>} : memref<16x64xf32, #tpu.memory_space<vmem>>, vector<16xf32>,
      %get3A_867 = arith.constant 10 : i32
      %get3A_868 = arith.index_cast %get3A_867 : i32 to index
      %get3A_869 = arith.constant 0 : index
      %get3A_870 = tpu.vector_load %arg14[%get3A_868, %get3A_869] {strides = array<i32>} : memref<16x64xf32, #tpu.memory_space<vmem>>, vector<16xf32>,
      %get3A_871 = arith.constant 10 : i32
      %get3A_872 = arith.index_cast %get3A_871 : i32 to index
      %get3A_873 = arith.constant 16 : index
      %get3A_874 = tpu.vector_load %arg14[%get3A_872, %get3A_873] {strides = array<i32>} : memref<16x64xf32, #tpu.memory_space<vmem>>, vector<16xf32>,
      %get3A_875 = arith.constant 11 : i32
      %get3A_876 = arith.index_cast %get3A_875 : i32 to index
      %get3A_877 = arith.constant 0 : index
      %get3A_878 = tpu.vector_load %arg14[%get3A_876, %get3A_877] {strides = array<i32>} : memref<16x64xf32, #tpu.memory_space<vmem>>, vector<16xf32>,
      %get3A_879 = arith.constant 11 : i32
      %get3A_880 = arith.index_cast %get3A_879 : i32 to index
      %get3A_881 = arith.constant 16 : index
      %get3A_882 = tpu.vector_load %arg14[%get3A_880, %get3A_881] {strides = array<i32>} : memref<16x64xf32, #tpu.memory_space<vmem>>, vector<16xf32>,
      %get3A_883 = arith.constant 12 : i32
      %get3A_884 = arith.index_cast %get3A_883 : i32 to index
      %get3A_885 = arith.constant 0 : index
      %get3A_886 = tpu.vector_load %arg14[%get3A_884, %get3A_885] {strides = array<i32>} : memref<16x64xf32, #tpu.memory_space<vmem>>, vector<16xf32>,
      %get3A_887 = arith.constant 12 : i32
      %get3A_888 = arith.index_cast %get3A_887 : i32 to index
      %get3A_889 = arith.constant 16 : index
      %get3A_890 = tpu.vector_load %arg14[%get3A_888, %get3A_889] {strides = array<i32>} : memref<16x64xf32, #tpu.memory_space<vmem>>, vector<16xf32>,
      %get3A_891 = arith.constant 13 : i32
      %get3A_892 = arith.index_cast %get3A_891 : i32 to index
      %get3A_893 = arith.constant 0 : index
      %get3A_894 = tpu.vector_load %arg14[%get3A_892, %get3A_893] {strides = array<i32>} : memref<16x64xf32, #tpu.memory_space<vmem>>, vector<16xf32>,
      %get3A_895 = arith.constant 13 : i32
      %get3A_896 = arith.index_cast %get3A_895 : i32 to index
      %get3A_897 = arith.constant 16 : index
      %get3A_898 = tpu.vector_load %arg14[%get3A_896, %get3A_897] {strides = array<i32>} : memref<16x64xf32, #tpu.memory_space<vmem>>, vector<16xf32>,
      %get3A_899 = arith.constant 14 : i32
      %get3A_900 = arith.index_cast %get3A_899 : i32 to index
      %get3A_901 = arith.constant 0 : index
      %get3A_902 = tpu.vector_load %arg14[%get3A_900, %get3A_901] {strides = array<i32>} : memref<16x64xf32, #tpu.memory_space<vmem>>, vector<16xf32>,
      %get3A_903 = arith.constant 14 : i32
      %get3A_904 = arith.index_cast %get3A_903 : i32 to index
      %get3A_905 = arith.constant 16 : index
      %get3A_906 = tpu.vector_load %arg14[%get3A_904, %get3A_905] {strides = array<i32>} : memref<16x64xf32, #tpu.memory_space<vmem>>, vector<16xf32>,
      %get3A_907 = arith.constant 15 : i32
      %get3A_908 = arith.index_cast %get3A_907 : i32 to index
      %get3A_909 = arith.constant 0 : index
      %get3A_910 = tpu.vector_load %arg14[%get3A_908, %get3A_909] {strides = array<i32>} : memref<16x64xf32, #tpu.memory_space<vmem>>, vector<16xf32>,
      %get3A_911 = arith.constant 15 : i32
      %get3A_912 = arith.index_cast %get3A_911 : i32 to index
      %get3A_913 = arith.constant 16 : index
      %get3A_914 = tpu.vector_load %arg14[%get3A_912, %get3A_913] {strides = array<i32>} : memref<16x64xf32, #tpu.memory_space<vmem>>, vector<16xf32>,
      %scan3A_915 = arith.constant 0 : i32
      %scan3A_916 = arith.constant 0 : i32
      %scan3A_917 = arith.constant 100 : i32
      %scan3A_918 = arith.addi %scan3A_916, %scan3A_917 : i32
      %scan3A_919 = arith.constant 1 : i32
      scf.for %scan3A_1428 = %scan3A_916 to %scan3A_918 step %scan3A_919  : i32 {
        %get3A_1429 = arith.index_cast %scan3A_1428 : i32 to index
        %get3A_1430 = arith.constant 64 : index
        %get3A_1431 = tpu.vector_load %arg10[%get3A_1429, %get3A_1430] {strides = array<i32>} : memref<128x128xf32, #tpu.memory_space<vmem>>, vector<16xf32>,
        %get3A_1432 = arith.index_cast %scan3A_1428 : i32 to index
        %get3A_1433 = arith.constant 0 : index
        %get3A_1434 = tpu.vector_load %arg10[%get3A_1432, %get3A_1433] {strides = array<i32>} : memref<128x128xf32, #tpu.memory_space<vmem>>, vector<16xf32>,
        %get3A_1435 = arith.index_cast %scan3A_1428 : i32 to index
        %get3A_1436 = arith.constant 16 : index
        %get3A_1437 = tpu.vector_load %arg10[%get3A_1435, %get3A_1436] {strides = array<i32>} : memref<128x128xf32, #tpu.memory_space<vmem>>, vector<16xf32>,
        %slice3A = vector.extract_strided_slice %get3A_1431 {offsets = [0], sizes = [1], strides = [1]} : vector<16xf32> to vector<1xf32>
        %squeeze3A = vector.extract %slice3A[0] : f32 from vector<1xf32>
        %mul3A_1438 = vector.broadcast %squeeze3A : f32 to vector<16xf32>
        %mul3A_1439 = arith.mulf %mul3A_1438, %get3A_790 : vector<16xf32>
        %add3A_1440 = arith.addf %get3A_1434, %mul3A_1439 : vector<16xf32>
        %mul3A_1441 = vector.broadcast %squeeze3A : f32 to vector<16xf32>
        %mul3A_1442 = arith.mulf %mul3A_1441, %get3A_794 : vector<16xf32>
        %add3A_1443 = arith.addf %get3A_1437, %mul3A_1442 : vector<16xf32>
        %slice3A_1444 = vector.extract_strided_slice %get3A_1431 {offsets = [1], sizes = [1], strides = [1]} : vector<16xf32> to vector<1xf32>
        %squeeze3A_1445 = vector.extract %slice3A_1444[0] : f32 from vector<1xf32>
        %mul3A_1446 = vector.broadcast %squeeze3A_1445 : f32 to vector<16xf32>
        %mul3A_1447 = arith.mulf %mul3A_1446, %get3A_798 : vector<16xf32>
        %add3A_1448 = arith.addf %add3A_1440, %mul3A_1447 : vector<16xf32>
        %mul3A_1449 = vector.broadcast %squeeze3A_1445 : f32 to vector<16xf32>
        %mul3A_1450 = arith.mulf %mul3A_1449, %get3A_802 : vector<16xf32>
        %add3A_1451 = arith.addf %add3A_1443, %mul3A_1450 : vector<16xf32>
        %slice3A_1452 = vector.extract_strided_slice %get3A_1431 {offsets = [2], sizes = [1], strides = [1]} : vector<16xf32> to vector<1xf32>
        %squeeze3A_1453 = vector.extract %slice3A_1452[0] : f32 from vector<1xf32>
        %mul3A_1454 = vector.broadcast %squeeze3A_1453 : f32 to vector<16xf32>
        %mul3A_1455 = arith.mulf %mul3A_1454, %get3A_806 : vector<16xf32>
        %add3A_1456 = arith.addf %add3A_1448, %mul3A_1455 : vector<16xf32>
        %mul3A_1457 = vector.broadcast %squeeze3A_1453 : f32 to vector<16xf32>
        %mul3A_1458 = arith.mulf %mul3A_1457, %get3A_810 : vector<16xf32>
        %add3A_1459 = arith.addf %add3A_1451, %mul3A_1458 : vector<16xf32>
        %slice3A_1460 = vector.extract_strided_slice %get3A_1431 {offsets = [3], sizes = [1], strides = [1]} : vector<16xf32> to vector<1xf32>
        %squeeze3A_1461 = vector.extract %slice3A_1460[0] : f32 from vector<1xf32>
        %mul3A_1462 = vector.broadcast %squeeze3A_1461 : f32 to vector<16xf32>
        %mul3A_1463 = arith.mulf %mul3A_1462, %get3A_814 : vector<16xf32>
        %add3A_1464 = arith.addf %add3A_1456, %mul3A_1463 : vector<16xf32>
        %mul3A_1465 = vector.broadcast %squeeze3A_1461 : f32 to vector<16xf32>
        %mul3A_1466 = arith.mulf %mul3A_1465, %get3A_818 : vector<16xf32>
        %add3A_1467 = arith.addf %add3A_1459, %mul3A_1466 : vector<16xf32>
        %slice3A_1468 = vector.extract_strided_slice %get3A_1431 {offsets = [4], sizes = [1], strides = [1]} : vector<16xf32> to vector<1xf32>
        %squeeze3A_1469 = vector.extract %slice3A_1468[0] : f32 from vector<1xf32>
        %mul3A_1470 = vector.broadcast %squeeze3A_1469 : f32 to vector<16xf32>
        %mul3A_1471 = arith.mulf %mul3A_1470, %get3A_822 : vector<16xf32>
        %add3A_1472 = arith.addf %add3A_1464, %mul3A_1471 : vector<16xf32>
        %mul3A_1473 = vector.broadcast %squeeze3A_1469 : f32 to vector<16xf32>
        %mul3A_1474 = arith.mulf %mul3A_1473, %get3A_826 : vector<16xf32>
        %add3A_1475 = arith.addf %add3A_1467, %mul3A_1474 : vector<16xf32>
        %slice3A_1476 = vector.extract_strided_slice %get3A_1431 {offsets = [5], sizes = [1], strides = [1]} : vector<16xf32> to vector<1xf32>
        %squeeze3A_1477 = vector.extract %slice3A_1476[0] : f32 from vector<1xf32>
        %mul3A_1478 = vector.broadcast %squeeze3A_1477 : f32 to vector<16xf32>
        %mul3A_1479 = arith.mulf %mul3A_1478, %get3A_830 : vector<16xf32>
        %add3A_1480 = arith.addf %add3A_1472, %mul3A_1479 : vector<16xf32>
        %mul3A_1481 = vector.broadcast %squeeze3A_1477 : f32 to vector<16xf32>
        %mul3A_1482 = arith.mulf %mul3A_1481, %get3A_834 : vector<16xf32>
        %add3A_1483 = arith.addf %add3A_1475, %mul3A_1482 : vector<16xf32>
        %slice3A_1484 = vector.extract_strided_slice %get3A_1431 {offsets = [6], sizes = [1], strides = [1]} : vector<16xf32> to vector<1xf32>
        %squeeze3A_1485 = vector.extract %slice3A_1484[0] : f32 from vector<1xf32>
        %mul3A_1486 = vector.broadcast %squeeze3A_1485 : f32 to vector<16xf32>
        %mul3A_1487 = arith.mulf %mul3A_1486, %get3A_838 : vector<16xf32>
        %add3A_1488 = arith.addf %add3A_1480, %mul3A_1487 : vector<16xf32>
        %mul3A_1489 = vector.broadcast %squeeze3A_1485 : f32 to vector<16xf32>
        %mul3A_1490 = arith.mulf %mul3A_1489, %get3A_842 : vector<16xf32>
        %add3A_1491 = arith.addf %add3A_1483, %mul3A_1490 : vector<16xf32>
        %slice3A_1492 = vector.extract_strided_slice %get3A_1431 {offsets = [7], sizes = [1], strides = [1]} : vector<16xf32> to vector<1xf32>
        %squeeze3A_1493 = vector.extract %slice3A_1492[0] : f32 from vector<1xf32>
        %mul3A_1494 = vector.broadcast %squeeze3A_1493 : f32 to vector<16xf32>
        %mul3A_1495 = arith.mulf %mul3A_1494, %get3A_846 : vector<16xf32>
        %add3A_1496 = arith.addf %add3A_1488, %mul3A_1495 : vector<16xf32>
        %mul3A_1497 = vector.broadcast %squeeze3A_1493 : f32 to vector<16xf32>
        %mul3A_1498 = arith.mulf %mul3A_1497, %get3A_850 : vector<16xf32>
        %add3A_1499 = arith.addf %add3A_1491, %mul3A_1498 : vector<16xf32>
        %slice3A_1500 = vector.extract_strided_slice %get3A_1431 {offsets = [8], sizes = [1], strides = [1]} : vector<16xf32> to vector<1xf32>
        %squeeze3A_1501 = vector.extract %slice3A_1500[0] : f32 from vector<1xf32>
        %mul3A_1502 = vector.broadcast %squeeze3A_1501 : f32 to vector<16xf32>
        %mul3A_1503 = arith.mulf %mul3A_1502, %get3A_854 : vector<16xf32>
        %add3A_1504 = arith.addf %add3A_1496, %mul3A_1503 : vector<16xf32>
        %mul3A_1505 = vector.broadcast %squeeze3A_1501 : f32 to vector<16xf32>
        %mul3A_1506 = arith.mulf %mul3A_1505, %get3A_858 : vector<16xf32>
        %add3A_1507 = arith.addf %add3A_1499, %mul3A_1506 : vector<16xf32>
        %slice3A_1508 = vector.extract_strided_slice %get3A_1431 {offsets = [9], sizes = [1], strides = [1]} : vector<16xf32> to vector<1xf32>
        %squeeze3A_1509 = vector.extract %slice3A_1508[0] : f32 from vector<1xf32>
        %mul3A_1510 = vector.broadcast %squeeze3A_1509 : f32 to vector<16xf32>
        %mul3A_1511 = arith.mulf %mul3A_1510, %get3A_862 : vector<16xf32>
        %add3A_1512 = arith.addf %add3A_1504, %mul3A_1511 : vector<16xf32>
        %mul3A_1513 = vector.broadcast %squeeze3A_1509 : f32 to vector<16xf32>
        %mul3A_1514 = arith.mulf %mul3A_1513, %get3A_866 : vector<16xf32>
        %add3A_1515 = arith.addf %add3A_1507, %mul3A_1514 : vector<16xf32>
        %slice3A_1516 = vector.extract_strided_slice %get3A_1431 {offsets = [10], sizes = [1], strides = [1]} : vector<16xf32> to vector<1xf32>
        %squeeze3A_1517 = vector.extract %slice3A_1516[0] : f32 from vector<1xf32>
        %mul3A_1518 = vector.broadcast %squeeze3A_1517 : f32 to vector<16xf32>
        %mul3A_1519 = arith.mulf %mul3A_1518, %get3A_870 : vector<16xf32>
        %add3A_1520 = arith.addf %add3A_1512, %mul3A_1519 : vector<16xf32>
        %mul3A_1521 = vector.broadcast %squeeze3A_1517 : f32 to vector<16xf32>
        %mul3A_1522 = arith.mulf %mul3A_1521, %get3A_874 : vector<16xf32>
        %add3A_1523 = arith.addf %add3A_1515, %mul3A_1522 : vector<16xf32>
        %slice3A_1524 = vector.extract_strided_slice %get3A_1431 {offsets = [11], sizes = [1], strides = [1]} : vector<16xf32> to vector<1xf32>
        %squeeze3A_1525 = vector.extract %slice3A_1524[0] : f32 from vector<1xf32>
        %mul3A_1526 = vector.broadcast %squeeze3A_1525 : f32 to vector<16xf32>
        %mul3A_1527 = arith.mulf %mul3A_1526, %get3A_878 : vector<16xf32>
        %add3A_1528 = arith.addf %add3A_1520, %mul3A_1527 : vector<16xf32>
        %mul3A_1529 = vector.broadcast %squeeze3A_1525 : f32 to vector<16xf32>
        %mul3A_1530 = arith.mulf %mul3A_1529, %get3A_882 : vector<16xf32>
        %add3A_1531 = arith.addf %add3A_1523, %mul3A_1530 : vector<16xf32>
        %slice3A_1532 = vector.extract_strided_slice %get3A_1431 {offsets = [12], sizes = [1], strides = [1]} : vector<16xf32> to vector<1xf32>
        %squeeze3A_1533 = vector.extract %slice3A_1532[0] : f32 from vector<1xf32>
        %mul3A_1534 = vector.broadcast %squeeze3A_1533 : f32 to vector<16xf32>
        %mul3A_1535 = arith.mulf %mul3A_1534, %get3A_886 : vector<16xf32>
        %add3A_1536 = arith.addf %add3A_1528, %mul3A_1535 : vector<16xf32>
        %mul3A_1537 = vector.broadcast %squeeze3A_1533 : f32 to vector<16xf32>
        %mul3A_1538 = arith.mulf %mul3A_1537, %get3A_890 : vector<16xf32>
        %add3A_1539 = arith.addf %add3A_1531, %mul3A_1538 : vector<16xf32>
        %slice3A_1540 = vector.extract_strided_slice %get3A_1431 {offsets = [13], sizes = [1], strides = [1]} : vector<16xf32> to vector<1xf32>
        %squeeze3A_1541 = vector.extract %slice3A_1540[0] : f32 from vector<1xf32>
        %mul3A_1542 = vector.broadcast %squeeze3A_1541 : f32 to vector<16xf32>
        %mul3A_1543 = arith.mulf %mul3A_1542, %get3A_894 : vector<16xf32>
        %add3A_1544 = arith.addf %add3A_1536, %mul3A_1543 : vector<16xf32>
        %mul3A_1545 = vector.broadcast %squeeze3A_1541 : f32 to vector<16xf32>
        %mul3A_1546 = arith.mulf %mul3A_1545, %get3A_898 : vector<16xf32>
        %add3A_1547 = arith.addf %add3A_1539, %mul3A_1546 : vector<16xf32>
        %slice3A_1548 = vector.extract_strided_slice %get3A_1431 {offsets = [14], sizes = [1], strides = [1]} : vector<16xf32> to vector<1xf32>
        %squeeze3A_1549 = vector.extract %slice3A_1548[0] : f32 from vector<1xf32>
        %mul3A_1550 = vector.broadcast %squeeze3A_1549 : f32 to vector<16xf32>
        %mul3A_1551 = arith.mulf %mul3A_1550, %get3A_902 : vector<16xf32>
        %add3A_1552 = arith.addf %add3A_1544, %mul3A_1551 : vector<16xf32>
        %mul3A_1553 = vector.broadcast %squeeze3A_1549 : f32 to vector<16xf32>
        %mul3A_1554 = arith.mulf %mul3A_1553, %get3A_906 : vector<16xf32>
        %add3A_1555 = arith.addf %add3A_1547, %mul3A_1554 : vector<16xf32>
        %slice3A_1556 = vector.extract_strided_slice %get3A_1431 {offsets = [15], sizes = [1], strides = [1]} : vector<16xf32> to vector<1xf32>
        %squeeze3A_1557 = vector.extract %slice3A_1556[0] : f32 from vector<1xf32>
        %mul3A_1558 = vector.broadcast %squeeze3A_1557 : f32 to vector<16xf32>
        %mul3A_1559 = arith.mulf %mul3A_1558, %get3A_910 : vector<16xf32>
        %add3A_1560 = arith.addf %add3A_1552, %mul3A_1559 : vector<16xf32>
        %mul3A_1561 = vector.broadcast %squeeze3A_1557 : f32 to vector<16xf32>
        %mul3A_1562 = arith.mulf %mul3A_1561, %get3A_914 : vector<16xf32>
        %add3A_1563 = arith.addf %add3A_1555, %mul3A_1562 : vector<16xf32>
        %swap3A_1564 = arith.index_cast %scan3A_1428 : i32 to index
        %swap3A_1565 = arith.constant 0 : index
        %swap3A_1566 = tpu.vector_load %arg12[%swap3A_1564, %swap3A_1565] {strides = array<i32>} : memref<104x64xf32, #tpu.memory_space<vmem>>, vector<16xf32>,
        tpu.vector_store %arg12[%swap3A_1564, %swap3A_1565], %add3A_1560 {strides = array<i32>} : memref<104x64xf32, #tpu.memory_space<vmem>>, vector<16xf32>,
        %swap3A_1567 = arith.index_cast %scan3A_1428 : i32 to index
        %swap3A_1568 = arith.constant 16 : index
        %swap3A_1569 = tpu.vector_load %arg12[%swap3A_1567, %swap3A_1568] {strides = array<i32>} : memref<104x64xf32, #tpu.memory_space<vmem>>, vector<16xf32>,
        tpu.vector_store %arg12[%swap3A_1567, %swap3A_1568], %add3A_1563 {strides = array<i32>} : memref<104x64xf32, #tpu.memory_space<vmem>>, vector<16xf32>,
      }
      %scan3A_920 = arith.constant 100 : i32
      %get3A_921 = arith.constant 0 : i32
      %get3A_922 = arith.index_cast %get3A_921 : i32 to index
      %get3A_923 = arith.constant 32 : index
      %get3A_924 = tpu.vector_load %arg14[%get3A_922, %get3A_923] {strides = array<i32>} : memref<16x64xf32, #tpu.memory_space<vmem>>, vector<16xf32>,
      %get3A_925 = arith.constant 0 : i32
      %get3A_926 = arith.index_cast %get3A_925 : i32 to index
      %get3A_927 = arith.constant 48 : index
      %get3A_928 = tpu.vector_load %arg14[%get3A_926, %get3A_927] {strides = array<i32>} : memref<16x64xf32, #tpu.memory_space<vmem>>, vector<16xf32>,
      %get3A_929 = arith.constant 1 : i32
      %get3A_930 = arith.index_cast %get3A_929 : i32 to index
      %get3A_931 = arith.constant 32 : index
      %get3A_932 = tpu.vector_load %arg14[%get3A_930, %get3A_931] {strides = array<i32>} : memref<16x64xf32, #tpu.memory_space<vmem>>, vector<16xf32>,
      %get3A_933 = arith.constant 1 : i32
      %get3A_934 = arith.index_cast %get3A_933 : i32 to index
      %get3A_935 = arith.constant 48 : index
      %get3A_936 = tpu.vector_load %arg14[%get3A_934, %get3A_935] {strides = array<i32>} : memref<16x64xf32, #tpu.memory_space<vmem>>, vector<16xf32>,
      %get3A_937 = arith.constant 2 : i32
      %get3A_938 = arith.index_cast %get3A_937 : i32 to index
      %get3A_939 = arith.constant 32 : index
      %get3A_940 = tpu.vector_load %arg14[%get3A_938, %get3A_939] {strides = array<i32>} : memref<16x64xf32, #tpu.memory_space<vmem>>, vector<16xf32>,
      %get3A_941 = arith.constant 2 : i32
      %get3A_942 = arith.index_cast %get3A_941 : i32 to index
      %get3A_943 = arith.constant 48 : index
      %get3A_944 = tpu.vector_load %arg14[%get3A_942, %get3A_943] {strides = array<i32>} : memref<16x64xf32, #tpu.memory_space<vmem>>, vector<16xf32>,
      %get3A_945 = arith.constant 3 : i32
      %get3A_946 = arith.index_cast %get3A_945 : i32 to index
      %get3A_947 = arith.constant 32 : index
      %get3A_948 = tpu.vector_load %arg14[%get3A_946, %get3A_947] {strides = array<i32>} : memref<16x64xf32, #tpu.memory_space<vmem>>, vector<16xf32>,
      %get3A_949 = arith.constant 3 : i32
      %get3A_950 = arith.index_cast %get3A_949 : i32 to index
      %get3A_951 = arith.constant 48 : index
      %get3A_952 = tpu.vector_load %arg14[%get3A_950, %get3A_951] {strides = array<i32>} : memref<16x64xf32, #tpu.memory_space<vmem>>, vector<16xf32>,
      %get3A_953 = arith.constant 4 : i32
      %get3A_954 = arith.index_cast %get3A_953 : i32 to index
      %get3A_955 = arith.constant 32 : index
      %get3A_956 = tpu.vector_load %arg14[%get3A_954, %get3A_955] {strides = array<i32>} : memref<16x64xf32, #tpu.memory_space<vmem>>, vector<16xf32>,
      %get3A_957 = arith.constant 4 : i32
      %get3A_958 = arith.index_cast %get3A_957 : i32 to index
      %get3A_959 = arith.constant 48 : index
      %get3A_960 = tpu.vector_load %arg14[%get3A_958, %get3A_959] {strides = array<i32>} : memref<16x64xf32, #tpu.memory_space<vmem>>, vector<16xf32>,
      %get3A_961 = arith.constant 5 : i32
      %get3A_962 = arith.index_cast %get3A_961 : i32 to index
      %get3A_963 = arith.constant 32 : index
      %get3A_964 = tpu.vector_load %arg14[%get3A_962, %get3A_963] {strides = array<i32>} : memref<16x64xf32, #tpu.memory_space<vmem>>, vector<16xf32>,
      %get3A_965 = arith.constant 5 : i32
      %get3A_966 = arith.index_cast %get3A_965 : i32 to index
      %get3A_967 = arith.constant 48 : index
      %get3A_968 = tpu.vector_load %arg14[%get3A_966, %get3A_967] {strides = array<i32>} : memref<16x64xf32, #tpu.memory_space<vmem>>, vector<16xf32>,
      %get3A_969 = arith.constant 6 : i32
      %get3A_970 = arith.index_cast %get3A_969 : i32 to index
      %get3A_971 = arith.constant 32 : index
      %get3A_972 = tpu.vector_load %arg14[%get3A_970, %get3A_971] {strides = array<i32>} : memref<16x64xf32, #tpu.memory_space<vmem>>, vector<16xf32>,
      %get3A_973 = arith.constant 6 : i32
      %get3A_974 = arith.index_cast %get3A_973 : i32 to index
      %get3A_975 = arith.constant 48 : index
      %get3A_976 = tpu.vector_load %arg14[%get3A_974, %get3A_975] {strides = array<i32>} : memref<16x64xf32, #tpu.memory_space<vmem>>, vector<16xf32>,
      %get3A_977 = arith.constant 7 : i32
      %get3A_978 = arith.index_cast %get3A_977 : i32 to index
      %get3A_979 = arith.constant 32 : index
      %get3A_980 = tpu.vector_load %arg14[%get3A_978, %get3A_979] {strides = array<i32>} : memref<16x64xf32, #tpu.memory_space<vmem>>, vector<16xf32>,
      %get3A_981 = arith.constant 7 : i32
      %get3A_982 = arith.index_cast %get3A_981 : i32 to index
      %get3A_983 = arith.constant 48 : index
      %get3A_984 = tpu.vector_load %arg14[%get3A_982, %get3A_983] {strides = array<i32>} : memref<16x64xf32, #tpu.memory_space<vmem>>, vector<16xf32>,
      %get3A_985 = arith.constant 8 : i32
      %get3A_986 = arith.index_cast %get3A_985 : i32 to index
      %get3A_987 = arith.constant 32 : index
      %get3A_988 = tpu.vector_load %arg14[%get3A_986, %get3A_987] {strides = array<i32>} : memref<16x64xf32, #tpu.memory_space<vmem>>, vector<16xf32>,
      %get3A_989 = arith.constant 8 : i32
      %get3A_990 = arith.index_cast %get3A_989 : i32 to index
      %get3A_991 = arith.constant 48 : index
      %get3A_992 = tpu.vector_load %arg14[%get3A_990, %get3A_991] {strides = array<i32>} : memref<16x64xf32, #tpu.memory_space<vmem>>, vector<16xf32>,
      %get3A_993 = arith.constant 9 : i32
      %get3A_994 = arith.index_cast %get3A_993 : i32 to index
      %get3A_995 = arith.constant 32 : index
      %get3A_996 = tpu.vector_load %arg14[%get3A_994, %get3A_995] {strides = array<i32>} : memref<16x64xf32, #tpu.memory_space<vmem>>, vector<16xf32>,
      %get3A_997 = arith.constant 9 : i32
      %get3A_998 = arith.index_cast %get3A_997 : i32 to index
      %get3A_999 = arith.constant 48 : index
      %get3A_1000 = tpu.vector_load %arg14[%get3A_998, %get3A_999] {strides = array<i32>} : memref<16x64xf32, #tpu.memory_space<vmem>>, vector<16xf32>,
      %get3A_1001 = arith.constant 10 : i32
      %get3A_1002 = arith.index_cast %get3A_1001 : i32 to index
      %get3A_1003 = arith.constant 32 : index
      %get3A_1004 = tpu.vector_load %arg14[%get3A_1002, %get3A_1003] {strides = array<i32>} : memref<16x64xf32, #tpu.memory_space<vmem>>, vector<16xf32>,
      %get3A_1005 = arith.constant 10 : i32
      %get3A_1006 = arith.index_cast %get3A_1005 : i32 to index
      %get3A_1007 = arith.constant 48 : index
      %get3A_1008 = tpu.vector_load %arg14[%get3A_1006, %get3A_1007] {strides = array<i32>} : memref<16x64xf32, #tpu.memory_space<vmem>>, vector<16xf32>,
      %get3A_1009 = arith.constant 11 : i32
      %get3A_1010 = arith.index_cast %get3A_1009 : i32 to index
      %get3A_1011 = arith.constant 32 : index
      %get3A_1012 = tpu.vector_load %arg14[%get3A_1010, %get3A_1011] {strides = array<i32>} : memref<16x64xf32, #tpu.memory_space<vmem>>, vector<16xf32>,
      %get3A_1013 = arith.constant 11 : i32
      %get3A_1014 = arith.index_cast %get3A_1013 : i32 to index
      %get3A_1015 = arith.constant 48 : index
      %get3A_1016 = tpu.vector_load %arg14[%get3A_1014, %get3A_1015] {strides = array<i32>} : memref<16x64xf32, #tpu.memory_space<vmem>>, vector<16xf32>,
      %get3A_1017 = arith.constant 12 : i32
      %get3A_1018 = arith.index_cast %get3A_1017 : i32 to index
      %get3A_1019 = arith.constant 32 : index
      %get3A_1020 = tpu.vector_load %arg14[%get3A_1018, %get3A_1019] {strides = array<i32>} : memref<16x64xf32, #tpu.memory_space<vmem>>, vector<16xf32>,
      %get3A_1021 = arith.constant 12 : i32
      %get3A_1022 = arith.index_cast %get3A_1021 : i32 to index
      %get3A_1023 = arith.constant 48 : index
      %get3A_1024 = tpu.vector_load %arg14[%get3A_1022, %get3A_1023] {strides = array<i32>} : memref<16x64xf32, #tpu.memory_space<vmem>>, vector<16xf32>,
      %get3A_1025 = arith.constant 13 : i32
      %get3A_1026 = arith.index_cast %get3A_1025 : i32 to index
      %get3A_1027 = arith.constant 32 : index
      %get3A_1028 = tpu.vector_load %arg14[%get3A_1026, %get3A_1027] {strides = array<i32>} : memref<16x64xf32, #tpu.memory_space<vmem>>, vector<16xf32>,
      %get3A_1029 = arith.constant 13 : i32
      %get3A_1030 = arith.index_cast %get3A_1029 : i32 to index
      %get3A_1031 = arith.constant 48 : index
      %get3A_1032 = tpu.vector_load %arg14[%get3A_1030, %get3A_1031] {strides = array<i32>} : memref<16x64xf32, #tpu.memory_space<vmem>>, vector<16xf32>,
      %get3A_1033 = arith.constant 14 : i32
      %get3A_1034 = arith.index_cast %get3A_1033 : i32 to index
      %get3A_1035 = arith.constant 32 : index
      %get3A_1036 = tpu.vector_load %arg14[%get3A_1034, %get3A_1035] {strides = array<i32>} : memref<16x64xf32, #tpu.memory_space<vmem>>, vector<16xf32>,
      %get3A_1037 = arith.constant 14 : i32
      %get3A_1038 = arith.index_cast %get3A_1037 : i32 to index
      %get3A_1039 = arith.constant 48 : index
      %get3A_1040 = tpu.vector_load %arg14[%get3A_1038, %get3A_1039] {strides = array<i32>} : memref<16x64xf32, #tpu.memory_space<vmem>>, vector<16xf32>,
      %get3A_1041 = arith.constant 15 : i32
      %get3A_1042 = arith.index_cast %get3A_1041 : i32 to index
      %get3A_1043 = arith.constant 32 : index
      %get3A_1044 = tpu.vector_load %arg14[%get3A_1042, %get3A_1043] {strides = array<i32>} : memref<16x64xf32, #tpu.memory_space<vmem>>, vector<16xf32>,
      %get3A_1045 = arith.constant 15 : i32
      %get3A_1046 = arith.index_cast %get3A_1045 : i32 to index
      %get3A_1047 = arith.constant 48 : index
      %get3A_1048 = tpu.vector_load %arg14[%get3A_1046, %get3A_1047] {strides = array<i32>} : memref<16x64xf32, #tpu.memory_space<vmem>>, vector<16xf32>,
      %scan3A_1049 = arith.constant 0 : i32
      %scan3A_1050 = arith.constant 0 : i32
      %scan3A_1051 = arith.constant 100 : i32
      %scan3A_1052 = arith.addi %scan3A_1050, %scan3A_1051 : i32
      %scan3A_1053 = arith.constant 1 : i32
      scf.for %scan3A_1428 = %scan3A_1050 to %scan3A_1052 step %scan3A_1053  : i32 {
        %get3A_1429 = arith.index_cast %scan3A_1428 : i32 to index
        %get3A_1430 = arith.constant 64 : index
        %get3A_1431 = tpu.vector_load %arg10[%get3A_1429, %get3A_1430] {strides = array<i32>} : memref<128x128xf32, #tpu.memory_space<vmem>>, vector<16xf32>,
        %get3A_1432 = arith.index_cast %scan3A_1428 : i32 to index
        %get3A_1433 = arith.constant 32 : index
        %get3A_1434 = tpu.vector_load %arg10[%get3A_1432, %get3A_1433] {strides = array<i32>} : memref<128x128xf32, #tpu.memory_space<vmem>>, vector<16xf32>,
        %get3A_1435 = arith.index_cast %scan3A_1428 : i32 to index
        %get3A_1436 = arith.constant 48 : index
        %get3A_1437 = tpu.vector_load %arg10[%get3A_1435, %get3A_1436] {strides = array<i32>} : memref<128x128xf32, #tpu.memory_space<vmem>>, vector<16xf32>,
        %slice3A = vector.extract_strided_slice %get3A_1431 {offsets = [0], sizes = [1], strides = [1]} : vector<16xf32> to vector<1xf32>
        %squeeze3A = vector.extract %slice3A[0] : f32 from vector<1xf32>
        %mul3A_1438 = vector.broadcast %squeeze3A : f32 to vector<16xf32>
        %mul3A_1439 = arith.mulf %mul3A_1438, %get3A_924 : vector<16xf32>
        %add3A_1440 = arith.addf %get3A_1434, %mul3A_1439 : vector<16xf32>
        %mul3A_1441 = vector.broadcast %squeeze3A : f32 to vector<16xf32>
        %mul3A_1442 = arith.mulf %mul3A_1441, %get3A_928 : vector<16xf32>
        %add3A_1443 = arith.addf %get3A_1437, %mul3A_1442 : vector<16xf32>
        %slice3A_1444 = vector.extract_strided_slice %get3A_1431 {offsets = [1], sizes = [1], strides = [1]} : vector<16xf32> to vector<1xf32>
        %squeeze3A_1445 = vector.extract %slice3A_1444[0] : f32 from vector<1xf32>
        %mul3A_1446 = vector.broadcast %squeeze3A_1445 : f32 to vector<16xf32>
        %mul3A_1447 = arith.mulf %mul3A_1446, %get3A_932 : vector<16xf32>
        %add3A_1448 = arith.addf %add3A_1440, %mul3A_1447 : vector<16xf32>
        %mul3A_1449 = vector.broadcast %squeeze3A_1445 : f32 to vector<16xf32>
        %mul3A_1450 = arith.mulf %mul3A_1449, %get3A_936 : vector<16xf32>
        %add3A_1451 = arith.addf %add3A_1443, %mul3A_1450 : vector<16xf32>
        %slice3A_1452 = vector.extract_strided_slice %get3A_1431 {offsets = [2], sizes = [1], strides = [1]} : vector<16xf32> to vector<1xf32>
        %squeeze3A_1453 = vector.extract %slice3A_1452[0] : f32 from vector<1xf32>
        %mul3A_1454 = vector.broadcast %squeeze3A_1453 : f32 to vector<16xf32>
        %mul3A_1455 = arith.mulf %mul3A_1454, %get3A_940 : vector<16xf32>
        %add3A_1456 = arith.addf %add3A_1448, %mul3A_1455 : vector<16xf32>
        %mul3A_1457 = vector.broadcast %squeeze3A_1453 : f32 to vector<16xf32>
        %mul3A_1458 = arith.mulf %mul3A_1457, %get3A_944 : vector<16xf32>
        %add3A_1459 = arith.addf %add3A_1451, %mul3A_1458 : vector<16xf32>
        %slice3A_1460 = vector.extract_strided_slice %get3A_1431 {offsets = [3], sizes = [1], strides = [1]} : vector<16xf32> to vector<1xf32>
        %squeeze3A_1461 = vector.extract %slice3A_1460[0] : f32 from vector<1xf32>
        %mul3A_1462 = vector.broadcast %squeeze3A_1461 : f32 to vector<16xf32>
        %mul3A_1463 = arith.mulf %mul3A_1462, %get3A_948 : vector<16xf32>
        %add3A_1464 = arith.addf %add3A_1456, %mul3A_1463 : vector<16xf32>
        %mul3A_1465 = vector.broadcast %squeeze3A_1461 : f32 to vector<16xf32>
        %mul3A_1466 = arith.mulf %mul3A_1465, %get3A_952 : vector<16xf32>
        %add3A_1467 = arith.addf %add3A_1459, %mul3A_1466 : vector<16xf32>
        %slice3A_1468 = vector.extract_strided_slice %get3A_1431 {offsets = [4], sizes = [1], strides = [1]} : vector<16xf32> to vector<1xf32>
        %squeeze3A_1469 = vector.extract %slice3A_1468[0] : f32 from vector<1xf32>
        %mul3A_1470 = vector.broadcast %squeeze3A_1469 : f32 to vector<16xf32>
        %mul3A_1471 = arith.mulf %mul3A_1470, %get3A_956 : vector<16xf32>
        %add3A_1472 = arith.addf %add3A_1464, %mul3A_1471 : vector<16xf32>
        %mul3A_1473 = vector.broadcast %squeeze3A_1469 : f32 to vector<16xf32>
        %mul3A_1474 = arith.mulf %mul3A_1473, %get3A_960 : vector<16xf32>
        %add3A_1475 = arith.addf %add3A_1467, %mul3A_1474 : vector<16xf32>
        %slice3A_1476 = vector.extract_strided_slice %get3A_1431 {offsets = [5], sizes = [1], strides = [1]} : vector<16xf32> to vector<1xf32>
        %squeeze3A_1477 = vector.extract %slice3A_1476[0] : f32 from vector<1xf32>
        %mul3A_1478 = vector.broadcast %squeeze3A_1477 : f32 to vector<16xf32>
        %mul3A_1479 = arith.mulf %mul3A_1478, %get3A_964 : vector<16xf32>
        %add3A_1480 = arith.addf %add3A_1472, %mul3A_1479 : vector<16xf32>
        %mul3A_1481 = vector.broadcast %squeeze3A_1477 : f32 to vector<16xf32>
        %mul3A_1482 = arith.mulf %mul3A_1481, %get3A_968 : vector<16xf32>
        %add3A_1483 = arith.addf %add3A_1475, %mul3A_1482 : vector<16xf32>
        %slice3A_1484 = vector.extract_strided_slice %get3A_1431 {offsets = [6], sizes = [1], strides = [1]} : vector<16xf32> to vector<1xf32>
        %squeeze3A_1485 = vector.extract %slice3A_1484[0] : f32 from vector<1xf32>
        %mul3A_1486 = vector.broadcast %squeeze3A_1485 : f32 to vector<16xf32>
        %mul3A_1487 = arith.mulf %mul3A_1486, %get3A_972 : vector<16xf32>
        %add3A_1488 = arith.addf %add3A_1480, %mul3A_1487 : vector<16xf32>
        %mul3A_1489 = vector.broadcast %squeeze3A_1485 : f32 to vector<16xf32>
        %mul3A_1490 = arith.mulf %mul3A_1489, %get3A_976 : vector<16xf32>
        %add3A_1491 = arith.addf %add3A_1483, %mul3A_1490 : vector<16xf32>
        %slice3A_1492 = vector.extract_strided_slice %get3A_1431 {offsets = [7], sizes = [1], strides = [1]} : vector<16xf32> to vector<1xf32>
        %squeeze3A_1493 = vector.extract %slice3A_1492[0] : f32 from vector<1xf32>
        %mul3A_1494 = vector.broadcast %squeeze3A_1493 : f32 to vector<16xf32>
        %mul3A_1495 = arith.mulf %mul3A_1494, %get3A_980 : vector<16xf32>
        %add3A_1496 = arith.addf %add3A_1488, %mul3A_1495 : vector<16xf32>
        %mul3A_1497 = vector.broadcast %squeeze3A_1493 : f32 to vector<16xf32>
        %mul3A_1498 = arith.mulf %mul3A_1497, %get3A_984 : vector<16xf32>
        %add3A_1499 = arith.addf %add3A_1491, %mul3A_1498 : vector<16xf32>
        %slice3A_1500 = vector.extract_strided_slice %get3A_1431 {offsets = [8], sizes = [1], strides = [1]} : vector<16xf32> to vector<1xf32>
        %squeeze3A_1501 = vector.extract %slice3A_1500[0] : f32 from vector<1xf32>
        %mul3A_1502 = vector.broadcast %squeeze3A_1501 : f32 to vector<16xf32>
        %mul3A_1503 = arith.mulf %mul3A_1502, %get3A_988 : vector<16xf32>
        %add3A_1504 = arith.addf %add3A_1496, %mul3A_1503 : vector<16xf32>
        %mul3A_1505 = vector.broadcast %squeeze3A_1501 : f32 to vector<16xf32>
        %mul3A_1506 = arith.mulf %mul3A_1505, %get3A_992 : vector<16xf32>
        %add3A_1507 = arith.addf %add3A_1499, %mul3A_1506 : vector<16xf32>
        %slice3A_1508 = vector.extract_strided_slice %get3A_1431 {offsets = [9], sizes = [1], strides = [1]} : vector<16xf32> to vector<1xf32>
        %squeeze3A_1509 = vector.extract %slice3A_1508[0] : f32 from vector<1xf32>
        %mul3A_1510 = vector.broadcast %squeeze3A_1509 : f32 to vector<16xf32>
        %mul3A_1511 = arith.mulf %mul3A_1510, %get3A_996 : vector<16xf32>
        %add3A_1512 = arith.addf %add3A_1504, %mul3A_1511 : vector<16xf32>
        %mul3A_1513 = vector.broadcast %squeeze3A_1509 : f32 to vector<16xf32>
        %mul3A_1514 = arith.mulf %mul3A_1513, %get3A_1000 : vector<16xf32>
        %add3A_1515 = arith.addf %add3A_1507, %mul3A_1514 : vector<16xf32>
        %slice3A_1516 = vector.extract_strided_slice %get3A_1431 {offsets = [10], sizes = [1], strides = [1]} : vector<16xf32> to vector<1xf32>
        %squeeze3A_1517 = vector.extract %slice3A_1516[0] : f32 from vector<1xf32>
        %mul3A_1518 = vector.broadcast %squeeze3A_1517 : f32 to vector<16xf32>
        %mul3A_1519 = arith.mulf %mul3A_1518, %get3A_1004 : vector<16xf32>
        %add3A_1520 = arith.addf %add3A_1512, %mul3A_1519 : vector<16xf32>
        %mul3A_1521 = vector.broadcast %squeeze3A_1517 : f32 to vector<16xf32>
        %mul3A_1522 = arith.mulf %mul3A_1521, %get3A_1008 : vector<16xf32>
        %add3A_1523 = arith.addf %add3A_1515, %mul3A_1522 : vector<16xf32>
        %slice3A_1524 = vector.extract_strided_slice %get3A_1431 {offsets = [11], sizes = [1], strides = [1]} : vector<16xf32> to vector<1xf32>
        %squeeze3A_1525 = vector.extract %slice3A_1524[0] : f32 from vector<1xf32>
        %mul3A_1526 = vector.broadcast %squeeze3A_1525 : f32 to vector<16xf32>
        %mul3A_1527 = arith.mulf %mul3A_1526, %get3A_1012 : vector<16xf32>
        %add3A_1528 = arith.addf %add3A_1520, %mul3A_1527 : vector<16xf32>
        %mul3A_1529 = vector.broadcast %squeeze3A_1525 : f32 to vector<16xf32>
        %mul3A_1530 = arith.mulf %mul3A_1529, %get3A_1016 : vector<16xf32>
        %add3A_1531 = arith.addf %add3A_1523, %mul3A_1530 : vector<16xf32>
        %slice3A_1532 = vector.extract_strided_slice %get3A_1431 {offsets = [12], sizes = [1], strides = [1]} : vector<16xf32> to vector<1xf32>
        %squeeze3A_1533 = vector.extract %slice3A_1532[0] : f32 from vector<1xf32>
        %mul3A_1534 = vector.broadcast %squeeze3A_1533 : f32 to vector<16xf32>
        %mul3A_1535 = arith.mulf %mul3A_1534, %get3A_1020 : vector<16xf32>
        %add3A_1536 = arith.addf %add3A_1528, %mul3A_1535 : vector<16xf32>
        %mul3A_1537 = vector.broadcast %squeeze3A_1533 : f32 to vector<16xf32>
        %mul3A_1538 = arith.mulf %mul3A_1537, %get3A_1024 : vector<16xf32>
        %add3A_1539 = arith.addf %add3A_1531, %mul3A_1538 : vector<16xf32>
        %slice3A_1540 = vector.extract_strided_slice %get3A_1431 {offsets = [13], sizes = [1], strides = [1]} : vector<16xf32> to vector<1xf32>
        %squeeze3A_1541 = vector.extract %slice3A_1540[0] : f32 from vector<1xf32>
        %mul3A_1542 = vector.broadcast %squeeze3A_1541 : f32 to vector<16xf32>
        %mul3A_1543 = arith.mulf %mul3A_1542, %get3A_1028 : vector<16xf32>
        %add3A_1544 = arith.addf %add3A_1536, %mul3A_1543 : vector<16xf32>
        %mul3A_1545 = vector.broadcast %squeeze3A_1541 : f32 to vector<16xf32>
        %mul3A_1546 = arith.mulf %mul3A_1545, %get3A_1032 : vector<16xf32>
        %add3A_1547 = arith.addf %add3A_1539, %mul3A_1546 : vector<16xf32>
        %slice3A_1548 = vector.extract_strided_slice %get3A_1431 {offsets = [14], sizes = [1], strides = [1]} : vector<16xf32> to vector<1xf32>
        %squeeze3A_1549 = vector.extract %slice3A_1548[0] : f32 from vector<1xf32>
        %mul3A_1550 = vector.broadcast %squeeze3A_1549 : f32 to vector<16xf32>
        %mul3A_1551 = arith.mulf %mul3A_1550, %get3A_1036 : vector<16xf32>
        %add3A_1552 = arith.addf %add3A_1544, %mul3A_1551 : vector<16xf32>
        %mul3A_1553 = vector.broadcast %squeeze3A_1549 : f32 to vector<16xf32>
        %mul3A_1554 = arith.mulf %mul3A_1553, %get3A_1040 : vector<16xf32>
        %add3A_1555 = arith.addf %add3A_1547, %mul3A_1554 : vector<16xf32>
        %slice3A_1556 = vector.extract_strided_slice %get3A_1431 {offsets = [15], sizes = [1], strides = [1]} : vector<16xf32> to vector<1xf32>
        %squeeze3A_1557 = vector.extract %slice3A_1556[0] : f32 from vector<1xf32>
        %mul3A_1558 = vector.broadcast %squeeze3A_1557 : f32 to vector<16xf32>
        %mul3A_1559 = arith.mulf %mul3A_1558, %get3A_1044 : vector<16xf32>
        %add3A_1560 = arith.addf %add3A_1552, %mul3A_1559 : vector<16xf32>
        %mul3A_1561 = vector.broadcast %squeeze3A_1557 : f32 to vector<16xf32>
        %mul3A_1562 = arith.mulf %mul3A_1561, %get3A_1048 : vector<16xf32>
        %add3A_1563 = arith.addf %add3A_1555, %mul3A_1562 : vector<16xf32>
        %swap3A_1564 = arith.index_cast %scan3A_1428 : i32 to index
        %swap3A_1565 = arith.constant 32 : index
        %swap3A_1566 = tpu.vector_load %arg12[%swap3A_1564, %swap3A_1565] {strides = array<i32>} : memref<104x64xf32, #tpu.memory_space<vmem>>, vector<16xf32>,
        tpu.vector_store %arg12[%swap3A_1564, %swap3A_1565], %add3A_1560 {strides = array<i32>} : memref<104x64xf32, #tpu.memory_space<vmem>>, vector<16xf32>,
        %swap3A_1567 = arith.index_cast %scan3A_1428 : i32 to index
        %swap3A_1568 = arith.constant 48 : index
        %swap3A_1569 = tpu.vector_load %arg12[%swap3A_1567, %swap3A_1568] {strides = array<i32>} : memref<104x64xf32, #tpu.memory_space<vmem>>, vector<16xf32>,
        tpu.vector_store %arg12[%swap3A_1567, %swap3A_1568], %add3A_1563 {strides = array<i32>} : memref<104x64xf32, #tpu.memory_space<vmem>>, vector<16xf32>,
      }
      %scan3A_1054 = arith.constant 100 : i32
      %mul3A_1055 = arith.constant 2 : i32
      %mul3A_1056 = arith.muli %mul3A_1055, %add3A_775 : i32
      %add3A_1057 = arith.addi %mul3A_2, %mul3A_1056 : i32
      %add3A_1058 = arith.constant 0 : i32
      %add3A_1059 = arith.addi %add3A_1057, %add3A_1058 : i32
      %dma_start3A_1060 = arith.constant 0 : i32
      %dma_start3A_1061 = arith.constant 0 : i32
      %dma_start3A_1062 = tpu.memref_slice %arg12[%dma_start3A_1060, %dma_start3A_1061] : memref<104x64xf32, #tpu.memory_space<vmem>> -> memref<50x64xf32, #tpu.memory_space<vmem>>
      %dma_start3A_1063 = arith.constant 0 : i32
      %dma_start3A_1064 = arith.constant 0 : i32
      %dma_start3A_1065 = tpu.memref_slice %arg5[%add3A_1059, %dma_start3A_1063, %dma_start3A_1064] : memref<4096x50x64xf32, #tpu.memory_space<hbm>> -> memref<1x50x64xf32, #tpu.memory_space<hbm>>
      %dma_start3A_1066 = tpu.memref_squeeze %dma_start3A_1065 : memref<1x50x64xf32, #tpu.memory_space<hbm>> -> memref<50x64xf32, #tpu.memory_space<hbm>>
      %dma_start3A_1067 = arith.constant 0 : i32
      %dma_start3A_1068 = arith.constant 0 : i32
      %dma_start3A_1069 = tpu.memref_slice %arg5[%add3A_1059, %dma_start3A_1067, %dma_start3A_1068] : memref<4096x50x64xf32, #tpu.memory_space<hbm>> -> memref<1x50x64xf32, #tpu.memory_space<hbm>>
      %dma_start3A_1070 = tpu.memref_squeeze %dma_start3A_1069 : memref<1x50x64xf32, #tpu.memory_space<hbm>> -> memref<50x64xf32, #tpu.memory_space<hbm>>
      %dma_start3A_1071 = arith.constant 0 : i32
      %dma_start3A_1072 = arith.constant 0 : i32
      %dma_start3A_1073 = tpu.memref_slice %arg12[%dma_start3A_1071, %dma_start3A_1072] : memref<104x64xf32, #tpu.memory_space<vmem>> -> memref<50x64xf32, #tpu.memory_space<vmem>>
      tpu.enqueue_dma source(%dma_start3A_1073 : memref<50x64xf32, #tpu.memory_space<vmem>>) target(%dma_start3A_1070 : memref<50x64xf32, #tpu.memory_space<hbm>>) target_semaphore(%arg19 : memref<!tpu.dma_semaphore, #tpu.memory_space<semaphore_mem>>)
      %mul3A_1074 = arith.constant 2 : i32
      %mul3A_1075 = arith.muli %mul3A_1074, %add3A_775 : i32
      %add3A_1076 = arith.addi %mul3A_2, %mul3A_1075 : i32
      %add3A_1077 = arith.constant 1 : i32
      %add3A_1078 = arith.addi %add3A_1076, %add3A_1077 : i32
      %dma_start3A_1079 = arith.constant 50 : i32
      %dma_start3A_1080 = arith.constant 0 : i32
      %dma_start3A_1081 = tpu.memref_slice %arg12[%dma_start3A_1079, %dma_start3A_1080] : memref<104x64xf32, #tpu.memory_space<vmem>> -> memref<50x64xf32, #tpu.memory_space<vmem>>
      %dma_start3A_1082 = arith.constant 0 : i32
      %dma_start3A_1083 = arith.constant 0 : i32
      %dma_start3A_1084 = tpu.memref_slice %arg5[%add3A_1078, %dma_start3A_1082, %dma_start3A_1083] : memref<4096x50x64xf32, #tpu.memory_space<hbm>> -> memref<1x50x64xf32, #tpu.memory_space<hbm>>
      %dma_start3A_1085 = tpu.memref_squeeze %dma_start3A_1084 : memref<1x50x64xf32, #tpu.memory_space<hbm>> -> memref<50x64xf32, #tpu.memory_space<hbm>>
      %dma_start3A_1086 = arith.constant 0 : i32
      %dma_start3A_1087 = arith.constant 0 : i32
      %dma_start3A_1088 = tpu.memref_slice %arg5[%add3A_1078, %dma_start3A_1086, %dma_start3A_1087] : memref<4096x50x64xf32, #tpu.memory_space<hbm>> -> memref<1x50x64xf32, #tpu.memory_space<hbm>>
      %dma_start3A_1089 = tpu.memref_squeeze %dma_start3A_1088 : memref<1x50x64xf32, #tpu.memory_space<hbm>> -> memref<50x64xf32, #tpu.memory_space<hbm>>
      %dma_start3A_1090 = arith.constant 50 : i32
      %dma_start3A_1091 = arith.constant 0 : i32
      %dma_start3A_1092 = tpu.memref_slice %arg12[%dma_start3A_1090, %dma_start3A_1091] : memref<104x64xf32, #tpu.memory_space<vmem>> -> memref<50x64xf32, #tpu.memory_space<vmem>>
      tpu.enqueue_dma source(%dma_start3A_1092 : memref<50x64xf32, #tpu.memory_space<vmem>>) target(%dma_start3A_1089 : memref<50x64xf32, #tpu.memory_space<hbm>>) target_semaphore(%arg19 : memref<!tpu.dma_semaphore, #tpu.memory_space<semaphore_mem>>)
      %add3A_1093 = arith.constant 4 : i32
      %add3A_1094 = arith.addi %add3A_775, %add3A_1093 : i32
      %lt3A_1095 = arith.constant 64 : i32
      %lt3A_1096 = arith.cmpi slt, %add3A_1094, %lt3A_1095 : i32
      %convert_element_type3A_1097 = arith.extui %lt3A_1096 : i1 to i32
      %cond3A_1098 = arith.constant 0 : i32
      %cond3A_1099 = arith.cmpi ne, %convert_element_type3A_1097, %cond3A_1098 : i32
      scf.if %cond3A_1099 {
        %add3A_1428 = arith.constant 4 : i32
        %add3A_1429 = arith.addi %add3A_775, %add3A_1428 : i32
        %dma_start3A_1430 = arith.constant 0 : i32
        %dma_start3A_1431 = tpu.memref_slice %arg7[%add3A_1429, %dma_start3A_1430] : memref<64x128xi32, #tpu.memory_space<vmem>> -> memref<1x128xi32, #tpu.memory_space<vmem>>
        %dma_start3A_1432 = tpu.memref_squeeze %dma_start3A_1431 : memref<1x128xi32, #tpu.memory_space<vmem>> -> memref<128xi32, #tpu.memory_space<vmem>>
        %dma_start3A_1433 = arith.constant 0 : i32
        %dma_start3A_1434 = arith.constant 0 : i32
        %dma_start3A_1435 = tpu.memref_slice %arg3[%dma_start3A_1433, %dma_start3A_1434] : memref<1000000x128xf32, #tpu.memory_space<hbm>> -> memref<1000000x128xf32, #tpu.memory_space<hbm>>
        tpu.enqueue_indirect_dma source(%dma_start3A_1435 : memref<1000000x128xf32, #tpu.memory_space<hbm>>) target(%arg10 : memref<128x128xf32, #tpu.memory_space<vmem>>) offsets(%dma_start3A_1432 : memref<128xi32, #tpu.memory_space<vmem>>) semaphore(%arg17 : memref<!tpu.dma_semaphore, #tpu.memory_space<semaphore_mem>>)
      } else {
      }
      %mul3A_1100 = arith.constant 4 : i32
      %mul3A_1101 = arith.muli %mul3A_1100, %scan3A_120 : i32
      %add3A_1102 = arith.constant 3 : i32
      %add3A_1103 = arith.addi %mul3A_1101, %add3A_1102 : i32
      %dma_wait3A_1104 = arith.constant 0 : i32
      %dma_wait3A_1105 = tpu.memref_slice %arg7[%add3A_1103, %dma_wait3A_1104] : memref<64x128xi32, #tpu.memory_space<vmem>> -> memref<1x128xi32, #tpu.memory_space<vmem>>
      %dma_wait3A_1106 = tpu.memref_squeeze %dma_wait3A_1105 : memref<1x128xi32, #tpu.memory_space<vmem>> -> memref<128xi32, #tpu.memory_space<vmem>>
      %dma_wait3A_1107 = arith.constant 0 : i32
      %dma_wait3A_1108 = arith.constant 0 : i32
      %dma_wait3A_1109 = tpu.memref_slice %arg3[%dma_wait3A_1107, %dma_wait3A_1108] : memref<1000000x128xf32, #tpu.memory_space<hbm>> -> memref<1000000x128xf32, #tpu.memory_space<hbm>>
      tpu.wait_indirect_dma semaphore(%arg18 : memref<!tpu.dma_semaphore, #tpu.memory_space<semaphore_mem>>) src(%dma_wait3A_1109 : memref<1000000x128xf32, #tpu.memory_space<hbm>>) dst(%arg11 : memref<128x128xf32, #tpu.memory_space<vmem>>)
      %ge3A_1110 = arith.constant 2 : i32
      %ge3A_1111 = arith.cmpi sge, %add3A_1103, %ge3A_1110 : i32
      %convert_element_type3A_1112 = arith.extui %ge3A_1111 : i1 to i32
      %cond3A_1113 = arith.constant 0 : i32
      %cond3A_1114 = arith.cmpi ne, %convert_element_type3A_1112, %cond3A_1113 : i32
      scf.if %cond3A_1114 {
        %add3A_1428 = arith.constant 0 : i32
        %add3A_1429 = arith.addi %mul3A_2, %add3A_1428 : i32
        %dma_wait3A_1430 = arith.constant 0 : i32
        %dma_wait3A_1431 = arith.constant 0 : i32
        %dma_wait3A_1432 = tpu.memref_slice %arg13[%dma_wait3A_1430, %dma_wait3A_1431] : memref<104x64xf32, #tpu.memory_space<vmem>> -> memref<50x64xf32, #tpu.memory_space<vmem>>
        %dma_wait3A_1433 = arith.constant 0 : i32
        %dma_wait3A_1434 = arith.constant 0 : i32
        %dma_wait3A_1435 = tpu.memref_slice %arg5[%add3A_1429, %dma_wait3A_1433, %dma_wait3A_1434] : memref<4096x50x64xf32, #tpu.memory_space<hbm>> -> memref<1x50x64xf32, #tpu.memory_space<hbm>>
        %dma_wait3A_1436 = tpu.memref_squeeze %dma_wait3A_1435 : memref<1x50x64xf32, #tpu.memory_space<hbm>> -> memref<50x64xf32, #tpu.memory_space<hbm>>
        %dma_wait3A_1437 = arith.constant 0 : i32
        %dma_wait3A_1438 = arith.constant 0 : i32
        %dma_wait3A_1439 = tpu.memref_slice %arg5[%add3A_1429, %dma_wait3A_1437, %dma_wait3A_1438] : memref<4096x50x64xf32, #tpu.memory_space<hbm>> -> memref<1x50x64xf32, #tpu.memory_space<hbm>>
        %dma_wait3A_1440 = tpu.memref_squeeze %dma_wait3A_1439 : memref<1x50x64xf32, #tpu.memory_space<hbm>> -> memref<50x64xf32, #tpu.memory_space<hbm>>
        %dma_wait3A_1441 = arith.constant 0 : i32
        %dma_wait3A_1442 = arith.constant 0 : i32
        %dma_wait3A_1443 = tpu.memref_slice %arg13[%dma_wait3A_1441, %dma_wait3A_1442] : memref<104x64xf32, #tpu.memory_space<vmem>> -> memref<50x64xf32, #tpu.memory_space<vmem>>
        tpu.wait_dma2 semaphore(%arg20 : memref<!tpu.dma_semaphore, #tpu.memory_space<semaphore_mem>>) src(%dma_wait3A_1443 : memref<50x64xf32, #tpu.memory_space<vmem>>) dst(%dma_wait3A_1440 : memref<50x64xf32, #tpu.memory_space<hbm>>)
        %add3A_1444 = arith.constant 1 : i32
        %add3A_1445 = arith.addi %mul3A_2, %add3A_1444 : i32
        %dma_wait3A_1446 = arith.constant 50 : i32
        %dma_wait3A_1447 = arith.constant 0 : i32
        %dma_wait3A_1448 = tpu.memref_slice %arg13[%dma_wait3A_1446, %dma_wait3A_1447] : memref<104x64xf32, #tpu.memory_space<vmem>> -> memref<50x64xf32, #tpu.memory_space<vmem>>
        %dma_wait3A_1449 = arith.constant 0 : i32
        %dma_wait3A_1450 = arith.constant 0 : i32
        %dma_wait3A_1451 = tpu.memref_slice %arg5[%add3A_1445, %dma_wait3A_1449, %dma_wait3A_1450] : memref<4096x50x64xf32, #tpu.memory_space<hbm>> -> memref<1x50x64xf32, #tpu.memory_space<hbm>>
        %dma_wait3A_1452 = tpu.memref_squeeze %dma_wait3A_1451 : memref<1x50x64xf32, #tpu.memory_space<hbm>> -> memref<50x64xf32, #tpu.memory_space<hbm>>
        %dma_wait3A_1453 = arith.constant 0 : i32
        %dma_wait3A_1454 = arith.constant 0 : i32
        %dma_wait3A_1455 = tpu.memref_slice %arg5[%add3A_1445, %dma_wait3A_1453, %dma_wait3A_1454] : memref<4096x50x64xf32, #tpu.memory_space<hbm>> -> memref<1x50x64xf32, #tpu.memory_space<hbm>>
        %dma_wait3A_1456 = tpu.memref_squeeze %dma_wait3A_1455 : memref<1x50x64xf32, #tpu.memory_space<hbm>> -> memref<50x64xf32, #tpu.memory_space<hbm>>
        %dma_wait3A_1457 = arith.constant 50 : i32
        %dma_wait3A_1458 = arith.constant 0 : i32
        %dma_wait3A_1459 = tpu.memref_slice %arg13[%dma_wait3A_1457, %dma_wait3A_1458] : memref<104x64xf32, #tpu.memory_space<vmem>> -> memref<50x64xf32, #tpu.memory_space<vmem>>
        tpu.wait_dma2 semaphore(%arg20 : memref<!tpu.dma_semaphore, #tpu.memory_space<semaphore_mem>>) src(%dma_wait3A_1459 : memref<50x64xf32, #tpu.memory_space<vmem>>) dst(%dma_wait3A_1456 : memref<50x64xf32, #tpu.memory_space<hbm>>)
      } else {
      }
      %get3A_1115 = arith.constant 0 : i32
      %get3A_1116 = arith.index_cast %get3A_1115 : i32 to index
      %get3A_1117 = arith.constant 0 : index
      %get3A_1118 = tpu.vector_load %arg14[%get3A_1116, %get3A_1117] {strides = array<i32>} : memref<16x64xf32, #tpu.memory_space<vmem>>, vector<16xf32>,
      %get3A_1119 = arith.constant 0 : i32
      %get3A_1120 = arith.index_cast %get3A_1119 : i32 to index
      %get3A_1121 = arith.constant 16 : index
      %get3A_1122 = tpu.vector_load %arg14[%get3A_1120, %get3A_1121] {strides = array<i32>} : memref<16x64xf32, #tpu.memory_space<vmem>>, vector<16xf32>,
      %get3A_1123 = arith.constant 1 : i32
      %get3A_1124 = arith.index_cast %get3A_1123 : i32 to index
      %get3A_1125 = arith.constant 0 : index
      %get3A_1126 = tpu.vector_load %arg14[%get3A_1124, %get3A_1125] {strides = array<i32>} : memref<16x64xf32, #tpu.memory_space<vmem>>, vector<16xf32>,
      %get3A_1127 = arith.constant 1 : i32
      %get3A_1128 = arith.index_cast %get3A_1127 : i32 to index
      %get3A_1129 = arith.constant 16 : index
      %get3A_1130 = tpu.vector_load %arg14[%get3A_1128, %get3A_1129] {strides = array<i32>} : memref<16x64xf32, #tpu.memory_space<vmem>>, vector<16xf32>,
      %get3A_1131 = arith.constant 2 : i32
      %get3A_1132 = arith.index_cast %get3A_1131 : i32 to index
      %get3A_1133 = arith.constant 0 : index
      %get3A_1134 = tpu.vector_load %arg14[%get3A_1132, %get3A_1133] {strides = array<i32>} : memref<16x64xf32, #tpu.memory_space<vmem>>, vector<16xf32>,
      %get3A_1135 = arith.constant 2 : i32
      %get3A_1136 = arith.index_cast %get3A_1135 : i32 to index
      %get3A_1137 = arith.constant 16 : index
      %get3A_1138 = tpu.vector_load %arg14[%get3A_1136, %get3A_1137] {strides = array<i32>} : memref<16x64xf32, #tpu.memory_space<vmem>>, vector<16xf32>,
      %get3A_1139 = arith.constant 3 : i32
      %get3A_1140 = arith.index_cast %get3A_1139 : i32 to index
      %get3A_1141 = arith.constant 0 : index
      %get3A_1142 = tpu.vector_load %arg14[%get3A_1140, %get3A_1141] {strides = array<i32>} : memref<16x64xf32, #tpu.memory_space<vmem>>, vector<16xf32>,
      %get3A_1143 = arith.constant 3 : i32
      %get3A_1144 = arith.index_cast %get3A_1143 : i32 to index
      %get3A_1145 = arith.constant 16 : index
      %get3A_1146 = tpu.vector_load %arg14[%get3A_1144, %get3A_1145] {strides = array<i32>} : memref<16x64xf32, #tpu.memory_space<vmem>>, vector<16xf32>,
      %get3A_1147 = arith.constant 4 : i32
      %get3A_1148 = arith.index_cast %get3A_1147 : i32 to index
      %get3A_1149 = arith.constant 0 : index
      %get3A_1150 = tpu.vector_load %arg14[%get3A_1148, %get3A_1149] {strides = array<i32>} : memref<16x64xf32, #tpu.memory_space<vmem>>, vector<16xf32>,
      %get3A_1151 = arith.constant 4 : i32
      %get3A_1152 = arith.index_cast %get3A_1151 : i32 to index
      %get3A_1153 = arith.constant 16 : index
      %get3A_1154 = tpu.vector_load %arg14[%get3A_1152, %get3A_1153] {strides = array<i32>} : memref<16x64xf32, #tpu.memory_space<vmem>>, vector<16xf32>,
      %get3A_1155 = arith.constant 5 : i32
      %get3A_1156 = arith.index_cast %get3A_1155 : i32 to index
      %get3A_1157 = arith.constant 0 : index
      %get3A_1158 = tpu.vector_load %arg14[%get3A_1156, %get3A_1157] {strides = array<i32>} : memref<16x64xf32, #tpu.memory_space<vmem>>, vector<16xf32>,
      %get3A_1159 = arith.constant 5 : i32
      %get3A_1160 = arith.index_cast %get3A_1159 : i32 to index
      %get3A_1161 = arith.constant 16 : index
      %get3A_1162 = tpu.vector_load %arg14[%get3A_1160, %get3A_1161] {strides = array<i32>} : memref<16x64xf32, #tpu.memory_space<vmem>>, vector<16xf32>,
      %get3A_1163 = arith.constant 6 : i32
      %get3A_1164 = arith.index_cast %get3A_1163 : i32 to index
      %get3A_1165 = arith.constant 0 : index
      %get3A_1166 = tpu.vector_load %arg14[%get3A_1164, %get3A_1165] {strides = array<i32>} : memref<16x64xf32, #tpu.memory_space<vmem>>, vector<16xf32>,
      %get3A_1167 = arith.constant 6 : i32
      %get3A_1168 = arith.index_cast %get3A_1167 : i32 to index
      %get3A_1169 = arith.constant 16 : index
      %get3A_1170 = tpu.vector_load %arg14[%get3A_1168, %get3A_1169] {strides = array<i32>} : memref<16x64xf32, #tpu.memory_space<vmem>>, vector<16xf32>,
      %get3A_1171 = arith.constant 7 : i32
      %get3A_1172 = arith.index_cast %get3A_1171 : i32 to index
      %get3A_1173 = arith.constant 0 : index
      %get3A_1174 = tpu.vector_load %arg14[%get3A_1172, %get3A_1173] {strides = array<i32>} : memref<16x64xf32, #tpu.memory_space<vmem>>, vector<16xf32>,
      %get3A_1175 = arith.constant 7 : i32
      %get3A_1176 = arith.index_cast %get3A_1175 : i32 to index
      %get3A_1177 = arith.constant 16 : index
      %get3A_1178 = tpu.vector_load %arg14[%get3A_1176, %get3A_1177] {strides = array<i32>} : memref<16x64xf32, #tpu.memory_space<vmem>>, vector<16xf32>,
      %get3A_1179 = arith.constant 8 : i32
      %get3A_1180 = arith.index_cast %get3A_1179 : i32 to index
      %get3A_1181 = arith.constant 0 : index
      %get3A_1182 = tpu.vector_load %arg14[%get3A_1180, %get3A_1181] {strides = array<i32>} : memref<16x64xf32, #tpu.memory_space<vmem>>, vector<16xf32>,
      %get3A_1183 = arith.constant 8 : i32
      %get3A_1184 = arith.index_cast %get3A_1183 : i32 to index
      %get3A_1185 = arith.constant 16 : index
      %get3A_1186 = tpu.vector_load %arg14[%get3A_1184, %get3A_1185] {strides = array<i32>} : memref<16x64xf32, #tpu.memory_space<vmem>>, vector<16xf32>,
      %get3A_1187 = arith.constant 9 : i32
      %get3A_1188 = arith.index_cast %get3A_1187 : i32 to index
      %get3A_1189 = arith.constant 0 : index
      %get3A_1190 = tpu.vector_load %arg14[%get3A_1188, %get3A_1189] {strides = array<i32>} : memref<16x64xf32, #tpu.memory_space<vmem>>, vector<16xf32>,
      %get3A_1191 = arith.constant 9 : i32
      %get3A_1192 = arith.index_cast %get3A_1191 : i32 to index
      %get3A_1193 = arith.constant 16 : index
      %get3A_1194 = tpu.vector_load %arg14[%get3A_1192, %get3A_1193] {strides = array<i32>} : memref<16x64xf32, #tpu.memory_space<vmem>>, vector<16xf32>,
      %get3A_1195 = arith.constant 10 : i32
      %get3A_1196 = arith.index_cast %get3A_1195 : i32 to index
      %get3A_1197 = arith.constant 0 : index
      %get3A_1198 = tpu.vector_load %arg14[%get3A_1196, %get3A_1197] {strides = array<i32>} : memref<16x64xf32, #tpu.memory_space<vmem>>, vector<16xf32>,
      %get3A_1199 = arith.constant 10 : i32
      %get3A_1200 = arith.index_cast %get3A_1199 : i32 to index
      %get3A_1201 = arith.constant 16 : index
      %get3A_1202 = tpu.vector_load %arg14[%get3A_1200, %get3A_1201] {strides = array<i32>} : memref<16x64xf32, #tpu.memory_space<vmem>>, vector<16xf32>,
      %get3A_1203 = arith.constant 11 : i32
      %get3A_1204 = arith.index_cast %get3A_1203 : i32 to index
      %get3A_1205 = arith.constant 0 : index
      %get3A_1206 = tpu.vector_load %arg14[%get3A_1204, %get3A_1205] {strides = array<i32>} : memref<16x64xf32, #tpu.memory_space<vmem>>, vector<16xf32>,
      %get3A_1207 = arith.constant 11 : i32
      %get3A_1208 = arith.index_cast %get3A_1207 : i32 to index
      %get3A_1209 = arith.constant 16 : index
      %get3A_1210 = tpu.vector_load %arg14[%get3A_1208, %get3A_1209] {strides = array<i32>} : memref<16x64xf32, #tpu.memory_space<vmem>>, vector<16xf32>,
      %get3A_1211 = arith.constant 12 : i32
      %get3A_1212 = arith.index_cast %get3A_1211 : i32 to index
      %get3A_1213 = arith.constant 0 : index
      %get3A_1214 = tpu.vector_load %arg14[%get3A_1212, %get3A_1213] {strides = array<i32>} : memref<16x64xf32, #tpu.memory_space<vmem>>, vector<16xf32>,
      %get3A_1215 = arith.constant 12 : i32
      %get3A_1216 = arith.index_cast %get3A_1215 : i32 to index
      %get3A_1217 = arith.constant 16 : index
      %get3A_1218 = tpu.vector_load %arg14[%get3A_1216, %get3A_1217] {strides = array<i32>} : memref<16x64xf32, #tpu.memory_space<vmem>>, vector<16xf32>,
      %get3A_1219 = arith.constant 13 : i32
      %get3A_1220 = arith.index_cast %get3A_1219 : i32 to index
      %get3A_1221 = arith.constant 0 : index
      %get3A_1222 = tpu.vector_load %arg14[%get3A_1220, %get3A_1221] {strides = array<i32>} : memref<16x64xf32, #tpu.memory_space<vmem>>, vector<16xf32>,
      %get3A_1223 = arith.constant 13 : i32
      %get3A_1224 = arith.index_cast %get3A_1223 : i32 to index
      %get3A_1225 = arith.constant 16 : index
      %get3A_1226 = tpu.vector_load %arg14[%get3A_1224, %get3A_1225] {strides = array<i32>} : memref<16x64xf32, #tpu.memory_space<vmem>>, vector<16xf32>,
      %get3A_1227 = arith.constant 14 : i32
      %get3A_1228 = arith.index_cast %get3A_1227 : i32 to index
      %get3A_1229 = arith.constant 0 : index
      %get3A_1230 = tpu.vector_load %arg14[%get3A_1228, %get3A_1229] {strides = array<i32>} : memref<16x64xf32, #tpu.memory_space<vmem>>, vector<16xf32>,
      %get3A_1231 = arith.constant 14 : i32
      %get3A_1232 = arith.index_cast %get3A_1231 : i32 to index
      %get3A_1233 = arith.constant 16 : index
      %get3A_1234 = tpu.vector_load %arg14[%get3A_1232, %get3A_1233] {strides = array<i32>} : memref<16x64xf32, #tpu.memory_space<vmem>>, vector<16xf32>,
      %get3A_1235 = arith.constant 15 : i32
      %get3A_1236 = arith.index_cast %get3A_1235 : i32 to index
      %get3A_1237 = arith.constant 0 : index
      %get3A_1238 = tpu.vector_load %arg14[%get3A_1236, %get3A_1237] {strides = array<i32>} : memref<16x64xf32, #tpu.memory_space<vmem>>, vector<16xf32>,
      %get3A_1239 = arith.constant 15 : i32
      %get3A_1240 = arith.index_cast %get3A_1239 : i32 to index
      %get3A_1241 = arith.constant 16 : index
      %get3A_1242 = tpu.vector_load %arg14[%get3A_1240, %get3A_1241] {strides = array<i32>} : memref<16x64xf32, #tpu.memory_space<vmem>>, vector<16xf32>,
      %scan3A_1243 = arith.constant 0 : i32
      %scan3A_1244 = arith.constant 0 : i32
      %scan3A_1245 = arith.constant 100 : i32
      %scan3A_1246 = arith.addi %scan3A_1244, %scan3A_1245 : i32
      %scan3A_1247 = arith.constant 1 : i32
      scf.for %scan3A_1428 = %scan3A_1244 to %scan3A_1246 step %scan3A_1247  : i32 {
        %get3A_1429 = arith.index_cast %scan3A_1428 : i32 to index
        %get3A_1430 = arith.constant 64 : index
        %get3A_1431 = tpu.vector_load %arg11[%get3A_1429, %get3A_1430] {strides = array<i32>} : memref<128x128xf32, #tpu.memory_space<vmem>>, vector<16xf32>,
        %get3A_1432 = arith.index_cast %scan3A_1428 : i32 to index
        %get3A_1433 = arith.constant 0 : index
        %get3A_1434 = tpu.vector_load %arg11[%get3A_1432, %get3A_1433] {strides = array<i32>} : memref<128x128xf32, #tpu.memory_space<vmem>>, vector<16xf32>,
        %get3A_1435 = arith.index_cast %scan3A_1428 : i32 to index
        %get3A_1436 = arith.constant 16 : index
        %get3A_1437 = tpu.vector_load %arg11[%get3A_1435, %get3A_1436] {strides = array<i32>} : memref<128x128xf32, #tpu.memory_space<vmem>>, vector<16xf32>,
        %slice3A = vector.extract_strided_slice %get3A_1431 {offsets = [0], sizes = [1], strides = [1]} : vector<16xf32> to vector<1xf32>
        %squeeze3A = vector.extract %slice3A[0] : f32 from vector<1xf32>
        %mul3A_1438 = vector.broadcast %squeeze3A : f32 to vector<16xf32>
        %mul3A_1439 = arith.mulf %mul3A_1438, %get3A_1118 : vector<16xf32>
        %add3A_1440 = arith.addf %get3A_1434, %mul3A_1439 : vector<16xf32>
        %mul3A_1441 = vector.broadcast %squeeze3A : f32 to vector<16xf32>
        %mul3A_1442 = arith.mulf %mul3A_1441, %get3A_1122 : vector<16xf32>
        %add3A_1443 = arith.addf %get3A_1437, %mul3A_1442 : vector<16xf32>
        %slice3A_1444 = vector.extract_strided_slice %get3A_1431 {offsets = [1], sizes = [1], strides = [1]} : vector<16xf32> to vector<1xf32>
        %squeeze3A_1445 = vector.extract %slice3A_1444[0] : f32 from vector<1xf32>
        %mul3A_1446 = vector.broadcast %squeeze3A_1445 : f32 to vector<16xf32>
        %mul3A_1447 = arith.mulf %mul3A_1446, %get3A_1126 : vector<16xf32>
        %add3A_1448 = arith.addf %add3A_1440, %mul3A_1447 : vector<16xf32>
        %mul3A_1449 = vector.broadcast %squeeze3A_1445 : f32 to vector<16xf32>
        %mul3A_1450 = arith.mulf %mul3A_1449, %get3A_1130 : vector<16xf32>
        %add3A_1451 = arith.addf %add3A_1443, %mul3A_1450 : vector<16xf32>
        %slice3A_1452 = vector.extract_strided_slice %get3A_1431 {offsets = [2], sizes = [1], strides = [1]} : vector<16xf32> to vector<1xf32>
        %squeeze3A_1453 = vector.extract %slice3A_1452[0] : f32 from vector<1xf32>
        %mul3A_1454 = vector.broadcast %squeeze3A_1453 : f32 to vector<16xf32>
        %mul3A_1455 = arith.mulf %mul3A_1454, %get3A_1134 : vector<16xf32>
        %add3A_1456 = arith.addf %add3A_1448, %mul3A_1455 : vector<16xf32>
        %mul3A_1457 = vector.broadcast %squeeze3A_1453 : f32 to vector<16xf32>
        %mul3A_1458 = arith.mulf %mul3A_1457, %get3A_1138 : vector<16xf32>
        %add3A_1459 = arith.addf %add3A_1451, %mul3A_1458 : vector<16xf32>
        %slice3A_1460 = vector.extract_strided_slice %get3A_1431 {offsets = [3], sizes = [1], strides = [1]} : vector<16xf32> to vector<1xf32>
        %squeeze3A_1461 = vector.extract %slice3A_1460[0] : f32 from vector<1xf32>
        %mul3A_1462 = vector.broadcast %squeeze3A_1461 : f32 to vector<16xf32>
        %mul3A_1463 = arith.mulf %mul3A_1462, %get3A_1142 : vector<16xf32>
        %add3A_1464 = arith.addf %add3A_1456, %mul3A_1463 : vector<16xf32>
        %mul3A_1465 = vector.broadcast %squeeze3A_1461 : f32 to vector<16xf32>
        %mul3A_1466 = arith.mulf %mul3A_1465, %get3A_1146 : vector<16xf32>
        %add3A_1467 = arith.addf %add3A_1459, %mul3A_1466 : vector<16xf32>
        %slice3A_1468 = vector.extract_strided_slice %get3A_1431 {offsets = [4], sizes = [1], strides = [1]} : vector<16xf32> to vector<1xf32>
        %squeeze3A_1469 = vector.extract %slice3A_1468[0] : f32 from vector<1xf32>
        %mul3A_1470 = vector.broadcast %squeeze3A_1469 : f32 to vector<16xf32>
        %mul3A_1471 = arith.mulf %mul3A_1470, %get3A_1150 : vector<16xf32>
        %add3A_1472 = arith.addf %add3A_1464, %mul3A_1471 : vector<16xf32>
        %mul3A_1473 = vector.broadcast %squeeze3A_1469 : f32 to vector<16xf32>
        %mul3A_1474 = arith.mulf %mul3A_1473, %get3A_1154 : vector<16xf32>
        %add3A_1475 = arith.addf %add3A_1467, %mul3A_1474 : vector<16xf32>
        %slice3A_1476 = vector.extract_strided_slice %get3A_1431 {offsets = [5], sizes = [1], strides = [1]} : vector<16xf32> to vector<1xf32>
        %squeeze3A_1477 = vector.extract %slice3A_1476[0] : f32 from vector<1xf32>
        %mul3A_1478 = vector.broadcast %squeeze3A_1477 : f32 to vector<16xf32>
        %mul3A_1479 = arith.mulf %mul3A_1478, %get3A_1158 : vector<16xf32>
        %add3A_1480 = arith.addf %add3A_1472, %mul3A_1479 : vector<16xf32>
        %mul3A_1481 = vector.broadcast %squeeze3A_1477 : f32 to vector<16xf32>
        %mul3A_1482 = arith.mulf %mul3A_1481, %get3A_1162 : vector<16xf32>
        %add3A_1483 = arith.addf %add3A_1475, %mul3A_1482 : vector<16xf32>
        %slice3A_1484 = vector.extract_strided_slice %get3A_1431 {offsets = [6], sizes = [1], strides = [1]} : vector<16xf32> to vector<1xf32>
        %squeeze3A_1485 = vector.extract %slice3A_1484[0] : f32 from vector<1xf32>
        %mul3A_1486 = vector.broadcast %squeeze3A_1485 : f32 to vector<16xf32>
        %mul3A_1487 = arith.mulf %mul3A_1486, %get3A_1166 : vector<16xf32>
        %add3A_1488 = arith.addf %add3A_1480, %mul3A_1487 : vector<16xf32>
        %mul3A_1489 = vector.broadcast %squeeze3A_1485 : f32 to vector<16xf32>
        %mul3A_1490 = arith.mulf %mul3A_1489, %get3A_1170 : vector<16xf32>
        %add3A_1491 = arith.addf %add3A_1483, %mul3A_1490 : vector<16xf32>
        %slice3A_1492 = vector.extract_strided_slice %get3A_1431 {offsets = [7], sizes = [1], strides = [1]} : vector<16xf32> to vector<1xf32>
        %squeeze3A_1493 = vector.extract %slice3A_1492[0] : f32 from vector<1xf32>
        %mul3A_1494 = vector.broadcast %squeeze3A_1493 : f32 to vector<16xf32>
        %mul3A_1495 = arith.mulf %mul3A_1494, %get3A_1174 : vector<16xf32>
        %add3A_1496 = arith.addf %add3A_1488, %mul3A_1495 : vector<16xf32>
        %mul3A_1497 = vector.broadcast %squeeze3A_1493 : f32 to vector<16xf32>
        %mul3A_1498 = arith.mulf %mul3A_1497, %get3A_1178 : vector<16xf32>
        %add3A_1499 = arith.addf %add3A_1491, %mul3A_1498 : vector<16xf32>
        %slice3A_1500 = vector.extract_strided_slice %get3A_1431 {offsets = [8], sizes = [1], strides = [1]} : vector<16xf32> to vector<1xf32>
        %squeeze3A_1501 = vector.extract %slice3A_1500[0] : f32 from vector<1xf32>
        %mul3A_1502 = vector.broadcast %squeeze3A_1501 : f32 to vector<16xf32>
        %mul3A_1503 = arith.mulf %mul3A_1502, %get3A_1182 : vector<16xf32>
        %add3A_1504 = arith.addf %add3A_1496, %mul3A_1503 : vector<16xf32>
        %mul3A_1505 = vector.broadcast %squeeze3A_1501 : f32 to vector<16xf32>
        %mul3A_1506 = arith.mulf %mul3A_1505, %get3A_1186 : vector<16xf32>
        %add3A_1507 = arith.addf %add3A_1499, %mul3A_1506 : vector<16xf32>
        %slice3A_1508 = vector.extract_strided_slice %get3A_1431 {offsets = [9], sizes = [1], strides = [1]} : vector<16xf32> to vector<1xf32>
        %squeeze3A_1509 = vector.extract %slice3A_1508[0] : f32 from vector<1xf32>
        %mul3A_1510 = vector.broadcast %squeeze3A_1509 : f32 to vector<16xf32>
        %mul3A_1511 = arith.mulf %mul3A_1510, %get3A_1190 : vector<16xf32>
        %add3A_1512 = arith.addf %add3A_1504, %mul3A_1511 : vector<16xf32>
        %mul3A_1513 = vector.broadcast %squeeze3A_1509 : f32 to vector<16xf32>
        %mul3A_1514 = arith.mulf %mul3A_1513, %get3A_1194 : vector<16xf32>
        %add3A_1515 = arith.addf %add3A_1507, %mul3A_1514 : vector<16xf32>
        %slice3A_1516 = vector.extract_strided_slice %get3A_1431 {offsets = [10], sizes = [1], strides = [1]} : vector<16xf32> to vector<1xf32>
        %squeeze3A_1517 = vector.extract %slice3A_1516[0] : f32 from vector<1xf32>
        %mul3A_1518 = vector.broadcast %squeeze3A_1517 : f32 to vector<16xf32>
        %mul3A_1519 = arith.mulf %mul3A_1518, %get3A_1198 : vector<16xf32>
        %add3A_1520 = arith.addf %add3A_1512, %mul3A_1519 : vector<16xf32>
        %mul3A_1521 = vector.broadcast %squeeze3A_1517 : f32 to vector<16xf32>
        %mul3A_1522 = arith.mulf %mul3A_1521, %get3A_1202 : vector<16xf32>
        %add3A_1523 = arith.addf %add3A_1515, %mul3A_1522 : vector<16xf32>
        %slice3A_1524 = vector.extract_strided_slice %get3A_1431 {offsets = [11], sizes = [1], strides = [1]} : vector<16xf32> to vector<1xf32>
        %squeeze3A_1525 = vector.extract %slice3A_1524[0] : f32 from vector<1xf32>
        %mul3A_1526 = vector.broadcast %squeeze3A_1525 : f32 to vector<16xf32>
        %mul3A_1527 = arith.mulf %mul3A_1526, %get3A_1206 : vector<16xf32>
        %add3A_1528 = arith.addf %add3A_1520, %mul3A_1527 : vector<16xf32>
        %mul3A_1529 = vector.broadcast %squeeze3A_1525 : f32 to vector<16xf32>
        %mul3A_1530 = arith.mulf %mul3A_1529, %get3A_1210 : vector<16xf32>
        %add3A_1531 = arith.addf %add3A_1523, %mul3A_1530 : vector<16xf32>
        %slice3A_1532 = vector.extract_strided_slice %get3A_1431 {offsets = [12], sizes = [1], strides = [1]} : vector<16xf32> to vector<1xf32>
        %squeeze3A_1533 = vector.extract %slice3A_1532[0] : f32 from vector<1xf32>
        %mul3A_1534 = vector.broadcast %squeeze3A_1533 : f32 to vector<16xf32>
        %mul3A_1535 = arith.mulf %mul3A_1534, %get3A_1214 : vector<16xf32>
        %add3A_1536 = arith.addf %add3A_1528, %mul3A_1535 : vector<16xf32>
        %mul3A_1537 = vector.broadcast %squeeze3A_1533 : f32 to vector<16xf32>
        %mul3A_1538 = arith.mulf %mul3A_1537, %get3A_1218 : vector<16xf32>
        %add3A_1539 = arith.addf %add3A_1531, %mul3A_1538 : vector<16xf32>
        %slice3A_1540 = vector.extract_strided_slice %get3A_1431 {offsets = [13], sizes = [1], strides = [1]} : vector<16xf32> to vector<1xf32>
        %squeeze3A_1541 = vector.extract %slice3A_1540[0] : f32 from vector<1xf32>
        %mul3A_1542 = vector.broadcast %squeeze3A_1541 : f32 to vector<16xf32>
        %mul3A_1543 = arith.mulf %mul3A_1542, %get3A_1222 : vector<16xf32>
        %add3A_1544 = arith.addf %add3A_1536, %mul3A_1543 : vector<16xf32>
        %mul3A_1545 = vector.broadcast %squeeze3A_1541 : f32 to vector<16xf32>
        %mul3A_1546 = arith.mulf %mul3A_1545, %get3A_1226 : vector<16xf32>
        %add3A_1547 = arith.addf %add3A_1539, %mul3A_1546 : vector<16xf32>
        %slice3A_1548 = vector.extract_strided_slice %get3A_1431 {offsets = [14], sizes = [1], strides = [1]} : vector<16xf32> to vector<1xf32>
        %squeeze3A_1549 = vector.extract %slice3A_1548[0] : f32 from vector<1xf32>
        %mul3A_1550 = vector.broadcast %squeeze3A_1549 : f32 to vector<16xf32>
        %mul3A_1551 = arith.mulf %mul3A_1550, %get3A_1230 : vector<16xf32>
        %add3A_1552 = arith.addf %add3A_1544, %mul3A_1551 : vector<16xf32>
        %mul3A_1553 = vector.broadcast %squeeze3A_1549 : f32 to vector<16xf32>
        %mul3A_1554 = arith.mulf %mul3A_1553, %get3A_1234 : vector<16xf32>
        %add3A_1555 = arith.addf %add3A_1547, %mul3A_1554 : vector<16xf32>
        %slice3A_1556 = vector.extract_strided_slice %get3A_1431 {offsets = [15], sizes = [1], strides = [1]} : vector<16xf32> to vector<1xf32>
        %squeeze3A_1557 = vector.extract %slice3A_1556[0] : f32 from vector<1xf32>
        %mul3A_1558 = vector.broadcast %squeeze3A_1557 : f32 to vector<16xf32>
        %mul3A_1559 = arith.mulf %mul3A_1558, %get3A_1238 : vector<16xf32>
        %add3A_1560 = arith.addf %add3A_1552, %mul3A_1559 : vector<16xf32>
        %mul3A_1561 = vector.broadcast %squeeze3A_1557 : f32 to vector<16xf32>
        %mul3A_1562 = arith.mulf %mul3A_1561, %get3A_1242 : vector<16xf32>
        %add3A_1563 = arith.addf %add3A_1555, %mul3A_1562 : vector<16xf32>
        %swap3A_1564 = arith.index_cast %scan3A_1428 : i32 to index
        %swap3A_1565 = arith.constant 0 : index
        %swap3A_1566 = tpu.vector_load %arg13[%swap3A_1564, %swap3A_1565] {strides = array<i32>} : memref<104x64xf32, #tpu.memory_space<vmem>>, vector<16xf32>,
        tpu.vector_store %arg13[%swap3A_1564, %swap3A_1565], %add3A_1560 {strides = array<i32>} : memref<104x64xf32, #tpu.memory_space<vmem>>, vector<16xf32>,
        %swap3A_1567 = arith.index_cast %scan3A_1428 : i32 to index
        %swap3A_1568 = arith.constant 16 : index
        %swap3A_1569 = tpu.vector_load %arg13[%swap3A_1567, %swap3A_1568] {strides = array<i32>} : memref<104x64xf32, #tpu.memory_space<vmem>>, vector<16xf32>,
        tpu.vector_store %arg13[%swap3A_1567, %swap3A_1568], %add3A_1563 {strides = array<i32>} : memref<104x64xf32, #tpu.memory_space<vmem>>, vector<16xf32>,
      }
      %scan3A_1248 = arith.constant 100 : i32
      %get3A_1249 = arith.constant 0 : i32
      %get3A_1250 = arith.index_cast %get3A_1249 : i32 to index
      %get3A_1251 = arith.constant 32 : index
      %get3A_1252 = tpu.vector_load %arg14[%get3A_1250, %get3A_1251] {strides = array<i32>} : memref<16x64xf32, #tpu.memory_space<vmem>>, vector<16xf32>,
      %get3A_1253 = arith.constant 0 : i32
      %get3A_1254 = arith.index_cast %get3A_1253 : i32 to index
      %get3A_1255 = arith.constant 48 : index
      %get3A_1256 = tpu.vector_load %arg14[%get3A_1254, %get3A_1255] {strides = array<i32>} : memref<16x64xf32, #tpu.memory_space<vmem>>, vector<16xf32>,
      %get3A_1257 = arith.constant 1 : i32
      %get3A_1258 = arith.index_cast %get3A_1257 : i32 to index
      %get3A_1259 = arith.constant 32 : index
      %get3A_1260 = tpu.vector_load %arg14[%get3A_1258, %get3A_1259] {strides = array<i32>} : memref<16x64xf32, #tpu.memory_space<vmem>>, vector<16xf32>,
      %get3A_1261 = arith.constant 1 : i32
      %get3A_1262 = arith.index_cast %get3A_1261 : i32 to index
      %get3A_1263 = arith.constant 48 : index
      %get3A_1264 = tpu.vector_load %arg14[%get3A_1262, %get3A_1263] {strides = array<i32>} : memref<16x64xf32, #tpu.memory_space<vmem>>, vector<16xf32>,
      %get3A_1265 = arith.constant 2 : i32
      %get3A_1266 = arith.index_cast %get3A_1265 : i32 to index
      %get3A_1267 = arith.constant 32 : index
      %get3A_1268 = tpu.vector_load %arg14[%get3A_1266, %get3A_1267] {strides = array<i32>} : memref<16x64xf32, #tpu.memory_space<vmem>>, vector<16xf32>,
      %get3A_1269 = arith.constant 2 : i32
      %get3A_1270 = arith.index_cast %get3A_1269 : i32 to index
      %get3A_1271 = arith.constant 48 : index
      %get3A_1272 = tpu.vector_load %arg14[%get3A_1270, %get3A_1271] {strides = array<i32>} : memref<16x64xf32, #tpu.memory_space<vmem>>, vector<16xf32>,
      %get3A_1273 = arith.constant 3 : i32
      %get3A_1274 = arith.index_cast %get3A_1273 : i32 to index
      %get3A_1275 = arith.constant 32 : index
      %get3A_1276 = tpu.vector_load %arg14[%get3A_1274, %get3A_1275] {strides = array<i32>} : memref<16x64xf32, #tpu.memory_space<vmem>>, vector<16xf32>,
      %get3A_1277 = arith.constant 3 : i32
      %get3A_1278 = arith.index_cast %get3A_1277 : i32 to index
      %get3A_1279 = arith.constant 48 : index
      %get3A_1280 = tpu.vector_load %arg14[%get3A_1278, %get3A_1279] {strides = array<i32>} : memref<16x64xf32, #tpu.memory_space<vmem>>, vector<16xf32>,
      %get3A_1281 = arith.constant 4 : i32
      %get3A_1282 = arith.index_cast %get3A_1281 : i32 to index
      %get3A_1283 = arith.constant 32 : index
      %get3A_1284 = tpu.vector_load %arg14[%get3A_1282, %get3A_1283] {strides = array<i32>} : memref<16x64xf32, #tpu.memory_space<vmem>>, vector<16xf32>,
      %get3A_1285 = arith.constant 4 : i32
      %get3A_1286 = arith.index_cast %get3A_1285 : i32 to index
      %get3A_1287 = arith.constant 48 : index
      %get3A_1288 = tpu.vector_load %arg14[%get3A_1286, %get3A_1287] {strides = array<i32>} : memref<16x64xf32, #tpu.memory_space<vmem>>, vector<16xf32>,
      %get3A_1289 = arith.constant 5 : i32
      %get3A_1290 = arith.index_cast %get3A_1289 : i32 to index
      %get3A_1291 = arith.constant 32 : index
      %get3A_1292 = tpu.vector_load %arg14[%get3A_1290, %get3A_1291] {strides = array<i32>} : memref<16x64xf32, #tpu.memory_space<vmem>>, vector<16xf32>,
      %get3A_1293 = arith.constant 5 : i32
      %get3A_1294 = arith.index_cast %get3A_1293 : i32 to index
      %get3A_1295 = arith.constant 48 : index
      %get3A_1296 = tpu.vector_load %arg14[%get3A_1294, %get3A_1295] {strides = array<i32>} : memref<16x64xf32, #tpu.memory_space<vmem>>, vector<16xf32>,
      %get3A_1297 = arith.constant 6 : i32
      %get3A_1298 = arith.index_cast %get3A_1297 : i32 to index
      %get3A_1299 = arith.constant 32 : index
      %get3A_1300 = tpu.vector_load %arg14[%get3A_1298, %get3A_1299] {strides = array<i32>} : memref<16x64xf32, #tpu.memory_space<vmem>>, vector<16xf32>,
      %get3A_1301 = arith.constant 6 : i32
      %get3A_1302 = arith.index_cast %get3A_1301 : i32 to index
      %get3A_1303 = arith.constant 48 : index
      %get3A_1304 = tpu.vector_load %arg14[%get3A_1302, %get3A_1303] {strides = array<i32>} : memref<16x64xf32, #tpu.memory_space<vmem>>, vector<16xf32>,
      %get3A_1305 = arith.constant 7 : i32
      %get3A_1306 = arith.index_cast %get3A_1305 : i32 to index
      %get3A_1307 = arith.constant 32 : index
      %get3A_1308 = tpu.vector_load %arg14[%get3A_1306, %get3A_1307] {strides = array<i32>} : memref<16x64xf32, #tpu.memory_space<vmem>>, vector<16xf32>,
      %get3A_1309 = arith.constant 7 : i32
      %get3A_1310 = arith.index_cast %get3A_1309 : i32 to index
      %get3A_1311 = arith.constant 48 : index
      %get3A_1312 = tpu.vector_load %arg14[%get3A_1310, %get3A_1311] {strides = array<i32>} : memref<16x64xf32, #tpu.memory_space<vmem>>, vector<16xf32>,
      %get3A_1313 = arith.constant 8 : i32
      %get3A_1314 = arith.index_cast %get3A_1313 : i32 to index
      %get3A_1315 = arith.constant 32 : index
      %get3A_1316 = tpu.vector_load %arg14[%get3A_1314, %get3A_1315] {strides = array<i32>} : memref<16x64xf32, #tpu.memory_space<vmem>>, vector<16xf32>,
      %get3A_1317 = arith.constant 8 : i32
      %get3A_1318 = arith.index_cast %get3A_1317 : i32 to index
      %get3A_1319 = arith.constant 48 : index
      %get3A_1320 = tpu.vector_load %arg14[%get3A_1318, %get3A_1319] {strides = array<i32>} : memref<16x64xf32, #tpu.memory_space<vmem>>, vector<16xf32>,
      %get3A_1321 = arith.constant 9 : i32
      %get3A_1322 = arith.index_cast %get3A_1321 : i32 to index
      %get3A_1323 = arith.constant 32 : index
      %get3A_1324 = tpu.vector_load %arg14[%get3A_1322, %get3A_1323] {strides = array<i32>} : memref<16x64xf32, #tpu.memory_space<vmem>>, vector<16xf32>,
      %get3A_1325 = arith.constant 9 : i32
      %get3A_1326 = arith.index_cast %get3A_1325 : i32 to index
      %get3A_1327 = arith.constant 48 : index
      %get3A_1328 = tpu.vector_load %arg14[%get3A_1326, %get3A_1327] {strides = array<i32>} : memref<16x64xf32, #tpu.memory_space<vmem>>, vector<16xf32>,
      %get3A_1329 = arith.constant 10 : i32
      %get3A_1330 = arith.index_cast %get3A_1329 : i32 to index
      %get3A_1331 = arith.constant 32 : index
      %get3A_1332 = tpu.vector_load %arg14[%get3A_1330, %get3A_1331] {strides = array<i32>} : memref<16x64xf32, #tpu.memory_space<vmem>>, vector<16xf32>,
      %get3A_1333 = arith.constant 10 : i32
      %get3A_1334 = arith.index_cast %get3A_1333 : i32 to index
      %get3A_1335 = arith.constant 48 : index
      %get3A_1336 = tpu.vector_load %arg14[%get3A_1334, %get3A_1335] {strides = array<i32>} : memref<16x64xf32, #tpu.memory_space<vmem>>, vector<16xf32>,
      %get3A_1337 = arith.constant 11 : i32
      %get3A_1338 = arith.index_cast %get3A_1337 : i32 to index
      %get3A_1339 = arith.constant 32 : index
      %get3A_1340 = tpu.vector_load %arg14[%get3A_1338, %get3A_1339] {strides = array<i32>} : memref<16x64xf32, #tpu.memory_space<vmem>>, vector<16xf32>,
      %get3A_1341 = arith.constant 11 : i32
      %get3A_1342 = arith.index_cast %get3A_1341 : i32 to index
      %get3A_1343 = arith.constant 48 : index
      %get3A_1344 = tpu.vector_load %arg14[%get3A_1342, %get3A_1343] {strides = array<i32>} : memref<16x64xf32, #tpu.memory_space<vmem>>, vector<16xf32>,
      %get3A_1345 = arith.constant 12 : i32
      %get3A_1346 = arith.index_cast %get3A_1345 : i32 to index
      %get3A_1347 = arith.constant 32 : index
      %get3A_1348 = tpu.vector_load %arg14[%get3A_1346, %get3A_1347] {strides = array<i32>} : memref<16x64xf32, #tpu.memory_space<vmem>>, vector<16xf32>,
      %get3A_1349 = arith.constant 12 : i32
      %get3A_1350 = arith.index_cast %get3A_1349 : i32 to index
      %get3A_1351 = arith.constant 48 : index
      %get3A_1352 = tpu.vector_load %arg14[%get3A_1350, %get3A_1351] {strides = array<i32>} : memref<16x64xf32, #tpu.memory_space<vmem>>, vector<16xf32>,
      %get3A_1353 = arith.constant 13 : i32
      %get3A_1354 = arith.index_cast %get3A_1353 : i32 to index
      %get3A_1355 = arith.constant 32 : index
      %get3A_1356 = tpu.vector_load %arg14[%get3A_1354, %get3A_1355] {strides = array<i32>} : memref<16x64xf32, #tpu.memory_space<vmem>>, vector<16xf32>,
      %get3A_1357 = arith.constant 13 : i32
      %get3A_1358 = arith.index_cast %get3A_1357 : i32 to index
      %get3A_1359 = arith.constant 48 : index
      %get3A_1360 = tpu.vector_load %arg14[%get3A_1358, %get3A_1359] {strides = array<i32>} : memref<16x64xf32, #tpu.memory_space<vmem>>, vector<16xf32>,
      %get3A_1361 = arith.constant 14 : i32
      %get3A_1362 = arith.index_cast %get3A_1361 : i32 to index
      %get3A_1363 = arith.constant 32 : index
      %get3A_1364 = tpu.vector_load %arg14[%get3A_1362, %get3A_1363] {strides = array<i32>} : memref<16x64xf32, #tpu.memory_space<vmem>>, vector<16xf32>,
      %get3A_1365 = arith.constant 14 : i32
      %get3A_1366 = arith.index_cast %get3A_1365 : i32 to index
      %get3A_1367 = arith.constant 48 : index
      %get3A_1368 = tpu.vector_load %arg14[%get3A_1366, %get3A_1367] {strides = array<i32>} : memref<16x64xf32, #tpu.memory_space<vmem>>, vector<16xf32>,
      %get3A_1369 = arith.constant 15 : i32
      %get3A_1370 = arith.index_cast %get3A_1369 : i32 to index
      %get3A_1371 = arith.constant 32 : index
      %get3A_1372 = tpu.vector_load %arg14[%get3A_1370, %get3A_1371] {strides = array<i32>} : memref<16x64xf32, #tpu.memory_space<vmem>>, vector<16xf32>,
      %get3A_1373 = arith.constant 15 : i32
      %get3A_1374 = arith.index_cast %get3A_1373 : i32 to index
      %get3A_1375 = arith.constant 48 : index
      %get3A_1376 = tpu.vector_load %arg14[%get3A_1374, %get3A_1375] {strides = array<i32>} : memref<16x64xf32, #tpu.memory_space<vmem>>, vector<16xf32>,
      %scan3A_1377 = arith.constant 0 : i32
      %scan3A_1378 = arith.constant 0 : i32
      %scan3A_1379 = arith.constant 100 : i32
      %scan3A_1380 = arith.addi %scan3A_1378, %scan3A_1379 : i32
      %scan3A_1381 = arith.constant 1 : i32
      scf.for %scan3A_1428 = %scan3A_1378 to %scan3A_1380 step %scan3A_1381  : i32 {
        %get3A_1429 = arith.index_cast %scan3A_1428 : i32 to index
        %get3A_1430 = arith.constant 64 : index
        %get3A_1431 = tpu.vector_load %arg11[%get3A_1429, %get3A_1430] {strides = array<i32>} : memref<128x128xf32, #tpu.memory_space<vmem>>, vector<16xf32>,
        %get3A_1432 = arith.index_cast %scan3A_1428 : i32 to index
        %get3A_1433 = arith.constant 32 : index
        %get3A_1434 = tpu.vector_load %arg11[%get3A_1432, %get3A_1433] {strides = array<i32>} : memref<128x128xf32, #tpu.memory_space<vmem>>, vector<16xf32>,
        %get3A_1435 = arith.index_cast %scan3A_1428 : i32 to index
        %get3A_1436 = arith.constant 48 : index
        %get3A_1437 = tpu.vector_load %arg11[%get3A_1435, %get3A_1436] {strides = array<i32>} : memref<128x128xf32, #tpu.memory_space<vmem>>, vector<16xf32>,
        %slice3A = vector.extract_strided_slice %get3A_1431 {offsets = [0], sizes = [1], strides = [1]} : vector<16xf32> to vector<1xf32>
        %squeeze3A = vector.extract %slice3A[0] : f32 from vector<1xf32>
        %mul3A_1438 = vector.broadcast %squeeze3A : f32 to vector<16xf32>
        %mul3A_1439 = arith.mulf %mul3A_1438, %get3A_1252 : vector<16xf32>
        %add3A_1440 = arith.addf %get3A_1434, %mul3A_1439 : vector<16xf32>
        %mul3A_1441 = vector.broadcast %squeeze3A : f32 to vector<16xf32>
        %mul3A_1442 = arith.mulf %mul3A_1441, %get3A_1256 : vector<16xf32>
        %add3A_1443 = arith.addf %get3A_1437, %mul3A_1442 : vector<16xf32>
        %slice3A_1444 = vector.extract_strided_slice %get3A_1431 {offsets = [1], sizes = [1], strides = [1]} : vector<16xf32> to vector<1xf32>
        %squeeze3A_1445 = vector.extract %slice3A_1444[0] : f32 from vector<1xf32>
        %mul3A_1446 = vector.broadcast %squeeze3A_1445 : f32 to vector<16xf32>
        %mul3A_1447 = arith.mulf %mul3A_1446, %get3A_1260 : vector<16xf32>
        %add3A_1448 = arith.addf %add3A_1440, %mul3A_1447 : vector<16xf32>
        %mul3A_1449 = vector.broadcast %squeeze3A_1445 : f32 to vector<16xf32>
        %mul3A_1450 = arith.mulf %mul3A_1449, %get3A_1264 : vector<16xf32>
        %add3A_1451 = arith.addf %add3A_1443, %mul3A_1450 : vector<16xf32>
        %slice3A_1452 = vector.extract_strided_slice %get3A_1431 {offsets = [2], sizes = [1], strides = [1]} : vector<16xf32> to vector<1xf32>
        %squeeze3A_1453 = vector.extract %slice3A_1452[0] : f32 from vector<1xf32>
        %mul3A_1454 = vector.broadcast %squeeze3A_1453 : f32 to vector<16xf32>
        %mul3A_1455 = arith.mulf %mul3A_1454, %get3A_1268 : vector<16xf32>
        %add3A_1456 = arith.addf %add3A_1448, %mul3A_1455 : vector<16xf32>
        %mul3A_1457 = vector.broadcast %squeeze3A_1453 : f32 to vector<16xf32>
        %mul3A_1458 = arith.mulf %mul3A_1457, %get3A_1272 : vector<16xf32>
        %add3A_1459 = arith.addf %add3A_1451, %mul3A_1458 : vector<16xf32>
        %slice3A_1460 = vector.extract_strided_slice %get3A_1431 {offsets = [3], sizes = [1], strides = [1]} : vector<16xf32> to vector<1xf32>
        %squeeze3A_1461 = vector.extract %slice3A_1460[0] : f32 from vector<1xf32>
        %mul3A_1462 = vector.broadcast %squeeze3A_1461 : f32 to vector<16xf32>
        %mul3A_1463 = arith.mulf %mul3A_1462, %get3A_1276 : vector<16xf32>
        %add3A_1464 = arith.addf %add3A_1456, %mul3A_1463 : vector<16xf32>
        %mul3A_1465 = vector.broadcast %squeeze3A_1461 : f32 to vector<16xf32>
        %mul3A_1466 = arith.mulf %mul3A_1465, %get3A_1280 : vector<16xf32>
        %add3A_1467 = arith.addf %add3A_1459, %mul3A_1466 : vector<16xf32>
        %slice3A_1468 = vector.extract_strided_slice %get3A_1431 {offsets = [4], sizes = [1], strides = [1]} : vector<16xf32> to vector<1xf32>
        %squeeze3A_1469 = vector.extract %slice3A_1468[0] : f32 from vector<1xf32>
        %mul3A_1470 = vector.broadcast %squeeze3A_1469 : f32 to vector<16xf32>
        %mul3A_1471 = arith.mulf %mul3A_1470, %get3A_1284 : vector<16xf32>
        %add3A_1472 = arith.addf %add3A_1464, %mul3A_1471 : vector<16xf32>
        %mul3A_1473 = vector.broadcast %squeeze3A_1469 : f32 to vector<16xf32>
        %mul3A_1474 = arith.mulf %mul3A_1473, %get3A_1288 : vector<16xf32>
        %add3A_1475 = arith.addf %add3A_1467, %mul3A_1474 : vector<16xf32>
        %slice3A_1476 = vector.extract_strided_slice %get3A_1431 {offsets = [5], sizes = [1], strides = [1]} : vector<16xf32> to vector<1xf32>
        %squeeze3A_1477 = vector.extract %slice3A_1476[0] : f32 from vector<1xf32>
        %mul3A_1478 = vector.broadcast %squeeze3A_1477 : f32 to vector<16xf32>
        %mul3A_1479 = arith.mulf %mul3A_1478, %get3A_1292 : vector<16xf32>
        %add3A_1480 = arith.addf %add3A_1472, %mul3A_1479 : vector<16xf32>
        %mul3A_1481 = vector.broadcast %squeeze3A_1477 : f32 to vector<16xf32>
        %mul3A_1482 = arith.mulf %mul3A_1481, %get3A_1296 : vector<16xf32>
        %add3A_1483 = arith.addf %add3A_1475, %mul3A_1482 : vector<16xf32>
        %slice3A_1484 = vector.extract_strided_slice %get3A_1431 {offsets = [6], sizes = [1], strides = [1]} : vector<16xf32> to vector<1xf32>
        %squeeze3A_1485 = vector.extract %slice3A_1484[0] : f32 from vector<1xf32>
        %mul3A_1486 = vector.broadcast %squeeze3A_1485 : f32 to vector<16xf32>
        %mul3A_1487 = arith.mulf %mul3A_1486, %get3A_1300 : vector<16xf32>
        %add3A_1488 = arith.addf %add3A_1480, %mul3A_1487 : vector<16xf32>
        %mul3A_1489 = vector.broadcast %squeeze3A_1485 : f32 to vector<16xf32>
        %mul3A_1490 = arith.mulf %mul3A_1489, %get3A_1304 : vector<16xf32>
        %add3A_1491 = arith.addf %add3A_1483, %mul3A_1490 : vector<16xf32>
        %slice3A_1492 = vector.extract_strided_slice %get3A_1431 {offsets = [7], sizes = [1], strides = [1]} : vector<16xf32> to vector<1xf32>
        %squeeze3A_1493 = vector.extract %slice3A_1492[0] : f32 from vector<1xf32>
        %mul3A_1494 = vector.broadcast %squeeze3A_1493 : f32 to vector<16xf32>
        %mul3A_1495 = arith.mulf %mul3A_1494, %get3A_1308 : vector<16xf32>
        %add3A_1496 = arith.addf %add3A_1488, %mul3A_1495 : vector<16xf32>
        %mul3A_1497 = vector.broadcast %squeeze3A_1493 : f32 to vector<16xf32>
        %mul3A_1498 = arith.mulf %mul3A_1497, %get3A_1312 : vector<16xf32>
        %add3A_1499 = arith.addf %add3A_1491, %mul3A_1498 : vector<16xf32>
        %slice3A_1500 = vector.extract_strided_slice %get3A_1431 {offsets = [8], sizes = [1], strides = [1]} : vector<16xf32> to vector<1xf32>
        %squeeze3A_1501 = vector.extract %slice3A_1500[0] : f32 from vector<1xf32>
        %mul3A_1502 = vector.broadcast %squeeze3A_1501 : f32 to vector<16xf32>
        %mul3A_1503 = arith.mulf %mul3A_1502, %get3A_1316 : vector<16xf32>
        %add3A_1504 = arith.addf %add3A_1496, %mul3A_1503 : vector<16xf32>
        %mul3A_1505 = vector.broadcast %squeeze3A_1501 : f32 to vector<16xf32>
        %mul3A_1506 = arith.mulf %mul3A_1505, %get3A_1320 : vector<16xf32>
        %add3A_1507 = arith.addf %add3A_1499, %mul3A_1506 : vector<16xf32>
        %slice3A_1508 = vector.extract_strided_slice %get3A_1431 {offsets = [9], sizes = [1], strides = [1]} : vector<16xf32> to vector<1xf32>
        %squeeze3A_1509 = vector.extract %slice3A_1508[0] : f32 from vector<1xf32>
        %mul3A_1510 = vector.broadcast %squeeze3A_1509 : f32 to vector<16xf32>
        %mul3A_1511 = arith.mulf %mul3A_1510, %get3A_1324 : vector<16xf32>
        %add3A_1512 = arith.addf %add3A_1504, %mul3A_1511 : vector<16xf32>
        %mul3A_1513 = vector.broadcast %squeeze3A_1509 : f32 to vector<16xf32>
        %mul3A_1514 = arith.mulf %mul3A_1513, %get3A_1328 : vector<16xf32>
        %add3A_1515 = arith.addf %add3A_1507, %mul3A_1514 : vector<16xf32>
        %slice3A_1516 = vector.extract_strided_slice %get3A_1431 {offsets = [10], sizes = [1], strides = [1]} : vector<16xf32> to vector<1xf32>
        %squeeze3A_1517 = vector.extract %slice3A_1516[0] : f32 from vector<1xf32>
        %mul3A_1518 = vector.broadcast %squeeze3A_1517 : f32 to vector<16xf32>
        %mul3A_1519 = arith.mulf %mul3A_1518, %get3A_1332 : vector<16xf32>
        %add3A_1520 = arith.addf %add3A_1512, %mul3A_1519 : vector<16xf32>
        %mul3A_1521 = vector.broadcast %squeeze3A_1517 : f32 to vector<16xf32>
        %mul3A_1522 = arith.mulf %mul3A_1521, %get3A_1336 : vector<16xf32>
        %add3A_1523 = arith.addf %add3A_1515, %mul3A_1522 : vector<16xf32>
        %slice3A_1524 = vector.extract_strided_slice %get3A_1431 {offsets = [11], sizes = [1], strides = [1]} : vector<16xf32> to vector<1xf32>
        %squeeze3A_1525 = vector.extract %slice3A_1524[0] : f32 from vector<1xf32>
        %mul3A_1526 = vector.broadcast %squeeze3A_1525 : f32 to vector<16xf32>
        %mul3A_1527 = arith.mulf %mul3A_1526, %get3A_1340 : vector<16xf32>
        %add3A_1528 = arith.addf %add3A_1520, %mul3A_1527 : vector<16xf32>
        %mul3A_1529 = vector.broadcast %squeeze3A_1525 : f32 to vector<16xf32>
        %mul3A_1530 = arith.mulf %mul3A_1529, %get3A_1344 : vector<16xf32>
        %add3A_1531 = arith.addf %add3A_1523, %mul3A_1530 : vector<16xf32>
        %slice3A_1532 = vector.extract_strided_slice %get3A_1431 {offsets = [12], sizes = [1], strides = [1]} : vector<16xf32> to vector<1xf32>
        %squeeze3A_1533 = vector.extract %slice3A_1532[0] : f32 from vector<1xf32>
        %mul3A_1534 = vector.broadcast %squeeze3A_1533 : f32 to vector<16xf32>
        %mul3A_1535 = arith.mulf %mul3A_1534, %get3A_1348 : vector<16xf32>
        %add3A_1536 = arith.addf %add3A_1528, %mul3A_1535 : vector<16xf32>
        %mul3A_1537 = vector.broadcast %squeeze3A_1533 : f32 to vector<16xf32>
        %mul3A_1538 = arith.mulf %mul3A_1537, %get3A_1352 : vector<16xf32>
        %add3A_1539 = arith.addf %add3A_1531, %mul3A_1538 : vector<16xf32>
        %slice3A_1540 = vector.extract_strided_slice %get3A_1431 {offsets = [13], sizes = [1], strides = [1]} : vector<16xf32> to vector<1xf32>
        %squeeze3A_1541 = vector.extract %slice3A_1540[0] : f32 from vector<1xf32>
        %mul3A_1542 = vector.broadcast %squeeze3A_1541 : f32 to vector<16xf32>
        %mul3A_1543 = arith.mulf %mul3A_1542, %get3A_1356 : vector<16xf32>
        %add3A_1544 = arith.addf %add3A_1536, %mul3A_1543 : vector<16xf32>
        %mul3A_1545 = vector.broadcast %squeeze3A_1541 : f32 to vector<16xf32>
        %mul3A_1546 = arith.mulf %mul3A_1545, %get3A_1360 : vector<16xf32>
        %add3A_1547 = arith.addf %add3A_1539, %mul3A_1546 : vector<16xf32>
        %slice3A_1548 = vector.extract_strided_slice %get3A_1431 {offsets = [14], sizes = [1], strides = [1]} : vector<16xf32> to vector<1xf32>
        %squeeze3A_1549 = vector.extract %slice3A_1548[0] : f32 from vector<1xf32>
        %mul3A_1550 = vector.broadcast %squeeze3A_1549 : f32 to vector<16xf32>
        %mul3A_1551 = arith.mulf %mul3A_1550, %get3A_1364 : vector<16xf32>
        %add3A_1552 = arith.addf %add3A_1544, %mul3A_1551 : vector<16xf32>
        %mul3A_1553 = vector.broadcast %squeeze3A_1549 : f32 to vector<16xf32>
        %mul3A_1554 = arith.mulf %mul3A_1553, %get3A_1368 : vector<16xf32>
        %add3A_1555 = arith.addf %add3A_1547, %mul3A_1554 : vector<16xf32>
        %slice3A_1556 = vector.extract_strided_slice %get3A_1431 {offsets = [15], sizes = [1], strides = [1]} : vector<16xf32> to vector<1xf32>
        %squeeze3A_1557 = vector.extract %slice3A_1556[0] : f32 from vector<1xf32>
        %mul3A_1558 = vector.broadcast %squeeze3A_1557 : f32 to vector<16xf32>
        %mul3A_1559 = arith.mulf %mul3A_1558, %get3A_1372 : vector<16xf32>
        %add3A_1560 = arith.addf %add3A_1552, %mul3A_1559 : vector<16xf32>
        %mul3A_1561 = vector.broadcast %squeeze3A_1557 : f32 to vector<16xf32>
        %mul3A_1562 = arith.mulf %mul3A_1561, %get3A_1376 : vector<16xf32>
        %add3A_1563 = arith.addf %add3A_1555, %mul3A_1562 : vector<16xf32>
        %swap3A_1564 = arith.index_cast %scan3A_1428 : i32 to index
        %swap3A_1565 = arith.constant 32 : index
        %swap3A_1566 = tpu.vector_load %arg13[%swap3A_1564, %swap3A_1565] {strides = array<i32>} : memref<104x64xf32, #tpu.memory_space<vmem>>, vector<16xf32>,
        tpu.vector_store %arg13[%swap3A_1564, %swap3A_1565], %add3A_1560 {strides = array<i32>} : memref<104x64xf32, #tpu.memory_space<vmem>>, vector<16xf32>,
        %swap3A_1567 = arith.index_cast %scan3A_1428 : i32 to index
        %swap3A_1568 = arith.constant 48 : index
        %swap3A_1569 = tpu.vector_load %arg13[%swap3A_1567, %swap3A_1568] {strides = array<i32>} : memref<104x64xf32, #tpu.memory_space<vmem>>, vector<16xf32>,
        tpu.vector_store %arg13[%swap3A_1567, %swap3A_1568], %add3A_1563 {strides = array<i32>} : memref<104x64xf32, #tpu.memory_space<vmem>>, vector<16xf32>,
      }
      %scan3A_1382 = arith.constant 100 : i32
      %mul3A_1383 = arith.constant 2 : i32
      %mul3A_1384 = arith.muli %mul3A_1383, %add3A_1103 : i32
      %add3A_1385 = arith.addi %mul3A_2, %mul3A_1384 : i32
      %add3A_1386 = arith.constant 0 : i32
      %add3A_1387 = arith.addi %add3A_1385, %add3A_1386 : i32
      %dma_start3A_1388 = arith.constant 0 : i32
      %dma_start3A_1389 = arith.constant 0 : i32
      %dma_start3A_1390 = tpu.memref_slice %arg13[%dma_start3A_1388, %dma_start3A_1389] : memref<104x64xf32, #tpu.memory_space<vmem>> -> memref<50x64xf32, #tpu.memory_space<vmem>>
      %dma_start3A_1391 = arith.constant 0 : i32
      %dma_start3A_1392 = arith.constant 0 : i32
      %dma_start3A_1393 = tpu.memref_slice %arg5[%add3A_1387, %dma_start3A_1391, %dma_start3A_1392] : memref<4096x50x64xf32, #tpu.memory_space<hbm>> -> memref<1x50x64xf32, #tpu.memory_space<hbm>>
      %dma_start3A_1394 = tpu.memref_squeeze %dma_start3A_1393 : memref<1x50x64xf32, #tpu.memory_space<hbm>> -> memref<50x64xf32, #tpu.memory_space<hbm>>
      %dma_start3A_1395 = arith.constant 0 : i32
      %dma_start3A_1396 = arith.constant 0 : i32
      %dma_start3A_1397 = tpu.memref_slice %arg5[%add3A_1387, %dma_start3A_1395, %dma_start3A_1396] : memref<4096x50x64xf32, #tpu.memory_space<hbm>> -> memref<1x50x64xf32, #tpu.memory_space<hbm>>
      %dma_start3A_1398 = tpu.memref_squeeze %dma_start3A_1397 : memref<1x50x64xf32, #tpu.memory_space<hbm>> -> memref<50x64xf32, #tpu.memory_space<hbm>>
      %dma_start3A_1399 = arith.constant 0 : i32
      %dma_start3A_1400 = arith.constant 0 : i32
      %dma_start3A_1401 = tpu.memref_slice %arg13[%dma_start3A_1399, %dma_start3A_1400] : memref<104x64xf32, #tpu.memory_space<vmem>> -> memref<50x64xf32, #tpu.memory_space<vmem>>
      tpu.enqueue_dma source(%dma_start3A_1401 : memref<50x64xf32, #tpu.memory_space<vmem>>) target(%dma_start3A_1398 : memref<50x64xf32, #tpu.memory_space<hbm>>) target_semaphore(%arg20 : memref<!tpu.dma_semaphore, #tpu.memory_space<semaphore_mem>>)
      %mul3A_1402 = arith.constant 2 : i32
      %mul3A_1403 = arith.muli %mul3A_1402, %add3A_1103 : i32
      %add3A_1404 = arith.addi %mul3A_2, %mul3A_1403 : i32
      %add3A_1405 = arith.constant 1 : i32
      %add3A_1406 = arith.addi %add3A_1404, %add3A_1405 : i32
      %dma_start3A_1407 = arith.constant 50 : i32
      %dma_start3A_1408 = arith.constant 0 : i32
      %dma_start3A_1409 = tpu.memref_slice %arg13[%dma_start3A_1407, %dma_start3A_1408] : memref<104x64xf32, #tpu.memory_space<vmem>> -> memref<50x64xf32, #tpu.memory_space<vmem>>
      %dma_start3A_1410 = arith.constant 0 : i32
      %dma_start3A_1411 = arith.constant 0 : i32
      %dma_start3A_1412 = tpu.memref_slice %arg5[%add3A_1406, %dma_start3A_1410, %dma_start3A_1411] : memref<4096x50x64xf32, #tpu.memory_space<hbm>> -> memref<1x50x64xf32, #tpu.memory_space<hbm>>
      %dma_start3A_1413 = tpu.memref_squeeze %dma_start3A_1412 : memref<1x50x64xf32, #tpu.memory_space<hbm>> -> memref<50x64xf32, #tpu.memory_space<hbm>>
      %dma_start3A_1414 = arith.constant 0 : i32
      %dma_start3A_1415 = arith.constant 0 : i32
      %dma_start3A_1416 = tpu.memref_slice %arg5[%add3A_1406, %dma_start3A_1414, %dma_start3A_1415] : memref<4096x50x64xf32, #tpu.memory_space<hbm>> -> memref<1x50x64xf32, #tpu.memory_space<hbm>>
      %dma_start3A_1417 = tpu.memref_squeeze %dma_start3A_1416 : memref<1x50x64xf32, #tpu.memory_space<hbm>> -> memref<50x64xf32, #tpu.memory_space<hbm>>
      %dma_start3A_1418 = arith.constant 50 : i32
      %dma_start3A_1419 = arith.constant 0 : i32
      %dma_start3A_1420 = tpu.memref_slice %arg13[%dma_start3A_1418, %dma_start3A_1419] : memref<104x64xf32, #tpu.memory_space<vmem>> -> memref<50x64xf32, #tpu.memory_space<vmem>>
      tpu.enqueue_dma source(%dma_start3A_1420 : memref<50x64xf32, #tpu.memory_space<vmem>>) target(%dma_start3A_1417 : memref<50x64xf32, #tpu.memory_space<hbm>>) target_semaphore(%arg20 : memref<!tpu.dma_semaphore, #tpu.memory_space<semaphore_mem>>)
      %add3A_1421 = arith.constant 4 : i32
      %add3A_1422 = arith.addi %add3A_1103, %add3A_1421 : i32
      %lt3A_1423 = arith.constant 64 : i32
      %lt3A_1424 = arith.cmpi slt, %add3A_1422, %lt3A_1423 : i32
      %convert_element_type3A_1425 = arith.extui %lt3A_1424 : i1 to i32
      %cond3A_1426 = arith.constant 0 : i32
      %cond3A_1427 = arith.cmpi ne, %convert_element_type3A_1425, %cond3A_1426 : i32
      scf.if %cond3A_1427 {
        %add3A_1428 = arith.constant 4 : i32
        %add3A_1429 = arith.addi %add3A_1103, %add3A_1428 : i32
        %dma_start3A_1430 = arith.constant 0 : i32
        %dma_start3A_1431 = tpu.memref_slice %arg7[%add3A_1429, %dma_start3A_1430] : memref<64x128xi32, #tpu.memory_space<vmem>> -> memref<1x128xi32, #tpu.memory_space<vmem>>
        %dma_start3A_1432 = tpu.memref_squeeze %dma_start3A_1431 : memref<1x128xi32, #tpu.memory_space<vmem>> -> memref<128xi32, #tpu.memory_space<vmem>>
        %dma_start3A_1433 = arith.constant 0 : i32
        %dma_start3A_1434 = arith.constant 0 : i32
        %dma_start3A_1435 = tpu.memref_slice %arg3[%dma_start3A_1433, %dma_start3A_1434] : memref<1000000x128xf32, #tpu.memory_space<hbm>> -> memref<1000000x128xf32, #tpu.memory_space<hbm>>
        tpu.enqueue_indirect_dma source(%dma_start3A_1435 : memref<1000000x128xf32, #tpu.memory_space<hbm>>) target(%arg11 : memref<128x128xf32, #tpu.memory_space<vmem>>) offsets(%dma_start3A_1432 : memref<128xi32, #tpu.memory_space<vmem>>) semaphore(%arg18 : memref<!tpu.dma_semaphore, #tpu.memory_space<semaphore_mem>>)
      } else {
      }
    }
    %scan3A_56 = arith.constant 16 : i32
    %add3A_57 = arith.constant 0 : i32
    %add3A_58 = arith.addi %mul3A_2, %add3A_57 : i32
    %dma_wait3A = arith.constant 0 : i32
    %dma_wait3A_59 = arith.constant 0 : i32
    %dma_wait3A_60 = tpu.memref_slice %arg12[%dma_wait3A, %dma_wait3A_59] : memref<104x64xf32, #tpu.memory_space<vmem>> -> memref<50x64xf32, #tpu.memory_space<vmem>>
    %dma_wait3A_61 = arith.constant 0 : i32
    %dma_wait3A_62 = arith.constant 0 : i32
    %dma_wait3A_63 = tpu.memref_slice %arg5[%add3A_58, %dma_wait3A_61, %dma_wait3A_62] : memref<4096x50x64xf32, #tpu.memory_space<hbm>> -> memref<1x50x64xf32, #tpu.memory_space<hbm>>
    %dma_wait3A_64 = tpu.memref_squeeze %dma_wait3A_63 : memref<1x50x64xf32, #tpu.memory_space<hbm>> -> memref<50x64xf32, #tpu.memory_space<hbm>>
    %dma_wait3A_65 = arith.constant 0 : i32
    %dma_wait3A_66 = arith.constant 0 : i32
    %dma_wait3A_67 = tpu.memref_slice %arg5[%add3A_58, %dma_wait3A_65, %dma_wait3A_66] : memref<4096x50x64xf32, #tpu.memory_space<hbm>> -> memref<1x50x64xf32, #tpu.memory_space<hbm>>
    %dma_wait3A_68 = tpu.memref_squeeze %dma_wait3A_67 : memref<1x50x64xf32, #tpu.memory_space<hbm>> -> memref<50x64xf32, #tpu.memory_space<hbm>>
    %dma_wait3A_69 = arith.constant 0 : i32
    %dma_wait3A_70 = arith.constant 0 : i32
    %dma_wait3A_71 = tpu.memref_slice %arg12[%dma_wait3A_69, %dma_wait3A_70] : memref<104x64xf32, #tpu.memory_space<vmem>> -> memref<50x64xf32, #tpu.memory_space<vmem>>
    tpu.wait_dma2 semaphore(%arg19 : memref<!tpu.dma_semaphore, #tpu.memory_space<semaphore_mem>>) src(%dma_wait3A_71 : memref<50x64xf32, #tpu.memory_space<vmem>>) dst(%dma_wait3A_68 : memref<50x64xf32, #tpu.memory_space<hbm>>)
    %add3A_72 = arith.constant 1 : i32
    %add3A_73 = arith.addi %mul3A_2, %add3A_72 : i32
    %dma_wait3A_74 = arith.constant 50 : i32
    %dma_wait3A_75 = arith.constant 0 : i32
    %dma_wait3A_76 = tpu.memref_slice %arg12[%dma_wait3A_74, %dma_wait3A_75] : memref<104x64xf32, #tpu.memory_space<vmem>> -> memref<50x64xf32, #tpu.memory_space<vmem>>
    %dma_wait3A_77 = arith.constant 0 : i32
    %dma_wait3A_78 = arith.constant 0 : i32
    %dma_wait3A_79 = tpu.memref_slice %arg5[%add3A_73, %dma_wait3A_77, %dma_wait3A_78] : memref<4096x50x64xf32, #tpu.memory_space<hbm>> -> memref<1x50x64xf32, #tpu.memory_space<hbm>>
    %dma_wait3A_80 = tpu.memref_squeeze %dma_wait3A_79 : memref<1x50x64xf32, #tpu.memory_space<hbm>> -> memref<50x64xf32, #tpu.memory_space<hbm>>
    %dma_wait3A_81 = arith.constant 0 : i32
    %dma_wait3A_82 = arith.constant 0 : i32
    %dma_wait3A_83 = tpu.memref_slice %arg5[%add3A_73, %dma_wait3A_81, %dma_wait3A_82] : memref<4096x50x64xf32, #tpu.memory_space<hbm>> -> memref<1x50x64xf32, #tpu.memory_space<hbm>>
    %dma_wait3A_84 = tpu.memref_squeeze %dma_wait3A_83 : memref<1x50x64xf32, #tpu.memory_space<hbm>> -> memref<50x64xf32, #tpu.memory_space<hbm>>
    %dma_wait3A_85 = arith.constant 50 : i32
    %dma_wait3A_86 = arith.constant 0 : i32
    %dma_wait3A_87 = tpu.memref_slice %arg12[%dma_wait3A_85, %dma_wait3A_86] : memref<104x64xf32, #tpu.memory_space<vmem>> -> memref<50x64xf32, #tpu.memory_space<vmem>>
    tpu.wait_dma2 semaphore(%arg19 : memref<!tpu.dma_semaphore, #tpu.memory_space<semaphore_mem>>) src(%dma_wait3A_87 : memref<50x64xf32, #tpu.memory_space<vmem>>) dst(%dma_wait3A_84 : memref<50x64xf32, #tpu.memory_space<hbm>>)
    %add3A_88 = arith.constant 0 : i32
    %add3A_89 = arith.addi %mul3A_2, %add3A_88 : i32
    %dma_wait3A_90 = arith.constant 0 : i32
    %dma_wait3A_91 = arith.constant 0 : i32
    %dma_wait3A_92 = tpu.memref_slice %arg13[%dma_wait3A_90, %dma_wait3A_91] : memref<104x64xf32, #tpu.memory_space<vmem>> -> memref<50x64xf32, #tpu.memory_space<vmem>>
    %dma_wait3A_93 = arith.constant 0 : i32
    %dma_wait3A_94 = arith.constant 0 : i32
    %dma_wait3A_95 = tpu.memref_slice %arg5[%add3A_89, %dma_wait3A_93, %dma_wait3A_94] : memref<4096x50x64xf32, #tpu.memory_space<hbm>> -> memref<1x50x64xf32, #tpu.memory_space<hbm>>
    %dma_wait3A_96 = tpu.memref_squeeze %dma_wait3A_95 : memref<1x50x64xf32, #tpu.memory_space<hbm>> -> memref<50x64xf32, #tpu.memory_space<hbm>>
    %dma_wait3A_97 = arith.constant 0 : i32
    %dma_wait3A_98 = arith.constant 0 : i32
    %dma_wait3A_99 = tpu.memref_slice %arg5[%add3A_89, %dma_wait3A_97, %dma_wait3A_98] : memref<4096x50x64xf32, #tpu.memory_space<hbm>> -> memref<1x50x64xf32, #tpu.memory_space<hbm>>
    %dma_wait3A_100 = tpu.memref_squeeze %dma_wait3A_99 : memref<1x50x64xf32, #tpu.memory_space<hbm>> -> memref<50x64xf32, #tpu.memory_space<hbm>>
    %dma_wait3A_101 = arith.constant 0 : i32
    %dma_wait3A_102 = arith.constant 0 : i32
    %dma_wait3A_103 = tpu.memref_slice %arg13[%dma_wait3A_101, %dma_wait3A_102] : memref<104x64xf32, #tpu.memory_space<vmem>> -> memref<50x64xf32, #tpu.memory_space<vmem>>
    tpu.wait_dma2 semaphore(%arg20 : memref<!tpu.dma_semaphore, #tpu.memory_space<semaphore_mem>>) src(%dma_wait3A_103 : memref<50x64xf32, #tpu.memory_space<vmem>>) dst(%dma_wait3A_100 : memref<50x64xf32, #tpu.memory_space<hbm>>)
    %add3A_104 = arith.constant 1 : i32
    %add3A_105 = arith.addi %mul3A_2, %add3A_104 : i32
    %dma_wait3A_106 = arith.constant 50 : i32
    %dma_wait3A_107 = arith.constant 0 : i32
    %dma_wait3A_108 = tpu.memref_slice %arg13[%dma_wait3A_106, %dma_wait3A_107] : memref<104x64xf32, #tpu.memory_space<vmem>> -> memref<50x64xf32, #tpu.memory_space<vmem>>
    %dma_wait3A_109 = arith.constant 0 : i32
    %dma_wait3A_110 = arith.constant 0 : i32
    %dma_wait3A_111 = tpu.memref_slice %arg5[%add3A_105, %dma_wait3A_109, %dma_wait3A_110] : memref<4096x50x64xf32, #tpu.memory_space<hbm>> -> memref<1x50x64xf32, #tpu.memory_space<hbm>>
    %dma_wait3A_112 = tpu.memref_squeeze %dma_wait3A_111 : memref<1x50x64xf32, #tpu.memory_space<hbm>> -> memref<50x64xf32, #tpu.memory_space<hbm>>
    %dma_wait3A_113 = arith.constant 0 : i32
    %dma_wait3A_114 = arith.constant 0 : i32
    %dma_wait3A_115 = tpu.memref_slice %arg5[%add3A_105, %dma_wait3A_113, %dma_wait3A_114] : memref<4096x50x64xf32, #tpu.memory_space<hbm>> -> memref<1x50x64xf32, #tpu.memory_space<hbm>>
    %dma_wait3A_116 = tpu.memref_squeeze %dma_wait3A_115 : memref<1x50x64xf32, #tpu.memory_space<hbm>> -> memref<50x64xf32, #tpu.memory_space<hbm>>
    %dma_wait3A_117 = arith.constant 50 : i32
    %dma_wait3A_118 = arith.constant 0 : i32
    %dma_wait3A_119 = tpu.memref_slice %arg13[%dma_wait3A_117, %dma_wait3A_118] : memref<104x64xf32, #tpu.memory_space<vmem>> -> memref<50x64xf32, #tpu.memory_space<vmem>>
    tpu.wait_dma2 semaphore(%arg20 : memref<!tpu.dma_semaphore, #tpu.memory_space<semaphore_mem>>) src(%dma_wait3A_119 : memref<50x64xf32, #tpu.memory_space<vmem>>) dst(%dma_wait3A_116 : memref<50x64xf32, #tpu.memory_space<hbm>>)
    return
  }
}

</mosaic_0001>

<sc_bundles>
// kernel: kernel.3.cloned.1.call-start
scs
__scs_entry_jumppad:
0x0: {  	(pc) =	sbr.rel $0x88, $3  }
0x1: {  	(tag) =	ssettag $0x0;
	lr =	simm.s32 $0x1  }
0x2: {  	[smem:$0x3F9D] =	sst lr;
	_ =	strace $0xD0000000  }
0x3: {  	_ = 	snop  }
0x4: {  	_ = 	snop  }
0x5: {  	_ = 	snop  }
0x6: {  	_ = 	snop  }
0x7: {  	_ = 	snop  }
__scs_overlays_trampoline_lowered:
0x8: {  	[smem:$0x3FAC] =	sst s0  }
0x9: {  	[smem:$0x3FAD] =	sst s1  }
0xa: {  	[smem:$0x3FAE] =	sst s2  }
0xb: {  	[smem:$0x3FAF] =	sst s3  }
0xc: {  	[smem:$0x3FB0] =	sst s4  }
0xd: {  	[smem:$0x3FB1] =	sst s5  }
0xe: {  	[smem:$0x3FB2] =	sst s6  }
0xf: {  	[smem:$0x3FB3] =	sst s7  }
0x10: {  	[smem:$0x3FB4] =	sst s8  }
0x11: {  	[smem:$0x3FB5] =	sst s9;
	s0 =	simm.s32 @!p0 $0x0  }
0x12: {  	s1 =	sld [smem:$0x3F9B];
	s0 =	simm.s32 @p0 $0x1  }
0x13: {  	[smem:$0x3FB6] =	sst s0;
	s0 =	simm.s32 @!p1 $0x0  }
0x14: {  	s2 =	sld [smem:$0x3F9A];
	s0 =	simm.s32 @p1 $0x1  }
0x15: {  	[smem:$0x3FB7] =	sst s0;
	s0 =	simm.s32 @!p2 $0x0  }
0x16: {  	s3 =	sld [smem:$0x3FDB];
	s0 =	simm.s32 @p2 $0x1  }
0x17: {  	s4 =	simm.s32 $0x1BF5;
	[smem:$0x3FB9] =	sst s0  }
0x18: {  	s0 =	sld [smem:$0x3F9C];
	_ =	swait.ge [sflag:s4], $0x0  }
0x19: {  	s7 =	sld [smem:$0x3F9D]  }
0x1a: {  	s8 =	sadd.s32 $0xFFFFE003, lr  }
0x1b: {  	s9 =	sadd.s32 $0xFFFFFEF7, lr;
	s5 =	simm.s32 $0xFFFFFFFF;
	p2 =	slt.u32 s8, $0xFFFFF086  }
0x1c: {  	p1 =	slt.u32 s9, $0xF7A;
	s5 =	simm.s32 @!p2 $0x0  }
0x1d: {  	s5 =	simm.s32 @p1 $0x1;
	p0 =	seq.s32 s7, s2  }
0x1e: {  	s7 =	smul.u32 @!p0 $0xF7A, s2;
	p2 =	seq.s32 @!p0 s5, $0x0  }
0x1f: {  	s9 =	smul.u32 $0xF7A, s1;
	s8 =	simm.s32 @!p0 $0x1BF5;
	p2 =	por !p2, p0  }
0x20: {  	[sflag:s8] =	ssyncset.s32 @!p0 $0xFFFFF086;
	s6 =	sadd.s32 @!p0 s3, s7;
	s7 =	simm.s32 @!p0 $0x108  }
0x21: {  	s3 =	sadd.s32 s3, s9;
	s6 =	sadd.s32 @!p0 $0x88, s6;
	s7 =	simm.s32 @p2 $0x1082  }
0x22: {  	[simem:s7], [sflag:s8] =	dma.local @!p0 [hbm:s6], $0xF7A  }
0x23: {  	s9 =	sor.u32 $0xD0000000, s2;
	s6 =	simm.s32 $0x108;
	_ =	swait.ge @!p0 [sflag:s8], $0x0  }
0x24: {  	s3 =	sadd.s32 $0x88, s3;
	s6 =	simm.s32 @!p1 $0x1082;
	[sflag:s4] =	ssyncset.s32 $0xFFFFF086  }
0x25: {  	[simem:s6], [sflag:s4] =	dma.local [hbm:s3], $0xF7A  }
0x26: {  	[smem:$0x3F9D] =	sst s1;
	(tag) =	ssettag s2;
	_ =	strace s9  }
0x27: {  	s1 =	sld [smem:$0x3FAD]  }
0x28: {  	s2 =	sld [smem:$0x3FAE]  }
0x29: {  	s4 =	sld [smem:$0x3FB0]  }
0x2a: {  	p0 =	seq.s32 s5, $0x0;
	s5 =	sld [smem:$0x3FB1]  }
0x2b: {  	s6 =	sld [smem:$0x3FB2]  }
0x2c: {  	s7 =	sld [smem:$0x3FB3]  }
0x2d: {  	s3 =	simm.s32 $0x108;
	s8 =	sld [smem:$0x3FB4]  }
0x2e: {  	s3 =	simm.s32 @!p0 $0x1082;
	s9 =	sld [smem:$0x3FB5]  }
0x2f: {  	lr =	sadd.s32 s0, s3;
	s0 =	sld [smem:$0x3FAC]  }
0x30: {  	s3 =	sld [smem:$0x3FAF]  }
0x31: {  	[smem:$0x3FB8] =	sst s10  }
0x32: {  	s10 =	sld [smem:$0x3FB6];
	_ =	sdelay $0x3  }
0x33: {  	p0 =	seq.s32 s10, $0x1;
	s10 =	sld [smem:$0x3FB8];
	_ =	sdelay $0x3  }
0x34: {  	[smem:$0x3FB8] =	sst s10  }
0x35: {  	s10 =	sld [smem:$0x3FB7];
	_ =	sdelay $0x3  }
0x36: {  	p1 =	seq.s32 s10, $0x1;
	s10 =	sld [smem:$0x3FB8];
	_ =	sdelay $0x3  }
0x37: {  	[smem:$0x3FB8] =	sst s10  }
0x38: {  	s10 =	sld [smem:$0x3FB9]  }
0x39: {  	_ = 	snop;
	(pc) =	sbr.ind lr, $3  }
0x3a: {  	_ = 	snop  }
0x3b: {  	_ = 	snop  }
0x3c: {  	p2 =	seq.s32 s10, $0x1;
	s10 =	sld [smem:$0x3FB8]  }
0x3d: {  	_ =	shalt  }
0x3e: {  	_ =	shalt  }
0x3f: {  	_ =	shalt  }
0x40: {  	_ =	shalt  }
0x41: {  	_ =	shalt  }
0x42: {  	_ =	shalt  }
0x43: {  	_ =	shalt  }
0x44: {  	_ =	shalt  }
0x45: {  	_ =	shalt  }
0x46: {  	_ =	shalt  }
0x47: {  	_ =	shalt  }
0x48: {  	_ =	shalt  }
0x49: {  	_ =	shalt  }
0x4a: {  	_ =	shalt  }
0x4b: {  	_ =	shalt  }
0x4c: {  	_ =	shalt  }
0x4d: {  	_ =	shalt  }
0x4e: {  	_ =	shalt  }
0x4f: {  	_ =	shalt  }
0x50: {  	_ =	shalt  }
0x51: {  	_ =	shalt  }
0x52: {  	_ =	shalt  }
0x53: {  	_ =	shalt  }
0x54: {  	_ =	shalt  }
0x55: {  	_ =	shalt  }
0x56: {  	_ =	shalt  }
0x57: {  	_ =	shalt  }
0x58: {  	_ =	shalt  }
0x59: {  	_ =	shalt  }
0x5a: {  	_ =	shalt  }
0x5b: {  	_ =	shalt  }
0x5c: {  	_ =	shalt  }
0x5d: {  	_ =	shalt  }
0x5e: {  	_ =	shalt  }
0x5f: {  	_ =	shalt  }
0x60: {  	_ =	shalt  }
0x61: {  	_ =	shalt  }
0x62: {  	_ =	shalt  }
0x63: {  	_ =	shalt  }
0x64: {  	_ =	shalt  }
0x65: {  	_ =	shalt  }
0x66: {  	_ =	shalt  }
0x67: {  	_ =	shalt  }
0x68: {  	_ =	shalt  }
0x69: {  	_ =	shalt  }
0x6a: {  	_ =	shalt  }
0x6b: {  	_ =	shalt  }
0x6c: {  	_ =	shalt  }
0x6d: {  	_ =	shalt  }
0x6e: {  	_ =	shalt  }
0x6f: {  	_ =	shalt  }
0x70: {  	_ =	shalt  }
0x71: {  	_ =	shalt  }
0x72: {  	_ =	shalt  }
0x73: {  	_ =	shalt  }
0x74: {  	_ =	shalt  }
0x75: {  	_ =	shalt  }
0x76: {  	_ =	shalt  }
0x77: {  	_ =	shalt  }
0x78: {  	_ =	shalt  }
0x79: {  	_ =	shalt  }
0x7a: {  	_ =	shalt  }
0x7b: {  	_ =	shalt  }
0x7c: {  	_ =	shalt  }
0x7d: {  	_ =	shalt  }
0x7e: {  	_ =	shalt  }
0x7f: {  	_ =	shalt  }
0x80: {  	_ =	shalt  }
0x81: {  	_ =	shalt  }
0x82: {  	_ =	shalt  }
0x83: {  	_ =	shalt  }
0x84: {  	_ =	shalt  }
0x85: {  	_ =	shalt  }
0x86: {  	_ =	shalt  }
0x87: {  	_ =	shalt  }
.Lfunc_end0:
.L_simem_size_0:
called_computation_lowered:
.L_overlay_start_0:
0x88: {  	s2 =	sld [smem:$0x3FD9]  }
0x89: {  	s3 =	sld [smem:$0x3FFE];
	_ =	sdelay $0x1  }
0x8a: {  	s1 =	srdreg.scid  }
0x8b: {  	s0 =	sand.u32 $0x1, s1  }
0x8c: {  	s17 =	sshll.u32 s0, $0xA;
	s2 =	sadd.s32 s3, s2  }
0x8d: {  	s2 =	sadd.s32 s2, s17  }
0x8e: {  	[smem:$0x3FC4] =	sst s2  }
0x8f: {  	_ = 	snop  }
0x90: {  	s2 =	sld [smem:$0x3FC6]  }
0x91: {  	s18 =	sld [smem:$0x3FD0];
	(tm) =	ssettm $0x1  }
0x92: {  	s4 =	sld [smem:$0x3FFB];
	_ =	sdelay $0x3  }
0x93: {  	_ =	strace s4  }
0x94: {  	s4 =	sld [smem:$0x3FFC];
	_ =	sdelay $0x3  }
0x95: {  	_ =	strace s4  }
0x96: {  	s4 =	sld [smem:$0x3FFD];
	_ =	sdelay $0x3  }
0x97: {  	_ =	strace s4  }
0x98: {  	_ =	strace $0x8FFFFFFF  }
0x99: {  	s19 =	sld [smem:$0x3FDB];
	_ =	sdelay $0x1  }
0x9a: {  	s5 =	simm.s32 $_scs_section_size  }
0x9b: {  	s6 =	simm.s32 $_size__tile_overlayer_lowered;
	s7 =	simm.s32 $_tile_overlayer_lowered  }
0x9c: {  	s22 =	simm.s32 $0x1BFF;
	s21 =	sshll.u32 s7, $0x1;
	s4 =	sadd.s32 s5, s19  }
0x9d: {  	s8 =	simm.s32 $0x0;
	s20 =	sshll.u32 s6, $0x1;
	s6 =	sadd.s32 s21, s4  }
0x9e: {  	[timem:s8], [sflag:s22] =	dma.local [hbm:s6], s20  }
0x9f: {  	_ =	swait.ge [sflag:s22], s20  }
0xa0: {  	s5 =	ssub.s32 $0x0, s20;
	[sflag:s22] =	ssyncset.done $0x0  }
0xa1: {  	[sflag:s22] =	ssyncadd.s32 s5;
	_ =	sdelay $0x1  }
0xa2: {  	s23 =	simm.s32 $0x1B8B  }
0xa3: {  	_ =	swait.ge [sflag:s23], $0x1  }
0xa4: {  	[sflag:s23] =	ssyncset.done $0x0  }
0xa5: {  	s25 =	simm.s32 $0x1B8E;
	s24 =	sld [smem:$0x3FFE];
	[sflag:s23] =	ssyncadd.s32 $0xFFFFFFFF  }
0xa6: {  	s26 =	simm.s32 $execute0_lowered;
	[smem:$0x3FD2] =	sst s25  }
0xa7: {  	s6 =	sshll.u32 s26, $0x1;
	_ =	strace $0x80000046;
	[dreg:$0x1] =	wrdreg $0xFFFFFFFF  }
0xa8: {  	s28 =	simm.s32 $_size_execute0_lowered;
	s4 =	sadd.s32 s4, s6;
	[dreg:$0x0] =	wrdreg $0x0  }
0xa9: {  	s6 =	sshll.u32 s28, $0x1;
	[dreg:$0x2] =	wrdreg s4  }
0xaa: {  	[dreg:$0x3] =	wrdreg s6  }
0xab: {  	[dreg:$0x4] =	wrdreg $0xC0  }
0xac: {  	_ =	task [dreg:s8], $0x5FFFF  }
0xad: {  	[dreg:$0x1] =	wrdreg $0xFFFFFFFF  }
0xae: {  	[dreg:$0x0] =	wrdreg $0x60  }
0xaf: {  	[dreg:$0x2] =	wrdreg s18  }
0xb0: {  	[dreg:$0x3] =	wrdreg s24  }
0xb1: {  	[dreg:$0x4] =	wrdreg s2  }
0xb2: {  	[dreg:$0x5] =	wrdreg $0x9  }
0xb3: {  	_ =	task.clear_ibuf [dreg:s8], $0x6FFFF;
	_ =	strace $0x90000046  }
0xb4: {  	s29 =	simm.s32 $0x9;
	_ =	strace $0x80000048  }
0xb5: {  	_ =	swait.ge [sflag:s29], $0x1  }
0xb6: {  	[sflag:s29] =	ssyncadd.s32 $0xFFFFFFFF  }
0xb7: {  	_ =	strace $0x90000048  }
0xb8: {  	_ =	sfence  }
0xb9: {  	s30 =	sld [smem:$0x0];
	_ =	sdelay $0x2  }
0xba: {  	s31 =	sshll.u32 s1, $0xD;
	s1 =	sshrl.u32 s1, $0x2  }
0xbb: {  	s3 =	sand.u32 $0x4000, s31;
	s1 =	sadd.s32 s1, s30  }
0xbc: {  	s0 =	sor.u32 s3, s0;
	s1 =	sshll.u32 s1, $0x11  }
0xbd: {  	s0 =	sor.u32 s1, s0  }
0xbe: {  	s0 =	sadd.s32 $0x8F2B, s0  }
0xbf: {  	[sflag:s0] =	ssyncadd.remote.s32 $0x1  }
0xc0: {  	_ =	sfence.sel $0xFFFF  }
0xc1: {  	[dreg:$0x0] =	wrdreg $0xFFFFFFFF;
	(pc) =	sbr.abs _section_cstart, $3  }
0xc2: {  	[dreg:$0x1] =	wrdreg $0xFFFFFFFF  }
0xc3: {  	_ =	task.clear_ibuf [dreg:s8], $0x2FFFF;
	_ =	strace $0x9FFFFFFF  }
0xc4: {  	(tm) =	ssettm $0x7FFFFFFF  }
0xc5: {  	_ =	shalt  }
tec
execute0_lowered:
.L_overlay_start_1:
0x0: {  	(tag) =	ssettag $0x1  }
0x1: {  	s0 =	rddreg [dreg:$0x0]  }
0x2: {  	s1 =	rddreg [dreg:$0x1]  }
0x3: {  	s2 =	srdreg.scid;
	s4 =	stileid.u32  }
0x4: {  	s3 =	simm.s32 $0x0;
	s11 =	simm.s32 $0x7;
	s12 =	simm.s32 $0x80  }
0x5: {  	s14 =	simm.s32 $0x3980;
	s19 =	simm.s32 $0x1B00;
	s20 =	simm.s32 $0xF980  }
0x6: {  	s21 =	simm.s32 $0x1;
	s22 =	simm.s32 $0x13980;
	s23 =	simm.s32 $0x15280  }
0x7: {  	s24 =	simm.s32 $0x2;
	s25 =	simm.s32 $0x6;
	s26 =	simm.s32 $0x16D80  }
0x8: {  	s28 =	simm.s32 $0x18680;
	s29 =	simm.s32 $0x3;
	s30 =	simm.s32 $0x5  }
0x9: {  	s31 =	simm.s32 $0x4;
	s2 =	sand.u32 $0x1, s2;
	s4 =	sshll.u32 s4, $0x1  }
.Ltmp0:
0xa: {  	[smem:$0x7FF] =	sst s3;
	s5 =	sadd.s32 $0x600, s1;
	(pc) =	sbr.rel .LBB2_1-.Ltmp0, $4  }
0xb: {  	s6 =	sor.u32 s2, s4;
	_ =	strace $0x80000047;
	s2 =	ssub.s32 $0x2, s2  }
0xc: {  	s4 =	sadd.s32 $0x1E84E00, s1;
	s7 =	smul.u32 $0x320, s6;
	s8 =	sshrl.u32 s2, $0x1  }
0xd: {  	s6 =	sshll.u32 s6, $0x7;
	s2 =	ssub.s32 s2, s8;
	s8 =	sadd.s32 $0x980, s1  }
0xe: {  	v0 =	vimm.s32 $0x0;
	v1 =	vlaneseq.u32;
	s7 =	sadd.s32 s0, s7;
	s9 =	smax.u32 s2, $0x1;
	s0 =	simm.s32 $0x0  }
.LBB2_26:
0xf: {  	_ =	swait.ge [sflag:s30], $0x1900  }
0x10: {  	[sflag:s30] =	ssyncset.done $0x0  }
0x11: {  	[sflag:s30] =	ssyncadd.s32 $0xFFFFE700  }
0x12: {  	_ =	swait.ge [sflag:s30], $0x1900  }
0x13: {  	[sflag:s30] =	ssyncset.done $0x0  }
0x14: {  	s0 =	sadd.s32 $0x1, s0;
	[sflag:s30] =	ssyncadd.s32 $0xFFFFE700  }
0x15: {  	p0 =	sne.s32 s0, s9;
	_ =	swait.ge [sflag:s25], $0x1900  }
.Ltmp1:
0x16: {  	[sflag:s25] =	ssyncset.done $0x0;
	(pc) =	sbr.rel @!p0 .LBB2_27-.Ltmp1, $4  }
0x17: {  	[sflag:s25] =	ssyncadd.s32 $0xFFFFE700  }
0x18: {  	_ =	swait.ge [sflag:s25], $0x1900  }
0x19: {  	[sflag:s25] =	ssyncset.done $0x0  }
0x1a: {  	[sflag:s25] =	ssyncadd.s32 $0xFFFFE700  }
.LBB2_1:
0x1b: {  	s1 =	rddreg [dreg:$0x2];
	s2 =	simm.s32 $0x1A180  }
0x1c: {  	[tilespmem:s2], [sflag:$0x7] =	stream.linear.gather [hbm4b:s1+s3], $0x800, $0x38;
	[tilespmem:$0x1A980] =	vst v63  }
0x1d: {  	_ =	swait.ge [sflag:s11], $0x800  }
0x1e: {  	[sflag:s11] =	ssyncset.done $0x0  }
0x1f: {  	[sflag:s11] =	ssyncadd.s32 $0xFFFFF800  }
0x20: {  	[tilespmem:s3], [sflag:$0x7] =	stream.linear.gather [hbm4b:s7+s3], $0x1900, $0x38;
	[tilespmem:$0x1A980] =	vst v63  }
0x21: {  	_ =	swait.ge [sflag:s11], $0x1900  }
0x22: {  	s18 =	simm.s32 $0x0;
	[sflag:s11] =	ssyncset.done $0x0  }
0x23: {  	v2 =	vadd.s32 s18, v1;
	[sflag:s11] =	ssyncadd.s32 $0xFFFFE700  }
0x24: {  	[tilespmem:$0x1900] =	vst v0  }
0x25: {  	[tilespmem:$0x1910] =	vst v0  }
0x26: {  	[tilespmem:$0x1920] =	vst v0  }
0x27: {  	[tilespmem:$0x1930] =	vst v0  }
0x28: {  	s2 =	simm.s32 $0x10;
	v2 =	vld.idx.msk [tilespmem:v2+s3+$0x0], $0xffff  }
0x29: {  	v3 =	vadd.s32 s2, v1;
	_ =	sdelay $0x2  }
0x2a: {  	s1 =	simm.s32 $0x19C0  }
0x2b: {  	[tilespmem:s1+$0xFFFFFFC0] =	vst v2  }
0x2c: {  	s10 =	simm.s32 $0x20;
	v2 =	vld.idx.msk [tilespmem:v3+s3+$0x0], $0xffff  }
0x2d: {  	v3 =	vadd.s32 s10, v1;
	_ =	sdelay $0x3  }
0x2e: {  	[tilespmem:s1+$0xFFFFFFD0] =	vst v2  }
0x2f: {  	s13 =	simm.s32 $0x30;
	v2 =	vld.idx.msk [tilespmem:v3+s3+$0x0], $0xffff  }
0x30: {  	v3 =	vadd.s32 s13, v1;
	_ =	sdelay $0x3  }
0x31: {  	[tilespmem:s1+$0xFFFFFFE0] =	vst v2  }
0x32: {  	s15 =	simm.s32 $0x40;
	v2 =	vld.idx.msk [tilespmem:v3+s3+$0x0], $0xffff  }
0x33: {  	v3 =	vadd.s32 s15, v1;
	_ =	sdelay $0x3  }
0x34: {  	[tilespmem:s1+$0xFFFFFFF0] =	vst v2  }
0x35: {  	s16 =	simm.s32 $0x50;
	v2 =	vld.idx.msk [tilespmem:v3+s3+$0x0], $0xffff  }
0x36: {  	v3 =	vadd.s32 s16, v1;
	_ =	sdelay $0x3  }
0x37: {  	[tilespmem:s1+$0x0] =	vst v2  }
0x38: {  	s17 =	simm.s32 $0x60;
	v2 =	vld.idx.msk [tilespmem:v3+s3+$0x0], $0xffff  }
0x39: {  	v3 =	vadd.s32 s17, v1;
	_ =	sdelay $0x3  }
0x3a: {  	[tilespmem:s1+$0x10] =	vst v2  }
0x3b: {  	s18 =	simm.s32 $0x70;
	v2 =	vld.idx.msk [tilespmem:v3+s3+$0x0], $0xffff  }
0x3c: {  	v3 =	vadd.s32 s18, v1;
	_ =	sdelay $0x3  }
0x3d: {  	[tilespmem:s1+$0x20] =	vst v2  }
0x3e: {  	s2 =	simm.s32 $0xD4;
	s10 =	simm.s32 $0x138;
	s13 =	simm.s32 $0x64;
	v2 =	vld.idx.msk [tilespmem:v3+s3+$0x0], $0xffff  }
.LBB2_2:
0x3f: {  	p0 =	sne.s32 s10, $0x190C;
	v3 =	vadd.s32 s13, v1;
	_ =	sdelay $0x3  }
0x40: {  	[tilespmem:s1+$0x30] =	vst v2  }
0x41: {  	v2 =	vld.idx.msk [tilespmem:v3+s3+$0x0], $0xffff  }
0x42: {  	s13 =	sadd.s32 $0xFFFFFFA0, s2  }
0x43: {  	v3 =	vadd.s32 s13, v1;
	_ =	sdelay $0x2  }
0x44: {  	s1 =	sadd.s32 $0x80, s1  }
0x45: {  	[tilespmem:s1+$0xFFFFFFC0] =	vst v2  }
0x46: {  	v2 =	vld.idx.msk [tilespmem:v3+s3+$0x0], $0xffff  }
0x47: {  	s13 =	sadd.s32 $0xFFFFFFB0, s2  }
0x48: {  	v3 =	vadd.s32 s13, v1;
	_ =	sdelay $0x3  }
0x49: {  	[tilespmem:s1+$0xFFFFFFD0] =	vst v2  }
0x4a: {  	v2 =	vld.idx.msk [tilespmem:v3+s3+$0x0], $0xffff  }
0x4b: {  	s13 =	sadd.s32 $0xFFFFFFC0, s2  }
0x4c: {  	v3 =	vadd.s32 s13, v1;
	_ =	sdelay $0x3  }
0x4d: {  	[tilespmem:s1+$0xFFFFFFE0] =	vst v2  }
0x4e: {  	v2 =	vld.idx.msk [tilespmem:v3+s3+$0x0], $0xffff  }
0x4f: {  	s13 =	sadd.s32 $0xFFFFFFD0, s2  }
0x50: {  	v3 =	vadd.s32 s13, v1;
	_ =	sdelay $0x3  }
0x51: {  	[tilespmem:s1+$0xFFFFFFF0] =	vst v2  }
0x52: {  	v2 =	vld.idx.msk [tilespmem:v3+s3+$0x0], $0xffff  }
0x53: {  	s13 =	sadd.s32 $0xFFFFFFE0, s2  }
0x54: {  	v3 =	vadd.s32 s13, v1;
	_ =	sdelay $0x3  }
0x55: {  	[tilespmem:s1+$0x0] =	vst v2  }
0x56: {  	v2 =	vld.idx.msk [tilespmem:v3+s3+$0x0], $0xffff  }
0x57: {  	s13 =	sadd.s32 $0xFFFFFFF0, s2  }
0x58: {  	v3 =	vadd.s32 s13, v1;
	_ =	sdelay $0x3  }
0x59: {  	[tilespmem:s1+$0x10] =	vst v2  }
0x5a: {  	v2 =	vld.idx.msk [tilespmem:v3+s3+$0x0], $0xffff;
	_ =	sdelay $0x1  }
0x5b: {  	v3 =	vadd.s32 s2, v1;
	s2 =	smov.u32 s10;
	_ =	sdelay $0x1  }
.Ltmp2:
0x5c: {  	(pc) =	sbr.rel @p0 .LBB2_2-.Ltmp2, $4  }
0x5d: {  	_ = 	snop  }
0x5e: {  	[tilespmem:s1+$0x20] =	vst v2  }
0x5f: {  	v2 =	vld.idx.msk [tilespmem:v3+s3+$0x0], $0xffff  }
0x60: {  	s10 =	sadd.s32 $0x64, s10;
	s13 =	sadd.s32 $0xFFFFFF90, s2  }
0x61: {  	v3 =	vadd.s32 s13, v1;
	_ =	sdelay $0x3  }
0x62: {  	[tilespmem:s1+$0x30] =	vst v2  }
0x63: {  	s10 =	sadd.s32 $0xFFFFFFA0, s2;
	v2 =	vld.idx.msk [tilespmem:v3+s3+$0x0], $0xffff  }
0x64: {  	v3 =	vadd.s32 s10, v1;
	_ =	sdelay $0x2  }
0x65: {  	s1 =	sadd.s32 $0x80, s1  }
0x66: {  	[tilespmem:s1+$0xFFFFFFC0] =	vst v2  }
0x67: {  	s13 =	sadd.s32 $0xFFFFFFB0, s2;
	v2 =	vld.idx.msk [tilespmem:v3+s3+$0x0], $0xffff  }
0x68: {  	v3 =	vadd.s32 s13, v1;
	_ =	sdelay $0x3  }
0x69: {  	[tilespmem:s1+$0xFFFFFFD0] =	vst v2  }
0x6a: {  	s15 =	sadd.s32 $0xFFFFFFC0, s2;
	v2 =	vld.idx.msk [tilespmem:v3+s3+$0x0], $0xffff  }
0x6b: {  	v3 =	vadd.s32 s15, v1;
	_ =	sdelay $0x3  }
0x6c: {  	[tilespmem:s1+$0xFFFFFFE0] =	vst v2  }
0x6d: {  	s16 =	sadd.s32 $0xFFFFFFD0, s2;
	v2 =	vld.idx.msk [tilespmem:v3+s3+$0x0], $0xffff  }
0x6e: {  	v3 =	vadd.s32 s16, v1;
	_ =	sdelay $0x3  }
0x6f: {  	[tilespmem:s1+$0xFFFFFFF0] =	vst v2  }
0x70: {  	s17 =	sadd.s32 $0xFFFFFFE0, s2;
	v2 =	vld.idx.msk [tilespmem:v3+s3+$0x0], $0xffff  }
0x71: {  	v3 =	vadd.s32 s17, v1;
	_ =	sdelay $0x3  }
0x72: {  	[tilespmem:s1+$0x0] =	vst v2  }
0x73: {  	s18 =	sadd.s32 $0xFFFFFFF0, s2;
	v2 =	vld.idx.msk [tilespmem:v3+s3+$0x0], $0xffff  }
0x74: {  	v3 =	vadd.s32 s18, v1;
	_ =	sdelay $0x3  }
0x75: {  	[tilespmem:s1+$0x10] =	vst v2  }
0x76: {  	v2 =	vld.idx.msk [tilespmem:v3+s3+$0x0], $0xffff  }
0x77: {  	v3 =	vadd.s32 s2, v1;
	_ =	sdelay $0x3  }
0x78: {  	[tilespmem:s1+$0x20] =	vst v2  }
0x79: {  	v2 =	vld.idx.msk [tilespmem:v3+s3+$0x0], $0xffff;
	_ =	sdelay $0x4  }
0x7a: {  	s13 =	simm.s32 $0x1980;
	[tilespmem:s1+$0x30] =	vst v2  }
0x7b: {  	[tilespmem:s14], [sflag:$0x1] =	stream.indirect.gather [hbm4b:s4+s12], $0x80, s13, s12, $0xb8;
	[tilespmem:$0x1A980] =	vst v63  }
0x7c: {  	s15 =	simm.s32 $0x1A00;
	s16 =	simm.s32 $0x7980  }
0x7d: {  	[tilespmem:s16], [sflag:$0x2] =	stream.indirect.gather [hbm4b:s4+s12], $0x80, s15, s12, $0xb8;
	[tilespmem:$0x1A980] =	vst v63  }
0x7e: {  	s17 =	simm.s32 $0x1A80;
	s18 =	simm.s32 $0xB980  }
0x7f: {  	[tilespmem:s18], [sflag:$0x3] =	stream.indirect.gather [hbm4b:s4+s12], $0x80, s17, s12, $0xb8;
	[tilespmem:$0x1A980] =	vst v63  }
0x80: {  	s1 =	simm.s32 $0x0  }
0x81: {  	[tilespmem:s20], [sflag:$0x4] =	stream.indirect.gather [hbm4b:s4+s12], $0x80, s19, s12, $0xb8;
	[tilespmem:$0x1A980] =	vst v63  }
.LBB2_4:
0x82: {  	_ =	swait.ge [sflag:s21], $0x4000  }
0x83: {  	p0 =	seq.s32 s1, $0x0;
	[sflag:s21] =	ssyncset.done $0x0  }
0x84: {  	s2 =	simm.s32 @!p0 $0x5;
	[sflag:s21] =	ssyncadd.s32 $0xFFFFC000  }
0x85: {  	_ =	swait.ge @!p0 [sflag:s2], $0x1900  }
0x86: {  	[sflag:s2] =	ssyncset.done @!p0 $0x0  }
0x87: {  	[sflag:s2] =	ssyncadd.s32 @!p0 $0xFFFFE700  }
0x88: {  	_ =	swait.ge @!p0 [sflag:s2], $0x1900  }
0x89: {  	[sflag:s2] =	ssyncset.done @!p0 $0x0  }
0x8a: {  	[sflag:s2] =	ssyncadd.s32 @!p0 $0xFFFFE700  }
0x8b: {  	v16 =	vld [tilespmem:$0x1A180]  }
0x8c: {  	s13 =	simm.s32 $0x0;
	v25 =	vld [tilespmem:$0x1A190]  }
0x8d: {  	v31 =	vld [tilespmem:s13+$0x39C0]  }
0x8e: {  	v11 =	vld [tilespmem:$0x1A200]  }
0x8f: {  	v22 =	vld [tilespmem:$0x1A210]  }
0x90: {  	v6 =	vld [tilespmem:$0x1A280]  }
0x91: {  	v3 =	vld [tilespmem:s13+$0x3990]  }
0x92: {  	v17 =	vld [tilespmem:$0x1A290]  }
0x93: {  	v4 =	vld [tilespmem:$0x1A300]  }
0x94: {  	v7 =	vld [tilespmem:s13+$0x3980]  }
0x95: {  	v18 =	vld [tilespmem:$0x1A310];
	v5 =	vbroadcast v31, $0x0  }
0x96: {  	v2 =	vld [tilespmem:$0x1A380]  }
0x97: {  	v13 =	vld [tilespmem:$0x1A390];
	v9 =	vbroadcast v31, $0x1;
	v8 =	vmul.f32 v5, v25  }
0x98: {  	v14 =	vld [tilespmem:$0x1A410];
	v12 =	vbroadcast v31, $0x2;
	v5 =	vmul.f32 v5, v16  }
0x99: {  	v19 =	vld [tilespmem:$0x1A490];
	v15 =	vbroadcast v31, $0x3;
	v10 =	vmul.f32 v9, v22;
	v8 =	vadd.f32 v8, v3  }
0x9a: {  	v23 =	vbroadcast v31, $0x4;
	v9 =	vmul.f32 v9, v11;
	v3 =	vld [tilespmem:$0x1A400];
	v7 =	vadd.f32 v5, v7  }
0x9b: {  	v24 =	vbroadcast v31, $0x5;
	v5 =	vld [tilespmem:$0x1A480];
	v8 =	vadd.f32 v8, v10;
	v10 =	vmul.f32 v12, v17  }
0x9c: {  	v20 =	vld [tilespmem:$0x1A510];
	v21 =	vmul.f32 v23, v13;
	v9 =	vadd.f32 v7, v9;
	v12 =	vmul.f32 v12, v6  }
0x9d: {  	v27 =	vmul.f32 v23, v2;
	v23 =	vld [tilespmem:$0x1A610];
	v8 =	vadd.f32 v8, v10;
	v10 =	vmul.f32 v15, v18  }
0x9e: {  	v26 =	vbroadcast v31, $0x6;
	v7 =	vld [tilespmem:$0x1A500];
	v15 =	vmul.f32 v15, v4;
	v9 =	vadd.f32 v9, v12  }
0x9f: {  	v12 =	vmul.f32 v24, v14;
	v30 =	vmul.f32 v24, v3;
	v24 =	vld [tilespmem:$0x1A690];
	v10 =	vadd.f32 v8, v10  }
0xa0: {  	v28 =	vmul.f32 v26, v19;
	v33 =	vmul.f32 v26, v5;
	v26 =	vld [tilespmem:$0x1A710];
	v15 =	vadd.f32 v9, v15  }
0xa1: {  	v8 =	vld [tilespmem:$0x1A580];
	v10 =	vadd.f32 v10, v21  }
0xa2: {  	v29 =	vbroadcast v31, $0x7;
	v21 =	vld [tilespmem:$0x1A590];
	v15 =	vadd.f32 v15, v27  }
0xa3: {  	v32 =	vbroadcast v31, $0x8;
	v35 =	vbroadcast v31, $0xA;
	v9 =	vld [tilespmem:$0x1A600];
	v12 =	vadd.f32 v10, v12  }
0xa4: {  	v37 =	vbroadcast v31, $0xB;
	v38 =	vbroadcast v31, $0xC;
	v10 =	vld [tilespmem:$0x1A680];
	v15 =	vadd.f32 v15, v30  }
0xa5: {  	v40 =	vbroadcast v31, $0xD;
	v27 =	vadd.f32 v12, v28;
	v28 =	vmul.f32 v29, v20;
	v12 =	vld [tilespmem:$0x1A700]  }
0xa6: {  	s10 =	simm.s32 $0x80;
	v45 =	vbroadcast v31, $0xF;
	v30 =	vbroadcast v31, $0x9;
	v33 =	vadd.f32 v15, v33;
	v15 =	vld [tilespmem:$0x1A780]  }
0xa7: {  	v36 =	vmul.f32 v32, v8;
	v27 =	vadd.f32 v27, v28;
	v28 =	vmul.f32 v32, v21;
	v32 =	vld [tilespmem:s10+$0x39C0]  }
0xa8: {  	v53 =	vmul.f32 v35, v24;
	v29 =	vmul.f32 v29, v7  }
0xa9: {  	v54 =	vmul.f32 v37, v26;
	v34 =	vmul.f32 v30, v23  }
0xaa: {  	v30 =	vmul.f32 v30, v9;
	v29 =	vadd.f32 v33, v29;
	v28 =	vadd.f32 v27, v28;
	v27 =	vld [tilespmem:$0x1A790]  }
0xab: {  	v35 =	vmul.f32 v35, v10;
	v37 =	vmul.f32 v37, v12  }
0xac: {  	v36 =	vadd.f32 v29, v36;
	v56 =	vmul.f32 v38, v15;
	v41 =	vbroadcast v32, $0x0  }
0xad: {  	v39 =	vld [tilespmem:s10+$0x3990];
	v52 =	vadd.f32 v28, v34;
	v44 =	vbroadcast v32, $0x1;
	v60 =	vbroadcast v32, $0x2  }
0xae: {  	v36 =	vadd.f32 v36, v30;
	v46 =	vbroadcast v32, $0x3;
	v49 =	vbroadcast v32, $0x4  }
0xaf: {  	v28 =	vld [tilespmem:$0x1A810];
	v33 =	vadd.f32 v52, v53;
	v52 =	vbroadcast v32, $0x5;
	v55 =	vmul.f32 v38, v27  }
0xb0: {  	v42 =	vld [tilespmem:s10+$0x3980];
	v38 =	vbroadcast v31, $0xE;
	v43 =	vmul.f32 v41, v25  }
0xb1: {  	v29 =	vld [tilespmem:$0x1A890];
	v35 =	vadd.f32 v36, v35;
	v59 =	vmul.f32 v44, v22;
	v41 =	vmul.f32 v41, v16  }
0xb2: {  	v62 =	vmul.f32 v60, v17;
	v33 =	vadd.f32 v33, v54;
	v31 =	vadd.f32 v43, v39  }
0xb3: {  	v30 =	vld [tilespmem:$0x1A910];
	v63 =	vmul.f32 v44, v11;
	v48 =	vmul.f32 v46, v18;
	v35 =	vadd.f32 v35, v37  }
0xb4: {  	v57 =	vmul.f32 v40, v28;
	v33 =	vadd.f32 v33, v55;
	v37 =	vadd.f32 v31, v59  }
0xb5: {  	v50 =	vmul.f32 v46, v4;
	v51 =	vmul.f32 v49, v13;
	v41 =	vadd.f32 v41, v42  }
0xb6: {  	v58 =	vmul.f32 v38, v29;
	v33 =	vadd.f32 v33, v57;
	v47 =	vadd.f32 v37, v62  }
0xb7: {  	v53 =	vmul.f32 v52, v14;
	v39 =	vmul.f32 v60, v6;
	v41 =	vadd.f32 v41, v63  }
0xb8: {  	v61 =	vmul.f32 v45, v30;
	v31 =	vld [tilespmem:$0x1A800];
	v33 =	vadd.f32 v33, v58;
	v34 =	vadd.f32 v47, v48  }
0xb9: {  	v54 =	vbroadcast v32, $0x6;
	v35 =	vadd.f32 v35, v56;
	v39 =	vadd.f32 v41, v39  }
0xba: {  	v55 =	vmul.f32 v52, v3;
	v44 =	vadd.f32 v33, v61;
	v33 =	vld [tilespmem:$0x1A880];
	v34 =	vadd.f32 v34, v51  }
0xbb: {  	v57 =	vbroadcast v32, $0x7;
	v37 =	vmul.f32 v49, v2;
	v39 =	vadd.f32 v39, v50  }
0xbc: {  	v56 =	vmul.f32 v54, v19;
	v58 =	vmul.f32 v54, v5;
	v36 =	vadd.f32 v34, v53  }
0xbd: {  	v60 =	vmul.f32 v57, v20;
	v40 =	vmul.f32 v40, v31;
	v37 =	vadd.f32 v39, v37  }
0xbe: {  	v62 =	vmul.f32 v57, v7;
	v61 =	vbroadcast v32, $0x8;
	v34 =	vld [tilespmem:$0x1A900];
	v59 =	vadd.f32 v36, v56  }
0xbf: {  	v40 =	vadd.f32 v35, v40;
	v37 =	vadd.f32 v37, v55;
	v38 =	vmul.f32 v38, v33  }
0xc0: {  	v47 =	vbroadcast v32, $0x9;
	v63 =	vmul.f32 v61, v21;
	v43 =	vadd.f32 v59, v60  }
0xc1: {  	v35 =	vmul.f32 v61, v8;
	v37 =	vadd.f32 v37, v58;
	v36 =	vadd.f32 v40, v38  }
0xc2: {  	v40 =	vmul.f32 v47, v23;
	v38 =	vbroadcast v32, $0xA;
	v39 =	vadd.f32 v43, v63  }
0xc3: {  	s15 =	simm.s32 $0x100;
	s16 =	simm.s32 $0x600;
	s2 =	sshll.u32 s1, $0xB;
	[tilespmem:s13+$0x13990] =	vst v44;
	v41 =	vadd.f32 v37, v62;
	v37 =	vmul.f32 v47, v9;
	v42 =	vmul.f32 v45, v34  }
.LBB2_5:
0xc4: {  	p1 =	sne.s32 s16, $0xC600;
	v43 =	vld [tilespmem:s15+$0x39C0];
	v39 =	vadd.f32 v39, v40;
	v40 =	vmul.f32 v38, v24;
	v44 =	vbroadcast v32, $0xB  }
0xc5: {  	v38 =	vmul.f32 v38, v10;
	v45 =	vld [tilespmem:s15+$0x3980];
	v35 =	vadd.f32 v41, v35;
	v36 =	vadd.f32 v36, v42  }
0xc6: {  	v41 =	vbroadcast v32, $0xC;
	v39 =	vadd.f32 v39, v40;
	v40 =	vmul.f32 v44, v26  }
0xc7: {  	v35 =	vadd.f32 v35, v37;
	v37 =	vmul.f32 v44, v12;
	[tilespmem:s13+$0x13980] =	vst v36;
	s13 =	smov.u32 s10;
	s10 =	smov.u32 s15  }
0xc8: {  	v42 =	vbroadcast v32, $0xD;
	v36 =	vld [tilespmem:s10+$0x3990];
	v39 =	vadd.f32 v39, v40;
	v40 =	vmul.f32 v41, v27  }
0xc9: {  	v44 =	vbroadcast v43, $0x0;
	v35 =	vadd.f32 v35, v38;
	v38 =	vmul.f32 v41, v15  }
0xca: {  	v41 =	vbroadcast v32, $0xE;
	v39 =	vadd.f32 v39, v40;
	v40 =	vmul.f32 v42, v28  }
0xcb: {  	v47 =	vbroadcast v43, $0x1;
	v46 =	vmul.f32 v44, v25;
	v35 =	vadd.f32 v35, v37  }
0xcc: {  	v48 =	vbroadcast v32, $0xF;
	v32 =	vmovc v43;
	v37 =	vadd.f32 v39, v40;
	v39 =	vmul.f32 v41, v29  }
0xcd: {  	v43 =	vbroadcast v32, $0x2;
	v40 =	vmul.f32 v47, v22;
	v36 =	vadd.f32 v46, v36  }
0xce: {  	v44 =	vmul.f32 v44, v16;
	v37 =	vadd.f32 v37, v39;
	v39 =	vmul.f32 v48, v30  }
0xcf: {  	v46 =	vbroadcast v32, $0x3;
	v36 =	vadd.f32 v36, v40;
	v40 =	vmul.f32 v43, v17  }
0xd0: {  	v44 =	vadd.f32 v44, v45;
	v45 =	vmul.f32 v47, v11;
	v37 =	vadd.f32 v37, v39  }
0xd1: {  	v39 =	vmul.f32 v46, v18;
	v36 =	vadd.f32 v36, v40;
	v40 =	vbroadcast v32, $0x4  }
0xd2: {  	v44 =	vadd.f32 v44, v45;
	v43 =	vmul.f32 v43, v6;
	v45 =	vmul.f32 v46, v4;
	[tilespmem:s13+$0x13990] =	vst v37  }
0xd3: {  	v36 =	vadd.f32 v36, v39;
	v37 =	vmul.f32 v40, v13;
	v39 =	vbroadcast v32, $0x5  }
0xd4: {  	v35 =	vadd.f32 v35, v38;
	v43 =	vadd.f32 v44, v43;
	v40 =	vmul.f32 v40, v2  }
0xd5: {  	v38 =	vbroadcast v32, $0x6;
	v36 =	vadd.f32 v36, v37;
	v37 =	vmul.f32 v39, v14  }
0xd6: {  	v42 =	vmul.f32 v42, v31;
	v43 =	vadd.f32 v43, v45;
	v39 =	vmul.f32 v39, v3  }
0xd7: {  	v44 =	vbroadcast v32, $0x7;
	v36 =	vadd.f32 v36, v37;
	v37 =	vmul.f32 v38, v19  }
0xd8: {  	v42 =	vadd.f32 v35, v42;
	v40 =	vadd.f32 v43, v40;
	v38 =	vmul.f32 v38, v5  }
0xd9: {  	v35 =	vadd.f32 v36, v37;
	v36 =	vmul.f32 v44, v20;
	v37 =	vbroadcast v32, $0x8  }
.Ltmp3:
0xda: {  	v43 =	vmul.f32 v44, v7;
	v39 =	vadd.f32 v40, v39;
	v40 =	vmul.f32 v41, v33;
	(pc) =	sbr.rel @p1 .LBB2_5-.Ltmp3, $4  }
0xdb: {  	v45 =	vbroadcast v32, $0x9;
	v41 =	vadd.f32 v35, v36;
	v44 =	vmul.f32 v37, v21  }
0xdc: {  	v46 =	vadd.f32 v39, v38;
	v35 =	vmul.f32 v37, v8;
	v36 =	vadd.f32 v42, v40  }
0xdd: {  	v38 =	vbroadcast v32, $0xA;
	v40 =	vmul.f32 v45, v23;
	v39 =	vadd.f32 v41, v44  }
0xde: {  	s15 =	sshra.s32 s16, $0x2;
	s16 =	sadd.s32 $0x200, s16;
	v37 =	vmul.f32 v45, v9;
	v42 =	vmul.f32 v48, v34;
	v41 =	vadd.f32 v46, v43  }
0xdf: {  	v43 =	vld [tilespmem:s15+$0x39C0]  }
0xe0: {  	v50 =	vmul.f32 v38, v24;
	v51 =	vbroadcast v32, $0xB;
	v36 =	vadd.f32 v36, v42  }
0xe1: {  	v52 =	vmul.f32 v38, v10;
	v55 =	vbroadcast v32, $0xC  }
0xe2: {  	v44 =	vld [tilespmem:s15+$0x3980];
	v45 =	vbroadcast v32, $0xD;
	v63 =	vbroadcast v32, $0xE;
	[tilespmem:s13+$0x13980] =	vst v36  }
0xe3: {  	v39 =	vadd.f32 v39, v40;
	v54 =	vmul.f32 v51, v26;
	v57 =	vmul.f32 v51, v12;
	v56 =	vld [tilespmem:s15+$0x3990]  }
0xe4: {  	v35 =	vadd.f32 v41, v35;
	v59 =	vmul.f32 v55, v27;
	v58 =	vbroadcast v43, $0x0  }
0xe5: {  	v53 =	vadd.f32 v39, v50;
	v40 =	vmul.f32 v55, v15;
	v62 =	vmul.f32 v45, v28  }
0xe6: {  	v60 =	vbroadcast v43, $0x1;
	v25 =	vmul.f32 v58, v25  }
0xe7: {  	v35 =	vadd.f32 v35, v37;
	v36 =	vadd.f32 v53, v54;
	v16 =	vmul.f32 v58, v16  }
0xe8: {  	v61 =	vbroadcast v43, $0x2;
	v22 =	vmul.f32 v60, v22;
	v25 =	vadd.f32 v25, v56  }
0xe9: {  	v35 =	vadd.f32 v35, v52;
	v11 =	vmul.f32 v60, v11;
	v16 =	vadd.f32 v16, v44  }
0xea: {  	v17 =	vmul.f32 v61, v17;
	v22 =	vadd.f32 v25, v22;
	v25 =	vbroadcast v43, $0x3  }
0xeb: {  	v36 =	vadd.f32 v36, v59;
	v6 =	vmul.f32 v61, v6;
	v11 =	vadd.f32 v16, v11  }
0xec: {  	v16 =	vadd.f32 v22, v17;
	v17 =	vmul.f32 v25, v18;
	v18 =	vbroadcast v43, $0x4  }
0xed: {  	v22 =	vadd.f32 v35, v57;
	v4 =	vmul.f32 v25, v4;
	v6 =	vadd.f32 v11, v6  }
0xee: {  	v11 =	vadd.f32 v16, v17;
	v13 =	vmul.f32 v18, v13;
	v16 =	vbroadcast v43, $0x5  }
0xef: {  	v17 =	vadd.f32 v36, v62;
	v2 =	vmul.f32 v18, v2;
	v4 =	vadd.f32 v6, v4  }
0xf0: {  	v6 =	vadd.f32 v11, v13;
	v11 =	vmul.f32 v16, v14;
	v13 =	vbroadcast v43, $0x6  }
0xf1: {  	v14 =	vmul.f32 v63, v29;
	v3 =	vmul.f32 v16, v3;
	v2 =	vadd.f32 v4, v2  }
0xf2: {  	v4 =	vadd.f32 v6, v11;
	v6 =	vmul.f32 v13, v19;
	v11 =	vbroadcast v43, $0x7  }
0xf3: {  	v16 =	vbroadcast v32, $0xF;
	v5 =	vmul.f32 v13, v5;
	v2 =	vadd.f32 v2, v3  }
0xf4: {  	v3 =	vadd.f32 v4, v6;
	v4 =	vmul.f32 v11, v20;
	v6 =	vbroadcast v43, $0x8  }
0xf5: {  	v13 =	vadd.f32 v17, v14;
	v7 =	vmul.f32 v11, v7;
	v2 =	vadd.f32 v2, v5  }
0xf6: {  	v5 =	vbroadcast v43, $0x9;
	v3 =	vadd.f32 v3, v4;
	v4 =	vmul.f32 v6, v21  }
0xf7: {  	v6 =	vmul.f32 v6, v8;
	v2 =	vadd.f32 v2, v7;
	v7 =	vbroadcast v43, $0xA  }
0xf8: {  	v8 =	vadd.f32 v22, v40;
	v3 =	vadd.f32 v3, v4;
	v4 =	vmul.f32 v5, v23  }
0xf9: {  	v5 =	vmul.f32 v5, v9;
	v2 =	vadd.f32 v2, v6;
	v6 =	vbroadcast v43, $0xB  }
0xfa: {  	v9 =	vmul.f32 v45, v31;
	v3 =	vadd.f32 v3, v4;
	v4 =	vmul.f32 v7, v24  }
0xfb: {  	v7 =	vmul.f32 v7, v10;
	v2 =	vadd.f32 v2, v5;
	v5 =	vbroadcast v43, $0xC  }
0xfc: {  	v8 =	vadd.f32 v8, v9;
	v3 =	vadd.f32 v3, v4;
	v4 =	vmul.f32 v6, v26  }
0xfd: {  	v9 =	vmul.f32 v63, v33;
	v6 =	vmul.f32 v6, v12;
	v2 =	vadd.f32 v2, v7  }
0xfe: {  	v7 =	vbroadcast v43, $0xD;
	v3 =	vadd.f32 v3, v4;
	v4 =	vmul.f32 v5, v27  }
0xff: {  	v8 =	vadd.f32 v8, v9;
	v5 =	vmul.f32 v5, v15;
	v2 =	vadd.f32 v2, v6  }
0x100: {  	v6 =	vbroadcast v43, $0xE;
	v3 =	vadd.f32 v3, v4;
	v4 =	vmul.f32 v7, v28  }
0x101: {  	v9 =	vmul.f32 v16, v34;
	v2 =	vadd.f32 v2, v5;
	v5 =	vmul.f32 v7, v31  }
0x102: {  	v7 =	vbroadcast v43, $0xF;
	v3 =	vadd.f32 v3, v4;
	v4 =	vmul.f32 v6, v29  }
0x103: {  	v11 =	vmul.f32 v16, v30;
	v2 =	vadd.f32 v2, v5;
	v5 =	vmul.f32 v6, v33  }
0x104: {  	v8 =	vadd.f32 v8, v9;
	v3 =	vadd.f32 v3, v4;
	v4 =	vmul.f32 v7, v30  }
0x105: {  	v6 =	vadd.f32 v13, v11;
	v2 =	vadd.f32 v2, v5;
	v5 =	vmul.f32 v7, v34  }
0x106: {  	[tilespmem:s10+$0x13980] =	vst v8;
	v3 =	vadd.f32 v3, v4  }
0x107: {  	[tilespmem:s10+$0x13990] =	vst v6;
	v2 =	vadd.f32 v2, v5  }
0x108: {  	[tilespmem:s15+$0x13990] =	vst v3  }
0x109: {  	[tilespmem:s15+$0x13980] =	vst v2  }
0x10a: {  	v16 =	vld [tilespmem:$0x1A1A0]  }
0x10b: {  	s10 =	simm.s32 $0x0;
	v25 =	vld [tilespmem:$0x1A1B0]  }
0x10c: {  	v31 =	vld [tilespmem:s10+$0x39C0]  }
0x10d: {  	v11 =	vld [tilespmem:$0x1A220]  }
0x10e: {  	v22 =	vld [tilespmem:$0x1A230]  }
0x10f: {  	v6 =	vld [tilespmem:$0x1A2A0]  }
0x110: {  	v3 =	vld [tilespmem:s10+$0x39B0]  }
0x111: {  	v17 =	vld [tilespmem:$0x1A2B0]  }
0x112: {  	v4 =	vld [tilespmem:$0x1A320]  }
0x113: {  	v7 =	vld [tilespmem:s10+$0x39A0];
	v5 =	vbroadcast v31, $0x0  }
0x114: {  	v18 =	vld [tilespmem:$0x1A330];
	v9 =	vbroadcast v31, $0x1;
	v12 =	vbroadcast v31, $0x2  }
0x115: {  	v2 =	vld [tilespmem:$0x1A3A0];
	v15 =	vbroadcast v31, $0x3;
	v23 =	vbroadcast v31, $0x4  }
0x116: {  	v13 =	vld [tilespmem:$0x1A3B0];
	v24 =	vbroadcast v31, $0x5;
	v8 =	vmul.f32 v5, v25  }
0x117: {  	v14 =	vld [tilespmem:$0x1A430];
	v26 =	vbroadcast v31, $0x6;
	v5 =	vmul.f32 v5, v16  }
0x118: {  	s13 =	simm.s32 $0x80;
	v19 =	vld [tilespmem:$0x1A4B0];
	v29 =	vbroadcast v31, $0x7;
	v10 =	vmul.f32 v9, v22;
	v8 =	vadd.f32 v8, v3  }
0x119: {  	v32 =	vld [tilespmem:s13+$0x39C0];
	v39 =	vbroadcast v31, $0x8;
	v9 =	vmul.f32 v9, v11;
	v7 =	vadd.f32 v5, v7  }
0x11a: {  	v42 =	vbroadcast v31, $0xA;
	v3 =	vld [tilespmem:$0x1A420];
	v8 =	vadd.f32 v8, v10;
	v10 =	vmul.f32 v12, v17  }
0x11b: {  	v46 =	vbroadcast v31, $0xB;
	v5 =	vld [tilespmem:$0x1A4A0];
	v9 =	vadd.f32 v7, v9;
	v12 =	vmul.f32 v12, v6  }
0x11c: {  	v20 =	vld [tilespmem:$0x1A530];
	v21 =	vmul.f32 v23, v13;
	v8 =	vadd.f32 v8, v10;
	v10 =	vmul.f32 v15, v18  }
0x11d: {  	v27 =	vmul.f32 v23, v2;
	v23 =	vld [tilespmem:$0x1A630];
	v15 =	vmul.f32 v15, v4;
	v9 =	vadd.f32 v9, v12  }
0x11e: {  	v48 =	vbroadcast v31, $0xC;
	v51 =	vbroadcast v32, $0x0;
	v7 =	vld [tilespmem:$0x1A520];
	v10 =	vadd.f32 v8, v10  }
0x11f: {  	v12 =	vmul.f32 v24, v14;
	v30 =	vmul.f32 v24, v3;
	v24 =	vld [tilespmem:$0x1A6B0];
	v15 =	vadd.f32 v9, v15  }
0x120: {  	v28 =	vmul.f32 v26, v19;
	v40 =	vmul.f32 v26, v5;
	v26 =	vld [tilespmem:$0x1A730];
	v10 =	vadd.f32 v10, v21  }
0x121: {  	v56 =	vbroadcast v32, $0x1;
	v59 =	vbroadcast v32, $0x2;
	v21 =	vld [tilespmem:$0x1A5B0];
	v15 =	vadd.f32 v15, v27  }
0x122: {  	v38 =	vbroadcast v31, $0xE;
	v55 =	vmul.f32 v51, v25;
	v8 =	vld [tilespmem:$0x1A5A0];
	v12 =	vadd.f32 v10, v12  }
0x123: {  	v58 =	vmul.f32 v56, v22;
	v61 =	vmul.f32 v59, v17;
	v9 =	vld [tilespmem:$0x1A620];
	v15 =	vadd.f32 v15, v30  }
0x124: {  	v62 =	vmul.f32 v56, v11;
	v10 =	vld [tilespmem:$0x1A6A0];
	v27 =	vadd.f32 v12, v28;
	v28 =	vmul.f32 v29, v20  }
0x125: {  	v56 =	vbroadcast v32, $0x7;
	v12 =	vld [tilespmem:$0x1A720];
	v29 =	vmul.f32 v29, v7;
	v33 =	vadd.f32 v15, v40  }
0x126: {  	v30 =	vbroadcast v31, $0x9;
	v15 =	vld [tilespmem:$0x1A7A0];
	v27 =	vadd.f32 v27, v28;
	v28 =	vmul.f32 v39, v21  }
0x127: {  	v45 =	vmul.f32 v42, v24;
	v43 =	vmul.f32 v39, v8;
	v29 =	vadd.f32 v33, v29  }
0x128: {  	v49 =	vld [tilespmem:s13+$0x39B0];
	v47 =	vmul.f32 v46, v26;
	v41 =	vmul.f32 v30, v23;
	v28 =	vadd.f32 v27, v28  }
0x129: {  	v54 =	vld [tilespmem:s13+$0x39A0];
	v30 =	vmul.f32 v30, v9;
	v40 =	vbroadcast v31, $0xD;
	v36 =	vadd.f32 v29, v43  }
0x12a: {  	v39 =	vmul.f32 v59, v6;
	v35 =	vmul.f32 v42, v10;
	v27 =	vld [tilespmem:$0x1A7B0];
	v44 =	vadd.f32 v28, v41  }
0x12b: {  	v29 =	vld [tilespmem:$0x1A8B0];
	v37 =	vmul.f32 v46, v12;
	v52 =	vmul.f32 v48, v15;
	v36 =	vadd.f32 v36, v30  }
0x12c: {  	v46 =	vbroadcast v32, $0x3;
	v28 =	vld [tilespmem:$0x1A830];
	v41 =	vmul.f32 v51, v16;
	v33 =	vadd.f32 v44, v45  }
0x12d: {  	v30 =	vld [tilespmem:$0x1A930];
	v35 =	vadd.f32 v36, v35;
	v45 =	vbroadcast v31, $0xF;
	v31 =	vadd.f32 v55, v49  }
0x12e: {  	v51 =	vbroadcast v32, $0x5;
	v49 =	vmul.f32 v46, v4;
	v33 =	vadd.f32 v33, v47  }
0x12f: {  	v50 =	vmul.f32 v48, v27;
	v35 =	vadd.f32 v35, v37;
	v37 =	vadd.f32 v31, v58  }
0x130: {  	v41 =	vadd.f32 v41, v54;
	v48 =	vbroadcast v32, $0x4;
	v47 =	vmul.f32 v46, v18  }
0x131: {  	v53 =	vmul.f32 v40, v28;
	v33 =	vadd.f32 v33, v50;
	v63 =	vadd.f32 v37, v61  }
0x132: {  	v57 =	vmul.f32 v38, v29;
	v41 =	vadd.f32 v41, v62;
	v60 =	vmul.f32 v45, v30  }
0x133: {  	v50 =	vmul.f32 v48, v13;
	v33 =	vadd.f32 v33, v53;
	v34 =	vadd.f32 v63, v47  }
0x134: {  	v39 =	vadd.f32 v41, v39;
	v35 =	vadd.f32 v35, v52;
	v52 =	vmul.f32 v51, v14  }
0x135: {  	v31 =	vld [tilespmem:$0x1A820];
	v53 =	vbroadcast v32, $0x6;
	v33 =	vadd.f32 v33, v57;
	v34 =	vadd.f32 v34, v50  }
0x136: {  	v59 =	vmul.f32 v56, v20;
	v37 =	vmul.f32 v48, v2;
	v39 =	vadd.f32 v39, v49  }
0x137: {  	v55 =	vmul.f32 v53, v19;
	v44 =	vadd.f32 v33, v60;
	v33 =	vld [tilespmem:$0x1A8A0];
	v36 =	vadd.f32 v34, v52  }
0x138: {  	v54 =	vmul.f32 v51, v3;
	v61 =	vmul.f32 v56, v7  }
0x139: {  	v37 =	vadd.f32 v39, v37;
	v60 =	vbroadcast v32, $0x8;
	v58 =	vadd.f32 v36, v55  }
0x13a: {  	v40 =	vmul.f32 v40, v31;
	v57 =	vmul.f32 v53, v5;
	v34 =	vld [tilespmem:$0x1A920]  }
0x13b: {  	v37 =	vadd.f32 v37, v54;
	v62 =	vmul.f32 v60, v21;
	v36 =	vadd.f32 v58, v59  }
0x13c: {  	v63 =	vbroadcast v32, $0x9;
	v40 =	vadd.f32 v35, v40;
	v38 =	vmul.f32 v38, v33  }
0x13d: {  	v47 =	vadd.f32 v37, v57;
	v35 =	vmul.f32 v60, v8;
	v39 =	vadd.f32 v36, v62  }
0x13e: {  	v37 =	vadd.f32 v40, v38;
	v40 =	vmul.f32 v63, v23;
	v38 =	vbroadcast v32, $0xA  }
0x13f: {  	s16 =	simm.s32 $0x600;
	s15 =	simm.s32 $0x100;
	[tilespmem:s10+$0x139B0] =	vst v44;
	v41 =	vadd.f32 v47, v61;
	v42 =	vmul.f32 v45, v34;
	v36 =	vmul.f32 v63, v9  }
.LBB2_7:
0x140: {  	p1 =	sne.s32 s16, $0xC600;
	v43 =	vld [tilespmem:s15+$0x39C0];
	v39 =	vadd.f32 v39, v40;
	v40 =	vmul.f32 v38, v24;
	v44 =	vbroadcast v32, $0xB  }
0x141: {  	v38 =	vmul.f32 v38, v10;
	v45 =	vld [tilespmem:s15+$0x39A0];
	v35 =	vadd.f32 v41, v35;
	v37 =	vadd.f32 v37, v42  }
0x142: {  	v41 =	vbroadcast v32, $0xC;
	v39 =	vadd.f32 v39, v40;
	v40 =	vmul.f32 v44, v26  }
0x143: {  	v35 =	vadd.f32 v35, v36;
	v36 =	vmul.f32 v44, v12;
	[tilespmem:s10+$0x139A0] =	vst v37;
	s10 =	smov.u32 s13;
	s13 =	smov.u32 s15  }
0x144: {  	v42 =	vbroadcast v32, $0xD;
	v37 =	vld [tilespmem:s13+$0x39B0];
	v39 =	vadd.f32 v39, v40;
	v40 =	vmul.f32 v41, v27  }
0x145: {  	v44 =	vbroadcast v43, $0x0;
	v35 =	vadd.f32 v35, v38;
	v38 =	vmul.f32 v41, v15  }
0x146: {  	v41 =	vbroadcast v32, $0xE;
	v39 =	vadd.f32 v39, v40;
	v40 =	vmul.f32 v42, v28  }
0x147: {  	v47 =	vbroadcast v43, $0x1;
	v46 =	vmul.f32 v44, v25;
	v35 =	vadd.f32 v35, v36  }
0x148: {  	v48 =	vbroadcast v32, $0xF;
	v32 =	vmovc v43;
	v36 =	vadd.f32 v39, v40;
	v39 =	vmul.f32 v41, v29  }
0x149: {  	v43 =	vbroadcast v32, $0x2;
	v40 =	vmul.f32 v47, v22;
	v37 =	vadd.f32 v46, v37  }
0x14a: {  	v44 =	vmul.f32 v44, v16;
	v36 =	vadd.f32 v36, v39;
	v39 =	vmul.f32 v48, v30  }
0x14b: {  	v46 =	vbroadcast v32, $0x3;
	v37 =	vadd.f32 v37, v40;
	v40 =	vmul.f32 v43, v17  }
0x14c: {  	v44 =	vadd.f32 v44, v45;
	v45 =	vmul.f32 v47, v11;
	v36 =	vadd.f32 v36, v39  }
0x14d: {  	v39 =	vmul.f32 v46, v18;
	v37 =	vadd.f32 v37, v40;
	v40 =	vbroadcast v32, $0x4  }
0x14e: {  	v44 =	vadd.f32 v44, v45;
	v43 =	vmul.f32 v43, v6;
	v45 =	vmul.f32 v46, v4;
	[tilespmem:s10+$0x139B0] =	vst v36  }
0x14f: {  	v36 =	vadd.f32 v37, v39;
	v37 =	vmul.f32 v40, v13;
	v39 =	vbroadcast v32, $0x5  }
0x150: {  	v35 =	vadd.f32 v35, v38;
	v43 =	vadd.f32 v44, v43;
	v40 =	vmul.f32 v40, v2  }
0x151: {  	v38 =	vbroadcast v32, $0x6;
	v36 =	vadd.f32 v36, v37;
	v37 =	vmul.f32 v39, v14  }
0x152: {  	v42 =	vmul.f32 v42, v31;
	v43 =	vadd.f32 v43, v45;
	v39 =	vmul.f32 v39, v3  }
0x153: {  	v44 =	vbroadcast v32, $0x7;
	v36 =	vadd.f32 v36, v37;
	v37 =	vmul.f32 v38, v19  }
0x154: {  	v42 =	vadd.f32 v35, v42;
	v40 =	vadd.f32 v43, v40;
	v38 =	vmul.f32 v38, v5  }
0x155: {  	v35 =	vadd.f32 v36, v37;
	v36 =	vmul.f32 v44, v20;
	v37 =	vbroadcast v32, $0x8  }
.Ltmp4:
0x156: {  	v43 =	vmul.f32 v44, v7;
	v39 =	vadd.f32 v40, v39;
	v40 =	vmul.f32 v41, v33;
	(pc) =	sbr.rel @p1 .LBB2_7-.Ltmp4, $4  }
0x157: {  	v44 =	vbroadcast v32, $0x9;
	v36 =	vadd.f32 v35, v36;
	v41 =	vmul.f32 v37, v21  }
0x158: {  	v45 =	vadd.f32 v39, v38;
	v35 =	vmul.f32 v37, v8;
	v37 =	vadd.f32 v42, v40  }
0x159: {  	v38 =	vbroadcast v32, $0xA;
	v40 =	vmul.f32 v44, v23;
	v39 =	vadd.f32 v36, v41  }
0x15a: {  	s15 =	sshra.s32 s16, $0x2;
	s16 =	sadd.s32 $0x200, s16;
	v42 =	vmul.f32 v48, v34;
	v41 =	vadd.f32 v45, v43;
	v36 =	vmul.f32 v44, v9  }
0x15b: {  	v43 =	vld [tilespmem:s15+$0x39C0]  }
0x15c: {  	v53 =	vmul.f32 v38, v24;
	v54 =	vbroadcast v32, $0xB;
	v37 =	vadd.f32 v37, v42  }
0x15d: {  	v55 =	vmul.f32 v38, v10;
	v58 =	vbroadcast v32, $0xC  }
0x15e: {  	v44 =	vld [tilespmem:s15+$0x39A0];
	v45 =	vbroadcast v32, $0xD;
	v38 =	vbroadcast v32, $0xE;
	[tilespmem:s10+$0x139A0] =	vst v37  }
0x15f: {  	v39 =	vadd.f32 v39, v40;
	v57 =	vmul.f32 v54, v26;
	v60 =	vmul.f32 v54, v12;
	v59 =	vld [tilespmem:s15+$0x39B0]  }
0x160: {  	v35 =	vadd.f32 v41, v35;
	v62 =	vmul.f32 v58, v27;
	v61 =	vbroadcast v43, $0x0  }
0x161: {  	v56 =	vadd.f32 v39, v53;
	v40 =	vmul.f32 v58, v15;
	v47 =	vmul.f32 v45, v28  }
0x162: {  	v63 =	vbroadcast v43, $0x1;
	v25 =	vmul.f32 v61, v25  }
0x163: {  	v35 =	vadd.f32 v35, v36;
	v37 =	vadd.f32 v56, v57;
	v16 =	vmul.f32 v61, v16  }
0x164: {  	v46 =	vbroadcast v43, $0x2;
	v22 =	vmul.f32 v63, v22;
	v25 =	vadd.f32 v25, v59  }
0x165: {  	v35 =	vadd.f32 v35, v55;
	v11 =	vmul.f32 v63, v11;
	v16 =	vadd.f32 v16, v44  }
0x166: {  	v48 =	vbroadcast v43, $0x3;
	v17 =	vmul.f32 v46, v17;
	v22 =	vadd.f32 v25, v22  }
0x167: {  	v51 =	vbroadcast v43, $0x4;
	v6 =	vmul.f32 v46, v6;
	v11 =	vadd.f32 v16, v11  }
0x168: {  	v54 =	vbroadcast v43, $0x5;
	v50 =	vmul.f32 v48, v18;
	v49 =	vadd.f32 v22, v17  }
0x169: {  	v58 =	vbroadcast v43, $0x6;
	v4 =	vmul.f32 v48, v4;
	v6 =	vadd.f32 v11, v6  }
0x16a: {  	v42 =	vbroadcast v43, $0xA;
	v13 =	vmul.f32 v51, v13;
	v53 =	vadd.f32 v49, v50  }
0x16b: {  	v37 =	vadd.f32 v37, v62;
	v2 =	vmul.f32 v51, v2;
	v4 =	vadd.f32 v6, v4  }
0x16c: {  	v62 =	vbroadcast v43, $0x7;
	v57 =	vmul.f32 v54, v14;
	v56 =	vadd.f32 v53, v13  }
0x16d: {  	v52 =	vadd.f32 v35, v60;
	v3 =	vmul.f32 v54, v3;
	v2 =	vadd.f32 v4, v2  }
0x16e: {  	v61 =	vmul.f32 v58, v19;
	v63 =	vbroadcast v32, $0xF;
	v60 =	vadd.f32 v56, v57  }
0x16f: {  	v5 =	vmul.f32 v58, v5;
	v32 =	vbroadcast v43, $0x8;
	v2 =	vadd.f32 v2, v3  }
0x170: {  	v46 =	vmul.f32 v42, v24;
	v25 =	vmul.f32 v62, v20;
	v3 =	vadd.f32 v60, v61  }
0x171: {  	v55 =	vadd.f32 v37, v47;
	v7 =	vmul.f32 v62, v7;
	v2 =	vadd.f32 v2, v5  }
0x172: {  	v37 =	vbroadcast v43, $0x9;
	v36 =	vmul.f32 v32, v21;
	v3 =	vadd.f32 v3, v25  }
0x173: {  	v48 =	vmul.f32 v45, v31;
	v6 =	vmul.f32 v32, v8;
	v2 =	vadd.f32 v2, v7  }
0x174: {  	v58 =	vbroadcast v43, $0xF;
	v41 =	vmul.f32 v37, v23;
	v3 =	vadd.f32 v3, v36  }
0x175: {  	v47 =	vbroadcast v43, $0xB;
	v5 =	vmul.f32 v37, v9;
	v2 =	vadd.f32 v2, v6  }
0x176: {  	v59 =	vmul.f32 v38, v29;
	v39 =	vmul.f32 v63, v30;
	v3 =	vadd.f32 v3, v41  }
0x177: {  	v44 =	vadd.f32 v52, v40;
	v7 =	vmul.f32 v42, v10;
	v2 =	vadd.f32 v2, v5  }
0x178: {  	v49 =	vmul.f32 v47, v26;
	v50 =	vbroadcast v43, $0xC;
	v3 =	vadd.f32 v3, v46  }
0x179: {  	v52 =	vbroadcast v43, $0xD;
	v6 =	vmul.f32 v47, v12;
	v2 =	vadd.f32 v2, v7  }
0x17a: {  	v35 =	vadd.f32 v55, v59;
	v51 =	vmul.f32 v50, v27;
	v3 =	vadd.f32 v3, v49  }
0x17b: {  	v54 =	vmul.f32 v52, v28;
	v5 =	vmul.f32 v50, v15;
	v2 =	vadd.f32 v2, v6  }
0x17c: {  	v55 =	vbroadcast v43, $0xE;
	v8 =	vadd.f32 v44, v48;
	v3 =	vadd.f32 v3, v51  }
0x17d: {  	v53 =	vmul.f32 v38, v33;
	v56 =	vmul.f32 v52, v31;
	v2 =	vadd.f32 v2, v5  }
0x17e: {  	v59 =	vmul.f32 v63, v34;
	v57 =	vmul.f32 v55, v29;
	v3 =	vadd.f32 v3, v54  }
0x17f: {  	v8 =	vadd.f32 v8, v53;
	v60 =	vmul.f32 v55, v33;
	v2 =	vadd.f32 v2, v56  }
0x180: {  	v62 =	vmul.f32 v58, v30;
	v61 =	vadd.f32 v35, v39;
	v3 =	vadd.f32 v3, v57  }
0x181: {  	s16 =	sshll.u32 s1, $0x3;
	v63 =	vmul.f32 v58, v34;
	v8 =	vadd.f32 v8, v59;
	v2 =	vadd.f32 v2, v60  }
0x182: {  	s10 =	sor.u32 s6, s16;
	[tilespmem:s13+$0x139B0] =	vst v61;
	v3 =	vadd.f32 v3, v62  }
0x183: {  	p1 =	sne.s32 s1, $0xF;
	s17 =	smul.u32 $0x380, s10;
	[tilespmem:s13+$0x139A0] =	vst v8;
	v2 =	vadd.f32 v2, v63  }
.Ltmp5:
0x184: {  	[tilespmem:s15+$0x139B0] =	vst v3;
	(pc) =	sbr.rel @p1 .LBB2_10-.Ltmp5, $4  }
0x185: {  	s18 =	sadd.s32 s5, s17;
	[tilespmem:s15+$0x139A0] =	vst v2  }
0x186: {  	[hbm4b:s18+s3] =	stream.linear.scatter [tilespmem:s22], [sflag:$0x5], $0x1900, $0x38;
	[tilespmem:$0x1A980] =	vst v63  }
0x187: {  	s13 =	sadd.s32 s17, s8  }
0x188: {  	[hbm4b:s13+s3] =	stream.linear.scatter [tilespmem:s23], [sflag:$0x5], $0x1900, $0x38;
	[tilespmem:$0x1A980] =	vst v63  }
.Ltmp6:
0x189: {  	(pc) =	sbr.rel .LBB2_11-.Ltmp6, $4  }
0x18a: {  	_ = 	snop  }
0x18b: {  	_ =	swait.ge [sflag:s24], $0x4000  }
0x18c: {  	[sflag:s24] =	ssyncset.done $0x0  }
0x18d: {  	[sflag:s24] =	ssyncadd.s32 $0xFFFFC000  }
.LBB2_10:
0x18e: {  	s13 =	sshrl.u32 s2, $0x2  }
.Ltmp7:
0x18f: {  	s13 =	sadd.s32 $0x1B80, s13;
	(pc) =	sbr.rel @p0 .LBB2_12-.Ltmp7, $4  }
0x190: {  	[tilespmem:s14], [sflag:$0x1] =	stream.indirect.gather [hbm4b:s4+s12], $0x80, s13, s12, $0xb8;
	[tilespmem:$0x1A980] =	vst v63  }
0x191: {  	_ =	swait.ge [sflag:s24], $0x4000  }
0x192: {  	[sflag:s24] =	ssyncset.done $0x0  }
0x193: {  	[sflag:s24] =	ssyncadd.s32 $0xFFFFC000  }
.LBB2_11:
0x194: {  	_ =	swait.ge [sflag:s25], $0x1900  }
0x195: {  	[sflag:s25] =	ssyncset.done $0x0  }
0x196: {  	[sflag:s25] =	ssyncadd.s32 $0xFFFFE700  }
0x197: {  	_ =	swait.ge [sflag:s25], $0x1900  }
0x198: {  	[sflag:s25] =	ssyncset.done $0x0  }
0x199: {  	[sflag:s25] =	ssyncadd.s32 $0xFFFFE700  }
.LBB2_12:
0x19a: {  	v16 =	vld [tilespmem:$0x1A180]  }
0x19b: {  	v25 =	vld [tilespmem:$0x1A190]  }
0x19c: {  	v11 =	vld [tilespmem:$0x1A200]  }
0x19d: {  	v22 =	vld [tilespmem:$0x1A210]  }
0x19e: {  	s15 =	simm.s32 $0x0;
	v6 =	vld [tilespmem:$0x1A280]  }
0x19f: {  	v31 =	vld [tilespmem:s15+$0x79C0]  }
0x1a0: {  	v17 =	vld [tilespmem:$0x1A290]  }
0x1a1: {  	v4 =	vld [tilespmem:$0x1A300]  }
0x1a2: {  	v18 =	vld [tilespmem:$0x1A310]  }
0x1a3: {  	v3 =	vld [tilespmem:s15+$0x7990]  }
0x1a4: {  	v7 =	vld [tilespmem:s15+$0x7980];
	v5 =	vbroadcast v31, $0x0  }
0x1a5: {  	v2 =	vld [tilespmem:$0x1A380]  }
0x1a6: {  	v13 =	vld [tilespmem:$0x1A390];
	v9 =	vbroadcast v31, $0x1;
	v8 =	vmul.f32 v5, v25  }
0x1a7: {  	v14 =	vld [tilespmem:$0x1A410];
	v12 =	vbroadcast v31, $0x2;
	v5 =	vmul.f32 v5, v16  }
0x1a8: {  	v19 =	vld [tilespmem:$0x1A490];
	v15 =	vbroadcast v31, $0x3;
	v10 =	vmul.f32 v9, v22;
	v8 =	vadd.f32 v8, v3  }
0x1a9: {  	v23 =	vbroadcast v31, $0x4;
	v9 =	vmul.f32 v9, v11;
	v3 =	vld [tilespmem:$0x1A400];
	v7 =	vadd.f32 v5, v7  }
0x1aa: {  	v24 =	vbroadcast v31, $0x5;
	v5 =	vld [tilespmem:$0x1A480];
	v8 =	vadd.f32 v8, v10;
	v10 =	vmul.f32 v12, v17  }
0x1ab: {  	v20 =	vld [tilespmem:$0x1A510];
	v21 =	vmul.f32 v23, v13;
	v9 =	vadd.f32 v7, v9;
	v12 =	vmul.f32 v12, v6  }
0x1ac: {  	v27 =	vmul.f32 v23, v2;
	v23 =	vld [tilespmem:$0x1A610];
	v8 =	vadd.f32 v8, v10;
	v10 =	vmul.f32 v15, v18  }
0x1ad: {  	v26 =	vbroadcast v31, $0x6;
	v7 =	vld [tilespmem:$0x1A500];
	v15 =	vmul.f32 v15, v4;
	v9 =	vadd.f32 v9, v12  }
0x1ae: {  	v12 =	vmul.f32 v24, v14;
	v30 =	vmul.f32 v24, v3;
	v24 =	vld [tilespmem:$0x1A690];
	v10 =	vadd.f32 v8, v10  }
0x1af: {  	v28 =	vmul.f32 v26, v19;
	v33 =	vmul.f32 v26, v5;
	v26 =	vld [tilespmem:$0x1A710];
	v15 =	vadd.f32 v9, v15  }
0x1b0: {  	v8 =	vld [tilespmem:$0x1A580];
	v10 =	vadd.f32 v10, v21  }
0x1b1: {  	v29 =	vbroadcast v31, $0x7;
	v21 =	vld [tilespmem:$0x1A590];
	v15 =	vadd.f32 v15, v27  }
0x1b2: {  	v32 =	vbroadcast v31, $0x8;
	v35 =	vbroadcast v31, $0xA;
	v9 =	vld [tilespmem:$0x1A600];
	v12 =	vadd.f32 v10, v12  }
0x1b3: {  	v37 =	vbroadcast v31, $0xB;
	v38 =	vbroadcast v31, $0xC;
	v10 =	vld [tilespmem:$0x1A680];
	v15 =	vadd.f32 v15, v30  }
0x1b4: {  	v40 =	vbroadcast v31, $0xD;
	v27 =	vadd.f32 v12, v28;
	v28 =	vmul.f32 v29, v20;
	v12 =	vld [tilespmem:$0x1A700]  }
0x1b5: {  	s13 =	simm.s32 $0x80;
	v45 =	vbroadcast v31, $0xF;
	v30 =	vbroadcast v31, $0x9;
	v33 =	vadd.f32 v15, v33;
	v15 =	vld [tilespmem:$0x1A780]  }
0x1b6: {  	v36 =	vmul.f32 v32, v8;
	v27 =	vadd.f32 v27, v28;
	v28 =	vmul.f32 v32, v21;
	v32 =	vld [tilespmem:s13+$0x79C0]  }
0x1b7: {  	v52 =	vmul.f32 v35, v24;
	v29 =	vmul.f32 v29, v7  }
0x1b8: {  	v53 =	vmul.f32 v37, v26;
	v34 =	vmul.f32 v30, v23  }
0x1b9: {  	v30 =	vmul.f32 v30, v9;
	v29 =	vadd.f32 v33, v29;
	v28 =	vadd.f32 v27, v28;
	v27 =	vld [tilespmem:$0x1A790]  }
0x1ba: {  	v35 =	vmul.f32 v35, v10;
	v37 =	vmul.f32 v37, v12  }
0x1bb: {  	v36 =	vadd.f32 v29, v36;
	v55 =	vmul.f32 v38, v15;
	v41 =	vbroadcast v32, $0x0  }
0x1bc: {  	v39 =	vld [tilespmem:s13+$0x7990];
	v51 =	vadd.f32 v28, v34;
	v44 =	vbroadcast v32, $0x1;
	v59 =	vbroadcast v32, $0x2  }
0x1bd: {  	v36 =	vadd.f32 v36, v30;
	v46 =	vbroadcast v32, $0x3;
	v48 =	vbroadcast v32, $0x4  }
0x1be: {  	v28 =	vld [tilespmem:$0x1A810];
	v33 =	vadd.f32 v51, v52;
	v51 =	vbroadcast v32, $0x5;
	v54 =	vmul.f32 v38, v27  }
0x1bf: {  	v42 =	vld [tilespmem:s13+$0x7980];
	v38 =	vbroadcast v31, $0xE;
	v43 =	vmul.f32 v41, v25  }
0x1c0: {  	v29 =	vld [tilespmem:$0x1A890];
	v35 =	vadd.f32 v36, v35;
	v58 =	vmul.f32 v44, v22;
	v41 =	vmul.f32 v41, v16  }
0x1c1: {  	v61 =	vmul.f32 v59, v17;
	v33 =	vadd.f32 v33, v53;
	v31 =	vadd.f32 v43, v39  }
0x1c2: {  	v30 =	vld [tilespmem:$0x1A910];
	v62 =	vmul.f32 v44, v11;
	v47 =	vmul.f32 v46, v18;
	v35 =	vadd.f32 v35, v37  }
0x1c3: {  	v56 =	vmul.f32 v40, v28;
	v33 =	vadd.f32 v33, v54;
	v37 =	vadd.f32 v31, v58  }
0x1c4: {  	v49 =	vmul.f32 v46, v4;
	v50 =	vmul.f32 v48, v13;
	v41 =	vadd.f32 v41, v42  }
0x1c5: {  	v57 =	vmul.f32 v38, v29;
	v33 =	vadd.f32 v33, v56;
	v63 =	vadd.f32 v37, v61  }
0x1c6: {  	v52 =	vmul.f32 v51, v14;
	v39 =	vmul.f32 v59, v6;
	v41 =	vadd.f32 v41, v62  }
0x1c7: {  	v60 =	vmul.f32 v45, v30;
	v31 =	vld [tilespmem:$0x1A800];
	v33 =	vadd.f32 v33, v57;
	v34 =	vadd.f32 v63, v47  }
0x1c8: {  	v53 =	vbroadcast v32, $0x6;
	v35 =	vadd.f32 v35, v55;
	v39 =	vadd.f32 v41, v39  }
0x1c9: {  	v54 =	vmul.f32 v51, v3;
	v44 =	vadd.f32 v33, v60;
	v33 =	vld [tilespmem:$0x1A880];
	v34 =	vadd.f32 v34, v50  }
0x1ca: {  	v56 =	vbroadcast v32, $0x7;
	v37 =	vmul.f32 v48, v2;
	v39 =	vadd.f32 v39, v49  }
0x1cb: {  	v55 =	vmul.f32 v53, v19;
	v57 =	vmul.f32 v53, v5;
	v36 =	vadd.f32 v34, v52  }
0x1cc: {  	v59 =	vmul.f32 v56, v20;
	v40 =	vmul.f32 v40, v31;
	v37 =	vadd.f32 v39, v37  }
0x1cd: {  	v61 =	vmul.f32 v56, v7;
	v60 =	vbroadcast v32, $0x8;
	v34 =	vld [tilespmem:$0x1A900];
	v58 =	vadd.f32 v36, v55  }
0x1ce: {  	v40 =	vadd.f32 v35, v40;
	v37 =	vadd.f32 v37, v54;
	v38 =	vmul.f32 v38, v33  }
0x1cf: {  	v63 =	vbroadcast v32, $0x9;
	v62 =	vmul.f32 v60, v21;
	v36 =	vadd.f32 v58, v59  }
0x1d0: {  	v35 =	vmul.f32 v60, v8;
	v47 =	vadd.f32 v37, v57;
	v37 =	vadd.f32 v40, v38  }
0x1d1: {  	v40 =	vmul.f32 v63, v23;
	v38 =	vbroadcast v32, $0xA;
	v39 =	vadd.f32 v36, v62  }
0x1d2: {  	s16 =	simm.s32 $0x100;
	s17 =	simm.s32 $0x600;
	[tilespmem:s15+$0x16D90] =	vst v44;
	v41 =	vadd.f32 v47, v61;
	v42 =	vmul.f32 v45, v34;
	v36 =	vmul.f32 v63, v9  }
.LBB2_13:
0x1d3: {  	p0 =	sne.s32 s17, $0xC600;
	v43 =	vld [tilespmem:s16+$0x79C0];
	v39 =	vadd.f32 v39, v40;
	v40 =	vmul.f32 v38, v24;
	v44 =	vbroadcast v32, $0xB  }
0x1d4: {  	v38 =	vmul.f32 v38, v10;
	v45 =	vld [tilespmem:s16+$0x7980];
	v35 =	vadd.f32 v41, v35;
	v37 =	vadd.f32 v37, v42  }
0x1d5: {  	v41 =	vbroadcast v32, $0xC;
	v39 =	vadd.f32 v39, v40;
	v40 =	vmul.f32 v44, v26  }
0x1d6: {  	v35 =	vadd.f32 v35, v36;
	v36 =	vmul.f32 v44, v12;
	[tilespmem:s15+$0x16D80] =	vst v37;
	s15 =	smov.u32 s13;
	s13 =	smov.u32 s16  }
0x1d7: {  	v42 =	vbroadcast v32, $0xD;
	v37 =	vld [tilespmem:s13+$0x7990];
	v39 =	vadd.f32 v39, v40;
	v40 =	vmul.f32 v41, v27  }
0x1d8: {  	v44 =	vbroadcast v43, $0x0;
	v35 =	vadd.f32 v35, v38;
	v38 =	vmul.f32 v41, v15  }
0x1d9: {  	v41 =	vbroadcast v32, $0xE;
	v39 =	vadd.f32 v39, v40;
	v40 =	vmul.f32 v42, v28  }
0x1da: {  	v47 =	vbroadcast v43, $0x1;
	v46 =	vmul.f32 v44, v25;
	v35 =	vadd.f32 v35, v36  }
0x1db: {  	v48 =	vbroadcast v32, $0xF;
	v32 =	vmovc v43;
	v36 =	vadd.f32 v39, v40;
	v39 =	vmul.f32 v41, v29  }
0x1dc: {  	v43 =	vbroadcast v32, $0x2;
	v40 =	vmul.f32 v47, v22;
	v37 =	vadd.f32 v46, v37  }
0x1dd: {  	v44 =	vmul.f32 v44, v16;
	v36 =	vadd.f32 v36, v39;
	v39 =	vmul.f32 v48, v30  }
0x1de: {  	v46 =	vbroadcast v32, $0x3;
	v37 =	vadd.f32 v37, v40;
	v40 =	vmul.f32 v43, v17  }
0x1df: {  	v44 =	vadd.f32 v44, v45;
	v45 =	vmul.f32 v47, v11;
	v36 =	vadd.f32 v36, v39  }
0x1e0: {  	v39 =	vmul.f32 v46, v18;
	v37 =	vadd.f32 v37, v40;
	v40 =	vbroadcast v32, $0x4  }
0x1e1: {  	v44 =	vadd.f32 v44, v45;
	v43 =	vmul.f32 v43, v6;
	v45 =	vmul.f32 v46, v4;
	[tilespmem:s15+$0x16D90] =	vst v36  }
0x1e2: {  	v36 =	vadd.f32 v37, v39;
	v37 =	vmul.f32 v40, v13;
	v39 =	vbroadcast v32, $0x5  }
0x1e3: {  	v35 =	vadd.f32 v35, v38;
	v43 =	vadd.f32 v44, v43;
	v40 =	vmul.f32 v40, v2  }
0x1e4: {  	v38 =	vbroadcast v32, $0x6;
	v36 =	vadd.f32 v36, v37;
	v37 =	vmul.f32 v39, v14  }
0x1e5: {  	v42 =	vmul.f32 v42, v31;
	v43 =	vadd.f32 v43, v45;
	v39 =	vmul.f32 v39, v3  }
0x1e6: {  	v44 =	vbroadcast v32, $0x7;
	v36 =	vadd.f32 v36, v37;
	v37 =	vmul.f32 v38, v19  }
0x1e7: {  	v42 =	vadd.f32 v35, v42;
	v40 =	vadd.f32 v43, v40;
	v38 =	vmul.f32 v38, v5  }
0x1e8: {  	v35 =	vadd.f32 v36, v37;
	v36 =	vmul.f32 v44, v20;
	v37 =	vbroadcast v32, $0x8  }
.Ltmp8:
0x1e9: {  	v43 =	vmul.f32 v44, v7;
	v39 =	vadd.f32 v40, v39;
	v40 =	vmul.f32 v41, v33;
	(pc) =	sbr.rel @p0 .LBB2_13-.Ltmp8, $4  }
0x1ea: {  	v44 =	vbroadcast v32, $0x9;
	v36 =	vadd.f32 v35, v36;
	v41 =	vmul.f32 v37, v21  }
0x1eb: {  	v45 =	vadd.f32 v39, v38;
	v35 =	vmul.f32 v37, v8;
	v37 =	vadd.f32 v42, v40  }
0x1ec: {  	v38 =	vbroadcast v32, $0xA;
	v40 =	vmul.f32 v44, v23;
	v39 =	vadd.f32 v36, v41  }
0x1ed: {  	s16 =	sshra.s32 s17, $0x2;
	s17 =	sadd.s32 $0x200, s17;
	v42 =	vmul.f32 v48, v34;
	v41 =	vadd.f32 v45, v43;
	v36 =	vmul.f32 v44, v9  }
0x1ee: {  	v43 =	vld [tilespmem:s16+$0x79C0]  }
0x1ef: {  	v50 =	vmul.f32 v38, v24;
	v51 =	vbroadcast v32, $0xB;
	v37 =	vadd.f32 v37, v42  }
0x1f0: {  	v52 =	vmul.f32 v38, v10;
	v55 =	vbroadcast v32, $0xC  }
0x1f1: {  	v44 =	vld [tilespmem:s16+$0x7980];
	v45 =	vbroadcast v32, $0xD;
	v63 =	vbroadcast v32, $0xE;
	[tilespmem:s15+$0x16D80] =	vst v37  }
0x1f2: {  	v39 =	vadd.f32 v39, v40;
	v54 =	vmul.f32 v51, v26;
	v57 =	vmul.f32 v51, v12;
	v56 =	vld [tilespmem:s16+$0x7990]  }
0x1f3: {  	v35 =	vadd.f32 v41, v35;
	v59 =	vmul.f32 v55, v27;
	v58 =	vbroadcast v43, $0x0  }
0x1f4: {  	v53 =	vadd.f32 v39, v50;
	v40 =	vmul.f32 v55, v15;
	v62 =	vmul.f32 v45, v28  }
0x1f5: {  	v60 =	vbroadcast v43, $0x1;
	v25 =	vmul.f32 v58, v25  }
0x1f6: {  	v35 =	vadd.f32 v35, v36;
	v37 =	vadd.f32 v53, v54;
	v16 =	vmul.f32 v58, v16  }
0x1f7: {  	v61 =	vbroadcast v43, $0x2;
	v22 =	vmul.f32 v60, v22;
	v25 =	vadd.f32 v25, v56  }
0x1f8: {  	v35 =	vadd.f32 v35, v52;
	v11 =	vmul.f32 v60, v11;
	v16 =	vadd.f32 v16, v44  }
0x1f9: {  	v17 =	vmul.f32 v61, v17;
	v22 =	vadd.f32 v25, v22;
	v25 =	vbroadcast v43, $0x3  }
0x1fa: {  	v37 =	vadd.f32 v37, v59;
	v6 =	vmul.f32 v61, v6;
	v11 =	vadd.f32 v16, v11  }
0x1fb: {  	v16 =	vadd.f32 v22, v17;
	v17 =	vmul.f32 v25, v18;
	v18 =	vbroadcast v43, $0x4  }
0x1fc: {  	v22 =	vadd.f32 v35, v57;
	v4 =	vmul.f32 v25, v4;
	v6 =	vadd.f32 v11, v6  }
0x1fd: {  	v11 =	vadd.f32 v16, v17;
	v13 =	vmul.f32 v18, v13;
	v16 =	vbroadcast v43, $0x5  }
0x1fe: {  	v17 =	vadd.f32 v37, v62;
	v2 =	vmul.f32 v18, v2;
	v4 =	vadd.f32 v6, v4  }
0x1ff: {  	v6 =	vadd.f32 v11, v13;
	v11 =	vmul.f32 v16, v14;
	v13 =	vbroadcast v43, $0x6  }
0x200: {  	v14 =	vmul.f32 v63, v29;
	v3 =	vmul.f32 v16, v3;
	v2 =	vadd.f32 v4, v2  }
0x201: {  	v4 =	vadd.f32 v6, v11;
	v6 =	vmul.f32 v13, v19;
	v11 =	vbroadcast v43, $0x7  }
0x202: {  	v16 =	vbroadcast v32, $0xF;
	v5 =	vmul.f32 v13, v5;
	v2 =	vadd.f32 v2, v3  }
0x203: {  	v3 =	vadd.f32 v4, v6;
	v4 =	vmul.f32 v11, v20;
	v6 =	vbroadcast v43, $0x8  }
0x204: {  	v13 =	vadd.f32 v17, v14;
	v7 =	vmul.f32 v11, v7;
	v2 =	vadd.f32 v2, v5  }
0x205: {  	v5 =	vbroadcast v43, $0x9;
	v3 =	vadd.f32 v3, v4;
	v4 =	vmul.f32 v6, v21  }
0x206: {  	v6 =	vmul.f32 v6, v8;
	v2 =	vadd.f32 v2, v7;
	v7 =	vbroadcast v43, $0xA  }
0x207: {  	v8 =	vadd.f32 v22, v40;
	v3 =	vadd.f32 v3, v4;
	v4 =	vmul.f32 v5, v23  }
0x208: {  	v5 =	vmul.f32 v5, v9;
	v2 =	vadd.f32 v2, v6;
	v6 =	vbroadcast v43, $0xB  }
0x209: {  	v9 =	vmul.f32 v45, v31;
	v3 =	vadd.f32 v3, v4;
	v4 =	vmul.f32 v7, v24  }
0x20a: {  	v7 =	vmul.f32 v7, v10;
	v2 =	vadd.f32 v2, v5;
	v5 =	vbroadcast v43, $0xC  }
0x20b: {  	v8 =	vadd.f32 v8, v9;
	v3 =	vadd.f32 v3, v4;
	v4 =	vmul.f32 v6, v26  }
0x20c: {  	v9 =	vmul.f32 v63, v33;
	v6 =	vmul.f32 v6, v12;
	v2 =	vadd.f32 v2, v7  }
0x20d: {  	v7 =	vbroadcast v43, $0xD;
	v3 =	vadd.f32 v3, v4;
	v4 =	vmul.f32 v5, v27  }
0x20e: {  	v8 =	vadd.f32 v8, v9;
	v5 =	vmul.f32 v5, v15;
	v2 =	vadd.f32 v2, v6  }
0x20f: {  	v6 =	vbroadcast v43, $0xE;
	v3 =	vadd.f32 v3, v4;
	v4 =	vmul.f32 v7, v28  }
0x210: {  	v9 =	vmul.f32 v16, v34;
	v2 =	vadd.f32 v2, v5;
	v5 =	vmul.f32 v7, v31  }
0x211: {  	v7 =	vbroadcast v43, $0xF;
	v3 =	vadd.f32 v3, v4;
	v4 =	vmul.f32 v6, v29  }
0x212: {  	v11 =	vmul.f32 v16, v30;
	v2 =	vadd.f32 v2, v5;
	v5 =	vmul.f32 v6, v33  }
0x213: {  	v8 =	vadd.f32 v8, v9;
	v3 =	vadd.f32 v3, v4;
	v4 =	vmul.f32 v7, v30  }
0x214: {  	v6 =	vadd.f32 v13, v11;
	v2 =	vadd.f32 v2, v5;
	v5 =	vmul.f32 v7, v34  }
0x215: {  	[tilespmem:s13+$0x16D80] =	vst v8;
	v3 =	vadd.f32 v3, v4  }
0x216: {  	[tilespmem:s13+$0x16D90] =	vst v6;
	v2 =	vadd.f32 v2, v5  }
0x217: {  	[tilespmem:s16+$0x16D90] =	vst v3  }
0x218: {  	[tilespmem:s16+$0x16D80] =	vst v2  }
0x219: {  	v16 =	vld [tilespmem:$0x1A1A0]  }
0x21a: {  	s15 =	simm.s32 $0x0;
	v25 =	vld [tilespmem:$0x1A1B0]  }
0x21b: {  	v31 =	vld [tilespmem:s15+$0x79C0]  }
0x21c: {  	v11 =	vld [tilespmem:$0x1A220]  }
0x21d: {  	v22 =	vld [tilespmem:$0x1A230]  }
0x21e: {  	v6 =	vld [tilespmem:$0x1A2A0]  }
0x21f: {  	v3 =	vld [tilespmem:s15+$0x79B0]  }
0x220: {  	v17 =	vld [tilespmem:$0x1A2B0]  }
0x221: {  	v4 =	vld [tilespmem:$0x1A320]  }
0x222: {  	v7 =	vld [tilespmem:s15+$0x79A0];
	v5 =	vbroadcast v31, $0x0  }
0x223: {  	v18 =	vld [tilespmem:$0x1A330];
	v9 =	vbroadcast v31, $0x1;
	v12 =	vbroadcast v31, $0x2  }
0x224: {  	v2 =	vld [tilespmem:$0x1A3A0];
	v15 =	vbroadcast v31, $0x3;
	v23 =	vbroadcast v31, $0x4  }
0x225: {  	v13 =	vld [tilespmem:$0x1A3B0];
	v24 =	vbroadcast v31, $0x5;
	v8 =	vmul.f32 v5, v25  }
0x226: {  	v14 =	vld [tilespmem:$0x1A430];
	v26 =	vbroadcast v31, $0x6;
	v5 =	vmul.f32 v5, v16  }
0x227: {  	s13 =	simm.s32 $0x80;
	v19 =	vld [tilespmem:$0x1A4B0];
	v29 =	vbroadcast v31, $0x7;
	v10 =	vmul.f32 v9, v22;
	v8 =	vadd.f32 v8, v3  }
0x228: {  	v32 =	vld [tilespmem:s13+$0x79C0];
	v39 =	vbroadcast v31, $0x8;
	v9 =	vmul.f32 v9, v11;
	v7 =	vadd.f32 v5, v7  }
0x229: {  	v42 =	vbroadcast v31, $0xA;
	v3 =	vld [tilespmem:$0x1A420];
	v8 =	vadd.f32 v8, v10;
	v10 =	vmul.f32 v12, v17  }
0x22a: {  	v46 =	vbroadcast v31, $0xB;
	v5 =	vld [tilespmem:$0x1A4A0];
	v9 =	vadd.f32 v7, v9;
	v12 =	vmul.f32 v12, v6  }
0x22b: {  	v20 =	vld [tilespmem:$0x1A530];
	v21 =	vmul.f32 v23, v13;
	v8 =	vadd.f32 v8, v10;
	v10 =	vmul.f32 v15, v18  }
0x22c: {  	v27 =	vmul.f32 v23, v2;
	v23 =	vld [tilespmem:$0x1A630];
	v15 =	vmul.f32 v15, v4;
	v9 =	vadd.f32 v9, v12  }
0x22d: {  	v48 =	vbroadcast v31, $0xC;
	v51 =	vbroadcast v32, $0x0;
	v7 =	vld [tilespmem:$0x1A520];
	v10 =	vadd.f32 v8, v10  }
0x22e: {  	v12 =	vmul.f32 v24, v14;
	v30 =	vmul.f32 v24, v3;
	v24 =	vld [tilespmem:$0x1A6B0];
	v15 =	vadd.f32 v9, v15  }
0x22f: {  	v28 =	vmul.f32 v26, v19;
	v40 =	vmul.f32 v26, v5;
	v26 =	vld [tilespmem:$0x1A730];
	v10 =	vadd.f32 v10, v21  }
0x230: {  	v56 =	vbroadcast v32, $0x1;
	v59 =	vbroadcast v32, $0x2;
	v21 =	vld [tilespmem:$0x1A5B0];
	v15 =	vadd.f32 v15, v27  }
0x231: {  	v38 =	vbroadcast v31, $0xE;
	v55 =	vmul.f32 v51, v25;
	v8 =	vld [tilespmem:$0x1A5A0];
	v12 =	vadd.f32 v10, v12  }
0x232: {  	v58 =	vmul.f32 v56, v22;
	v61 =	vmul.f32 v59, v17;
	v9 =	vld [tilespmem:$0x1A620];
	v15 =	vadd.f32 v15, v30  }
0x233: {  	v62 =	vmul.f32 v56, v11;
	v10 =	vld [tilespmem:$0x1A6A0];
	v27 =	vadd.f32 v12, v28;
	v28 =	vmul.f32 v29, v20  }
0x234: {  	v56 =	vbroadcast v32, $0x7;
	v12 =	vld [tilespmem:$0x1A720];
	v29 =	vmul.f32 v29, v7;
	v33 =	vadd.f32 v15, v40  }
0x235: {  	v30 =	vbroadcast v31, $0x9;
	v15 =	vld [tilespmem:$0x1A7A0];
	v27 =	vadd.f32 v27, v28;
	v28 =	vmul.f32 v39, v21  }
0x236: {  	v45 =	vmul.f32 v42, v24;
	v43 =	vmul.f32 v39, v8;
	v29 =	vadd.f32 v33, v29  }
0x237: {  	v49 =	vld [tilespmem:s13+$0x79B0];
	v47 =	vmul.f32 v46, v26;
	v41 =	vmul.f32 v30, v23;
	v28 =	vadd.f32 v27, v28  }
0x238: {  	v54 =	vld [tilespmem:s13+$0x79A0];
	v30 =	vmul.f32 v30, v9;
	v40 =	vbroadcast v31, $0xD;
	v36 =	vadd.f32 v29, v43  }
0x239: {  	v39 =	vmul.f32 v59, v6;
	v35 =	vmul.f32 v42, v10;
	v27 =	vld [tilespmem:$0x1A7B0];
	v44 =	vadd.f32 v28, v41  }
0x23a: {  	v29 =	vld [tilespmem:$0x1A8B0];
	v37 =	vmul.f32 v46, v12;
	v52 =	vmul.f32 v48, v15;
	v36 =	vadd.f32 v36, v30  }
0x23b: {  	v46 =	vbroadcast v32, $0x3;
	v28 =	vld [tilespmem:$0x1A830];
	v41 =	vmul.f32 v51, v16;
	v33 =	vadd.f32 v44, v45  }
0x23c: {  	v30 =	vld [tilespmem:$0x1A930];
	v35 =	vadd.f32 v36, v35;
	v45 =	vbroadcast v31, $0xF;
	v31 =	vadd.f32 v55, v49  }
0x23d: {  	v51 =	vbroadcast v32, $0x5;
	v49 =	vmul.f32 v46, v4;
	v33 =	vadd.f32 v33, v47  }
0x23e: {  	v50 =	vmul.f32 v48, v27;
	v35 =	vadd.f32 v35, v37;
	v37 =	vadd.f32 v31, v58  }
0x23f: {  	v41 =	vadd.f32 v41, v54;
	v48 =	vbroadcast v32, $0x4;
	v47 =	vmul.f32 v46, v18  }
0x240: {  	v53 =	vmul.f32 v40, v28;
	v33 =	vadd.f32 v33, v50;
	v63 =	vadd.f32 v37, v61  }
0x241: {  	v57 =	vmul.f32 v38, v29;
	v41 =	vadd.f32 v41, v62;
	v60 =	vmul.f32 v45, v30  }
0x242: {  	v50 =	vmul.f32 v48, v13;
	v33 =	vadd.f32 v33, v53;
	v34 =	vadd.f32 v63, v47  }
0x243: {  	v39 =	vadd.f32 v41, v39;
	v35 =	vadd.f32 v35, v52;
	v52 =	vmul.f32 v51, v14  }
0x244: {  	v31 =	vld [tilespmem:$0x1A820];
	v53 =	vbroadcast v32, $0x6;
	v33 =	vadd.f32 v33, v57;
	v34 =	vadd.f32 v34, v50  }
0x245: {  	v59 =	vmul.f32 v56, v20;
	v37 =	vmul.f32 v48, v2;
	v39 =	vadd.f32 v39, v49  }
0x246: {  	v55 =	vmul.f32 v53, v19;
	v44 =	vadd.f32 v33, v60;
	v33 =	vld [tilespmem:$0x1A8A0];
	v36 =	vadd.f32 v34, v52  }
0x247: {  	v54 =	vmul.f32 v51, v3;
	v61 =	vmul.f32 v56, v7  }
0x248: {  	v37 =	vadd.f32 v39, v37;
	v60 =	vbroadcast v32, $0x8;
	v58 =	vadd.f32 v36, v55  }
0x249: {  	v40 =	vmul.f32 v40, v31;
	v57 =	vmul.f32 v53, v5;
	v34 =	vld [tilespmem:$0x1A920]  }
0x24a: {  	v37 =	vadd.f32 v37, v54;
	v62 =	vmul.f32 v60, v21;
	v36 =	vadd.f32 v58, v59  }
0x24b: {  	v63 =	vbroadcast v32, $0x9;
	v40 =	vadd.f32 v35, v40;
	v38 =	vmul.f32 v38, v33  }
0x24c: {  	v47 =	vadd.f32 v37, v57;
	v35 =	vmul.f32 v60, v8;
	v39 =	vadd.f32 v36, v62  }
0x24d: {  	v37 =	vadd.f32 v40, v38;
	v40 =	vmul.f32 v63, v23;
	v38 =	vbroadcast v32, $0xA  }
0x24e: {  	s17 =	simm.s32 $0x600;
	s16 =	simm.s32 $0x100;
	[tilespmem:s15+$0x16DB0] =	vst v44;
	v41 =	vadd.f32 v47, v61;
	v42 =	vmul.f32 v45, v34;
	v36 =	vmul.f32 v63, v9  }
.LBB2_15:
0x24f: {  	p0 =	sne.s32 s17, $0xC600;
	v43 =	vld [tilespmem:s16+$0x79C0];
	v39 =	vadd.f32 v39, v40;
	v40 =	vmul.f32 v38, v24;
	v44 =	vbroadcast v32, $0xB  }
0x250: {  	v38 =	vmul.f32 v38, v10;
	v45 =	vld [tilespmem:s16+$0x79A0];
	v35 =	vadd.f32 v41, v35;
	v37 =	vadd.f32 v37, v42  }
0x251: {  	v41 =	vbroadcast v32, $0xC;
	v39 =	vadd.f32 v39, v40;
	v40 =	vmul.f32 v44, v26  }
0x252: {  	v35 =	vadd.f32 v35, v36;
	v36 =	vmul.f32 v44, v12;
	[tilespmem:s15+$0x16DA0] =	vst v37;
	s15 =	smov.u32 s13;
	s13 =	smov.u32 s16  }
0x253: {  	v42 =	vbroadcast v32, $0xD;
	v37 =	vld [tilespmem:s13+$0x79B0];
	v39 =	vadd.f32 v39, v40;
	v40 =	vmul.f32 v41, v27  }
0x254: {  	v44 =	vbroadcast v43, $0x0;
	v35 =	vadd.f32 v35, v38;
	v38 =	vmul.f32 v41, v15  }
0x255: {  	v41 =	vbroadcast v32, $0xE;
	v39 =	vadd.f32 v39, v40;
	v40 =	vmul.f32 v42, v28  }
0x256: {  	v47 =	vbroadcast v43, $0x1;
	v46 =	vmul.f32 v44, v25;
	v35 =	vadd.f32 v35, v36  }
0x257: {  	v48 =	vbroadcast v32, $0xF;
	v32 =	vmovc v43;
	v36 =	vadd.f32 v39, v40;
	v39 =	vmul.f32 v41, v29  }
0x258: {  	v43 =	vbroadcast v32, $0x2;
	v40 =	vmul.f32 v47, v22;
	v37 =	vadd.f32 v46, v37  }
0x259: {  	v44 =	vmul.f32 v44, v16;
	v36 =	vadd.f32 v36, v39;
	v39 =	vmul.f32 v48, v30  }
0x25a: {  	v46 =	vbroadcast v32, $0x3;
	v37 =	vadd.f32 v37, v40;
	v40 =	vmul.f32 v43, v17  }
0x25b: {  	v44 =	vadd.f32 v44, v45;
	v45 =	vmul.f32 v47, v11;
	v36 =	vadd.f32 v36, v39  }
0x25c: {  	v39 =	vmul.f32 v46, v18;
	v37 =	vadd.f32 v37, v40;
	v40 =	vbroadcast v32, $0x4  }
0x25d: {  	v44 =	vadd.f32 v44, v45;
	v43 =	vmul.f32 v43, v6;
	v45 =	vmul.f32 v46, v4;
	[tilespmem:s15+$0x16DB0] =	vst v36  }
0x25e: {  	v36 =	vadd.f32 v37, v39;
	v37 =	vmul.f32 v40, v13;
	v39 =	vbroadcast v32, $0x5  }
0x25f: {  	v35 =	vadd.f32 v35, v38;
	v43 =	vadd.f32 v44, v43;
	v40 =	vmul.f32 v40, v2  }
0x260: {  	v38 =	vbroadcast v32, $0x6;
	v36 =	vadd.f32 v36, v37;
	v37 =	vmul.f32 v39, v14  }
0x261: {  	v42 =	vmul.f32 v42, v31;
	v43 =	vadd.f32 v43, v45;
	v39 =	vmul.f32 v39, v3  }
0x262: {  	v44 =	vbroadcast v32, $0x7;
	v36 =	vadd.f32 v36, v37;
	v37 =	vmul.f32 v38, v19  }
0x263: {  	v42 =	vadd.f32 v35, v42;
	v40 =	vadd.f32 v43, v40;
	v38 =	vmul.f32 v38, v5  }
0x264: {  	v35 =	vadd.f32 v36, v37;
	v36 =	vmul.f32 v44, v20;
	v37 =	vbroadcast v32, $0x8  }
.Ltmp9:
0x265: {  	v43 =	vmul.f32 v44, v7;
	v39 =	vadd.f32 v40, v39;
	v40 =	vmul.f32 v41, v33;
	(pc) =	sbr.rel @p0 .LBB2_15-.Ltmp9, $4  }
0x266: {  	v44 =	vbroadcast v32, $0x9;
	v36 =	vadd.f32 v35, v36;
	v41 =	vmul.f32 v37, v21  }
0x267: {  	v45 =	vadd.f32 v39, v38;
	v35 =	vmul.f32 v37, v8;
	v37 =	vadd.f32 v42, v40  }
0x268: {  	v38 =	vbroadcast v32, $0xA;
	v40 =	vmul.f32 v44, v23;
	v39 =	vadd.f32 v36, v41  }
0x269: {  	s16 =	sshra.s32 s17, $0x2;
	s17 =	sadd.s32 $0x200, s17;
	v42 =	vmul.f32 v48, v34;
	v41 =	vadd.f32 v45, v43;
	v36 =	vmul.f32 v44, v9  }
0x26a: {  	v43 =	vld [tilespmem:s16+$0x79C0]  }
0x26b: {  	v50 =	vmul.f32 v38, v24;
	v51 =	vbroadcast v32, $0xB;
	v37 =	vadd.f32 v37, v42  }
0x26c: {  	v52 =	vmul.f32 v38, v10;
	v55 =	vbroadcast v32, $0xC  }
0x26d: {  	v44 =	vld [tilespmem:s16+$0x79A0];
	v45 =	vbroadcast v32, $0xD;
	v63 =	vbroadcast v32, $0xE;
	[tilespmem:s15+$0x16DA0] =	vst v37  }
0x26e: {  	v39 =	vadd.f32 v39, v40;
	v54 =	vmul.f32 v51, v26;
	v57 =	vmul.f32 v51, v12;
	v56 =	vld [tilespmem:s16+$0x79B0]  }
0x26f: {  	v35 =	vadd.f32 v41, v35;
	v59 =	vmul.f32 v55, v27;
	v58 =	vbroadcast v43, $0x0  }
0x270: {  	v53 =	vadd.f32 v39, v50;
	v40 =	vmul.f32 v55, v15;
	v62 =	vmul.f32 v45, v28  }
0x271: {  	v60 =	vbroadcast v43, $0x1;
	v25 =	vmul.f32 v58, v25  }
0x272: {  	v35 =	vadd.f32 v35, v36;
	v37 =	vadd.f32 v53, v54;
	v16 =	vmul.f32 v58, v16  }
0x273: {  	v61 =	vbroadcast v43, $0x2;
	v22 =	vmul.f32 v60, v22;
	v25 =	vadd.f32 v25, v56  }
0x274: {  	v35 =	vadd.f32 v35, v52;
	v11 =	vmul.f32 v60, v11;
	v16 =	vadd.f32 v16, v44  }
0x275: {  	v17 =	vmul.f32 v61, v17;
	v22 =	vadd.f32 v25, v22;
	v25 =	vbroadcast v43, $0x3  }
0x276: {  	v37 =	vadd.f32 v37, v59;
	v6 =	vmul.f32 v61, v6;
	v11 =	vadd.f32 v16, v11  }
0x277: {  	v16 =	vadd.f32 v22, v17;
	v17 =	vmul.f32 v25, v18;
	v18 =	vbroadcast v43, $0x4  }
0x278: {  	v22 =	vadd.f32 v35, v57;
	v4 =	vmul.f32 v25, v4;
	v6 =	vadd.f32 v11, v6  }
0x279: {  	v11 =	vadd.f32 v16, v17;
	v13 =	vmul.f32 v18, v13;
	v16 =	vbroadcast v43, $0x5  }
0x27a: {  	v17 =	vadd.f32 v37, v62;
	v2 =	vmul.f32 v18, v2;
	v4 =	vadd.f32 v6, v4  }
0x27b: {  	v6 =	vadd.f32 v11, v13;
	v11 =	vmul.f32 v16, v14;
	v13 =	vbroadcast v43, $0x6  }
0x27c: {  	v14 =	vmul.f32 v63, v29;
	v3 =	vmul.f32 v16, v3;
	v2 =	vadd.f32 v4, v2  }
0x27d: {  	v4 =	vadd.f32 v6, v11;
	v6 =	vmul.f32 v13, v19;
	v11 =	vbroadcast v43, $0x7  }
0x27e: {  	v16 =	vbroadcast v32, $0xF;
	v5 =	vmul.f32 v13, v5;
	v2 =	vadd.f32 v2, v3  }
0x27f: {  	v3 =	vadd.f32 v4, v6;
	v4 =	vmul.f32 v11, v20;
	v6 =	vbroadcast v43, $0x8  }
0x280: {  	v13 =	vadd.f32 v17, v14;
	v7 =	vmul.f32 v11, v7;
	v2 =	vadd.f32 v2, v5  }
0x281: {  	v5 =	vbroadcast v43, $0x9;
	v3 =	vadd.f32 v3, v4;
	v4 =	vmul.f32 v6, v21  }
0x282: {  	v6 =	vmul.f32 v6, v8;
	v2 =	vadd.f32 v2, v7;
	v7 =	vbroadcast v43, $0xA  }
0x283: {  	v8 =	vadd.f32 v22, v40;
	v3 =	vadd.f32 v3, v4;
	v4 =	vmul.f32 v5, v23  }
0x284: {  	v5 =	vmul.f32 v5, v9;
	v2 =	vadd.f32 v2, v6;
	v6 =	vbroadcast v43, $0xB  }
0x285: {  	v9 =	vmul.f32 v45, v31;
	v3 =	vadd.f32 v3, v4;
	v4 =	vmul.f32 v7, v24  }
0x286: {  	v7 =	vmul.f32 v7, v10;
	v2 =	vadd.f32 v2, v5;
	v5 =	vbroadcast v43, $0xC  }
0x287: {  	v8 =	vadd.f32 v8, v9;
	v3 =	vadd.f32 v3, v4;
	v4 =	vmul.f32 v6, v26  }
0x288: {  	v9 =	vmul.f32 v63, v33;
	v6 =	vmul.f32 v6, v12;
	v2 =	vadd.f32 v2, v7  }
0x289: {  	v7 =	vbroadcast v43, $0xD;
	v3 =	vadd.f32 v3, v4;
	v4 =	vmul.f32 v5, v27  }
0x28a: {  	v8 =	vadd.f32 v8, v9;
	v5 =	vmul.f32 v5, v15;
	v2 =	vadd.f32 v2, v6  }
0x28b: {  	v6 =	vbroadcast v43, $0xE;
	v3 =	vadd.f32 v3, v4;
	v4 =	vmul.f32 v7, v28  }
0x28c: {  	v9 =	vmul.f32 v16, v34;
	v2 =	vadd.f32 v2, v5;
	v5 =	vmul.f32 v7, v31  }
0x28d: {  	v7 =	vbroadcast v43, $0xF;
	v3 =	vadd.f32 v3, v4;
	v4 =	vmul.f32 v6, v29  }
0x28e: {  	v11 =	vmul.f32 v16, v30;
	v2 =	vadd.f32 v2, v5;
	v5 =	vmul.f32 v6, v33  }
0x28f: {  	v8 =	vadd.f32 v8, v9;
	v3 =	vadd.f32 v3, v4;
	v4 =	vmul.f32 v7, v30  }
0x290: {  	s18 =	sor.u32 $0x2, s10;
	v6 =	vadd.f32 v13, v11;
	v2 =	vadd.f32 v2, v5;
	v5 =	vmul.f32 v7, v34  }
0x291: {  	s17 =	smul.u32 $0x380, s18;
	[tilespmem:s13+$0x16DA0] =	vst v8;
	v3 =	vadd.f32 v3, v4  }
0x292: {  	s15 =	smul.u32 $0x1C00, s18;
	[tilespmem:s13+$0x16DB0] =	vst v6;
	v2 =	vadd.f32 v2, v5  }
0x293: {  	[tilespmem:s16+$0x16DB0] =	vst v3  }
0x294: {  	s18 =	sshrl.u32 s15, $0x3;
	s13 =	sadd.s32 s5, s17;
	[tilespmem:s16+$0x16DA0] =	vst v2  }
0x295: {  	[hbm4b:s13+s3] =	stream.linear.scatter [tilespmem:s26], [sflag:$0x6], $0x1900, $0x38;
	[tilespmem:$0x1A980] =	vst v63  }
0x296: {  	s13 =	sadd.s32 s5, s18  }
0x297: {  	p0 =	seq.s32 s1, $0xF;
	s13 =	sadd.s32 $0x380, s13  }
0x298: {  	[hbm4b:s13+s3] =	stream.linear.scatter [tilespmem:s28], [sflag:$0x6], $0x1900, $0x38;
	[tilespmem:$0x1A980] =	vst v63  }
0x299: {  	s13 =	sshrl.u32 @!p0 s2, $0x2  }
0x29a: {  	s17 =	simm.s32 @!p0 $0x7980;
	s16 =	simm.s32 @!p0 $0x80;
	s15 =	sadd.s32 @!p0 $0x1C00, s13  }
0x29b: {  	[tilespmem:s17], [sflag:$0x2] =	stream.indirect.gather @!p0 [hbm4b:s4+s16], $0x80, s15, s16, $0xb8;
	[tilespmem:$0x1A980] =	vst v63  }
0x29c: {  	_ =	swait.ge [sflag:s29], $0x4000  }
0x29d: {  	[sflag:s29] =	ssyncset.done $0x0  }
0x29e: {  	[sflag:s29] =	ssyncadd.s32 $0xFFFFC000  }
0x29f: {  	_ =	swait.ge [sflag:s30], $0x1900  }
0x2a0: {  	[sflag:s30] =	ssyncset.done $0x0  }
0x2a1: {  	[sflag:s30] =	ssyncadd.s32 $0xFFFFE700  }
0x2a2: {  	_ =	swait.ge [sflag:s30], $0x1900  }
0x2a3: {  	[sflag:s30] =	ssyncset.done $0x0  }
0x2a4: {  	[sflag:s30] =	ssyncadd.s32 $0xFFFFE700  }
0x2a5: {  	v16 =	vld [tilespmem:$0x1A180]  }
0x2a6: {  	s16 =	simm.s32 $0x0;
	v25 =	vld [tilespmem:$0x1A190]  }
0x2a7: {  	v31 =	vld [tilespmem:s16+$0xB9C0]  }
0x2a8: {  	v11 =	vld [tilespmem:$0x1A200]  }
0x2a9: {  	v22 =	vld [tilespmem:$0x1A210]  }
0x2aa: {  	v6 =	vld [tilespmem:$0x1A280]  }
0x2ab: {  	v3 =	vld [tilespmem:s16+$0xB990]  }
0x2ac: {  	v17 =	vld [tilespmem:$0x1A290]  }
0x2ad: {  	v4 =	vld [tilespmem:$0x1A300]  }
0x2ae: {  	v7 =	vld [tilespmem:s16+$0xB980];
	v5 =	vbroadcast v31, $0x0  }
0x2af: {  	v18 =	vld [tilespmem:$0x1A310];
	v9 =	vbroadcast v31, $0x1;
	v12 =	vbroadcast v31, $0x2  }
0x2b0: {  	v2 =	vld [tilespmem:$0x1A380];
	v15 =	vbroadcast v31, $0x3;
	v23 =	vbroadcast v31, $0x4  }
0x2b1: {  	v13 =	vld [tilespmem:$0x1A390];
	v24 =	vbroadcast v31, $0x5;
	v8 =	vmul.f32 v5, v25  }
0x2b2: {  	v14 =	vld [tilespmem:$0x1A410];
	v26 =	vbroadcast v31, $0x6;
	v5 =	vmul.f32 v5, v16  }
0x2b3: {  	s15 =	simm.s32 $0x80;
	v19 =	vld [tilespmem:$0x1A490];
	v29 =	vbroadcast v31, $0x7;
	v10 =	vmul.f32 v9, v22;
	v8 =	vadd.f32 v8, v3  }
0x2b4: {  	v32 =	vld [tilespmem:s15+$0xB9C0];
	v39 =	vbroadcast v31, $0x8;
	v9 =	vmul.f32 v9, v11;
	v7 =	vadd.f32 v5, v7  }
0x2b5: {  	v42 =	vbroadcast v31, $0xA;
	v3 =	vld [tilespmem:$0x1A400];
	v8 =	vadd.f32 v8, v10;
	v10 =	vmul.f32 v12, v17  }
0x2b6: {  	v46 =	vbroadcast v31, $0xB;
	v5 =	vld [tilespmem:$0x1A480];
	v9 =	vadd.f32 v7, v9;
	v12 =	vmul.f32 v12, v6  }
0x2b7: {  	v20 =	vld [tilespmem:$0x1A510];
	v21 =	vmul.f32 v23, v13;
	v8 =	vadd.f32 v8, v10;
	v10 =	vmul.f32 v15, v18  }
0x2b8: {  	v27 =	vmul.f32 v23, v2;
	v23 =	vld [tilespmem:$0x1A610];
	v15 =	vmul.f32 v15, v4;
	v9 =	vadd.f32 v9, v12  }
0x2b9: {  	v48 =	vbroadcast v31, $0xC;
	v51 =	vbroadcast v32, $0x0;
	v7 =	vld [tilespmem:$0x1A500];
	v10 =	vadd.f32 v8, v10  }
0x2ba: {  	v12 =	vmul.f32 v24, v14;
	v30 =	vmul.f32 v24, v3;
	v24 =	vld [tilespmem:$0x1A690];
	v15 =	vadd.f32 v9, v15  }
0x2bb: {  	v28 =	vmul.f32 v26, v19;
	v40 =	vmul.f32 v26, v5;
	v26 =	vld [tilespmem:$0x1A710];
	v10 =	vadd.f32 v10, v21  }
0x2bc: {  	v56 =	vbroadcast v32, $0x1;
	v59 =	vbroadcast v32, $0x2;
	v21 =	vld [tilespmem:$0x1A590];
	v15 =	vadd.f32 v15, v27  }
0x2bd: {  	v38 =	vbroadcast v31, $0xE;
	v55 =	vmul.f32 v51, v25;
	v8 =	vld [tilespmem:$0x1A580];
	v12 =	vadd.f32 v10, v12  }
0x2be: {  	v58 =	vmul.f32 v56, v22;
	v61 =	vmul.f32 v59, v17;
	v9 =	vld [tilespmem:$0x1A600];
	v15 =	vadd.f32 v15, v30  }
0x2bf: {  	v62 =	vmul.f32 v56, v11;
	v10 =	vld [tilespmem:$0x1A680];
	v27 =	vadd.f32 v12, v28;
	v28 =	vmul.f32 v29, v20  }
0x2c0: {  	v56 =	vbroadcast v32, $0x7;
	v12 =	vld [tilespmem:$0x1A700];
	v29 =	vmul.f32 v29, v7;
	v33 =	vadd.f32 v15, v40  }
0x2c1: {  	v30 =	vbroadcast v31, $0x9;
	v15 =	vld [tilespmem:$0x1A780];
	v27 =	vadd.f32 v27, v28;
	v28 =	vmul.f32 v39, v21  }
0x2c2: {  	v45 =	vmul.f32 v42, v24;
	v43 =	vmul.f32 v39, v8;
	v29 =	vadd.f32 v33, v29  }
0x2c3: {  	v49 =	vld [tilespmem:s15+$0xB990];
	v47 =	vmul.f32 v46, v26;
	v41 =	vmul.f32 v30, v23;
	v28 =	vadd.f32 v27, v28  }
0x2c4: {  	v54 =	vld [tilespmem:s15+$0xB980];
	v30 =	vmul.f32 v30, v9;
	v40 =	vbroadcast v31, $0xD;
	v36 =	vadd.f32 v29, v43  }
0x2c5: {  	v39 =	vmul.f32 v59, v6;
	v35 =	vmul.f32 v42, v10;
	v27 =	vld [tilespmem:$0x1A790];
	v44 =	vadd.f32 v28, v41  }
0x2c6: {  	v29 =	vld [tilespmem:$0x1A890];
	v37 =	vmul.f32 v46, v12;
	v52 =	vmul.f32 v48, v15;
	v36 =	vadd.f32 v36, v30  }
0x2c7: {  	v46 =	vbroadcast v32, $0x3;
	v28 =	vld [tilespmem:$0x1A810];
	v41 =	vmul.f32 v51, v16;
	v33 =	vadd.f32 v44, v45  }
0x2c8: {  	v30 =	vld [tilespmem:$0x1A910];
	v35 =	vadd.f32 v36, v35;
	v45 =	vbroadcast v31, $0xF;
	v31 =	vadd.f32 v55, v49  }
0x2c9: {  	v51 =	vbroadcast v32, $0x5;
	v49 =	vmul.f32 v46, v4;
	v33 =	vadd.f32 v33, v47  }
0x2ca: {  	v50 =	vmul.f32 v48, v27;
	v35 =	vadd.f32 v35, v37;
	v37 =	vadd.f32 v31, v58  }
0x2cb: {  	v41 =	vadd.f32 v41, v54;
	v48 =	vbroadcast v32, $0x4;
	v47 =	vmul.f32 v46, v18  }
0x2cc: {  	v53 =	vmul.f32 v40, v28;
	v33 =	vadd.f32 v33, v50;
	v63 =	vadd.f32 v37, v61  }
0x2cd: {  	v57 =	vmul.f32 v38, v29;
	v41 =	vadd.f32 v41, v62;
	v60 =	vmul.f32 v45, v30  }
0x2ce: {  	v50 =	vmul.f32 v48, v13;
	v33 =	vadd.f32 v33, v53;
	v34 =	vadd.f32 v63, v47  }
0x2cf: {  	v39 =	vadd.f32 v41, v39;
	v35 =	vadd.f32 v35, v52;
	v52 =	vmul.f32 v51, v14  }
0x2d0: {  	v31 =	vld [tilespmem:$0x1A800];
	v53 =	vbroadcast v32, $0x6;
	v33 =	vadd.f32 v33, v57;
	v34 =	vadd.f32 v34, v50  }
0x2d1: {  	v59 =	vmul.f32 v56, v20;
	v37 =	vmul.f32 v48, v2;
	v39 =	vadd.f32 v39, v49  }
0x2d2: {  	v55 =	vmul.f32 v53, v19;
	v44 =	vadd.f32 v33, v60;
	v33 =	vld [tilespmem:$0x1A880];
	v36 =	vadd.f32 v34, v52  }
0x2d3: {  	v54 =	vmul.f32 v51, v3;
	v61 =	vmul.f32 v56, v7  }
0x2d4: {  	v37 =	vadd.f32 v39, v37;
	v60 =	vbroadcast v32, $0x8;
	v58 =	vadd.f32 v36, v55  }
0x2d5: {  	v40 =	vmul.f32 v40, v31;
	v57 =	vmul.f32 v53, v5;
	v34 =	vld [tilespmem:$0x1A900]  }
0x2d6: {  	v37 =	vadd.f32 v37, v54;
	v62 =	vmul.f32 v60, v21;
	v36 =	vadd.f32 v58, v59  }
0x2d7: {  	v63 =	vbroadcast v32, $0x9;
	v40 =	vadd.f32 v35, v40;
	v38 =	vmul.f32 v38, v33  }
0x2d8: {  	v47 =	vadd.f32 v37, v57;
	v35 =	vmul.f32 v60, v8;
	v39 =	vadd.f32 v36, v62  }
0x2d9: {  	v37 =	vadd.f32 v40, v38;
	v40 =	vmul.f32 v63, v23;
	v38 =	vbroadcast v32, $0xA  }
0x2da: {  	s18 =	simm.s32 $0x600;
	s17 =	simm.s32 $0x100;
	[tilespmem:s16+$0x13990] =	vst v44;
	v41 =	vadd.f32 v47, v61;
	v42 =	vmul.f32 v45, v34;
	v36 =	vmul.f32 v63, v9  }
.LBB2_17:
0x2db: {  	p1 =	sne.s32 s18, $0xC600;
	v43 =	vld [tilespmem:s17+$0xB9C0];
	v39 =	vadd.f32 v39, v40;
	v40 =	vmul.f32 v38, v24;
	v44 =	vbroadcast v32, $0xB  }
0x2dc: {  	v38 =	vmul.f32 v38, v10;
	v45 =	vld [tilespmem:s17+$0xB980];
	v35 =	vadd.f32 v41, v35;
	v37 =	vadd.f32 v37, v42  }
0x2dd: {  	v41 =	vbroadcast v32, $0xC;
	v39 =	vadd.f32 v39, v40;
	v40 =	vmul.f32 v44, v26  }
0x2de: {  	v35 =	vadd.f32 v35, v36;
	v36 =	vmul.f32 v44, v12;
	[tilespmem:s16+$0x13980] =	vst v37;
	s16 =	smov.u32 s15;
	s15 =	smov.u32 s17  }
0x2df: {  	v42 =	vbroadcast v32, $0xD;
	v37 =	vld [tilespmem:s15+$0xB990];
	v39 =	vadd.f32 v39, v40;
	v40 =	vmul.f32 v41, v27  }
0x2e0: {  	v44 =	vbroadcast v43, $0x0;
	v35 =	vadd.f32 v35, v38;
	v38 =	vmul.f32 v41, v15  }
0x2e1: {  	v41 =	vbroadcast v32, $0xE;
	v39 =	vadd.f32 v39, v40;
	v40 =	vmul.f32 v42, v28  }
0x2e2: {  	v47 =	vbroadcast v43, $0x1;
	v46 =	vmul.f32 v44, v25;
	v35 =	vadd.f32 v35, v36  }
0x2e3: {  	v48 =	vbroadcast v32, $0xF;
	v32 =	vmovc v43;
	v36 =	vadd.f32 v39, v40;
	v39 =	vmul.f32 v41, v29  }
0x2e4: {  	v43 =	vbroadcast v32, $0x2;
	v40 =	vmul.f32 v47, v22;
	v37 =	vadd.f32 v46, v37  }
0x2e5: {  	v44 =	vmul.f32 v44, v16;
	v36 =	vadd.f32 v36, v39;
	v39 =	vmul.f32 v48, v30  }
0x2e6: {  	v46 =	vbroadcast v32, $0x3;
	v37 =	vadd.f32 v37, v40;
	v40 =	vmul.f32 v43, v17  }
0x2e7: {  	v44 =	vadd.f32 v44, v45;
	v45 =	vmul.f32 v47, v11;
	v36 =	vadd.f32 v36, v39  }
0x2e8: {  	v39 =	vmul.f32 v46, v18;
	v37 =	vadd.f32 v37, v40;
	v40 =	vbroadcast v32, $0x4  }
0x2e9: {  	v44 =	vadd.f32 v44, v45;
	v43 =	vmul.f32 v43, v6;
	v45 =	vmul.f32 v46, v4;
	[tilespmem:s16+$0x13990] =	vst v36  }
0x2ea: {  	v36 =	vadd.f32 v37, v39;
	v37 =	vmul.f32 v40, v13;
	v39 =	vbroadcast v32, $0x5  }
0x2eb: {  	v35 =	vadd.f32 v35, v38;
	v43 =	vadd.f32 v44, v43;
	v40 =	vmul.f32 v40, v2  }
0x2ec: {  	v38 =	vbroadcast v32, $0x6;
	v36 =	vadd.f32 v36, v37;
	v37 =	vmul.f32 v39, v14  }
0x2ed: {  	v42 =	vmul.f32 v42, v31;
	v43 =	vadd.f32 v43, v45;
	v39 =	vmul.f32 v39, v3  }
0x2ee: {  	v44 =	vbroadcast v32, $0x7;
	v36 =	vadd.f32 v36, v37;
	v37 =	vmul.f32 v38, v19  }
0x2ef: {  	v42 =	vadd.f32 v35, v42;
	v40 =	vadd.f32 v43, v40;
	v38 =	vmul.f32 v38, v5  }
0x2f0: {  	v35 =	vadd.f32 v36, v37;
	v36 =	vmul.f32 v44, v20;
	v37 =	vbroadcast v32, $0x8  }
.Ltmp10:
0x2f1: {  	v43 =	vmul.f32 v44, v7;
	v39 =	vadd.f32 v40, v39;
	v40 =	vmul.f32 v41, v33;
	(pc) =	sbr.rel @p1 .LBB2_17-.Ltmp10, $4  }
0x2f2: {  	v44 =	vbroadcast v32, $0x9;
	v36 =	vadd.f32 v35, v36;
	v41 =	vmul.f32 v37, v21  }
0x2f3: {  	v45 =	vadd.f32 v39, v38;
	v35 =	vmul.f32 v37, v8;
	v37 =	vadd.f32 v42, v40  }
0x2f4: {  	v38 =	vbroadcast v32, $0xA;
	v40 =	vmul.f32 v44, v23;
	v39 =	vadd.f32 v36, v41  }
0x2f5: {  	s17 =	sshra.s32 s18, $0x2;
	s18 =	sadd.s32 $0x200, s18;
	v42 =	vmul.f32 v48, v34;
	v41 =	vadd.f32 v45, v43;
	v36 =	vmul.f32 v44, v9  }
0x2f6: {  	v43 =	vld [tilespmem:s17+$0xB9C0]  }
0x2f7: {  	v50 =	vmul.f32 v38, v24;
	v51 =	vbroadcast v32, $0xB;
	v37 =	vadd.f32 v37, v42  }
0x2f8: {  	v52 =	vmul.f32 v38, v10;
	v55 =	vbroadcast v32, $0xC  }
0x2f9: {  	v44 =	vld [tilespmem:s17+$0xB980];
	v45 =	vbroadcast v32, $0xD;
	v63 =	vbroadcast v32, $0xE;
	[tilespmem:s16+$0x13980] =	vst v37  }
0x2fa: {  	v39 =	vadd.f32 v39, v40;
	v54 =	vmul.f32 v51, v26;
	v57 =	vmul.f32 v51, v12;
	v56 =	vld [tilespmem:s17+$0xB990]  }
0x2fb: {  	v35 =	vadd.f32 v41, v35;
	v59 =	vmul.f32 v55, v27;
	v58 =	vbroadcast v43, $0x0  }
0x2fc: {  	v53 =	vadd.f32 v39, v50;
	v40 =	vmul.f32 v55, v15;
	v62 =	vmul.f32 v45, v28  }
0x2fd: {  	v60 =	vbroadcast v43, $0x1;
	v25 =	vmul.f32 v58, v25  }
0x2fe: {  	v35 =	vadd.f32 v35, v36;
	v37 =	vadd.f32 v53, v54;
	v16 =	vmul.f32 v58, v16  }
0x2ff: {  	v61 =	vbroadcast v43, $0x2;
	v22 =	vmul.f32 v60, v22;
	v25 =	vadd.f32 v25, v56  }
0x300: {  	v35 =	vadd.f32 v35, v52;
	v11 =	vmul.f32 v60, v11;
	v16 =	vadd.f32 v16, v44  }
0x301: {  	v17 =	vmul.f32 v61, v17;
	v22 =	vadd.f32 v25, v22;
	v25 =	vbroadcast v43, $0x3  }
0x302: {  	v37 =	vadd.f32 v37, v59;
	v6 =	vmul.f32 v61, v6;
	v11 =	vadd.f32 v16, v11  }
0x303: {  	v16 =	vadd.f32 v22, v17;
	v17 =	vmul.f32 v25, v18;
	v18 =	vbroadcast v43, $0x4  }
0x304: {  	v22 =	vadd.f32 v35, v57;
	v4 =	vmul.f32 v25, v4;
	v6 =	vadd.f32 v11, v6  }
0x305: {  	v11 =	vadd.f32 v16, v17;
	v13 =	vmul.f32 v18, v13;
	v16 =	vbroadcast v43, $0x5  }
0x306: {  	v17 =	vadd.f32 v37, v62;
	v2 =	vmul.f32 v18, v2;
	v4 =	vadd.f32 v6, v4  }
0x307: {  	v6 =	vadd.f32 v11, v13;
	v11 =	vmul.f32 v16, v14;
	v13 =	vbroadcast v43, $0x6  }
0x308: {  	v14 =	vmul.f32 v63, v29;
	v3 =	vmul.f32 v16, v3;
	v2 =	vadd.f32 v4, v2  }
0x309: {  	v4 =	vadd.f32 v6, v11;
	v6 =	vmul.f32 v13, v19;
	v11 =	vbroadcast v43, $0x7  }
0x30a: {  	v16 =	vbroadcast v32, $0xF;
	v5 =	vmul.f32 v13, v5;
	v2 =	vadd.f32 v2, v3  }
0x30b: {  	v3 =	vadd.f32 v4, v6;
	v4 =	vmul.f32 v11, v20;
	v6 =	vbroadcast v43, $0x8  }
0x30c: {  	v13 =	vadd.f32 v17, v14;
	v7 =	vmul.f32 v11, v7;
	v2 =	vadd.f32 v2, v5  }
0x30d: {  	v5 =	vbroadcast v43, $0x9;
	v3 =	vadd.f32 v3, v4;
	v4 =	vmul.f32 v6, v21  }
0x30e: {  	v6 =	vmul.f32 v6, v8;
	v2 =	vadd.f32 v2, v7;
	v7 =	vbroadcast v43, $0xA  }
0x30f: {  	v8 =	vadd.f32 v22, v40;
	v3 =	vadd.f32 v3, v4;
	v4 =	vmul.f32 v5, v23  }
0x310: {  	v5 =	vmul.f32 v5, v9;
	v2 =	vadd.f32 v2, v6;
	v6 =	vbroadcast v43, $0xB  }
0x311: {  	v9 =	vmul.f32 v45, v31;
	v3 =	vadd.f32 v3, v4;
	v4 =	vmul.f32 v7, v24  }
0x312: {  	v7 =	vmul.f32 v7, v10;
	v2 =	vadd.f32 v2, v5;
	v5 =	vbroadcast v43, $0xC  }
0x313: {  	v8 =	vadd.f32 v8, v9;
	v3 =	vadd.f32 v3, v4;
	v4 =	vmul.f32 v6, v26  }
0x314: {  	v9 =	vmul.f32 v63, v33;
	v6 =	vmul.f32 v6, v12;
	v2 =	vadd.f32 v2, v7  }
0x315: {  	v7 =	vbroadcast v43, $0xD;
	v3 =	vadd.f32 v3, v4;
	v4 =	vmul.f32 v5, v27  }
0x316: {  	v8 =	vadd.f32 v8, v9;
	v5 =	vmul.f32 v5, v15;
	v2 =	vadd.f32 v2, v6  }
0x317: {  	v6 =	vbroadcast v43, $0xE;
	v3 =	vadd.f32 v3, v4;
	v4 =	vmul.f32 v7, v28  }
0x318: {  	v9 =	vmul.f32 v16, v34;
	v2 =	vadd.f32 v2, v5;
	v5 =	vmul.f32 v7, v31  }
0x319: {  	v7 =	vbroadcast v43, $0xF;
	v3 =	vadd.f32 v3, v4;
	v4 =	vmul.f32 v6, v29  }
0x31a: {  	v11 =	vmul.f32 v16, v30;
	v2 =	vadd.f32 v2, v5;
	v5 =	vmul.f32 v6, v33  }
0x31b: {  	v8 =	vadd.f32 v8, v9;
	v3 =	vadd.f32 v3, v4;
	v4 =	vmul.f32 v7, v30  }
0x31c: {  	v6 =	vadd.f32 v13, v11;
	v2 =	vadd.f32 v2, v5;
	v5 =	vmul.f32 v7, v34  }
0x31d: {  	[tilespmem:s15+$0x13980] =	vst v8;
	v3 =	vadd.f32 v3, v4  }
0x31e: {  	[tilespmem:s15+$0x13990] =	vst v6;
	v2 =	vadd.f32 v2, v5  }
0x31f: {  	[tilespmem:s17+$0x13990] =	vst v3  }
0x320: {  	[tilespmem:s17+$0x13980] =	vst v2  }
0x321: {  	v16 =	vld [tilespmem:$0x1A1A0]  }
0x322: {  	s16 =	simm.s32 $0x0;
	v25 =	vld [tilespmem:$0x1A1B0]  }
0x323: {  	v31 =	vld [tilespmem:s16+$0xB9C0]  }
0x324: {  	v11 =	vld [tilespmem:$0x1A220]  }
0x325: {  	v22 =	vld [tilespmem:$0x1A230]  }
0x326: {  	v6 =	vld [tilespmem:$0x1A2A0]  }
0x327: {  	v3 =	vld [tilespmem:s16+$0xB9B0]  }
0x328: {  	v17 =	vld [tilespmem:$0x1A2B0]  }
0x329: {  	v4 =	vld [tilespmem:$0x1A320]  }
0x32a: {  	v7 =	vld [tilespmem:s16+$0xB9A0];
	v5 =	vbroadcast v31, $0x0  }
0x32b: {  	v18 =	vld [tilespmem:$0x1A330];
	v9 =	vbroadcast v31, $0x1;
	v12 =	vbroadcast v31, $0x2  }
0x32c: {  	v2 =	vld [tilespmem:$0x1A3A0];
	v15 =	vbroadcast v31, $0x3;
	v23 =	vbroadcast v31, $0x4  }
0x32d: {  	v13 =	vld [tilespmem:$0x1A3B0];
	v24 =	vbroadcast v31, $0x5;
	v8 =	vmul.f32 v5, v25  }
0x32e: {  	v14 =	vld [tilespmem:$0x1A430];
	v26 =	vbroadcast v31, $0x6;
	v5 =	vmul.f32 v5, v16  }
0x32f: {  	s15 =	simm.s32 $0x80;
	v19 =	vld [tilespmem:$0x1A4B0];
	v29 =	vbroadcast v31, $0x7;
	v10 =	vmul.f32 v9, v22;
	v8 =	vadd.f32 v8, v3  }
0x330: {  	v32 =	vld [tilespmem:s15+$0xB9C0];
	v39 =	vbroadcast v31, $0x8;
	v9 =	vmul.f32 v9, v11;
	v7 =	vadd.f32 v5, v7  }
0x331: {  	v42 =	vbroadcast v31, $0xA;
	v3 =	vld [tilespmem:$0x1A420];
	v8 =	vadd.f32 v8, v10;
	v10 =	vmul.f32 v12, v17  }
0x332: {  	v46 =	vbroadcast v31, $0xB;
	v5 =	vld [tilespmem:$0x1A4A0];
	v9 =	vadd.f32 v7, v9;
	v12 =	vmul.f32 v12, v6  }
0x333: {  	v20 =	vld [tilespmem:$0x1A530];
	v21 =	vmul.f32 v23, v13;
	v8 =	vadd.f32 v8, v10;
	v10 =	vmul.f32 v15, v18  }
0x334: {  	v27 =	vmul.f32 v23, v2;
	v23 =	vld [tilespmem:$0x1A630];
	v15 =	vmul.f32 v15, v4;
	v9 =	vadd.f32 v9, v12  }
0x335: {  	v48 =	vbroadcast v31, $0xC;
	v51 =	vbroadcast v32, $0x0;
	v7 =	vld [tilespmem:$0x1A520];
	v10 =	vadd.f32 v8, v10  }
0x336: {  	v12 =	vmul.f32 v24, v14;
	v30 =	vmul.f32 v24, v3;
	v24 =	vld [tilespmem:$0x1A6B0];
	v15 =	vadd.f32 v9, v15  }
0x337: {  	v28 =	vmul.f32 v26, v19;
	v40 =	vmul.f32 v26, v5;
	v26 =	vld [tilespmem:$0x1A730];
	v10 =	vadd.f32 v10, v21  }
0x338: {  	v56 =	vbroadcast v32, $0x1;
	v59 =	vbroadcast v32, $0x2;
	v21 =	vld [tilespmem:$0x1A5B0];
	v15 =	vadd.f32 v15, v27  }
0x339: {  	v38 =	vbroadcast v31, $0xE;
	v55 =	vmul.f32 v51, v25;
	v8 =	vld [tilespmem:$0x1A5A0];
	v12 =	vadd.f32 v10, v12  }
0x33a: {  	v58 =	vmul.f32 v56, v22;
	v61 =	vmul.f32 v59, v17;
	v9 =	vld [tilespmem:$0x1A620];
	v15 =	vadd.f32 v15, v30  }
0x33b: {  	v62 =	vmul.f32 v56, v11;
	v10 =	vld [tilespmem:$0x1A6A0];
	v27 =	vadd.f32 v12, v28;
	v28 =	vmul.f32 v29, v20  }
0x33c: {  	v56 =	vbroadcast v32, $0x7;
	v12 =	vld [tilespmem:$0x1A720];
	v29 =	vmul.f32 v29, v7;
	v33 =	vadd.f32 v15, v40  }
0x33d: {  	v30 =	vbroadcast v31, $0x9;
	v15 =	vld [tilespmem:$0x1A7A0];
	v27 =	vadd.f32 v27, v28;
	v28 =	vmul.f32 v39, v21  }
0x33e: {  	v45 =	vmul.f32 v42, v24;
	v43 =	vmul.f32 v39, v8;
	v29 =	vadd.f32 v33, v29  }
0x33f: {  	v49 =	vld [tilespmem:s15+$0xB9B0];
	v47 =	vmul.f32 v46, v26;
	v41 =	vmul.f32 v30, v23;
	v28 =	vadd.f32 v27, v28  }
0x340: {  	v54 =	vld [tilespmem:s15+$0xB9A0];
	v30 =	vmul.f32 v30, v9;
	v40 =	vbroadcast v31, $0xD;
	v36 =	vadd.f32 v29, v43  }
0x341: {  	v39 =	vmul.f32 v59, v6;
	v35 =	vmul.f32 v42, v10;
	v27 =	vld [tilespmem:$0x1A7B0];
	v44 =	vadd.f32 v28, v41  }
0x342: {  	v29 =	vld [tilespmem:$0x1A8B0];
	v37 =	vmul.f32 v46, v12;
	v52 =	vmul.f32 v48, v15;
	v36 =	vadd.f32 v36, v30  }
0x343: {  	v46 =	vbroadcast v32, $0x3;
	v28 =	vld [tilespmem:$0x1A830];
	v41 =	vmul.f32 v51, v16;
	v33 =	vadd.f32 v44, v45  }
0x344: {  	v30 =	vld [tilespmem:$0x1A930];
	v35 =	vadd.f32 v36, v35;
	v45 =	vbroadcast v31, $0xF;
	v31 =	vadd.f32 v55, v49  }
0x345: {  	v51 =	vbroadcast v32, $0x5;
	v49 =	vmul.f32 v46, v4;
	v33 =	vadd.f32 v33, v47  }
0x346: {  	v50 =	vmul.f32 v48, v27;
	v35 =	vadd.f32 v35, v37;
	v37 =	vadd.f32 v31, v58  }
0x347: {  	v41 =	vadd.f32 v41, v54;
	v48 =	vbroadcast v32, $0x4;
	v47 =	vmul.f32 v46, v18  }
0x348: {  	v53 =	vmul.f32 v40, v28;
	v33 =	vadd.f32 v33, v50;
	v63 =	vadd.f32 v37, v61  }
0x349: {  	v57 =	vmul.f32 v38, v29;
	v41 =	vadd.f32 v41, v62;
	v60 =	vmul.f32 v45, v30  }
0x34a: {  	v50 =	vmul.f32 v48, v13;
	v33 =	vadd.f32 v33, v53;
	v34 =	vadd.f32 v63, v47  }
0x34b: {  	v39 =	vadd.f32 v41, v39;
	v35 =	vadd.f32 v35, v52;
	v52 =	vmul.f32 v51, v14  }
0x34c: {  	v31 =	vld [tilespmem:$0x1A820];
	v53 =	vbroadcast v32, $0x6;
	v33 =	vadd.f32 v33, v57;
	v34 =	vadd.f32 v34, v50  }
0x34d: {  	v59 =	vmul.f32 v56, v20;
	v37 =	vmul.f32 v48, v2;
	v39 =	vadd.f32 v39, v49  }
0x34e: {  	v55 =	vmul.f32 v53, v19;
	v44 =	vadd.f32 v33, v60;
	v33 =	vld [tilespmem:$0x1A8A0];
	v36 =	vadd.f32 v34, v52  }
0x34f: {  	v54 =	vmul.f32 v51, v3;
	v61 =	vmul.f32 v56, v7  }
0x350: {  	v37 =	vadd.f32 v39, v37;
	v60 =	vbroadcast v32, $0x8;
	v58 =	vadd.f32 v36, v55  }
0x351: {  	v40 =	vmul.f32 v40, v31;
	v57 =	vmul.f32 v53, v5;
	v34 =	vld [tilespmem:$0x1A920]  }
0x352: {  	v37 =	vadd.f32 v37, v54;
	v62 =	vmul.f32 v60, v21;
	v36 =	vadd.f32 v58, v59  }
0x353: {  	v63 =	vbroadcast v32, $0x9;
	v40 =	vadd.f32 v35, v40;
	v38 =	vmul.f32 v38, v33  }
0x354: {  	v47 =	vadd.f32 v37, v57;
	v35 =	vmul.f32 v60, v8;
	v39 =	vadd.f32 v36, v62  }
0x355: {  	v37 =	vadd.f32 v40, v38;
	v40 =	vmul.f32 v63, v23;
	v38 =	vbroadcast v32, $0xA  }
0x356: {  	s18 =	simm.s32 $0x600;
	s17 =	simm.s32 $0x100;
	[tilespmem:s16+$0x139B0] =	vst v44;
	v41 =	vadd.f32 v47, v61;
	v42 =	vmul.f32 v45, v34;
	v36 =	vmul.f32 v63, v9  }
.LBB2_19:
0x357: {  	p1 =	sne.s32 s18, $0xC600;
	v43 =	vld [tilespmem:s17+$0xB9C0];
	v39 =	vadd.f32 v39, v40;
	v40 =	vmul.f32 v38, v24;
	v44 =	vbroadcast v32, $0xB  }
0x358: {  	v38 =	vmul.f32 v38, v10;
	v45 =	vld [tilespmem:s17+$0xB9A0];
	v35 =	vadd.f32 v41, v35;
	v37 =	vadd.f32 v37, v42  }
0x359: {  	v41 =	vbroadcast v32, $0xC;
	v39 =	vadd.f32 v39, v40;
	v40 =	vmul.f32 v44, v26  }
0x35a: {  	v35 =	vadd.f32 v35, v36;
	v36 =	vmul.f32 v44, v12;
	[tilespmem:s16+$0x139A0] =	vst v37;
	s16 =	smov.u32 s15;
	s15 =	smov.u32 s17  }
0x35b: {  	v42 =	vbroadcast v32, $0xD;
	v37 =	vld [tilespmem:s15+$0xB9B0];
	v39 =	vadd.f32 v39, v40;
	v40 =	vmul.f32 v41, v27  }
0x35c: {  	v44 =	vbroadcast v43, $0x0;
	v35 =	vadd.f32 v35, v38;
	v38 =	vmul.f32 v41, v15  }
0x35d: {  	v41 =	vbroadcast v32, $0xE;
	v39 =	vadd.f32 v39, v40;
	v40 =	vmul.f32 v42, v28  }
0x35e: {  	v47 =	vbroadcast v43, $0x1;
	v46 =	vmul.f32 v44, v25;
	v35 =	vadd.f32 v35, v36  }
0x35f: {  	v48 =	vbroadcast v32, $0xF;
	v32 =	vmovc v43;
	v36 =	vadd.f32 v39, v40;
	v39 =	vmul.f32 v41, v29  }
0x360: {  	v43 =	vbroadcast v32, $0x2;
	v40 =	vmul.f32 v47, v22;
	v37 =	vadd.f32 v46, v37  }
0x361: {  	v44 =	vmul.f32 v44, v16;
	v36 =	vadd.f32 v36, v39;
	v39 =	vmul.f32 v48, v30  }
0x362: {  	v46 =	vbroadcast v32, $0x3;
	v37 =	vadd.f32 v37, v40;
	v40 =	vmul.f32 v43, v17  }
0x363: {  	v44 =	vadd.f32 v44, v45;
	v45 =	vmul.f32 v47, v11;
	v36 =	vadd.f32 v36, v39  }
0x364: {  	v39 =	vmul.f32 v46, v18;
	v37 =	vadd.f32 v37, v40;
	v40 =	vbroadcast v32, $0x4  }
0x365: {  	v44 =	vadd.f32 v44, v45;
	v43 =	vmul.f32 v43, v6;
	v45 =	vmul.f32 v46, v4;
	[tilespmem:s16+$0x139B0] =	vst v36  }
0x366: {  	v36 =	vadd.f32 v37, v39;
	v37 =	vmul.f32 v40, v13;
	v39 =	vbroadcast v32, $0x5  }
0x367: {  	v35 =	vadd.f32 v35, v38;
	v43 =	vadd.f32 v44, v43;
	v40 =	vmul.f32 v40, v2  }
0x368: {  	v38 =	vbroadcast v32, $0x6;
	v36 =	vadd.f32 v36, v37;
	v37 =	vmul.f32 v39, v14  }
0x369: {  	v42 =	vmul.f32 v42, v31;
	v43 =	vadd.f32 v43, v45;
	v39 =	vmul.f32 v39, v3  }
0x36a: {  	v44 =	vbroadcast v32, $0x7;
	v36 =	vadd.f32 v36, v37;
	v37 =	vmul.f32 v38, v19  }
0x36b: {  	v42 =	vadd.f32 v35, v42;
	v40 =	vadd.f32 v43, v40;
	v38 =	vmul.f32 v38, v5  }
0x36c: {  	v35 =	vadd.f32 v36, v37;
	v36 =	vmul.f32 v44, v20;
	v37 =	vbroadcast v32, $0x8  }
.Ltmp11:
0x36d: {  	v43 =	vmul.f32 v44, v7;
	v39 =	vadd.f32 v40, v39;
	v40 =	vmul.f32 v41, v33;
	(pc) =	sbr.rel @p1 .LBB2_19-.Ltmp11, $4  }
0x36e: {  	v44 =	vbroadcast v32, $0x9;
	v36 =	vadd.f32 v35, v36;
	v41 =	vmul.f32 v37, v21  }
0x36f: {  	v45 =	vadd.f32 v39, v38;
	v35 =	vmul.f32 v37, v8;
	v37 =	vadd.f32 v42, v40  }
0x370: {  	v38 =	vbroadcast v32, $0xA;
	v40 =	vmul.f32 v44, v23;
	v39 =	vadd.f32 v36, v41  }
0x371: {  	s17 =	sshra.s32 s18, $0x2;
	s18 =	sadd.s32 $0x200, s18;
	v42 =	vmul.f32 v48, v34;
	v41 =	vadd.f32 v45, v43;
	v36 =	vmul.f32 v44, v9  }
0x372: {  	v43 =	vld [tilespmem:s17+$0xB9C0]  }
0x373: {  	v50 =	vmul.f32 v38, v24;
	v51 =	vbroadcast v32, $0xB;
	v37 =	vadd.f32 v37, v42  }
0x374: {  	v52 =	vmul.f32 v38, v10;
	v55 =	vbroadcast v32, $0xC  }
0x375: {  	v44 =	vld [tilespmem:s17+$0xB9A0];
	v45 =	vbroadcast v32, $0xD;
	v63 =	vbroadcast v32, $0xE;
	[tilespmem:s16+$0x139A0] =	vst v37  }
0x376: {  	v39 =	vadd.f32 v39, v40;
	v54 =	vmul.f32 v51, v26;
	v57 =	vmul.f32 v51, v12;
	v56 =	vld [tilespmem:s17+$0xB9B0]  }
0x377: {  	v35 =	vadd.f32 v41, v35;
	v59 =	vmul.f32 v55, v27;
	v58 =	vbroadcast v43, $0x0  }
0x378: {  	v53 =	vadd.f32 v39, v50;
	v40 =	vmul.f32 v55, v15;
	v62 =	vmul.f32 v45, v28  }
0x379: {  	v60 =	vbroadcast v43, $0x1;
	v25 =	vmul.f32 v58, v25  }
0x37a: {  	v35 =	vadd.f32 v35, v36;
	v37 =	vadd.f32 v53, v54;
	v16 =	vmul.f32 v58, v16  }
0x37b: {  	v61 =	vbroadcast v43, $0x2;
	v22 =	vmul.f32 v60, v22;
	v25 =	vadd.f32 v25, v56  }
0x37c: {  	v35 =	vadd.f32 v35, v52;
	v11 =	vmul.f32 v60, v11;
	v16 =	vadd.f32 v16, v44  }
0x37d: {  	v17 =	vmul.f32 v61, v17;
	v22 =	vadd.f32 v25, v22;
	v25 =	vbroadcast v43, $0x3  }
0x37e: {  	v37 =	vadd.f32 v37, v59;
	v6 =	vmul.f32 v61, v6;
	v11 =	vadd.f32 v16, v11  }
0x37f: {  	v16 =	vadd.f32 v22, v17;
	v17 =	vmul.f32 v25, v18;
	v18 =	vbroadcast v43, $0x4  }
0x380: {  	v22 =	vadd.f32 v35, v57;
	v4 =	vmul.f32 v25, v4;
	v6 =	vadd.f32 v11, v6  }
0x381: {  	v11 =	vadd.f32 v16, v17;
	v13 =	vmul.f32 v18, v13;
	v16 =	vbroadcast v43, $0x5  }
0x382: {  	v17 =	vadd.f32 v37, v62;
	v2 =	vmul.f32 v18, v2;
	v4 =	vadd.f32 v6, v4  }
0x383: {  	v6 =	vadd.f32 v11, v13;
	v11 =	vmul.f32 v16, v14;
	v13 =	vbroadcast v43, $0x6  }
0x384: {  	v14 =	vmul.f32 v63, v29;
	v3 =	vmul.f32 v16, v3;
	v2 =	vadd.f32 v4, v2  }
0x385: {  	v4 =	vadd.f32 v6, v11;
	v6 =	vmul.f32 v13, v19;
	v11 =	vbroadcast v43, $0x7  }
0x386: {  	v16 =	vbroadcast v32, $0xF;
	v5 =	vmul.f32 v13, v5;
	v2 =	vadd.f32 v2, v3  }
0x387: {  	v3 =	vadd.f32 v4, v6;
	v4 =	vmul.f32 v11, v20;
	v6 =	vbroadcast v43, $0x8  }
0x388: {  	v13 =	vadd.f32 v17, v14;
	v7 =	vmul.f32 v11, v7;
	v2 =	vadd.f32 v2, v5  }
0x389: {  	v5 =	vbroadcast v43, $0x9;
	v3 =	vadd.f32 v3, v4;
	v4 =	vmul.f32 v6, v21  }
0x38a: {  	v6 =	vmul.f32 v6, v8;
	v2 =	vadd.f32 v2, v7;
	v7 =	vbroadcast v43, $0xA  }
0x38b: {  	v8 =	vadd.f32 v22, v40;
	v3 =	vadd.f32 v3, v4;
	v4 =	vmul.f32 v5, v23  }
0x38c: {  	v5 =	vmul.f32 v5, v9;
	v2 =	vadd.f32 v2, v6;
	v6 =	vbroadcast v43, $0xB  }
0x38d: {  	v9 =	vmul.f32 v45, v31;
	v3 =	vadd.f32 v3, v4;
	v4 =	vmul.f32 v7, v24  }
0x38e: {  	v7 =	vmul.f32 v7, v10;
	v2 =	vadd.f32 v2, v5;
	v5 =	vbroadcast v43, $0xC  }
0x38f: {  	v8 =	vadd.f32 v8, v9;
	v3 =	vadd.f32 v3, v4;
	v4 =	vmul.f32 v6, v26  }
0x390: {  	v9 =	vmul.f32 v63, v33;
	v6 =	vmul.f32 v6, v12;
	v2 =	vadd.f32 v2, v7  }
0x391: {  	v7 =	vbroadcast v43, $0xD;
	v3 =	vadd.f32 v3, v4;
	v4 =	vmul.f32 v5, v27  }
0x392: {  	v8 =	vadd.f32 v8, v9;
	v5 =	vmul.f32 v5, v15;
	v2 =	vadd.f32 v2, v6  }
0x393: {  	v6 =	vbroadcast v43, $0xE;
	v3 =	vadd.f32 v3, v4;
	v4 =	vmul.f32 v7, v28  }
0x394: {  	v9 =	vmul.f32 v16, v34;
	v2 =	vadd.f32 v2, v5;
	v5 =	vmul.f32 v7, v31  }
0x395: {  	v7 =	vbroadcast v43, $0xF;
	v3 =	vadd.f32 v3, v4;
	v4 =	vmul.f32 v6, v29  }
0x396: {  	v11 =	vmul.f32 v16, v30;
	v2 =	vadd.f32 v2, v5;
	v5 =	vmul.f32 v6, v33  }
0x397: {  	v8 =	vadd.f32 v8, v9;
	v3 =	vadd.f32 v3, v4;
	v4 =	vmul.f32 v7, v30  }
0x398: {  	s16 =	sor.u32 $0x4, s10;
	v6 =	vadd.f32 v13, v11;
	v2 =	vadd.f32 v2, v5;
	v5 =	vmul.f32 v7, v34  }
0x399: {  	s18 =	smul.u32 $0x380, s16;
	[tilespmem:s15+$0x139A0] =	vst v8;
	v3 =	vadd.f32 v3, v4  }
0x39a: {  	s16 =	smul.u32 $0x1C00, s16;
	[tilespmem:s15+$0x139B0] =	vst v6;
	v2 =	vadd.f32 v2, v5  }
0x39b: {  	[tilespmem:s17+$0x139B0] =	vst v3  }
0x39c: {  	s15 =	sadd.s32 s5, s18;
	s18 =	sshrl.u32 s16, $0x3;
	[tilespmem:s17+$0x139A0] =	vst v2  }
0x39d: {  	[hbm4b:s15+s3] =	stream.linear.scatter [tilespmem:s22], [sflag:$0x5], $0x1900, $0x38;
	[tilespmem:$0x1A980] =	vst v63  }
0x39e: {  	s15 =	sadd.s32 s5, s18  }
0x39f: {  	s15 =	sadd.s32 $0x380, s15  }
0x3a0: {  	[hbm4b:s15+s3] =	stream.linear.scatter [tilespmem:s23], [sflag:$0x5], $0x1900, $0x38;
	[tilespmem:$0x1A980] =	vst v63  }
0x3a1: {  	s13 =	sadd.s32 @!p0 $0x1C80, s13;
	s16 =	simm.s32 @!p0 $0xB980;
	s15 =	simm.s32 @!p0 $0x80  }
0x3a2: {  	[tilespmem:s16], [sflag:$0x3] =	stream.indirect.gather @!p0 [hbm4b:s4+s15], $0x80, s13, s15, $0xb8;
	[tilespmem:$0x1A980] =	vst v63  }
0x3a3: {  	_ =	swait.ge [sflag:s31], $0x4000  }
0x3a4: {  	[sflag:s31] =	ssyncset.done $0x0  }
0x3a5: {  	[sflag:s31] =	ssyncadd.s32 $0xFFFFC000  }
0x3a6: {  	_ =	swait.ge [sflag:s25], $0x1900  }
0x3a7: {  	[sflag:s25] =	ssyncset.done $0x0  }
0x3a8: {  	[sflag:s25] =	ssyncadd.s32 $0xFFFFE700  }
0x3a9: {  	_ =	swait.ge [sflag:s25], $0x1900  }
0x3aa: {  	[sflag:s25] =	ssyncset.done $0x0  }
0x3ab: {  	[sflag:s25] =	ssyncadd.s32 $0xFFFFE700  }
0x3ac: {  	v16 =	vld [tilespmem:$0x1A180]  }
0x3ad: {  	s15 =	simm.s32 $0x0;
	v25 =	vld [tilespmem:$0x1A190]  }
0x3ae: {  	v31 =	vld [tilespmem:s15+$0xF9C0]  }
0x3af: {  	v11 =	vld [tilespmem:$0x1A200]  }
0x3b0: {  	v22 =	vld [tilespmem:$0x1A210]  }
0x3b1: {  	v6 =	vld [tilespmem:$0x1A280]  }
0x3b2: {  	v3 =	vld [tilespmem:s15+$0xF990]  }
0x3b3: {  	v17 =	vld [tilespmem:$0x1A290]  }
0x3b4: {  	v4 =	vld [tilespmem:$0x1A300]  }
0x3b5: {  	v7 =	vld [tilespmem:s15+$0xF980];
	v5 =	vbroadcast v31, $0x0  }
0x3b6: {  	v18 =	vld [tilespmem:$0x1A310];
	v9 =	vbroadcast v31, $0x1;
	v12 =	vbroadcast v31, $0x2  }
0x3b7: {  	v2 =	vld [tilespmem:$0x1A380];
	v15 =	vbroadcast v31, $0x3;
	v23 =	vbroadcast v31, $0x4  }
0x3b8: {  	v13 =	vld [tilespmem:$0x1A390];
	v24 =	vbroadcast v31, $0x5;
	v8 =	vmul.f32 v5, v25  }
0x3b9: {  	v14 =	vld [tilespmem:$0x1A410];
	v26 =	vbroadcast v31, $0x6;
	v5 =	vmul.f32 v5, v16  }
0x3ba: {  	s13 =	simm.s32 $0x80;
	v19 =	vld [tilespmem:$0x1A490];
	v29 =	vbroadcast v31, $0x7;
	v10 =	vmul.f32 v9, v22;
	v8 =	vadd.f32 v8, v3  }
0x3bb: {  	v32 =	vld [tilespmem:s13+$0xF9C0];
	v39 =	vbroadcast v31, $0x8;
	v9 =	vmul.f32 v9, v11;
	v7 =	vadd.f32 v5, v7  }
0x3bc: {  	v42 =	vbroadcast v31, $0xA;
	v3 =	vld [tilespmem:$0x1A400];
	v8 =	vadd.f32 v8, v10;
	v10 =	vmul.f32 v12, v17  }
0x3bd: {  	v46 =	vbroadcast v31, $0xB;
	v5 =	vld [tilespmem:$0x1A480];
	v9 =	vadd.f32 v7, v9;
	v12 =	vmul.f32 v12, v6  }
0x3be: {  	v20 =	vld [tilespmem:$0x1A510];
	v21 =	vmul.f32 v23, v13;
	v8 =	vadd.f32 v8, v10;
	v10 =	vmul.f32 v15, v18  }
0x3bf: {  	v27 =	vmul.f32 v23, v2;
	v23 =	vld [tilespmem:$0x1A610];
	v15 =	vmul.f32 v15, v4;
	v9 =	vadd.f32 v9, v12  }
0x3c0: {  	v48 =	vbroadcast v31, $0xC;
	v51 =	vbroadcast v32, $0x0;
	v7 =	vld [tilespmem:$0x1A500];
	v10 =	vadd.f32 v8, v10  }
0x3c1: {  	v12 =	vmul.f32 v24, v14;
	v30 =	vmul.f32 v24, v3;
	v24 =	vld [tilespmem:$0x1A690];
	v15 =	vadd.f32 v9, v15  }
0x3c2: {  	v28 =	vmul.f32 v26, v19;
	v40 =	vmul.f32 v26, v5;
	v26 =	vld [tilespmem:$0x1A710];
	v10 =	vadd.f32 v10, v21  }
0x3c3: {  	v56 =	vbroadcast v32, $0x1;
	v59 =	vbroadcast v32, $0x2;
	v21 =	vld [tilespmem:$0x1A590];
	v15 =	vadd.f32 v15, v27  }
0x3c4: {  	v38 =	vbroadcast v31, $0xE;
	v55 =	vmul.f32 v51, v25;
	v8 =	vld [tilespmem:$0x1A580];
	v12 =	vadd.f32 v10, v12  }
0x3c5: {  	v58 =	vmul.f32 v56, v22;
	v61 =	vmul.f32 v59, v17;
	v9 =	vld [tilespmem:$0x1A600];
	v15 =	vadd.f32 v15, v30  }
0x3c6: {  	v62 =	vmul.f32 v56, v11;
	v10 =	vld [tilespmem:$0x1A680];
	v27 =	vadd.f32 v12, v28;
	v28 =	vmul.f32 v29, v20  }
0x3c7: {  	v56 =	vbroadcast v32, $0x7;
	v12 =	vld [tilespmem:$0x1A700];
	v29 =	vmul.f32 v29, v7;
	v33 =	vadd.f32 v15, v40  }
0x3c8: {  	v30 =	vbroadcast v31, $0x9;
	v15 =	vld [tilespmem:$0x1A780];
	v27 =	vadd.f32 v27, v28;
	v28 =	vmul.f32 v39, v21  }
0x3c9: {  	v45 =	vmul.f32 v42, v24;
	v43 =	vmul.f32 v39, v8;
	v29 =	vadd.f32 v33, v29  }
0x3ca: {  	v49 =	vld [tilespmem:s13+$0xF990];
	v47 =	vmul.f32 v46, v26;
	v41 =	vmul.f32 v30, v23;
	v28 =	vadd.f32 v27, v28  }
0x3cb: {  	v54 =	vld [tilespmem:s13+$0xF980];
	v30 =	vmul.f32 v30, v9;
	v40 =	vbroadcast v31, $0xD;
	v36 =	vadd.f32 v29, v43  }
0x3cc: {  	v39 =	vmul.f32 v59, v6;
	v35 =	vmul.f32 v42, v10;
	v27 =	vld [tilespmem:$0x1A790];
	v44 =	vadd.f32 v28, v41  }
0x3cd: {  	v29 =	vld [tilespmem:$0x1A890];
	v37 =	vmul.f32 v46, v12;
	v52 =	vmul.f32 v48, v15;
	v36 =	vadd.f32 v36, v30  }
0x3ce: {  	v46 =	vbroadcast v32, $0x3;
	v28 =	vld [tilespmem:$0x1A810];
	v41 =	vmul.f32 v51, v16;
	v33 =	vadd.f32 v44, v45  }
0x3cf: {  	v30 =	vld [tilespmem:$0x1A910];
	v35 =	vadd.f32 v36, v35;
	v45 =	vbroadcast v31, $0xF;
	v31 =	vadd.f32 v55, v49  }
0x3d0: {  	v51 =	vbroadcast v32, $0x5;
	v49 =	vmul.f32 v46, v4;
	v33 =	vadd.f32 v33, v47  }
0x3d1: {  	v50 =	vmul.f32 v48, v27;
	v35 =	vadd.f32 v35, v37;
	v37 =	vadd.f32 v31, v58  }
0x3d2: {  	v41 =	vadd.f32 v41, v54;
	v48 =	vbroadcast v32, $0x4;
	v47 =	vmul.f32 v46, v18  }
0x3d3: {  	v53 =	vmul.f32 v40, v28;
	v33 =	vadd.f32 v33, v50;
	v63 =	vadd.f32 v37, v61  }
0x3d4: {  	v57 =	vmul.f32 v38, v29;
	v41 =	vadd.f32 v41, v62;
	v60 =	vmul.f32 v45, v30  }
0x3d5: {  	v50 =	vmul.f32 v48, v13;
	v33 =	vadd.f32 v33, v53;
	v34 =	vadd.f32 v63, v47  }
0x3d6: {  	v39 =	vadd.f32 v41, v39;
	v35 =	vadd.f32 v35, v52;
	v52 =	vmul.f32 v51, v14  }
0x3d7: {  	v31 =	vld [tilespmem:$0x1A800];
	v53 =	vbroadcast v32, $0x6;
	v33 =	vadd.f32 v33, v57;
	v34 =	vadd.f32 v34, v50  }
0x3d8: {  	v59 =	vmul.f32 v56, v20;
	v37 =	vmul.f32 v48, v2;
	v39 =	vadd.f32 v39, v49  }
0x3d9: {  	v55 =	vmul.f32 v53, v19;
	v44 =	vadd.f32 v33, v60;
	v33 =	vld [tilespmem:$0x1A880];
	v36 =	vadd.f32 v34, v52  }
0x3da: {  	v54 =	vmul.f32 v51, v3;
	v61 =	vmul.f32 v56, v7  }
0x3db: {  	v37 =	vadd.f32 v39, v37;
	v60 =	vbroadcast v32, $0x8;
	v58 =	vadd.f32 v36, v55  }
0x3dc: {  	v40 =	vmul.f32 v40, v31;
	v57 =	vmul.f32 v53, v5;
	v34 =	vld [tilespmem:$0x1A900]  }
0x3dd: {  	v37 =	vadd.f32 v37, v54;
	v62 =	vmul.f32 v60, v21;
	v36 =	vadd.f32 v58, v59  }
0x3de: {  	v63 =	vbroadcast v32, $0x9;
	v40 =	vadd.f32 v35, v40;
	v38 =	vmul.f32 v38, v33  }
0x3df: {  	v47 =	vadd.f32 v37, v57;
	v35 =	vmul.f32 v60, v8;
	v39 =	vadd.f32 v36, v62  }
0x3e0: {  	v37 =	vadd.f32 v40, v38;
	v40 =	vmul.f32 v63, v23;
	v38 =	vbroadcast v32, $0xA  }
0x3e1: {  	s17 =	simm.s32 $0x600;
	s16 =	simm.s32 $0x100;
	[tilespmem:s15+$0x16D90] =	vst v44;
	v41 =	vadd.f32 v47, v61;
	v42 =	vmul.f32 v45, v34;
	v36 =	vmul.f32 v63, v9  }
.LBB2_21:
0x3e2: {  	p1 =	sne.s32 s17, $0xC600;
	v43 =	vld [tilespmem:s16+$0xF9C0];
	v39 =	vadd.f32 v39, v40;
	v40 =	vmul.f32 v38, v24;
	v44 =	vbroadcast v32, $0xB  }
0x3e3: {  	v38 =	vmul.f32 v38, v10;
	v45 =	vld [tilespmem:s16+$0xF980];
	v35 =	vadd.f32 v41, v35;
	v37 =	vadd.f32 v37, v42  }
0x3e4: {  	v41 =	vbroadcast v32, $0xC;
	v39 =	vadd.f32 v39, v40;
	v40 =	vmul.f32 v44, v26  }
0x3e5: {  	v35 =	vadd.f32 v35, v36;
	v36 =	vmul.f32 v44, v12;
	[tilespmem:s15+$0x16D80] =	vst v37;
	s15 =	smov.u32 s13;
	s13 =	smov.u32 s16  }
0x3e6: {  	v42 =	vbroadcast v32, $0xD;
	v37 =	vld [tilespmem:s13+$0xF990];
	v39 =	vadd.f32 v39, v40;
	v40 =	vmul.f32 v41, v27  }
0x3e7: {  	v44 =	vbroadcast v43, $0x0;
	v35 =	vadd.f32 v35, v38;
	v38 =	vmul.f32 v41, v15  }
0x3e8: {  	v41 =	vbroadcast v32, $0xE;
	v39 =	vadd.f32 v39, v40;
	v40 =	vmul.f32 v42, v28  }
0x3e9: {  	v47 =	vbroadcast v43, $0x1;
	v46 =	vmul.f32 v44, v25;
	v35 =	vadd.f32 v35, v36  }
0x3ea: {  	v48 =	vbroadcast v32, $0xF;
	v32 =	vmovc v43;
	v36 =	vadd.f32 v39, v40;
	v39 =	vmul.f32 v41, v29  }
0x3eb: {  	v43 =	vbroadcast v32, $0x2;
	v40 =	vmul.f32 v47, v22;
	v37 =	vadd.f32 v46, v37  }
0x3ec: {  	v44 =	vmul.f32 v44, v16;
	v36 =	vadd.f32 v36, v39;
	v39 =	vmul.f32 v48, v30  }
0x3ed: {  	v46 =	vbroadcast v32, $0x3;
	v37 =	vadd.f32 v37, v40;
	v40 =	vmul.f32 v43, v17  }
0x3ee: {  	v44 =	vadd.f32 v44, v45;
	v45 =	vmul.f32 v47, v11;
	v36 =	vadd.f32 v36, v39  }
0x3ef: {  	v39 =	vmul.f32 v46, v18;
	v37 =	vadd.f32 v37, v40;
	v40 =	vbroadcast v32, $0x4  }
0x3f0: {  	v44 =	vadd.f32 v44, v45;
	v43 =	vmul.f32 v43, v6;
	v45 =	vmul.f32 v46, v4;
	[tilespmem:s15+$0x16D90] =	vst v36  }
0x3f1: {  	v36 =	vadd.f32 v37, v39;
	v37 =	vmul.f32 v40, v13;
	v39 =	vbroadcast v32, $0x5  }
0x3f2: {  	v35 =	vadd.f32 v35, v38;
	v43 =	vadd.f32 v44, v43;
	v40 =	vmul.f32 v40, v2  }
0x3f3: {  	v38 =	vbroadcast v32, $0x6;
	v36 =	vadd.f32 v36, v37;
	v37 =	vmul.f32 v39, v14  }
0x3f4: {  	v42 =	vmul.f32 v42, v31;
	v43 =	vadd.f32 v43, v45;
	v39 =	vmul.f32 v39, v3  }
0x3f5: {  	v44 =	vbroadcast v32, $0x7;
	v36 =	vadd.f32 v36, v37;
	v37 =	vmul.f32 v38, v19  }
0x3f6: {  	v42 =	vadd.f32 v35, v42;
	v40 =	vadd.f32 v43, v40;
	v38 =	vmul.f32 v38, v5  }
0x3f7: {  	v35 =	vadd.f32 v36, v37;
	v36 =	vmul.f32 v44, v20;
	v37 =	vbroadcast v32, $0x8  }
.Ltmp12:
0x3f8: {  	v43 =	vmul.f32 v44, v7;
	v39 =	vadd.f32 v40, v39;
	v40 =	vmul.f32 v41, v33;
	(pc) =	sbr.rel @p1 .LBB2_21-.Ltmp12, $4  }
0x3f9: {  	v44 =	vbroadcast v32, $0x9;
	v36 =	vadd.f32 v35, v36;
	v41 =	vmul.f32 v37, v21  }
0x3fa: {  	v45 =	vadd.f32 v39, v38;
	v35 =	vmul.f32 v37, v8;
	v37 =	vadd.f32 v42, v40  }
0x3fb: {  	v38 =	vbroadcast v32, $0xA;
	v40 =	vmul.f32 v44, v23;
	v39 =	vadd.f32 v36, v41  }
0x3fc: {  	s16 =	sshra.s32 s17, $0x2;
	s17 =	sadd.s32 $0x200, s17;
	v42 =	vmul.f32 v48, v34;
	v41 =	vadd.f32 v45, v43;
	v36 =	vmul.f32 v44, v9  }
0x3fd: {  	v43 =	vld [tilespmem:s16+$0xF9C0]  }
0x3fe: {  	v50 =	vmul.f32 v38, v24;
	v51 =	vbroadcast v32, $0xB;
	v37 =	vadd.f32 v37, v42  }
0x3ff: {  	v52 =	vmul.f32 v38, v10;
	v55 =	vbroadcast v32, $0xC  }
0x400: {  	v44 =	vld [tilespmem:s16+$0xF980];
	v45 =	vbroadcast v32, $0xD;
	v63 =	vbroadcast v32, $0xE;
	[tilespmem:s15+$0x16D80] =	vst v37  }
0x401: {  	v39 =	vadd.f32 v39, v40;
	v54 =	vmul.f32 v51, v26;
	v57 =	vmul.f32 v51, v12;
	v56 =	vld [tilespmem:s16+$0xF990]  }
0x402: {  	v35 =	vadd.f32 v41, v35;
	v59 =	vmul.f32 v55, v27;
	v58 =	vbroadcast v43, $0x0  }
0x403: {  	v53 =	vadd.f32 v39, v50;
	v40 =	vmul.f32 v55, v15;
	v62 =	vmul.f32 v45, v28  }
0x404: {  	v60 =	vbroadcast v43, $0x1;
	v25 =	vmul.f32 v58, v25  }
0x405: {  	v35 =	vadd.f32 v35, v36;
	v37 =	vadd.f32 v53, v54;
	v16 =	vmul.f32 v58, v16  }
0x406: {  	v61 =	vbroadcast v43, $0x2;
	v22 =	vmul.f32 v60, v22;
	v25 =	vadd.f32 v25, v56  }
0x407: {  	v35 =	vadd.f32 v35, v52;
	v11 =	vmul.f32 v60, v11;
	v16 =	vadd.f32 v16, v44  }
0x408: {  	v17 =	vmul.f32 v61, v17;
	v22 =	vadd.f32 v25, v22;
	v25 =	vbroadcast v43, $0x3  }
0x409: {  	v37 =	vadd.f32 v37, v59;
	v6 =	vmul.f32 v61, v6;
	v11 =	vadd.f32 v16, v11  }
0x40a: {  	v16 =	vadd.f32 v22, v17;
	v17 =	vmul.f32 v25, v18;
	v18 =	vbroadcast v43, $0x4  }
0x40b: {  	v22 =	vadd.f32 v35, v57;
	v4 =	vmul.f32 v25, v4;
	v6 =	vadd.f32 v11, v6  }
0x40c: {  	v11 =	vadd.f32 v16, v17;
	v13 =	vmul.f32 v18, v13;
	v16 =	vbroadcast v43, $0x5  }
0x40d: {  	v17 =	vadd.f32 v37, v62;
	v2 =	vmul.f32 v18, v2;
	v4 =	vadd.f32 v6, v4  }
0x40e: {  	v6 =	vadd.f32 v11, v13;
	v11 =	vmul.f32 v16, v14;
	v13 =	vbroadcast v43, $0x6  }
0x40f: {  	v14 =	vmul.f32 v63, v29;
	v3 =	vmul.f32 v16, v3;
	v2 =	vadd.f32 v4, v2  }
0x410: {  	v4 =	vadd.f32 v6, v11;
	v6 =	vmul.f32 v13, v19;
	v11 =	vbroadcast v43, $0x7  }
0x411: {  	v16 =	vbroadcast v32, $0xF;
	v5 =	vmul.f32 v13, v5;
	v2 =	vadd.f32 v2, v3  }
0x412: {  	v3 =	vadd.f32 v4, v6;
	v4 =	vmul.f32 v11, v20;
	v6 =	vbroadcast v43, $0x8  }
0x413: {  	v13 =	vadd.f32 v17, v14;
	v7 =	vmul.f32 v11, v7;
	v2 =	vadd.f32 v2, v5  }
0x414: {  	v5 =	vbroadcast v43, $0x9;
	v3 =	vadd.f32 v3, v4;
	v4 =	vmul.f32 v6, v21  }
0x415: {  	v6 =	vmul.f32 v6, v8;
	v2 =	vadd.f32 v2, v7;
	v7 =	vbroadcast v43, $0xA  }
0x416: {  	v8 =	vadd.f32 v22, v40;
	v3 =	vadd.f32 v3, v4;
	v4 =	vmul.f32 v5, v23  }
0x417: {  	v5 =	vmul.f32 v5, v9;
	v2 =	vadd.f32 v2, v6;
	v6 =	vbroadcast v43, $0xB  }
0x418: {  	v9 =	vmul.f32 v45, v31;
	v3 =	vadd.f32 v3, v4;
	v4 =	vmul.f32 v7, v24  }
0x419: {  	v7 =	vmul.f32 v7, v10;
	v2 =	vadd.f32 v2, v5;
	v5 =	vbroadcast v43, $0xC  }
0x41a: {  	v8 =	vadd.f32 v8, v9;
	v3 =	vadd.f32 v3, v4;
	v4 =	vmul.f32 v6, v26  }
0x41b: {  	v9 =	vmul.f32 v63, v33;
	v6 =	vmul.f32 v6, v12;
	v2 =	vadd.f32 v2, v7  }
0x41c: {  	v7 =	vbroadcast v43, $0xD;
	v3 =	vadd.f32 v3, v4;
	v4 =	vmul.f32 v5, v27  }
0x41d: {  	v8 =	vadd.f32 v8, v9;
	v5 =	vmul.f32 v5, v15;
	v2 =	vadd.f32 v2, v6  }
0x41e: {  	v6 =	vbroadcast v43, $0xE;
	v3 =	vadd.f32 v3, v4;
	v4 =	vmul.f32 v7, v28  }
0x41f: {  	v9 =	vmul.f32 v16, v34;
	v2 =	vadd.f32 v2, v5;
	v5 =	vmul.f32 v7, v31  }
0x420: {  	v7 =	vbroadcast v43, $0xF;
	v3 =	vadd.f32 v3, v4;
	v4 =	vmul.f32 v6, v29  }
0x421: {  	v11 =	vmul.f32 v16, v30;
	v2 =	vadd.f32 v2, v5;
	v5 =	vmul.f32 v6, v33  }
0x422: {  	v8 =	vadd.f32 v8, v9;
	v3 =	vadd.f32 v3, v4;
	v4 =	vmul.f32 v7, v30  }
0x423: {  	v6 =	vadd.f32 v13, v11;
	v2 =	vadd.f32 v2, v5;
	v5 =	vmul.f32 v7, v34  }
0x424: {  	[tilespmem:s13+$0x16D80] =	vst v8;
	v3 =	vadd.f32 v3, v4  }
0x425: {  	[tilespmem:s13+$0x16D90] =	vst v6;
	v2 =	vadd.f32 v2, v5  }
0x426: {  	[tilespmem:s16+$0x16D90] =	vst v3  }
0x427: {  	[tilespmem:s16+$0x16D80] =	vst v2  }
0x428: {  	v16 =	vld [tilespmem:$0x1A1A0]  }
0x429: {  	s15 =	simm.s32 $0x0;
	v25 =	vld [tilespmem:$0x1A1B0]  }
0x42a: {  	v31 =	vld [tilespmem:s15+$0xF9C0]  }
0x42b: {  	v11 =	vld [tilespmem:$0x1A220]  }
0x42c: {  	v22 =	vld [tilespmem:$0x1A230]  }
0x42d: {  	v6 =	vld [tilespmem:$0x1A2A0]  }
0x42e: {  	v3 =	vld [tilespmem:s15+$0xF9B0]  }
0x42f: {  	v17 =	vld [tilespmem:$0x1A2B0]  }
0x430: {  	v4 =	vld [tilespmem:$0x1A320]  }
0x431: {  	v7 =	vld [tilespmem:s15+$0xF9A0];
	v5 =	vbroadcast v31, $0x0  }
0x432: {  	v18 =	vld [tilespmem:$0x1A330];
	v9 =	vbroadcast v31, $0x1;
	v12 =	vbroadcast v31, $0x2  }
0x433: {  	v2 =	vld [tilespmem:$0x1A3A0];
	v15 =	vbroadcast v31, $0x3;
	v23 =	vbroadcast v31, $0x4  }
0x434: {  	v13 =	vld [tilespmem:$0x1A3B0];
	v24 =	vbroadcast v31, $0x5;
	v8 =	vmul.f32 v5, v25  }
0x435: {  	v14 =	vld [tilespmem:$0x1A430];
	v26 =	vbroadcast v31, $0x6;
	v5 =	vmul.f32 v5, v16  }
0x436: {  	s13 =	simm.s32 $0x80;
	v19 =	vld [tilespmem:$0x1A4B0];
	v29 =	vbroadcast v31, $0x7;
	v10 =	vmul.f32 v9, v22;
	v8 =	vadd.f32 v8, v3  }
0x437: {  	v32 =	vld [tilespmem:s13+$0xF9C0];
	v39 =	vbroadcast v31, $0x8;
	v9 =	vmul.f32 v9, v11;
	v7 =	vadd.f32 v5, v7  }
0x438: {  	v42 =	vbroadcast v31, $0xA;
	v3 =	vld [tilespmem:$0x1A420];
	v8 =	vadd.f32 v8, v10;
	v10 =	vmul.f32 v12, v17  }
0x439: {  	v46 =	vbroadcast v31, $0xB;
	v5 =	vld [tilespmem:$0x1A4A0];
	v9 =	vadd.f32 v7, v9;
	v12 =	vmul.f32 v12, v6  }
0x43a: {  	v20 =	vld [tilespmem:$0x1A530];
	v21 =	vmul.f32 v23, v13;
	v8 =	vadd.f32 v8, v10;
	v10 =	vmul.f32 v15, v18  }
0x43b: {  	v27 =	vmul.f32 v23, v2;
	v23 =	vld [tilespmem:$0x1A630];
	v15 =	vmul.f32 v15, v4;
	v9 =	vadd.f32 v9, v12  }
0x43c: {  	v48 =	vbroadcast v31, $0xC;
	v51 =	vbroadcast v32, $0x0;
	v7 =	vld [tilespmem:$0x1A520];
	v10 =	vadd.f32 v8, v10  }
0x43d: {  	v12 =	vmul.f32 v24, v14;
	v30 =	vmul.f32 v24, v3;
	v24 =	vld [tilespmem:$0x1A6B0];
	v15 =	vadd.f32 v9, v15  }
0x43e: {  	v28 =	vmul.f32 v26, v19;
	v40 =	vmul.f32 v26, v5;
	v26 =	vld [tilespmem:$0x1A730];
	v10 =	vadd.f32 v10, v21  }
0x43f: {  	v56 =	vbroadcast v32, $0x1;
	v59 =	vbroadcast v32, $0x2;
	v21 =	vld [tilespmem:$0x1A5B0];
	v15 =	vadd.f32 v15, v27  }
0x440: {  	v38 =	vbroadcast v31, $0xE;
	v55 =	vmul.f32 v51, v25;
	v8 =	vld [tilespmem:$0x1A5A0];
	v12 =	vadd.f32 v10, v12  }
0x441: {  	v58 =	vmul.f32 v56, v22;
	v61 =	vmul.f32 v59, v17;
	v9 =	vld [tilespmem:$0x1A620];
	v15 =	vadd.f32 v15, v30  }
0x442: {  	v62 =	vmul.f32 v56, v11;
	v10 =	vld [tilespmem:$0x1A6A0];
	v27 =	vadd.f32 v12, v28;
	v28 =	vmul.f32 v29, v20  }
0x443: {  	v56 =	vbroadcast v32, $0x7;
	v12 =	vld [tilespmem:$0x1A720];
	v29 =	vmul.f32 v29, v7;
	v33 =	vadd.f32 v15, v40  }
0x444: {  	v30 =	vbroadcast v31, $0x9;
	v15 =	vld [tilespmem:$0x1A7A0];
	v27 =	vadd.f32 v27, v28;
	v28 =	vmul.f32 v39, v21  }
0x445: {  	v45 =	vmul.f32 v42, v24;
	v43 =	vmul.f32 v39, v8;
	v29 =	vadd.f32 v33, v29  }
0x446: {  	v49 =	vld [tilespmem:s13+$0xF9B0];
	v47 =	vmul.f32 v46, v26;
	v41 =	vmul.f32 v30, v23;
	v28 =	vadd.f32 v27, v28  }
0x447: {  	v54 =	vld [tilespmem:s13+$0xF9A0];
	v30 =	vmul.f32 v30, v9;
	v40 =	vbroadcast v31, $0xD;
	v36 =	vadd.f32 v29, v43  }
0x448: {  	v39 =	vmul.f32 v59, v6;
	v35 =	vmul.f32 v42, v10;
	v27 =	vld [tilespmem:$0x1A7B0];
	v44 =	vadd.f32 v28, v41  }
0x449: {  	v29 =	vld [tilespmem:$0x1A8B0];
	v37 =	vmul.f32 v46, v12;
	v52 =	vmul.f32 v48, v15;
	v36 =	vadd.f32 v36, v30  }
0x44a: {  	v46 =	vbroadcast v32, $0x3;
	v28 =	vld [tilespmem:$0x1A830];
	v41 =	vmul.f32 v51, v16;
	v33 =	vadd.f32 v44, v45  }
0x44b: {  	v30 =	vld [tilespmem:$0x1A930];
	v35 =	vadd.f32 v36, v35;
	v45 =	vbroadcast v31, $0xF;
	v31 =	vadd.f32 v55, v49  }
0x44c: {  	v51 =	vbroadcast v32, $0x5;
	v49 =	vmul.f32 v46, v4;
	v33 =	vadd.f32 v33, v47  }
0x44d: {  	v50 =	vmul.f32 v48, v27;
	v35 =	vadd.f32 v35, v37;
	v37 =	vadd.f32 v31, v58  }
0x44e: {  	v41 =	vadd.f32 v41, v54;
	v48 =	vbroadcast v32, $0x4;
	v47 =	vmul.f32 v46, v18  }
0x44f: {  	v53 =	vmul.f32 v40, v28;
	v33 =	vadd.f32 v33, v50;
	v63 =	vadd.f32 v37, v61  }
0x450: {  	v57 =	vmul.f32 v38, v29;
	v41 =	vadd.f32 v41, v62;
	v60 =	vmul.f32 v45, v30  }
0x451: {  	v50 =	vmul.f32 v48, v13;
	v33 =	vadd.f32 v33, v53;
	v34 =	vadd.f32 v63, v47  }
0x452: {  	v39 =	vadd.f32 v41, v39;
	v35 =	vadd.f32 v35, v52;
	v52 =	vmul.f32 v51, v14  }
0x453: {  	v31 =	vld [tilespmem:$0x1A820];
	v53 =	vbroadcast v32, $0x6;
	v33 =	vadd.f32 v33, v57;
	v34 =	vadd.f32 v34, v50  }
0x454: {  	v59 =	vmul.f32 v56, v20;
	v37 =	vmul.f32 v48, v2;
	v39 =	vadd.f32 v39, v49  }
0x455: {  	v55 =	vmul.f32 v53, v19;
	v44 =	vadd.f32 v33, v60;
	v33 =	vld [tilespmem:$0x1A8A0];
	v36 =	vadd.f32 v34, v52  }
0x456: {  	v54 =	vmul.f32 v51, v3;
	v61 =	vmul.f32 v56, v7  }
0x457: {  	v37 =	vadd.f32 v39, v37;
	v60 =	vbroadcast v32, $0x8;
	v58 =	vadd.f32 v36, v55  }
0x458: {  	v40 =	vmul.f32 v40, v31;
	v57 =	vmul.f32 v53, v5;
	v34 =	vld [tilespmem:$0x1A920]  }
0x459: {  	v37 =	vadd.f32 v37, v54;
	v62 =	vmul.f32 v60, v21;
	v36 =	vadd.f32 v58, v59  }
0x45a: {  	v63 =	vbroadcast v32, $0x9;
	v40 =	vadd.f32 v35, v40;
	v38 =	vmul.f32 v38, v33  }
0x45b: {  	v47 =	vadd.f32 v37, v57;
	v35 =	vmul.f32 v60, v8;
	v39 =	vadd.f32 v36, v62  }
0x45c: {  	v37 =	vadd.f32 v40, v38;
	v40 =	vmul.f32 v63, v23;
	v38 =	vbroadcast v32, $0xA  }
0x45d: {  	s17 =	simm.s32 $0x600;
	s16 =	simm.s32 $0x100;
	[tilespmem:s15+$0x16DB0] =	vst v44;
	v41 =	vadd.f32 v47, v61;
	v42 =	vmul.f32 v45, v34;
	v36 =	vmul.f32 v63, v9  }
.LBB2_23:
0x45e: {  	p1 =	sne.s32 s17, $0xC600;
	v43 =	vld [tilespmem:s16+$0xF9C0];
	v39 =	vadd.f32 v39, v40;
	v40 =	vmul.f32 v38, v24;
	v44 =	vbroadcast v32, $0xB  }
0x45f: {  	v38 =	vmul.f32 v38, v10;
	v45 =	vld [tilespmem:s16+$0xF9A0];
	v35 =	vadd.f32 v41, v35;
	v37 =	vadd.f32 v37, v42  }
0x460: {  	v41 =	vbroadcast v32, $0xC;
	v39 =	vadd.f32 v39, v40;
	v40 =	vmul.f32 v44, v26  }
0x461: {  	v35 =	vadd.f32 v35, v36;
	v36 =	vmul.f32 v44, v12;
	[tilespmem:s15+$0x16DA0] =	vst v37;
	s15 =	smov.u32 s13;
	s13 =	smov.u32 s16  }
0x462: {  	v42 =	vbroadcast v32, $0xD;
	v37 =	vld [tilespmem:s13+$0xF9B0];
	v39 =	vadd.f32 v39, v40;
	v40 =	vmul.f32 v41, v27  }
0x463: {  	v44 =	vbroadcast v43, $0x0;
	v35 =	vadd.f32 v35, v38;
	v38 =	vmul.f32 v41, v15  }
0x464: {  	v41 =	vbroadcast v32, $0xE;
	v39 =	vadd.f32 v39, v40;
	v40 =	vmul.f32 v42, v28  }
0x465: {  	v47 =	vbroadcast v43, $0x1;
	v46 =	vmul.f32 v44, v25;
	v35 =	vadd.f32 v35, v36  }
0x466: {  	v48 =	vbroadcast v32, $0xF;
	v32 =	vmovc v43;
	v36 =	vadd.f32 v39, v40;
	v39 =	vmul.f32 v41, v29  }
0x467: {  	v43 =	vbroadcast v32, $0x2;
	v40 =	vmul.f32 v47, v22;
	v37 =	vadd.f32 v46, v37  }
0x468: {  	v44 =	vmul.f32 v44, v16;
	v36 =	vadd.f32 v36, v39;
	v39 =	vmul.f32 v48, v30  }
0x469: {  	v46 =	vbroadcast v32, $0x3;
	v37 =	vadd.f32 v37, v40;
	v40 =	vmul.f32 v43, v17  }
0x46a: {  	v44 =	vadd.f32 v44, v45;
	v45 =	vmul.f32 v47, v11;
	v36 =	vadd.f32 v36, v39  }
0x46b: {  	v39 =	vmul.f32 v46, v18;
	v37 =	vadd.f32 v37, v40;
	v40 =	vbroadcast v32, $0x4  }
0x46c: {  	v44 =	vadd.f32 v44, v45;
	v43 =	vmul.f32 v43, v6;
	v45 =	vmul.f32 v46, v4;
	[tilespmem:s15+$0x16DB0] =	vst v36  }
0x46d: {  	v36 =	vadd.f32 v37, v39;
	v37 =	vmul.f32 v40, v13;
	v39 =	vbroadcast v32, $0x5  }
0x46e: {  	v35 =	vadd.f32 v35, v38;
	v43 =	vadd.f32 v44, v43;
	v40 =	vmul.f32 v40, v2  }
0x46f: {  	v38 =	vbroadcast v32, $0x6;
	v36 =	vadd.f32 v36, v37;
	v37 =	vmul.f32 v39, v14  }
0x470: {  	v42 =	vmul.f32 v42, v31;
	v43 =	vadd.f32 v43, v45;
	v39 =	vmul.f32 v39, v3  }
0x471: {  	v44 =	vbroadcast v32, $0x7;
	v36 =	vadd.f32 v36, v37;
	v37 =	vmul.f32 v38, v19  }
0x472: {  	v42 =	vadd.f32 v35, v42;
	v40 =	vadd.f32 v43, v40;
	v38 =	vmul.f32 v38, v5  }
0x473: {  	v35 =	vadd.f32 v36, v37;
	v36 =	vmul.f32 v44, v20;
	v37 =	vbroadcast v32, $0x8  }
.Ltmp13:
0x474: {  	v43 =	vmul.f32 v44, v7;
	v39 =	vadd.f32 v40, v39;
	v40 =	vmul.f32 v41, v33;
	(pc) =	sbr.rel @p1 .LBB2_23-.Ltmp13, $4  }
0x475: {  	v44 =	vbroadcast v32, $0x9;
	v36 =	vadd.f32 v35, v36;
	v41 =	vmul.f32 v37, v21  }
0x476: {  	v45 =	vadd.f32 v39, v38;
	v35 =	vmul.f32 v37, v8;
	v37 =	vadd.f32 v42, v40  }
0x477: {  	v38 =	vbroadcast v32, $0xA;
	v40 =	vmul.f32 v44, v23;
	v39 =	vadd.f32 v36, v41  }
0x478: {  	s16 =	sshra.s32 s17, $0x2;
	s17 =	sadd.s32 $0x200, s17;
	v42 =	vmul.f32 v48, v34;
	v41 =	vadd.f32 v45, v43;
	v36 =	vmul.f32 v44, v9  }
0x479: {  	v43 =	vld [tilespmem:s16+$0xF9C0]  }
0x47a: {  	v53 =	vmul.f32 v38, v24;
	v54 =	vbroadcast v32, $0xB;
	v37 =	vadd.f32 v37, v42  }
0x47b: {  	v55 =	vmul.f32 v38, v10;
	v58 =	vbroadcast v32, $0xC  }
0x47c: {  	v44 =	vld [tilespmem:s16+$0xF9A0];
	v45 =	vbroadcast v32, $0xD;
	v38 =	vbroadcast v32, $0xE;
	[tilespmem:s15+$0x16DA0] =	vst v37  }
0x47d: {  	v39 =	vadd.f32 v39, v40;
	v57 =	vmul.f32 v54, v26;
	v60 =	vmul.f32 v54, v12;
	v59 =	vld [tilespmem:s16+$0xF9B0]  }
0x47e: {  	v35 =	vadd.f32 v41, v35;
	v62 =	vmul.f32 v58, v27;
	v61 =	vbroadcast v43, $0x0  }
0x47f: {  	v56 =	vadd.f32 v39, v53;
	v40 =	vmul.f32 v58, v15;
	v47 =	vmul.f32 v45, v28  }
0x480: {  	v63 =	vbroadcast v43, $0x1;
	v25 =	vmul.f32 v61, v25  }
0x481: {  	v35 =	vadd.f32 v35, v36;
	v37 =	vadd.f32 v56, v57;
	v16 =	vmul.f32 v61, v16  }
0x482: {  	v46 =	vbroadcast v43, $0x2;
	v22 =	vmul.f32 v63, v22;
	v25 =	vadd.f32 v25, v59  }
0x483: {  	v35 =	vadd.f32 v35, v55;
	v11 =	vmul.f32 v63, v11;
	v16 =	vadd.f32 v16, v44  }
0x484: {  	v48 =	vbroadcast v43, $0x3;
	v17 =	vmul.f32 v46, v17;
	v22 =	vadd.f32 v25, v22  }
0x485: {  	v51 =	vbroadcast v43, $0x4;
	v6 =	vmul.f32 v46, v6;
	v11 =	vadd.f32 v16, v11  }
0x486: {  	v54 =	vbroadcast v43, $0x5;
	v50 =	vmul.f32 v48, v18;
	v49 =	vadd.f32 v22, v17  }
0x487: {  	v58 =	vbroadcast v43, $0x6;
	v4 =	vmul.f32 v48, v4;
	v6 =	vadd.f32 v11, v6  }
0x488: {  	v42 =	vbroadcast v43, $0xA;
	v13 =	vmul.f32 v51, v13;
	v53 =	vadd.f32 v49, v50  }
0x489: {  	v37 =	vadd.f32 v37, v62;
	v2 =	vmul.f32 v51, v2;
	v4 =	vadd.f32 v6, v4  }
0x48a: {  	v62 =	vbroadcast v43, $0x7;
	v57 =	vmul.f32 v54, v14;
	v56 =	vadd.f32 v53, v13  }
0x48b: {  	v52 =	vadd.f32 v35, v60;
	v3 =	vmul.f32 v54, v3;
	v2 =	vadd.f32 v4, v2  }
0x48c: {  	v61 =	vmul.f32 v58, v19;
	v63 =	vbroadcast v32, $0xF;
	v60 =	vadd.f32 v56, v57  }
0x48d: {  	v5 =	vmul.f32 v58, v5;
	v32 =	vbroadcast v43, $0x8;
	v2 =	vadd.f32 v2, v3  }
0x48e: {  	v46 =	vmul.f32 v42, v24;
	v25 =	vmul.f32 v62, v20;
	v3 =	vadd.f32 v60, v61  }
0x48f: {  	v55 =	vadd.f32 v37, v47;
	v7 =	vmul.f32 v62, v7;
	v2 =	vadd.f32 v2, v5  }
0x490: {  	v37 =	vbroadcast v43, $0x9;
	v36 =	vmul.f32 v32, v21;
	v3 =	vadd.f32 v3, v25  }
0x491: {  	v48 =	vmul.f32 v45, v31;
	v6 =	vmul.f32 v32, v8;
	v2 =	vadd.f32 v2, v7  }
0x492: {  	v58 =	vbroadcast v43, $0xF;
	v41 =	vmul.f32 v37, v23;
	v3 =	vadd.f32 v3, v36  }
0x493: {  	v47 =	vbroadcast v43, $0xB;
	v5 =	vmul.f32 v37, v9;
	v2 =	vadd.f32 v2, v6  }
0x494: {  	v59 =	vmul.f32 v38, v29;
	v39 =	vmul.f32 v63, v30;
	v3 =	vadd.f32 v3, v41  }
0x495: {  	v44 =	vadd.f32 v52, v40;
	v7 =	vmul.f32 v42, v10;
	v2 =	vadd.f32 v2, v5  }
0x496: {  	v49 =	vmul.f32 v47, v26;
	v50 =	vbroadcast v43, $0xC;
	v3 =	vadd.f32 v3, v46  }
0x497: {  	v52 =	vbroadcast v43, $0xD;
	v6 =	vmul.f32 v47, v12;
	v2 =	vadd.f32 v2, v7  }
0x498: {  	v35 =	vadd.f32 v55, v59;
	v51 =	vmul.f32 v50, v27;
	v3 =	vadd.f32 v3, v49  }
0x499: {  	v54 =	vmul.f32 v52, v28;
	v5 =	vmul.f32 v50, v15;
	v2 =	vadd.f32 v2, v6  }
0x49a: {  	v55 =	vbroadcast v43, $0xE;
	v8 =	vadd.f32 v44, v48;
	v3 =	vadd.f32 v3, v51  }
0x49b: {  	v53 =	vmul.f32 v38, v33;
	v56 =	vmul.f32 v52, v31;
	v2 =	vadd.f32 v2, v5  }
0x49c: {  	v59 =	vmul.f32 v63, v34;
	v57 =	vmul.f32 v55, v29;
	v3 =	vadd.f32 v3, v54  }
0x49d: {  	v8 =	vadd.f32 v8, v53;
	v60 =	vmul.f32 v55, v33;
	v2 =	vadd.f32 v2, v56  }
0x49e: {  	s10 =	sor.u32 $0x6, s10;
	v62 =	vmul.f32 v58, v30;
	v61 =	vadd.f32 v35, v39;
	v3 =	vadd.f32 v3, v57  }
0x49f: {  	s18 =	smul.u32 $0x380, s10;
	v63 =	vmul.f32 v58, v34;
	v8 =	vadd.f32 v8, v59;
	v2 =	vadd.f32 v2, v60  }
0x4a0: {  	s10 =	smul.u32 $0x1C00, s10;
	[tilespmem:s13+$0x16DB0] =	vst v61;
	v3 =	vadd.f32 v3, v62  }
0x4a1: {  	[tilespmem:s13+$0x16DA0] =	vst v8;
	v2 =	vadd.f32 v2, v63  }
.Ltmp14:
0x4a2: {  	s10 =	sshrl.u32 s10, $0x3;
	[tilespmem:s16+$0x16DB0] =	vst v3;
	(pc) =	sbr.rel @p0 .LBB2_26-.Ltmp14, $4  }
0x4a3: {  	s10 =	sadd.s32 s5, s10;
	s13 =	sadd.s32 s5, s18;
	[tilespmem:s16+$0x16DA0] =	vst v2  }
0x4a4: {  	[hbm4b:s13+s3] =	stream.linear.scatter [tilespmem:s26], [sflag:$0x6], $0x1900, $0x38;
	[tilespmem:$0x1A980] =	vst v63  }
0x4a5: {  	s10 =	sadd.s32 $0x380, s10  }
0x4a6: {  	[hbm4b:s10+s3] =	stream.linear.scatter [tilespmem:s28], [sflag:$0x6], $0x1900, $0x38;
	[tilespmem:$0x1A980] =	vst v63  }
.Ltmp15:
0x4a7: {  	(pc) =	sbr.rel .LBB2_4-.Ltmp15, $4  }
0x4a8: {  	_ = 	snop  }
0x4a9: {  	s2 =	sshrl.u32 s2, $0x2  }
0x4aa: {  	s1 =	sadd.s32 $0x1, s1;
	s2 =	sadd.s32 $0x1D00, s2  }
0x4ab: {  	[tilespmem:s20], [sflag:$0x4] =	stream.indirect.gather [hbm4b:s4+s12], $0x80, s2, s12, $0xb8;
	[tilespmem:$0x1A980] =	vst v63  }
.LBB2_27:
0x4ac: {  	_ =	sfence.sel $0x180000  }
0x4ad: {  	[bflag:$0x0] =	sbarrier.arrive $0xFFFF  }
0x4ae: {  	_ =	strace $0x90000047  }
0x4af: {  	s0 =	stileid.u32;
	[bflag:$0x2] =	sbarrier.arrive $0xFFFF  }
0x4b0: {  	p0 =	sne.s32 s0, $0x0;
	s0 =	rddreg [dreg:$0x3]  }
0x4b1: {  	s0 =	sadd.s32 @!p0 $0x100000, s0  }
0x4b2: {  	[sflag:s0] =	ssyncadd.tile.s32 @!p0 $0x1;
	_ =	shalt  }
.Lfunc_end2:
_tile_overlayer_lowered:
.L_overlay_start_2:
0x4b3: {  	(tag) =	ssettag $0x2  }
0x4b4: {  	s0 =	rddreg [dreg:$0x0];
	s2 =	stileid.u32  }
0x4b5: {  	s1 =	rddreg [dreg:$0x1];
	p0 =	sne.s32 s2, $0x0  }
0x4b6: {  	s3 =	rddreg [dreg:$0x2];
	[bflag:$0x3] =	sbarrier.arrive $0xFFFF;
	s2 =	simm.s32 @!p0 $0x1C07  }
0x4b7: {  	[timem:s3], [sflag:s2] =	dma.local @!p0 [hbm:s0], s1  }
0x4b8: {  	s0 =	simm.s32 @!p0 $0x7  }
0x4b9: {  	_ =	swait.ge @!p0 [sflag:s0], s1  }
0x4ba: {  	s1 =	ssub.s32 @!p0 $0x0, s1;
	[sflag:s0] =	ssyncset.done @!p0 $0x0  }
0x4bb: {  	[sflag:s0] =	ssyncadd.s32 @!p0 s1  }
0x4bc: {  	[bflag:$0x3] =	sbarrier.arrive $0xFFFF  }
0x4bd: {  	_ =	shalt  }

</sc_bundles>
